<compile_context>
chip_gen: v7x
topology: tpu7x:2x2x1
jax: 0.10.2.dev20260603
libtpu: 0.0.44.dev20260713+nightly
codegen_flags: <defaults>
</compile_context>

<pallas_src>
import functools

import jax
import jax.numpy as jnp
import numpy as np
from jax import lax
from jax.experimental import pallas as pl
from jax.experimental.pallas import tpu as pltpu
from jax.experimental.pallas import tpu_sc as plsc

N_MODES = 16
PO2 = 2.0 * np.pi
PO4 = 4.0 * np.pi
INV_PI = 1.0 / np.pi
LN2 = 0.6931471805599453
PI_HI = np.float32(3.1415927410125732)
PI_LO = np.float32(-8.742277657347586e-08)

SC_CHUNKS = 3


def _sincos(theta):
    tq = theta * np.float32(INV_PI)
    u = tq + 0.5
    iu = u.astype(jnp.int32)
    fu = iu.astype(jnp.float32)
    ki = iu - jnp.where(fu > u, 1, 0)
    kf = ki.astype(jnp.float32)
    x = theta - kf * PI_HI
    x = x - kf * PI_LO
    x2 = x * x
    c = np.float32(1.0 / 479001600.0)
    for coef in (-1.0 / 3628800.0, 1.0 / 40320.0, -1.0 / 720.0,
                 1.0 / 24.0, -0.5, 1.0):
        c = c * x2 + np.float32(coef)
    s = np.float32(-1.0 / 39916800.0)
    for coef in (1.0 / 362880.0, -1.0 / 5040.0, 1.0 / 120.0,
                 -1.0 / 6.0, 1.0):
        s = s * x2 + np.float32(coef)
    s = s * x
    sgn = jnp.where((ki & 1) == 1, np.float32(-1.0), np.float32(1.0))
    return s * sgn, c * sgn


def _plog(s):
    ib = lax.bitcast_convert_type(s, jnp.int32)
    e = lax.shift_right_arithmetic(ib, 23) - 127
    mb = lax.bitwise_or(lax.bitwise_and(ib, 0x7FFFFF), 0x3F800000)
    m = lax.bitcast_convert_type(mb, jnp.float32)
    big = m > np.float32(1.4142135)
    m = jnp.where(big, m * 0.5, m)
    ef = e.astype(jnp.float32) + jnp.where(big, np.float32(1.0), np.float32(0.0))
    un = m - 1.0
    t = un / (un + 2.0)
    t2 = t * t
    p = np.float32(1.0 / 7.0)
    for coef in (1.0 / 5.0, 1.0 / 3.0, 1.0):
        p = p * t2 + np.float32(coef)
    return ef * np.float32(LN2) + 2.0 * t * p


def _sample_math(rdn, e0, e1, w0, w1, wlast, ss0, ss1, ls0, ls1,
                 lamb_in, lamb_out):
    mask = rdn < wlast
    cond1 = jnp.abs(w0) > jnp.abs(w1)
    zero_pos = jnp.logical_and(w0 == 0.0, w1 == 0.0)
    cond2 = jnp.logical_and(~cond1, ~zero_pos)
    d0 = jnp.where(w0 == 0.0, 1.0, w0)
    d1 = jnp.where(w1 == 0.0, 1.0, w1)
    num = jnp.where(cond1, w1, w0)
    den = jnp.where(cond1, d0, d1)
    t = np.float32(PO4) * num / den
    theta = jnp.where(cond1, t, np.float32(PO2) - t)
    r = jnp.where(cond1, w0, jnp.where(cond2, w1, np.float32(0.0)))
    sv, cv = _sincos(theta)
    z0 = jnp.where(mask, r * cv, e0 * ss0 + ls0)
    z1 = jnp.where(mask, r * sv, e1 * ss1 + ls1)
    z0s = z0 * z0
    z1s = z1 * z1
    acc = jnp.exp(jnp.where(z0s + z1s >= 1.0, lamb_out, lamb_in))
    return z0, z1, z0s, z1s, acc


def _pack_consts(loc, log_scale, weight_scores):
    w = jax.nn.softmax(weight_scores, axis=1)[0]
    wlast = w[-1]
    lc = loc[0]
    sc = jnp.exp(log_scale[0])
    b = 0.5 / (sc * sc)
    a = (-0.5 * 2.0 * np.log(2.0 * np.pi)
         + jnp.log(w[:-1] + 1e-05) - log_scale[0].sum(axis=1))
    cc = a - b[:, 0] * lc[:, 0] ** 2 - b[:, 1] * lc[:, 1] ** 2
    p0 = 2.0 * b[:, 0] * lc[:, 0]
    p1 = 2.0 * b[:, 1] * lc[:, 1]
    ss = sc.sum(axis=0)
    ls = lc.sum(axis=0)
    lamb_in = jnp.log(INV_PI + 1e-05) + jnp.log(wlast)
    lamb_out = jnp.log(2e-05) + jnp.log(wlast)
    m_stat = jnp.maximum(jnp.maximum(a.max(), lamb_in), lamb_out)
    head = jnp.stack([wlast, ss[0], ss[1], ls[0], ls[1],
                      lamb_in - m_stat, lamb_out - m_stat, m_stat])
    return jnp.concatenate([head, cc - m_stat, p0, p1, b[:, 0], b[:, 1]])


def _tc_body(consts_ref, rdn_ref, e0_ref, e1_ref, w0_ref, w1_ref,
             z0_ref, z1_ref, lp_ref):
    c = consts_ref
    z0, z1, z0s, z1s, acc = _sample_math(
        rdn_ref[...], e0_ref[...], e1_ref[...], w0_ref[...], w1_ref[...],
        c[0], c[1], c[2], c[3], c[4], c[5], c[6])
    for m in range(N_MODES):
        lp = (c[8 + m] + c[24 + m] * z0 + c[40 + m] * z1
              - c[56 + m] * z0s - c[72 + m] * z1s)
        acc = acc + jnp.exp(lp)
    z0_ref[...] = z0
    z1_ref[...] = z1
    lp_ref[...] = c[7] + jnp.log(acc)


def _tc_call(consts, rdn, e0, e1, w0, w1, start, count):
    blk = 65536
    assert start % blk == 0 and count % blk == 0
    off = start // blk
    grid = (count // blk,)
    ivec = lambda: pl.BlockSpec((blk,), lambda i: (i + off,))
    ovec = lambda: pl.BlockSpec((blk,), lambda i: (i,))
    return pl.pallas_call(
        _tc_body,
        grid=grid,
        in_specs=[pl.BlockSpec(memory_space=pltpu.SMEM)]
        + [ivec() for _ in range(5)],
        out_specs=[ovec() for _ in range(3)],
        out_shape=[jax.ShapeDtypeStruct((count,), jnp.float32)
                   for _ in range(3)],
    )(consts, rdn, e0, e1, w0, w1)


_NW = 32
_CH = 2048
_VEC = 8


def _sc_row(cons_v, r):
    return cons_v[pl.ds(r * 16, 16)]


def _sc_body(shard, consts_h, rdn_h, ev_h, wv_h, z0_h, z1_h, lp_h,
             cons_v, rdn_v, e_v, w_v, z0_v, z1_v, lp_v):
    wid = lax.axis_index("s") * 2 + lax.axis_index("c")
    pltpu.sync_copy(consts_h, cons_v)
    wlast = _sc_row(cons_v, 0)
    ss0 = _sc_row(cons_v, 1)
    ss1 = _sc_row(cons_v, 2)
    ls0 = _sc_row(cons_v, 3)
    ls1 = _sc_row(cons_v, 4)
    lamb_in = _sc_row(cons_v, 5)
    lamb_out = _sc_row(cons_v, 6)
    m_stat = _sc_row(cons_v, 7)

    def chunk_body(ch, carry):
        base = wid * shard + ch * _CH
        pltpu.sync_copy(rdn_h.at[pl.ds(base, _CH)], rdn_v)
        pltpu.sync_copy(ev_h.at[pl.ds(2 * base, 2 * _CH)], e_v)
        pltpu.sync_copy(wv_h.at[pl.ds(2 * base, 2 * _CH)], w_v)

        def vec_body(i, carry2):
            zs = []
            for v in range(_VEC):
                s0 = pl.ds(256 * i + 16 * v, 16)
                s1 = pl.ds(256 * i + 128 + 16 * v, 16)
                rsl = pl.ds(128 * i + 16 * v, 16)
                zs.append(_sample_math(rdn_v[rsl], e_v[s0], e_v[s1],
                                       w_v[s0], w_v[s1], wlast, ss0, ss1,
                                       ls0, ls1, lamb_in, lamb_out))
            accs = [t[4] for t in zs]
            for m in range(N_MODES):
                cm = _sc_row(cons_v, 8 + m)
                p0m = _sc_row(cons_v, 24 + m)
                p1m = _sc_row(cons_v, 40 + m)
                q0m = _sc_row(cons_v, 56 + m)
                q1m = _sc_row(cons_v, 72 + m)
                for v in range(_VEC):
                    z0, z1, z0s, z1s, _ = zs[v]
                    lp = cm + p0m * z0 + p1m * z1 - q0m * z0s - q1m * z1s
                    accs[v] = accs[v] + jnp.exp(lp)
            for v in range(_VEC):
                z0, z1, _, _, _ = zs[v]
                sl = pl.ds(128 * i + 16 * v, 16)
                z0_v[sl] = z0
                z1_v[sl] = z1
                lp_v[sl] = m_stat + _plog(accs[v])
            return carry2

        lax.fori_loop(0, _CH // (16 * _VEC), vec_body, 0)
        pltpu.sync_copy(z0_v, z0_h.at[pl.ds(base, _CH)])
        pltpu.sync_copy(z1_v, z1_h.at[pl.ds(base, _CH)])
        pltpu.sync_copy(lp_v, lp_h.at[pl.ds(base, _CH)])
        return carry

    lax.fori_loop(0, shard // _CH, chunk_body, 0)


def _sc_call(consts_b, rdn, evf, wvf, n_sc):
    run = pl.kernel(
        functools.partial(_sc_body, n_sc // _NW),
        out_type=[jax.ShapeDtypeStruct((n_sc,), jnp.float32),
                  jax.ShapeDtypeStruct((n_sc,), jnp.float32),
                  jax.ShapeDtypeStruct((n_sc,), jnp.float32)],
        mesh=plsc.VectorSubcoreMesh(core_axis_name="c", subcore_axis_name="s"),
        compiler_params=pltpu.CompilerParams(needs_layout_passes=False),
        scratch_types=[pltpu.VMEM((88 * 16,), jnp.float32),
                       pltpu.VMEM((_CH,), jnp.float32),
                       pltpu.VMEM((2 * _CH,), jnp.float32),
                       pltpu.VMEM((2 * _CH,), jnp.float32),
                       pltpu.VMEM((_CH,), jnp.float32),
                       pltpu.VMEM((_CH,), jnp.float32),
                       pltpu.VMEM((_CH,), jnp.float32)],
    )
    return run(consts_b, rdn, evf, wvf)


def kernel(num_samples, loc, log_scale, weight_scores, rdn, eps, wo):
    n = rdn.shape[0]
    consts = _pack_consts(loc, log_scale, weight_scores)
    consts_b = jnp.broadcast_to(consts[:, None], (88, 16)).reshape(-1)
    evf = eps.reshape(n // 128, 128, 2).transpose(0, 2, 1).reshape(-1)
    wvf = wo.reshape(n // 128, 128, 2).transpose(0, 2, 1).reshape(-1)

    n_sc = min(n, SC_CHUNKS * _NW * _CH)
    z0_parts, z1_parts, lp_parts = [], [], []
    if n_sc:
        z0s, z1s, lp_sc = _sc_call(consts_b, rdn, evf, wvf, n_sc)
        z0_parts.append(z0s)
        z1_parts.append(z1s)
        lp_parts.append(lp_sc)
    if n_sc < n:
        z0t, z1t, lp_tc = _tc_call(consts, rdn, eps[:, 0], eps[:, 1],
                                   wo[:, 0], wo[:, 1], n_sc, n - n_sc)
        z0_parts.append(z0t)
        z1_parts.append(z1t)
        lp_parts.append(lp_tc)
    cat = lambda ps: ps[0] if len(ps) == 1 else jnp.concatenate(ps)
    z = jnp.stack([cat(z0_parts), cat(z1_parts)], axis=1)
    return z, cat(lp_parts)

# --- scband reference (transcript-rebuilt; emitter-appended) ---
"""Pipeline reference for scband-gmmiso-63745904607867 (READ-ONLY COPY).

The authoritative reference and input builder live on the scoring server;
editing this copy changes nothing except your own understanding.
"""

import jax, jax.numpy as jnp
import numpy as np

N_MODES = 16
DIM = 2
PO2 = 2.0 * np.pi
PO4 = 4.0 * np.pi
INV_PI = 1.0 / np.pi


def setup_inputs(seed: int = 0) -> dict:
    key = jax.random.key(seed)
    k1, k2, k3, k4 = jax.random.split(key, 4)
    N = 1048576
    loc = jax.random.normal(k1, (1, N_MODES, DIM), dtype=jnp.float32)
    log_scale = jnp.zeros((1, N_MODES, DIM), dtype=jnp.float32)
    w = np.ones((1, N_MODES + 1))
    w = w / w.sum(1)
    weight_scores = jnp.asarray(np.log(1.0 * w), dtype=jnp.float32)
    rdn = jax.random.uniform(k2, (N,), dtype=jnp.float32)
    eps = jax.random.normal(k3, (N, DIM), dtype=jnp.float32)
    wo = jax.random.uniform(k4, (N, 2), dtype=jnp.float32) * 2.0 - 1.0
    return {"num_samples": N, "loc": loc, "log_scale": log_scale,
            "weight_scores": weight_scores, "rdn": rdn, "eps": eps, "wo": wo}


def _lambertian_sample(wo):
    wo0 = wo[:, 0]
    wo1 = wo[:, 1]
    zero_pos = jnp.logical_and(wo0 == 0, wo1 == 0)
    nonzero = ~zero_pos
    cond1 = jnp.logical_and(jnp.abs(wo0) > jnp.abs(wo1), nonzero)
    cond2 = jnp.logical_and(~cond1, nonzero)
    d0 = jnp.where(wo0 == 0, 1.0, wo0)
    d1 = jnp.where(wo1 == 0, 1.0, wo1)
    s0 = jnp.where(cond1, wo0 * jnp.cos(PO4 * wo1 / d0),
                   jnp.where(cond2, wo1 * jnp.cos(PO2 - PO4 * wo0 / d1), 0.0))
    s1 = jnp.where(cond1, wo0 * jnp.sin(PO4 * wo1 / d0),
                   jnp.where(cond2, wo1 * jnp.sin(PO2 - PO4 * wo0 / d1), 0.0))
    return jnp.stack([s0, s1], axis=1)


def _lambertian_prob(z):
    invalid = jnp.square(z[:, 0]) + jnp.square(z[:, 1]) >= 1
    return jnp.where(invalid, 1e-05, INV_PI)


def reference(num_samples, loc, log_scale, weight_scores, rdn, eps, wo):
    weights = jax.nn.softmax(weight_scores, axis=1)[0]  # [n_modes+1]
    lambert_mask = rdn < weights[-1]
    # gaussian branch: sum of exp(log_scale) / loc over modes (as in torch code)
    scale_sum = jnp.sum(jnp.exp(log_scale[0]), axis=0)  # [dim]
    loc_sum = jnp.sum(loc[0], axis=0)  # [dim]
    z_gauss = eps * scale_sum[None, :] + loc_sum[None, :]
    z_lambert = _lambertian_sample(wo)
    z = jnp.where(lambert_mask[:, None], z_lambert, z_gauss)
    # log_prob of the mixture
    e = (z[:, None, :] - loc[0][None, :, :]) / jnp.exp(log_scale[0])[None, :, :]
    log_p = (-0.5 * DIM * np.log(2 * np.pi)
             + jnp.log(weights[:-1] + 1e-05)[None, :]
             - 0.5 * jnp.sum(jnp.square(e), axis=2)
             - jnp.sum(log_scale[0], axis=1)[None, :])
    lambert_log_p = jnp.log(_lambertian_prob(z) + 1e-05) + jnp.log(weights[-1])
    log_p = jnp.concatenate([log_p, lambert_log_p[:, None]], axis=1)
    log_p = jax.scipy.special.logsumexp(log_p, axis=1)
    return (z, log_p)

if __name__ == "__main__":
    import jax
    _d = setup_inputs()
    print(jax.jit(kernel)(*tuple(_d.values())))

</pallas_src>

<mosaic_0001>
#map = affine_map<(d0, d1) -> (0)>
module attributes {stable_mosaic.version = 14 : i64} {
  func.func @_sc_body(%arg0: i32, %arg1: i32, %arg2: memref<1408xf32, #tpu.memory_space<hbm>>, %arg3: memref<1048576xf32, #tpu.memory_space<hbm>>, %arg4: memref<2097152xf32, #tpu.memory_space<hbm>>, %arg5: memref<2097152xf32, #tpu.memory_space<hbm>>, %arg6: memref<196608xf32, #tpu.memory_space<hbm>>, %arg7: memref<196608xf32, #tpu.memory_space<hbm>>, %arg8: memref<196608xf32, #tpu.memory_space<hbm>>, %arg9: memref<1408xf32, #tpu.memory_space<vmem>>, %arg10: memref<2048xf32, #tpu.memory_space<vmem>>, %arg11: memref<4096xf32, #tpu.memory_space<vmem>>, %arg12: memref<4096xf32, #tpu.memory_space<vmem>>, %arg13: memref<2048xf32, #tpu.memory_space<vmem>>, %arg14: memref<2048xf32, #tpu.memory_space<vmem>>, %arg15: memref<2048xf32, #tpu.memory_space<vmem>>) attributes {dimension_semantics = [#tpu.dimension_semantics<core_parallel>, #tpu.dimension_semantics<subcore_parallel>], iteration_bounds = array<i64: 2, 16>, scalar_prefetch = 0 : i64, scratch_operands = 7 : i64, tpu.core_type = #tpu.core_type<sc_vector_subcore>, window_params = [{transform_indices = #map}, {transform_indices = #map}, {transform_indices = #map}, {transform_indices = #map}, {transform_indices = #map}, {transform_indices = #map}, {transform_indices = #map}]} {
    %mul3A = arith.constant 2 : i32
    %mul3A_0 = arith.muli %arg1, %mul3A : i32
    %add3A = arith.addi %mul3A_0, %arg0 : i32
    "tpu.region"() ({
      %run_scoped3A = tpu.sem_alloc : memref<!tpu.dma_semaphore, #tpu.memory_space<semaphore_mem>>
      tpu.enqueue_dma source(%arg2 : memref<1408xf32, #tpu.memory_space<hbm>>) target(%arg9 : memref<1408xf32, #tpu.memory_space<vmem>>) target_semaphore(%run_scoped3A : memref<!tpu.dma_semaphore, #tpu.memory_space<semaphore_mem>>)
      tpu.wait_dma2 semaphore(%run_scoped3A : memref<!tpu.dma_semaphore, #tpu.memory_space<semaphore_mem>>) src(%arg2 : memref<1408xf32, #tpu.memory_space<hbm>>) dst(%arg9 : memref<1408xf32, #tpu.memory_space<vmem>>)
      tpu.yield
    }) : () -> ()
    %get3A = arith.constant 0 : index
    %get3A_1 = tpu.vector_load %arg9[%get3A] {strides = array<i32>} : memref<1408xf32, #tpu.memory_space<vmem>>, vector<16xf32>,
    %get3A_2 = arith.constant 16 : index
    %get3A_3 = tpu.vector_load %arg9[%get3A_2] {strides = array<i32>} : memref<1408xf32, #tpu.memory_space<vmem>>, vector<16xf32>,
    %get3A_4 = arith.constant 32 : index
    %get3A_5 = tpu.vector_load %arg9[%get3A_4] {strides = array<i32>} : memref<1408xf32, #tpu.memory_space<vmem>>, vector<16xf32>,
    %get3A_6 = arith.constant 48 : index
    %get3A_7 = tpu.vector_load %arg9[%get3A_6] {strides = array<i32>} : memref<1408xf32, #tpu.memory_space<vmem>>, vector<16xf32>,
    %get3A_8 = arith.constant 64 : index
    %get3A_9 = tpu.vector_load %arg9[%get3A_8] {strides = array<i32>} : memref<1408xf32, #tpu.memory_space<vmem>>, vector<16xf32>,
    %get3A_10 = arith.constant 80 : index
    %get3A_11 = tpu.vector_load %arg9[%get3A_10] {strides = array<i32>} : memref<1408xf32, #tpu.memory_space<vmem>>, vector<16xf32>,
    %get3A_12 = arith.constant 96 : index
    %get3A_13 = tpu.vector_load %arg9[%get3A_12] {strides = array<i32>} : memref<1408xf32, #tpu.memory_space<vmem>>, vector<16xf32>,
    %get3A_14 = arith.constant 112 : index
    %get3A_15 = tpu.vector_load %arg9[%get3A_14] {strides = array<i32>} : memref<1408xf32, #tpu.memory_space<vmem>>, vector<16xf32>,
    %scan3A = arith.constant 0 : i32
    %scan3A_16 = arith.constant 0 : i32
    %scan3A_17 = arith.constant 3 : i32
    %scan3A_18 = arith.addi %scan3A_16, %scan3A_17 : i32
    %scan3A_19 = arith.constant 1 : i32
    scf.for %scan3A_21 = %scan3A_16 to %scan3A_18 step %scan3A_19  : i32 {
      %mul3A_22 = arith.constant 6144 : i32
      %mul3A_23 = arith.muli %add3A, %mul3A_22 : i32
      %mul3A_24 = arith.constant 2048 : i32
      %mul3A_25 = arith.muli %scan3A_21, %mul3A_24 : i32
      %add3A_26 = arith.addi %mul3A_23, %mul3A_25 : i32
      "tpu.region"() ({
        %run_scoped3A = tpu.sem_alloc : memref<!tpu.dma_semaphore, #tpu.memory_space<semaphore_mem>>
        %dma_start3A = tpu.memref_slice %arg3[%add3A_26] : memref<1048576xf32, #tpu.memory_space<hbm>> -> memref<2048xf32, #tpu.memory_space<hbm>>
        %dma_start3A_37 = tpu.memref_slice %arg3[%add3A_26] : memref<1048576xf32, #tpu.memory_space<hbm>> -> memref<2048xf32, #tpu.memory_space<hbm>>
        tpu.enqueue_dma source(%dma_start3A_37 : memref<2048xf32, #tpu.memory_space<hbm>>) target(%arg10 : memref<2048xf32, #tpu.memory_space<vmem>>) target_semaphore(%run_scoped3A : memref<!tpu.dma_semaphore, #tpu.memory_space<semaphore_mem>>)
        %dma_wait3A = tpu.memref_slice %arg3[%add3A_26] : memref<1048576xf32, #tpu.memory_space<hbm>> -> memref<2048xf32, #tpu.memory_space<hbm>>
        %dma_wait3A_38 = tpu.memref_slice %arg3[%add3A_26] : memref<1048576xf32, #tpu.memory_space<hbm>> -> memref<2048xf32, #tpu.memory_space<hbm>>
        tpu.wait_dma2 semaphore(%run_scoped3A : memref<!tpu.dma_semaphore, #tpu.memory_space<semaphore_mem>>) src(%dma_wait3A_38 : memref<2048xf32, #tpu.memory_space<hbm>>) dst(%arg10 : memref<2048xf32, #tpu.memory_space<vmem>>)
        tpu.yield
      }) : () -> ()
      %mul3A_27 = arith.constant 2 : i32
      %mul3A_28 = arith.muli %mul3A_27, %add3A_26 : i32
      "tpu.region"() ({
        %run_scoped3A = tpu.sem_alloc : memref<!tpu.dma_semaphore, #tpu.memory_space<semaphore_mem>>
        %dma_start3A = tpu.memref_slice %arg4[%mul3A_28] : memref<2097152xf32, #tpu.memory_space<hbm>> -> memref<4096xf32, #tpu.memory_space<hbm>>
        %dma_start3A_37 = tpu.memref_slice %arg4[%mul3A_28] : memref<2097152xf32, #tpu.memory_space<hbm>> -> memref<4096xf32, #tpu.memory_space<hbm>>
        tpu.enqueue_dma source(%dma_start3A_37 : memref<4096xf32, #tpu.memory_space<hbm>>) target(%arg11 : memref<4096xf32, #tpu.memory_space<vmem>>) target_semaphore(%run_scoped3A : memref<!tpu.dma_semaphore, #tpu.memory_space<semaphore_mem>>)
        %dma_wait3A = tpu.memref_slice %arg4[%mul3A_28] : memref<2097152xf32, #tpu.memory_space<hbm>> -> memref<4096xf32, #tpu.memory_space<hbm>>
        %dma_wait3A_38 = tpu.memref_slice %arg4[%mul3A_28] : memref<2097152xf32, #tpu.memory_space<hbm>> -> memref<4096xf32, #tpu.memory_space<hbm>>
        tpu.wait_dma2 semaphore(%run_scoped3A : memref<!tpu.dma_semaphore, #tpu.memory_space<semaphore_mem>>) src(%dma_wait3A_38 : memref<4096xf32, #tpu.memory_space<hbm>>) dst(%arg11 : memref<4096xf32, #tpu.memory_space<vmem>>)
        tpu.yield
      }) : () -> ()
      %mul3A_29 = arith.constant 2 : i32
      %mul3A_30 = arith.muli %mul3A_29, %add3A_26 : i32
      "tpu.region"() ({
        %run_scoped3A = tpu.sem_alloc : memref<!tpu.dma_semaphore, #tpu.memory_space<semaphore_mem>>
        %dma_start3A = tpu.memref_slice %arg5[%mul3A_30] : memref<2097152xf32, #tpu.memory_space<hbm>> -> memref<4096xf32, #tpu.memory_space<hbm>>
        %dma_start3A_37 = tpu.memref_slice %arg5[%mul3A_30] : memref<2097152xf32, #tpu.memory_space<hbm>> -> memref<4096xf32, #tpu.memory_space<hbm>>
        tpu.enqueue_dma source(%dma_start3A_37 : memref<4096xf32, #tpu.memory_space<hbm>>) target(%arg12 : memref<4096xf32, #tpu.memory_space<vmem>>) target_semaphore(%run_scoped3A : memref<!tpu.dma_semaphore, #tpu.memory_space<semaphore_mem>>)
        %dma_wait3A = tpu.memref_slice %arg5[%mul3A_30] : memref<2097152xf32, #tpu.memory_space<hbm>> -> memref<4096xf32, #tpu.memory_space<hbm>>
        %dma_wait3A_38 = tpu.memref_slice %arg5[%mul3A_30] : memref<2097152xf32, #tpu.memory_space<hbm>> -> memref<4096xf32, #tpu.memory_space<hbm>>
        tpu.wait_dma2 semaphore(%run_scoped3A : memref<!tpu.dma_semaphore, #tpu.memory_space<semaphore_mem>>) src(%dma_wait3A_38 : memref<4096xf32, #tpu.memory_space<hbm>>) dst(%arg12 : memref<4096xf32, #tpu.memory_space<vmem>>)
        tpu.yield
      }) : () -> ()
      %scan3A_31 = arith.constant 0 : i32
      %scan3A_32 = arith.constant 0 : i32
      %scan3A_33 = arith.constant 16 : i32
      %scan3A_34 = arith.addi %scan3A_32, %scan3A_33 : i32
      %scan3A_35 = arith.constant 1 : i32
      scf.for %scan3A_37 = %scan3A_32 to %scan3A_34 step %scan3A_35  : i32 {
        %mul3A_38 = arith.constant 256 : i32
        %mul3A_39 = arith.muli %mul3A_38, %scan3A_37 : i32
        %add3A_40 = arith.constant 0 : i32
        %add3A_41 = arith.addi %mul3A_39, %add3A_40 : i32
        %mul3A_42 = arith.constant 256 : i32
        %mul3A_43 = arith.muli %mul3A_42, %scan3A_37 : i32
        %add3A_44 = arith.constant 128 : i32
        %add3A_45 = arith.addi %mul3A_43, %add3A_44 : i32
        %add3A_46 = arith.constant 0 : i32
        %add3A_47 = arith.addi %add3A_45, %add3A_46 : i32
        %mul3A_48 = arith.constant 128 : i32
        %mul3A_49 = arith.muli %mul3A_48, %scan3A_37 : i32
        %add3A_50 = arith.constant 0 : i32
        %add3A_51 = arith.addi %mul3A_49, %add3A_50 : i32
        %get3A_52 = arith.index_cast %add3A_51 : i32 to index
        %get3A_53 = tpu.vector_load %arg10[%get3A_52] {strides = array<i32>} : memref<2048xf32, #tpu.memory_space<vmem>>, vector<16xf32>,
        %get3A_54 = arith.index_cast %add3A_41 : i32 to index
        %get3A_55 = tpu.vector_load %arg11[%get3A_54] {strides = array<i32>} : memref<4096xf32, #tpu.memory_space<vmem>>, vector<16xf32>,
        %get3A_56 = arith.index_cast %add3A_47 : i32 to index
        %get3A_57 = tpu.vector_load %arg11[%get3A_56] {strides = array<i32>} : memref<4096xf32, #tpu.memory_space<vmem>>, vector<16xf32>,
        %get3A_58 = arith.index_cast %add3A_41 : i32 to index
        %get3A_59 = tpu.vector_load %arg12[%get3A_58] {strides = array<i32>} : memref<4096xf32, #tpu.memory_space<vmem>>, vector<16xf32>,
        %get3A_60 = arith.index_cast %add3A_47 : i32 to index
        %get3A_61 = tpu.vector_load %arg12[%get3A_60] {strides = array<i32>} : memref<4096xf32, #tpu.memory_space<vmem>>, vector<16xf32>,
        %lt3A = arith.cmpf olt, %get3A_53, %get3A_1 : vector<16xf32>
        %abs3A = math.absf %get3A_59 : vector<16xf32>
        %abs3A_62 = math.absf %get3A_61 : vector<16xf32>
        %gt3A = arith.cmpf ogt, %abs3A, %abs3A_62 : vector<16xf32>
        %eq3A = arith.constant 0.000000e+00 : f32
        %eq3A_63 = vector.broadcast %eq3A : f32 to vector<16xf32>
        %eq3A_64 = arith.cmpf oeq, %get3A_59, %eq3A_63 : vector<16xf32>
        %eq3A_65 = arith.constant 0.000000e+00 : f32
        %eq3A_66 = vector.broadcast %eq3A_65 : f32 to vector<16xf32>
        %eq3A_67 = arith.cmpf oeq, %get3A_61, %eq3A_66 : vector<16xf32>
        %and3A = arith.andi %eq3A_64, %eq3A_67 : vector<16xi1>
        %not3A = arith.constant dense<true> : vector<16xi1>
        %not3A_68 = arith.xori %gt3A, %not3A : vector<16xi1>
        %not3A_69 = arith.constant dense<true> : vector<16xi1>
        %not3A_70 = arith.xori %and3A, %not3A_69 : vector<16xi1>
        %and3A_71 = arith.andi %not3A_68, %not3A_70 : vector<16xi1>
        %eq3A_72 = arith.constant 0.000000e+00 : f32
        %eq3A_73 = vector.broadcast %eq3A_72 : f32 to vector<16xf32>
        %eq3A_74 = arith.cmpf oeq, %get3A_59, %eq3A_73 : vector<16xf32>
        %jit3A = arith.constant 1.000000e+00 : f32
        %broadcast_in_dim3A = vector.broadcast %jit3A : f32 to vector<16xf32>
        %select_n3A = arith.select %eq3A_74, %broadcast_in_dim3A, %get3A_59 : vector<16xi1>, vector<16xf32>
        %eq3A_75 = arith.constant 0.000000e+00 : f32
        %eq3A_76 = vector.broadcast %eq3A_75 : f32 to vector<16xf32>
        %eq3A_77 = arith.cmpf oeq, %get3A_61, %eq3A_76 : vector<16xf32>
        %jit3A_78 = arith.constant 1.000000e+00 : f32
        %broadcast_in_dim3A_79 = vector.broadcast %jit3A_78 : f32 to vector<16xf32>
        %select_n3A_80 = arith.select %eq3A_77, %broadcast_in_dim3A_79, %get3A_61 : vector<16xi1>, vector<16xf32>
        %select_n3A_81 = arith.select %gt3A, %get3A_61, %get3A_59 : vector<16xi1>, vector<16xf32>
        %select_n3A_82 = arith.select %gt3A, %select_n3A, %select_n3A_80 : vector<16xi1>, vector<16xf32>
        %mul3A_83 = arith.constant 12.566371 : f32
        %mul3A_84 = vector.broadcast %mul3A_83 : f32 to vector<16xf32>
        %mul3A_85 = arith.mulf %mul3A_84, %select_n3A_81 : vector<16xf32>
        %div3A = arith.divf %mul3A_85, %select_n3A_82 : vector<16xf32>
        %sub3A = arith.constant 6.28318548 : f32
        %sub3A_86 = vector.broadcast %sub3A : f32 to vector<16xf32>
        %sub3A_87 = arith.subf %sub3A_86, %div3A : vector<16xf32>
        %select_n3A_88 = arith.select %gt3A, %div3A, %sub3A_87 : vector<16xi1>, vector<16xf32>
        %jit3A_89 = arith.constant 0.000000e+00 : f32
        %broadcast_in_dim3A_90 = vector.broadcast %jit3A_89 : f32 to vector<16xf32>
        %select_n3A_91 = arith.select %and3A_71, %get3A_61, %broadcast_in_dim3A_90 : vector<16xi1>, vector<16xf32>
        %select_n3A_92 = arith.select %gt3A, %get3A_59, %select_n3A_91 : vector<16xi1>, vector<16xf32>
        %mul3A_93 = arith.constant 0.318309873 : f32
        %mul3A_94 = vector.broadcast %mul3A_93 : f32 to vector<16xf32>
        %mul3A_95 = arith.mulf %select_n3A_88, %mul3A_94 : vector<16xf32>
        %add3A_96 = arith.constant 5.000000e-01 : f32
        %add3A_97 = vector.broadcast %add3A_96 : f32 to vector<16xf32>
        %add3A_98 = arith.addf %mul3A_95, %add3A_97 : vector<16xf32>
        %convert_element_type3A = arith.fptosi %add3A_98 : vector<16xf32> to vector<16xi32>
        %convert_element_type3A_99 = arith.sitofp %convert_element_type3A : vector<16xi32> to vector<16xf32>
        %gt3A_100 = arith.cmpf ogt, %convert_element_type3A_99, %add3A_98 : vector<16xf32>
        %jit3A_101 = arith.constant 1 : i32
        %jit3A_102 = arith.constant 0 : i32
        %broadcast_in_dim3A_103 = vector.broadcast %jit3A_101 : i32 to vector<16xi32>
        %broadcast_in_dim3A_104 = vector.broadcast %jit3A_102 : i32 to vector<16xi32>
        %select_n3A_105 = arith.select %gt3A_100, %broadcast_in_dim3A_103, %broadcast_in_dim3A_104 : vector<16xi1>, vector<16xi32>
        %sub3A_106 = arith.subi %convert_element_type3A, %select_n3A_105 : vector<16xi32>
        %convert_element_type3A_107 = arith.sitofp %sub3A_106 : vector<16xi32> to vector<16xf32>
        %mul3A_108 = arith.constant 3.14159274 : f32
        %mul3A_109 = vector.broadcast %mul3A_108 : f32 to vector<16xf32>
        %mul3A_110 = arith.mulf %convert_element_type3A_107, %mul3A_109 : vector<16xf32>
        %sub3A_111 = arith.subf %select_n3A_88, %mul3A_110 : vector<16xf32>
        %mul3A_112 = arith.constant -8.74227765E-8 : f32
        %mul3A_113 = vector.broadcast %mul3A_112 : f32 to vector<16xf32>
        %mul3A_114 = arith.mulf %convert_element_type3A_107, %mul3A_113 : vector<16xf32>
        %sub3A_115 = arith.subf %sub3A_111, %mul3A_114 : vector<16xf32>
        %mul3A_116 = arith.mulf %sub3A_115, %sub3A_115 : vector<16xf32>
        %mul3A_117 = arith.constant 2.08767559E-9 : f32
        %mul3A_118 = vector.broadcast %mul3A_117 : f32 to vector<16xf32>
        %mul3A_119 = arith.mulf %mul3A_118, %mul3A_116 : vector<16xf32>
        %add3A_120 = arith.constant -2.755732E-7 : f32
        %add3A_121 = vector.broadcast %add3A_120 : f32 to vector<16xf32>
        %add3A_122 = arith.addf %mul3A_119, %add3A_121 : vector<16xf32>
        %mul3A_123 = arith.mulf %add3A_122, %mul3A_116 : vector<16xf32>
        %add3A_124 = arith.constant 2.48015876E-5 : f32
        %add3A_125 = vector.broadcast %add3A_124 : f32 to vector<16xf32>
        %add3A_126 = arith.addf %mul3A_123, %add3A_125 : vector<16xf32>
        %mul3A_127 = arith.mulf %add3A_126, %mul3A_116 : vector<16xf32>
        %add3A_128 = arith.constant -0.00138888892 : f32
        %add3A_129 = vector.broadcast %add3A_128 : f32 to vector<16xf32>
        %add3A_130 = arith.addf %mul3A_127, %add3A_129 : vector<16xf32>
        %mul3A_131 = arith.mulf %add3A_130, %mul3A_116 : vector<16xf32>
        %add3A_132 = arith.constant 0.0416666679 : f32
        %add3A_133 = vector.broadcast %add3A_132 : f32 to vector<16xf32>
        %add3A_134 = arith.addf %mul3A_131, %add3A_133 : vector<16xf32>
        %mul3A_135 = arith.mulf %add3A_134, %mul3A_116 : vector<16xf32>
        %add3A_136 = arith.constant -5.000000e-01 : f32
        %add3A_137 = vector.broadcast %add3A_136 : f32 to vector<16xf32>
        %add3A_138 = arith.addf %mul3A_135, %add3A_137 : vector<16xf32>
        %mul3A_139 = arith.mulf %add3A_138, %mul3A_116 : vector<16xf32>
        %add3A_140 = arith.constant 1.000000e+00 : f32
        %add3A_141 = vector.broadcast %add3A_140 : f32 to vector<16xf32>
        %add3A_142 = arith.addf %mul3A_139, %add3A_141 : vector<16xf32>
        %mul3A_143 = arith.constant -2.50521079E-8 : f32
        %mul3A_144 = vector.broadcast %mul3A_143 : f32 to vector<16xf32>
        %mul3A_145 = arith.mulf %mul3A_144, %mul3A_116 : vector<16xf32>
        %add3A_146 = arith.constant 2.75573188E-6 : f32
        %add3A_147 = vector.broadcast %add3A_146 : f32 to vector<16xf32>
        %add3A_148 = arith.addf %mul3A_145, %add3A_147 : vector<16xf32>
        %mul3A_149 = arith.mulf %add3A_148, %mul3A_116 : vector<16xf32>
        %add3A_150 = arith.constant -1.98412701E-4 : f32
        %add3A_151 = vector.broadcast %add3A_150 : f32 to vector<16xf32>
        %add3A_152 = arith.addf %mul3A_149, %add3A_151 : vector<16xf32>
        %mul3A_153 = arith.mulf %add3A_152, %mul3A_116 : vector<16xf32>
        %add3A_154 = arith.constant 0.00833333377 : f32
        %add3A_155 = vector.broadcast %add3A_154 : f32 to vector<16xf32>
        %add3A_156 = arith.addf %mul3A_153, %add3A_155 : vector<16xf32>
        %mul3A_157 = arith.mulf %add3A_156, %mul3A_116 : vector<16xf32>
        %add3A_158 = arith.constant -0.166666672 : f32
        %add3A_159 = vector.broadcast %add3A_158 : f32 to vector<16xf32>
        %add3A_160 = arith.addf %mul3A_157, %add3A_159 : vector<16xf32>
        %mul3A_161 = arith.mulf %add3A_160, %mul3A_116 : vector<16xf32>
        %add3A_162 = arith.constant 1.000000e+00 : f32
        %add3A_163 = vector.broadcast %add3A_162 : f32 to vector<16xf32>
        %add3A_164 = arith.addf %mul3A_161, %add3A_163 : vector<16xf32>
        %mul3A_165 = arith.mulf %add3A_164, %sub3A_115 : vector<16xf32>
        %and3A_166 = arith.constant 1 : i32
        %and3A_167 = vector.broadcast %and3A_166 : i32 to vector<16xi32>
        %and3A_168 = arith.andi %sub3A_106, %and3A_167 : vector<16xi32>
        %eq3A_169 = arith.constant 1 : i32
        %eq3A_170 = vector.broadcast %eq3A_169 : i32 to vector<16xi32>
        %eq3A_171 = arith.cmpi eq, %and3A_168, %eq3A_170 : vector<16xi32>
        %jit3A_172 = arith.constant -1.000000e+00 : f32
        %jit3A_173 = arith.constant 1.000000e+00 : f32
        %broadcast_in_dim3A_174 = vector.broadcast %jit3A_172 : f32 to vector<16xf32>
        %broadcast_in_dim3A_175 = vector.broadcast %jit3A_173 : f32 to vector<16xf32>
        %select_n3A_176 = arith.select %eq3A_171, %broadcast_in_dim3A_174, %broadcast_in_dim3A_175 : vector<16xi1>, vector<16xf32>
        %mul3A_177 = arith.mulf %mul3A_165, %select_n3A_176 : vector<16xf32>
        %mul3A_178 = arith.mulf %add3A_142, %select_n3A_176 : vector<16xf32>
        %mul3A_179 = arith.mulf %select_n3A_92, %mul3A_178 : vector<16xf32>
        %mul3A_180 = arith.mulf %get3A_55, %get3A_3 : vector<16xf32>
        %add3A_181 = arith.addf %mul3A_180, %get3A_7 : vector<16xf32>
        %select_n3A_182 = arith.select %lt3A, %mul3A_179, %add3A_181 : vector<16xi1>, vector<16xf32>
        %mul3A_183 = arith.mulf %select_n3A_92, %mul3A_177 : vector<16xf32>
        %mul3A_184 = arith.mulf %get3A_57, %get3A_5 : vector<16xf32>
        %add3A_185 = arith.addf %mul3A_184, %get3A_9 : vector<16xf32>
        %select_n3A_186 = arith.select %lt3A, %mul3A_183, %add3A_185 : vector<16xi1>, vector<16xf32>
        %mul3A_187 = arith.mulf %select_n3A_182, %select_n3A_182 : vector<16xf32>
        %mul3A_188 = arith.mulf %select_n3A_186, %select_n3A_186 : vector<16xf32>
        %add3A_189 = arith.addf %mul3A_187, %mul3A_188 : vector<16xf32>
        %ge3A = arith.constant 1.000000e+00 : f32
        %ge3A_190 = vector.broadcast %ge3A : f32 to vector<16xf32>
        %ge3A_191 = arith.cmpf oge, %add3A_189, %ge3A_190 : vector<16xf32>
        %select_n3A_192 = arith.select %ge3A_191, %get3A_13, %get3A_11 : vector<16xi1>, vector<16xf32>
        %exp3A = math.exp %select_n3A_192 : vector<16xf32>
        %mul3A_193 = arith.constant 256 : i32
        %mul3A_194 = arith.muli %mul3A_193, %scan3A_37 : i32
        %add3A_195 = arith.constant 16 : i32
        %add3A_196 = arith.addi %mul3A_194, %add3A_195 : i32
        %mul3A_197 = arith.constant 256 : i32
        %mul3A_198 = arith.muli %mul3A_197, %scan3A_37 : i32
        %add3A_199 = arith.constant 128 : i32
        %add3A_200 = arith.addi %mul3A_198, %add3A_199 : i32
        %add3A_201 = arith.constant 16 : i32
        %add3A_202 = arith.addi %add3A_200, %add3A_201 : i32
        %mul3A_203 = arith.constant 128 : i32
        %mul3A_204 = arith.muli %mul3A_203, %scan3A_37 : i32
        %add3A_205 = arith.constant 16 : i32
        %add3A_206 = arith.addi %mul3A_204, %add3A_205 : i32
        %get3A_207 = arith.index_cast %add3A_206 : i32 to index
        %get3A_208 = tpu.vector_load %arg10[%get3A_207] {strides = array<i32>} : memref<2048xf32, #tpu.memory_space<vmem>>, vector<16xf32>,
        %get3A_209 = arith.index_cast %add3A_196 : i32 to index
        %get3A_210 = tpu.vector_load %arg11[%get3A_209] {strides = array<i32>} : memref<4096xf32, #tpu.memory_space<vmem>>, vector<16xf32>,
        %get3A_211 = arith.index_cast %add3A_202 : i32 to index
        %get3A_212 = tpu.vector_load %arg11[%get3A_211] {strides = array<i32>} : memref<4096xf32, #tpu.memory_space<vmem>>, vector<16xf32>,
        %get3A_213 = arith.index_cast %add3A_196 : i32 to index
        %get3A_214 = tpu.vector_load %arg12[%get3A_213] {strides = array<i32>} : memref<4096xf32, #tpu.memory_space<vmem>>, vector<16xf32>,
        %get3A_215 = arith.index_cast %add3A_202 : i32 to index
        %get3A_216 = tpu.vector_load %arg12[%get3A_215] {strides = array<i32>} : memref<4096xf32, #tpu.memory_space<vmem>>, vector<16xf32>,
        %lt3A_217 = arith.cmpf olt, %get3A_208, %get3A_1 : vector<16xf32>
        %abs3A_218 = math.absf %get3A_214 : vector<16xf32>
        %abs3A_219 = math.absf %get3A_216 : vector<16xf32>
        %gt3A_220 = arith.cmpf ogt, %abs3A_218, %abs3A_219 : vector<16xf32>
        %eq3A_221 = arith.constant 0.000000e+00 : f32
        %eq3A_222 = vector.broadcast %eq3A_221 : f32 to vector<16xf32>
        %eq3A_223 = arith.cmpf oeq, %get3A_214, %eq3A_222 : vector<16xf32>
        %eq3A_224 = arith.constant 0.000000e+00 : f32
        %eq3A_225 = vector.broadcast %eq3A_224 : f32 to vector<16xf32>
        %eq3A_226 = arith.cmpf oeq, %get3A_216, %eq3A_225 : vector<16xf32>
        %and3A_227 = arith.andi %eq3A_223, %eq3A_226 : vector<16xi1>
        %not3A_228 = arith.constant dense<true> : vector<16xi1>
        %not3A_229 = arith.xori %gt3A_220, %not3A_228 : vector<16xi1>
        %not3A_230 = arith.constant dense<true> : vector<16xi1>
        %not3A_231 = arith.xori %and3A_227, %not3A_230 : vector<16xi1>
        %and3A_232 = arith.andi %not3A_229, %not3A_231 : vector<16xi1>
        %eq3A_233 = arith.constant 0.000000e+00 : f32
        %eq3A_234 = vector.broadcast %eq3A_233 : f32 to vector<16xf32>
        %eq3A_235 = arith.cmpf oeq, %get3A_214, %eq3A_234 : vector<16xf32>
        %jit3A_236 = arith.constant 1.000000e+00 : f32
        %broadcast_in_dim3A_237 = vector.broadcast %jit3A_236 : f32 to vector<16xf32>
        %select_n3A_238 = arith.select %eq3A_235, %broadcast_in_dim3A_237, %get3A_214 : vector<16xi1>, vector<16xf32>
        %eq3A_239 = arith.constant 0.000000e+00 : f32
        %eq3A_240 = vector.broadcast %eq3A_239 : f32 to vector<16xf32>
        %eq3A_241 = arith.cmpf oeq, %get3A_216, %eq3A_240 : vector<16xf32>
        %jit3A_242 = arith.constant 1.000000e+00 : f32
        %broadcast_in_dim3A_243 = vector.broadcast %jit3A_242 : f32 to vector<16xf32>
        %select_n3A_244 = arith.select %eq3A_241, %broadcast_in_dim3A_243, %get3A_216 : vector<16xi1>, vector<16xf32>
        %select_n3A_245 = arith.select %gt3A_220, %get3A_216, %get3A_214 : vector<16xi1>, vector<16xf32>
        %select_n3A_246 = arith.select %gt3A_220, %select_n3A_238, %select_n3A_244 : vector<16xi1>, vector<16xf32>
        %mul3A_247 = arith.constant 12.566371 : f32
        %mul3A_248 = vector.broadcast %mul3A_247 : f32 to vector<16xf32>
        %mul3A_249 = arith.mulf %mul3A_248, %select_n3A_245 : vector<16xf32>
        %div3A_250 = arith.divf %mul3A_249, %select_n3A_246 : vector<16xf32>
        %sub3A_251 = arith.constant 6.28318548 : f32
        %sub3A_252 = vector.broadcast %sub3A_251 : f32 to vector<16xf32>
        %sub3A_253 = arith.subf %sub3A_252, %div3A_250 : vector<16xf32>
        %select_n3A_254 = arith.select %gt3A_220, %div3A_250, %sub3A_253 : vector<16xi1>, vector<16xf32>
        %jit3A_255 = arith.constant 0.000000e+00 : f32
        %broadcast_in_dim3A_256 = vector.broadcast %jit3A_255 : f32 to vector<16xf32>
        %select_n3A_257 = arith.select %and3A_232, %get3A_216, %broadcast_in_dim3A_256 : vector<16xi1>, vector<16xf32>
        %select_n3A_258 = arith.select %gt3A_220, %get3A_214, %select_n3A_257 : vector<16xi1>, vector<16xf32>
        %mul3A_259 = arith.constant 0.318309873 : f32
        %mul3A_260 = vector.broadcast %mul3A_259 : f32 to vector<16xf32>
        %mul3A_261 = arith.mulf %select_n3A_254, %mul3A_260 : vector<16xf32>
        %add3A_262 = arith.constant 5.000000e-01 : f32
        %add3A_263 = vector.broadcast %add3A_262 : f32 to vector<16xf32>
        %add3A_264 = arith.addf %mul3A_261, %add3A_263 : vector<16xf32>
        %convert_element_type3A_265 = arith.fptosi %add3A_264 : vector<16xf32> to vector<16xi32>
        %convert_element_type3A_266 = arith.sitofp %convert_element_type3A_265 : vector<16xi32> to vector<16xf32>
        %gt3A_267 = arith.cmpf ogt, %convert_element_type3A_266, %add3A_264 : vector<16xf32>
        %jit3A_268 = arith.constant 1 : i32
        %jit3A_269 = arith.constant 0 : i32
        %broadcast_in_dim3A_270 = vector.broadcast %jit3A_268 : i32 to vector<16xi32>
        %broadcast_in_dim3A_271 = vector.broadcast %jit3A_269 : i32 to vector<16xi32>
        %select_n3A_272 = arith.select %gt3A_267, %broadcast_in_dim3A_270, %broadcast_in_dim3A_271 : vector<16xi1>, vector<16xi32>
        %sub3A_273 = arith.subi %convert_element_type3A_265, %select_n3A_272 : vector<16xi32>
        %convert_element_type3A_274 = arith.sitofp %sub3A_273 : vector<16xi32> to vector<16xf32>
        %mul3A_275 = arith.constant 3.14159274 : f32
        %mul3A_276 = vector.broadcast %mul3A_275 : f32 to vector<16xf32>
        %mul3A_277 = arith.mulf %convert_element_type3A_274, %mul3A_276 : vector<16xf32>
        %sub3A_278 = arith.subf %select_n3A_254, %mul3A_277 : vector<16xf32>
        %mul3A_279 = arith.constant -8.74227765E-8 : f32
        %mul3A_280 = vector.broadcast %mul3A_279 : f32 to vector<16xf32>
        %mul3A_281 = arith.mulf %convert_element_type3A_274, %mul3A_280 : vector<16xf32>
        %sub3A_282 = arith.subf %sub3A_278, %mul3A_281 : vector<16xf32>
        %mul3A_283 = arith.mulf %sub3A_282, %sub3A_282 : vector<16xf32>
        %mul3A_284 = arith.constant 2.08767559E-9 : f32
        %mul3A_285 = vector.broadcast %mul3A_284 : f32 to vector<16xf32>
        %mul3A_286 = arith.mulf %mul3A_285, %mul3A_283 : vector<16xf32>
        %add3A_287 = arith.constant -2.755732E-7 : f32
        %add3A_288 = vector.broadcast %add3A_287 : f32 to vector<16xf32>
        %add3A_289 = arith.addf %mul3A_286, %add3A_288 : vector<16xf32>
        %mul3A_290 = arith.mulf %add3A_289, %mul3A_283 : vector<16xf32>
        %add3A_291 = arith.constant 2.48015876E-5 : f32
        %add3A_292 = vector.broadcast %add3A_291 : f32 to vector<16xf32>
        %add3A_293 = arith.addf %mul3A_290, %add3A_292 : vector<16xf32>
        %mul3A_294 = arith.mulf %add3A_293, %mul3A_283 : vector<16xf32>
        %add3A_295 = arith.constant -0.00138888892 : f32
        %add3A_296 = vector.broadcast %add3A_295 : f32 to vector<16xf32>
        %add3A_297 = arith.addf %mul3A_294, %add3A_296 : vector<16xf32>
        %mul3A_298 = arith.mulf %add3A_297, %mul3A_283 : vector<16xf32>
        %add3A_299 = arith.constant 0.0416666679 : f32
        %add3A_300 = vector.broadcast %add3A_299 : f32 to vector<16xf32>
        %add3A_301 = arith.addf %mul3A_298, %add3A_300 : vector<16xf32>
        %mul3A_302 = arith.mulf %add3A_301, %mul3A_283 : vector<16xf32>
        %add3A_303 = arith.constant -5.000000e-01 : f32
        %add3A_304 = vector.broadcast %add3A_303 : f32 to vector<16xf32>
        %add3A_305 = arith.addf %mul3A_302, %add3A_304 : vector<16xf32>
        %mul3A_306 = arith.mulf %add3A_305, %mul3A_283 : vector<16xf32>
        %add3A_307 = arith.constant 1.000000e+00 : f32
        %add3A_308 = vector.broadcast %add3A_307 : f32 to vector<16xf32>
        %add3A_309 = arith.addf %mul3A_306, %add3A_308 : vector<16xf32>
        %mul3A_310 = arith.constant -2.50521079E-8 : f32
        %mul3A_311 = vector.broadcast %mul3A_310 : f32 to vector<16xf32>
        %mul3A_312 = arith.mulf %mul3A_311, %mul3A_283 : vector<16xf32>
        %add3A_313 = arith.constant 2.75573188E-6 : f32
        %add3A_314 = vector.broadcast %add3A_313 : f32 to vector<16xf32>
        %add3A_315 = arith.addf %mul3A_312, %add3A_314 : vector<16xf32>
        %mul3A_316 = arith.mulf %add3A_315, %mul3A_283 : vector<16xf32>
        %add3A_317 = arith.constant -1.98412701E-4 : f32
        %add3A_318 = vector.broadcast %add3A_317 : f32 to vector<16xf32>
        %add3A_319 = arith.addf %mul3A_316, %add3A_318 : vector<16xf32>
        %mul3A_320 = arith.mulf %add3A_319, %mul3A_283 : vector<16xf32>
        %add3A_321 = arith.constant 0.00833333377 : f32
        %add3A_322 = vector.broadcast %add3A_321 : f32 to vector<16xf32>
        %add3A_323 = arith.addf %mul3A_320, %add3A_322 : vector<16xf32>
        %mul3A_324 = arith.mulf %add3A_323, %mul3A_283 : vector<16xf32>
        %add3A_325 = arith.constant -0.166666672 : f32
        %add3A_326 = vector.broadcast %add3A_325 : f32 to vector<16xf32>
        %add3A_327 = arith.addf %mul3A_324, %add3A_326 : vector<16xf32>
        %mul3A_328 = arith.mulf %add3A_327, %mul3A_283 : vector<16xf32>
        %add3A_329 = arith.constant 1.000000e+00 : f32
        %add3A_330 = vector.broadcast %add3A_329 : f32 to vector<16xf32>
        %add3A_331 = arith.addf %mul3A_328, %add3A_330 : vector<16xf32>
        %mul3A_332 = arith.mulf %add3A_331, %sub3A_282 : vector<16xf32>
        %and3A_333 = arith.constant 1 : i32
        %and3A_334 = vector.broadcast %and3A_333 : i32 to vector<16xi32>
        %and3A_335 = arith.andi %sub3A_273, %and3A_334 : vector<16xi32>
        %eq3A_336 = arith.constant 1 : i32
        %eq3A_337 = vector.broadcast %eq3A_336 : i32 to vector<16xi32>
        %eq3A_338 = arith.cmpi eq, %and3A_335, %eq3A_337 : vector<16xi32>
        %jit3A_339 = arith.constant -1.000000e+00 : f32
        %jit3A_340 = arith.constant 1.000000e+00 : f32
        %broadcast_in_dim3A_341 = vector.broadcast %jit3A_339 : f32 to vector<16xf32>
        %broadcast_in_dim3A_342 = vector.broadcast %jit3A_340 : f32 to vector<16xf32>
        %select_n3A_343 = arith.select %eq3A_338, %broadcast_in_dim3A_341, %broadcast_in_dim3A_342 : vector<16xi1>, vector<16xf32>
        %mul3A_344 = arith.mulf %mul3A_332, %select_n3A_343 : vector<16xf32>
        %mul3A_345 = arith.mulf %add3A_309, %select_n3A_343 : vector<16xf32>
        %mul3A_346 = arith.mulf %select_n3A_258, %mul3A_345 : vector<16xf32>
        %mul3A_347 = arith.mulf %get3A_210, %get3A_3 : vector<16xf32>
        %add3A_348 = arith.addf %mul3A_347, %get3A_7 : vector<16xf32>
        %select_n3A_349 = arith.select %lt3A_217, %mul3A_346, %add3A_348 : vector<16xi1>, vector<16xf32>
        %mul3A_350 = arith.mulf %select_n3A_258, %mul3A_344 : vector<16xf32>
        %mul3A_351 = arith.mulf %get3A_212, %get3A_5 : vector<16xf32>
        %add3A_352 = arith.addf %mul3A_351, %get3A_9 : vector<16xf32>
        %select_n3A_353 = arith.select %lt3A_217, %mul3A_350, %add3A_352 : vector<16xi1>, vector<16xf32>
        %mul3A_354 = arith.mulf %select_n3A_349, %select_n3A_349 : vector<16xf32>
        %mul3A_355 = arith.mulf %select_n3A_353, %select_n3A_353 : vector<16xf32>
        %add3A_356 = arith.addf %mul3A_354, %mul3A_355 : vector<16xf32>
        %ge3A_357 = arith.constant 1.000000e+00 : f32
        %ge3A_358 = vector.broadcast %ge3A_357 : f32 to vector<16xf32>
        %ge3A_359 = arith.cmpf oge, %add3A_356, %ge3A_358 : vector<16xf32>
        %select_n3A_360 = arith.select %ge3A_359, %get3A_13, %get3A_11 : vector<16xi1>, vector<16xf32>
        %exp3A_361 = math.exp %select_n3A_360 : vector<16xf32>
        %mul3A_362 = arith.constant 256 : i32
        %mul3A_363 = arith.muli %mul3A_362, %scan3A_37 : i32
        %add3A_364 = arith.constant 32 : i32
        %add3A_365 = arith.addi %mul3A_363, %add3A_364 : i32
        %mul3A_366 = arith.constant 256 : i32
        %mul3A_367 = arith.muli %mul3A_366, %scan3A_37 : i32
        %add3A_368 = arith.constant 128 : i32
        %add3A_369 = arith.addi %mul3A_367, %add3A_368 : i32
        %add3A_370 = arith.constant 32 : i32
        %add3A_371 = arith.addi %add3A_369, %add3A_370 : i32
        %mul3A_372 = arith.constant 128 : i32
        %mul3A_373 = arith.muli %mul3A_372, %scan3A_37 : i32
        %add3A_374 = arith.constant 32 : i32
        %add3A_375 = arith.addi %mul3A_373, %add3A_374 : i32
        %get3A_376 = arith.index_cast %add3A_375 : i32 to index
        %get3A_377 = tpu.vector_load %arg10[%get3A_376] {strides = array<i32>} : memref<2048xf32, #tpu.memory_space<vmem>>, vector<16xf32>,
        %get3A_378 = arith.index_cast %add3A_365 : i32 to index
        %get3A_379 = tpu.vector_load %arg11[%get3A_378] {strides = array<i32>} : memref<4096xf32, #tpu.memory_space<vmem>>, vector<16xf32>,
        %get3A_380 = arith.index_cast %add3A_371 : i32 to index
        %get3A_381 = tpu.vector_load %arg11[%get3A_380] {strides = array<i32>} : memref<4096xf32, #tpu.memory_space<vmem>>, vector<16xf32>,
        %get3A_382 = arith.index_cast %add3A_365 : i32 to index
        %get3A_383 = tpu.vector_load %arg12[%get3A_382] {strides = array<i32>} : memref<4096xf32, #tpu.memory_space<vmem>>, vector<16xf32>,
        %get3A_384 = arith.index_cast %add3A_371 : i32 to index
        %get3A_385 = tpu.vector_load %arg12[%get3A_384] {strides = array<i32>} : memref<4096xf32, #tpu.memory_space<vmem>>, vector<16xf32>,
        %lt3A_386 = arith.cmpf olt, %get3A_377, %get3A_1 : vector<16xf32>
        %abs3A_387 = math.absf %get3A_383 : vector<16xf32>
        %abs3A_388 = math.absf %get3A_385 : vector<16xf32>
        %gt3A_389 = arith.cmpf ogt, %abs3A_387, %abs3A_388 : vector<16xf32>
        %eq3A_390 = arith.constant 0.000000e+00 : f32
        %eq3A_391 = vector.broadcast %eq3A_390 : f32 to vector<16xf32>
        %eq3A_392 = arith.cmpf oeq, %get3A_383, %eq3A_391 : vector<16xf32>
        %eq3A_393 = arith.constant 0.000000e+00 : f32
        %eq3A_394 = vector.broadcast %eq3A_393 : f32 to vector<16xf32>
        %eq3A_395 = arith.cmpf oeq, %get3A_385, %eq3A_394 : vector<16xf32>
        %and3A_396 = arith.andi %eq3A_392, %eq3A_395 : vector<16xi1>
        %not3A_397 = arith.constant dense<true> : vector<16xi1>
        %not3A_398 = arith.xori %gt3A_389, %not3A_397 : vector<16xi1>
        %not3A_399 = arith.constant dense<true> : vector<16xi1>
        %not3A_400 = arith.xori %and3A_396, %not3A_399 : vector<16xi1>
        %and3A_401 = arith.andi %not3A_398, %not3A_400 : vector<16xi1>
        %eq3A_402 = arith.constant 0.000000e+00 : f32
        %eq3A_403 = vector.broadcast %eq3A_402 : f32 to vector<16xf32>
        %eq3A_404 = arith.cmpf oeq, %get3A_383, %eq3A_403 : vector<16xf32>
        %jit3A_405 = arith.constant 1.000000e+00 : f32
        %broadcast_in_dim3A_406 = vector.broadcast %jit3A_405 : f32 to vector<16xf32>
        %select_n3A_407 = arith.select %eq3A_404, %broadcast_in_dim3A_406, %get3A_383 : vector<16xi1>, vector<16xf32>
        %eq3A_408 = arith.constant 0.000000e+00 : f32
        %eq3A_409 = vector.broadcast %eq3A_408 : f32 to vector<16xf32>
        %eq3A_410 = arith.cmpf oeq, %get3A_385, %eq3A_409 : vector<16xf32>
        %jit3A_411 = arith.constant 1.000000e+00 : f32
        %broadcast_in_dim3A_412 = vector.broadcast %jit3A_411 : f32 to vector<16xf32>
        %select_n3A_413 = arith.select %eq3A_410, %broadcast_in_dim3A_412, %get3A_385 : vector<16xi1>, vector<16xf32>
        %select_n3A_414 = arith.select %gt3A_389, %get3A_385, %get3A_383 : vector<16xi1>, vector<16xf32>
        %select_n3A_415 = arith.select %gt3A_389, %select_n3A_407, %select_n3A_413 : vector<16xi1>, vector<16xf32>
        %mul3A_416 = arith.constant 12.566371 : f32
        %mul3A_417 = vector.broadcast %mul3A_416 : f32 to vector<16xf32>
        %mul3A_418 = arith.mulf %mul3A_417, %select_n3A_414 : vector<16xf32>
        %div3A_419 = arith.divf %mul3A_418, %select_n3A_415 : vector<16xf32>
        %sub3A_420 = arith.constant 6.28318548 : f32
        %sub3A_421 = vector.broadcast %sub3A_420 : f32 to vector<16xf32>
        %sub3A_422 = arith.subf %sub3A_421, %div3A_419 : vector<16xf32>
        %select_n3A_423 = arith.select %gt3A_389, %div3A_419, %sub3A_422 : vector<16xi1>, vector<16xf32>
        %jit3A_424 = arith.constant 0.000000e+00 : f32
        %broadcast_in_dim3A_425 = vector.broadcast %jit3A_424 : f32 to vector<16xf32>
        %select_n3A_426 = arith.select %and3A_401, %get3A_385, %broadcast_in_dim3A_425 : vector<16xi1>, vector<16xf32>
        %select_n3A_427 = arith.select %gt3A_389, %get3A_383, %select_n3A_426 : vector<16xi1>, vector<16xf32>
        %mul3A_428 = arith.constant 0.318309873 : f32
        %mul3A_429 = vector.broadcast %mul3A_428 : f32 to vector<16xf32>
        %mul3A_430 = arith.mulf %select_n3A_423, %mul3A_429 : vector<16xf32>
        %add3A_431 = arith.constant 5.000000e-01 : f32
        %add3A_432 = vector.broadcast %add3A_431 : f32 to vector<16xf32>
        %add3A_433 = arith.addf %mul3A_430, %add3A_432 : vector<16xf32>
        %convert_element_type3A_434 = arith.fptosi %add3A_433 : vector<16xf32> to vector<16xi32>
        %convert_element_type3A_435 = arith.sitofp %convert_element_type3A_434 : vector<16xi32> to vector<16xf32>
        %gt3A_436 = arith.cmpf ogt, %convert_element_type3A_435, %add3A_433 : vector<16xf32>
        %jit3A_437 = arith.constant 1 : i32
        %jit3A_438 = arith.constant 0 : i32
        %broadcast_in_dim3A_439 = vector.broadcast %jit3A_437 : i32 to vector<16xi32>
        %broadcast_in_dim3A_440 = vector.broadcast %jit3A_438 : i32 to vector<16xi32>
        %select_n3A_441 = arith.select %gt3A_436, %broadcast_in_dim3A_439, %broadcast_in_dim3A_440 : vector<16xi1>, vector<16xi32>
        %sub3A_442 = arith.subi %convert_element_type3A_434, %select_n3A_441 : vector<16xi32>
        %convert_element_type3A_443 = arith.sitofp %sub3A_442 : vector<16xi32> to vector<16xf32>
        %mul3A_444 = arith.constant 3.14159274 : f32
        %mul3A_445 = vector.broadcast %mul3A_444 : f32 to vector<16xf32>
        %mul3A_446 = arith.mulf %convert_element_type3A_443, %mul3A_445 : vector<16xf32>
        %sub3A_447 = arith.subf %select_n3A_423, %mul3A_446 : vector<16xf32>
        %mul3A_448 = arith.constant -8.74227765E-8 : f32
        %mul3A_449 = vector.broadcast %mul3A_448 : f32 to vector<16xf32>
        %mul3A_450 = arith.mulf %convert_element_type3A_443, %mul3A_449 : vector<16xf32>
        %sub3A_451 = arith.subf %sub3A_447, %mul3A_450 : vector<16xf32>
        %mul3A_452 = arith.mulf %sub3A_451, %sub3A_451 : vector<16xf32>
        %mul3A_453 = arith.constant 2.08767559E-9 : f32
        %mul3A_454 = vector.broadcast %mul3A_453 : f32 to vector<16xf32>
        %mul3A_455 = arith.mulf %mul3A_454, %mul3A_452 : vector<16xf32>
        %add3A_456 = arith.constant -2.755732E-7 : f32
        %add3A_457 = vector.broadcast %add3A_456 : f32 to vector<16xf32>
        %add3A_458 = arith.addf %mul3A_455, %add3A_457 : vector<16xf32>
        %mul3A_459 = arith.mulf %add3A_458, %mul3A_452 : vector<16xf32>
        %add3A_460 = arith.constant 2.48015876E-5 : f32
        %add3A_461 = vector.broadcast %add3A_460 : f32 to vector<16xf32>
        %add3A_462 = arith.addf %mul3A_459, %add3A_461 : vector<16xf32>
        %mul3A_463 = arith.mulf %add3A_462, %mul3A_452 : vector<16xf32>
        %add3A_464 = arith.constant -0.00138888892 : f32
        %add3A_465 = vector.broadcast %add3A_464 : f32 to vector<16xf32>
        %add3A_466 = arith.addf %mul3A_463, %add3A_465 : vector<16xf32>
        %mul3A_467 = arith.mulf %add3A_466, %mul3A_452 : vector<16xf32>
        %add3A_468 = arith.constant 0.0416666679 : f32
        %add3A_469 = vector.broadcast %add3A_468 : f32 to vector<16xf32>
        %add3A_470 = arith.addf %mul3A_467, %add3A_469 : vector<16xf32>
        %mul3A_471 = arith.mulf %add3A_470, %mul3A_452 : vector<16xf32>
        %add3A_472 = arith.constant -5.000000e-01 : f32
        %add3A_473 = vector.broadcast %add3A_472 : f32 to vector<16xf32>
        %add3A_474 = arith.addf %mul3A_471, %add3A_473 : vector<16xf32>
        %mul3A_475 = arith.mulf %add3A_474, %mul3A_452 : vector<16xf32>
        %add3A_476 = arith.constant 1.000000e+00 : f32
        %add3A_477 = vector.broadcast %add3A_476 : f32 to vector<16xf32>
        %add3A_478 = arith.addf %mul3A_475, %add3A_477 : vector<16xf32>
        %mul3A_479 = arith.constant -2.50521079E-8 : f32
        %mul3A_480 = vector.broadcast %mul3A_479 : f32 to vector<16xf32>
        %mul3A_481 = arith.mulf %mul3A_480, %mul3A_452 : vector<16xf32>
        %add3A_482 = arith.constant 2.75573188E-6 : f32
        %add3A_483 = vector.broadcast %add3A_482 : f32 to vector<16xf32>
        %add3A_484 = arith.addf %mul3A_481, %add3A_483 : vector<16xf32>
        %mul3A_485 = arith.mulf %add3A_484, %mul3A_452 : vector<16xf32>
        %add3A_486 = arith.constant -1.98412701E-4 : f32
        %add3A_487 = vector.broadcast %add3A_486 : f32 to vector<16xf32>
        %add3A_488 = arith.addf %mul3A_485, %add3A_487 : vector<16xf32>
        %mul3A_489 = arith.mulf %add3A_488, %mul3A_452 : vector<16xf32>
        %add3A_490 = arith.constant 0.00833333377 : f32
        %add3A_491 = vector.broadcast %add3A_490 : f32 to vector<16xf32>
        %add3A_492 = arith.addf %mul3A_489, %add3A_491 : vector<16xf32>
        %mul3A_493 = arith.mulf %add3A_492, %mul3A_452 : vector<16xf32>
        %add3A_494 = arith.constant -0.166666672 : f32
        %add3A_495 = vector.broadcast %add3A_494 : f32 to vector<16xf32>
        %add3A_496 = arith.addf %mul3A_493, %add3A_495 : vector<16xf32>
        %mul3A_497 = arith.mulf %add3A_496, %mul3A_452 : vector<16xf32>
        %add3A_498 = arith.constant 1.000000e+00 : f32
        %add3A_499 = vector.broadcast %add3A_498 : f32 to vector<16xf32>
        %add3A_500 = arith.addf %mul3A_497, %add3A_499 : vector<16xf32>
        %mul3A_501 = arith.mulf %add3A_500, %sub3A_451 : vector<16xf32>
        %and3A_502 = arith.constant 1 : i32
        %and3A_503 = vector.broadcast %and3A_502 : i32 to vector<16xi32>
        %and3A_504 = arith.andi %sub3A_442, %and3A_503 : vector<16xi32>
        %eq3A_505 = arith.constant 1 : i32
        %eq3A_506 = vector.broadcast %eq3A_505 : i32 to vector<16xi32>
        %eq3A_507 = arith.cmpi eq, %and3A_504, %eq3A_506 : vector<16xi32>
        %jit3A_508 = arith.constant -1.000000e+00 : f32
        %jit3A_509 = arith.constant 1.000000e+00 : f32
        %broadcast_in_dim3A_510 = vector.broadcast %jit3A_508 : f32 to vector<16xf32>
        %broadcast_in_dim3A_511 = vector.broadcast %jit3A_509 : f32 to vector<16xf32>
        %select_n3A_512 = arith.select %eq3A_507, %broadcast_in_dim3A_510, %broadcast_in_dim3A_511 : vector<16xi1>, vector<16xf32>
        %mul3A_513 = arith.mulf %mul3A_501, %select_n3A_512 : vector<16xf32>
        %mul3A_514 = arith.mulf %add3A_478, %select_n3A_512 : vector<16xf32>
        %mul3A_515 = arith.mulf %select_n3A_427, %mul3A_514 : vector<16xf32>
        %mul3A_516 = arith.mulf %get3A_379, %get3A_3 : vector<16xf32>
        %add3A_517 = arith.addf %mul3A_516, %get3A_7 : vector<16xf32>
        %select_n3A_518 = arith.select %lt3A_386, %mul3A_515, %add3A_517 : vector<16xi1>, vector<16xf32>
        %mul3A_519 = arith.mulf %select_n3A_427, %mul3A_513 : vector<16xf32>
        %mul3A_520 = arith.mulf %get3A_381, %get3A_5 : vector<16xf32>
        %add3A_521 = arith.addf %mul3A_520, %get3A_9 : vector<16xf32>
        %select_n3A_522 = arith.select %lt3A_386, %mul3A_519, %add3A_521 : vector<16xi1>, vector<16xf32>
        %mul3A_523 = arith.mulf %select_n3A_518, %select_n3A_518 : vector<16xf32>
        %mul3A_524 = arith.mulf %select_n3A_522, %select_n3A_522 : vector<16xf32>
        %add3A_525 = arith.addf %mul3A_523, %mul3A_524 : vector<16xf32>
        %ge3A_526 = arith.constant 1.000000e+00 : f32
        %ge3A_527 = vector.broadcast %ge3A_526 : f32 to vector<16xf32>
        %ge3A_528 = arith.cmpf oge, %add3A_525, %ge3A_527 : vector<16xf32>
        %select_n3A_529 = arith.select %ge3A_528, %get3A_13, %get3A_11 : vector<16xi1>, vector<16xf32>
        %exp3A_530 = math.exp %select_n3A_529 : vector<16xf32>
        %mul3A_531 = arith.constant 256 : i32
        %mul3A_532 = arith.muli %mul3A_531, %scan3A_37 : i32
        %add3A_533 = arith.constant 48 : i32
        %add3A_534 = arith.addi %mul3A_532, %add3A_533 : i32
        %mul3A_535 = arith.constant 256 : i32
        %mul3A_536 = arith.muli %mul3A_535, %scan3A_37 : i32
        %add3A_537 = arith.constant 128 : i32
        %add3A_538 = arith.addi %mul3A_536, %add3A_537 : i32
        %add3A_539 = arith.constant 48 : i32
        %add3A_540 = arith.addi %add3A_538, %add3A_539 : i32
        %mul3A_541 = arith.constant 128 : i32
        %mul3A_542 = arith.muli %mul3A_541, %scan3A_37 : i32
        %add3A_543 = arith.constant 48 : i32
        %add3A_544 = arith.addi %mul3A_542, %add3A_543 : i32
        %get3A_545 = arith.index_cast %add3A_544 : i32 to index
        %get3A_546 = tpu.vector_load %arg10[%get3A_545] {strides = array<i32>} : memref<2048xf32, #tpu.memory_space<vmem>>, vector<16xf32>,
        %get3A_547 = arith.index_cast %add3A_534 : i32 to index
        %get3A_548 = tpu.vector_load %arg11[%get3A_547] {strides = array<i32>} : memref<4096xf32, #tpu.memory_space<vmem>>, vector<16xf32>,
        %get3A_549 = arith.index_cast %add3A_540 : i32 to index
        %get3A_550 = tpu.vector_load %arg11[%get3A_549] {strides = array<i32>} : memref<4096xf32, #tpu.memory_space<vmem>>, vector<16xf32>,
        %get3A_551 = arith.index_cast %add3A_534 : i32 to index
        %get3A_552 = tpu.vector_load %arg12[%get3A_551] {strides = array<i32>} : memref<4096xf32, #tpu.memory_space<vmem>>, vector<16xf32>,
        %get3A_553 = arith.index_cast %add3A_540 : i32 to index
        %get3A_554 = tpu.vector_load %arg12[%get3A_553] {strides = array<i32>} : memref<4096xf32, #tpu.memory_space<vmem>>, vector<16xf32>,
        %lt3A_555 = arith.cmpf olt, %get3A_546, %get3A_1 : vector<16xf32>
        %abs3A_556 = math.absf %get3A_552 : vector<16xf32>
        %abs3A_557 = math.absf %get3A_554 : vector<16xf32>
        %gt3A_558 = arith.cmpf ogt, %abs3A_556, %abs3A_557 : vector<16xf32>
        %eq3A_559 = arith.constant 0.000000e+00 : f32
        %eq3A_560 = vector.broadcast %eq3A_559 : f32 to vector<16xf32>
        %eq3A_561 = arith.cmpf oeq, %get3A_552, %eq3A_560 : vector<16xf32>
        %eq3A_562 = arith.constant 0.000000e+00 : f32
        %eq3A_563 = vector.broadcast %eq3A_562 : f32 to vector<16xf32>
        %eq3A_564 = arith.cmpf oeq, %get3A_554, %eq3A_563 : vector<16xf32>
        %and3A_565 = arith.andi %eq3A_561, %eq3A_564 : vector<16xi1>
        %not3A_566 = arith.constant dense<true> : vector<16xi1>
        %not3A_567 = arith.xori %gt3A_558, %not3A_566 : vector<16xi1>
        %not3A_568 = arith.constant dense<true> : vector<16xi1>
        %not3A_569 = arith.xori %and3A_565, %not3A_568 : vector<16xi1>
        %and3A_570 = arith.andi %not3A_567, %not3A_569 : vector<16xi1>
        %eq3A_571 = arith.constant 0.000000e+00 : f32
        %eq3A_572 = vector.broadcast %eq3A_571 : f32 to vector<16xf32>
        %eq3A_573 = arith.cmpf oeq, %get3A_552, %eq3A_572 : vector<16xf32>
        %jit3A_574 = arith.constant 1.000000e+00 : f32
        %broadcast_in_dim3A_575 = vector.broadcast %jit3A_574 : f32 to vector<16xf32>
        %select_n3A_576 = arith.select %eq3A_573, %broadcast_in_dim3A_575, %get3A_552 : vector<16xi1>, vector<16xf32>
        %eq3A_577 = arith.constant 0.000000e+00 : f32
        %eq3A_578 = vector.broadcast %eq3A_577 : f32 to vector<16xf32>
        %eq3A_579 = arith.cmpf oeq, %get3A_554, %eq3A_578 : vector<16xf32>
        %jit3A_580 = arith.constant 1.000000e+00 : f32
        %broadcast_in_dim3A_581 = vector.broadcast %jit3A_580 : f32 to vector<16xf32>
        %select_n3A_582 = arith.select %eq3A_579, %broadcast_in_dim3A_581, %get3A_554 : vector<16xi1>, vector<16xf32>
        %select_n3A_583 = arith.select %gt3A_558, %get3A_554, %get3A_552 : vector<16xi1>, vector<16xf32>
        %select_n3A_584 = arith.select %gt3A_558, %select_n3A_576, %select_n3A_582 : vector<16xi1>, vector<16xf32>
        %mul3A_585 = arith.constant 12.566371 : f32
        %mul3A_586 = vector.broadcast %mul3A_585 : f32 to vector<16xf32>
        %mul3A_587 = arith.mulf %mul3A_586, %select_n3A_583 : vector<16xf32>
        %div3A_588 = arith.divf %mul3A_587, %select_n3A_584 : vector<16xf32>
        %sub3A_589 = arith.constant 6.28318548 : f32
        %sub3A_590 = vector.broadcast %sub3A_589 : f32 to vector<16xf32>
        %sub3A_591 = arith.subf %sub3A_590, %div3A_588 : vector<16xf32>
        %select_n3A_592 = arith.select %gt3A_558, %div3A_588, %sub3A_591 : vector<16xi1>, vector<16xf32>
        %jit3A_593 = arith.constant 0.000000e+00 : f32
        %broadcast_in_dim3A_594 = vector.broadcast %jit3A_593 : f32 to vector<16xf32>
        %select_n3A_595 = arith.select %and3A_570, %get3A_554, %broadcast_in_dim3A_594 : vector<16xi1>, vector<16xf32>
        %select_n3A_596 = arith.select %gt3A_558, %get3A_552, %select_n3A_595 : vector<16xi1>, vector<16xf32>
        %mul3A_597 = arith.constant 0.318309873 : f32
        %mul3A_598 = vector.broadcast %mul3A_597 : f32 to vector<16xf32>
        %mul3A_599 = arith.mulf %select_n3A_592, %mul3A_598 : vector<16xf32>
        %add3A_600 = arith.constant 5.000000e-01 : f32
        %add3A_601 = vector.broadcast %add3A_600 : f32 to vector<16xf32>
        %add3A_602 = arith.addf %mul3A_599, %add3A_601 : vector<16xf32>
        %convert_element_type3A_603 = arith.fptosi %add3A_602 : vector<16xf32> to vector<16xi32>
        %convert_element_type3A_604 = arith.sitofp %convert_element_type3A_603 : vector<16xi32> to vector<16xf32>
        %gt3A_605 = arith.cmpf ogt, %convert_element_type3A_604, %add3A_602 : vector<16xf32>
        %jit3A_606 = arith.constant 1 : i32
        %jit3A_607 = arith.constant 0 : i32
        %broadcast_in_dim3A_608 = vector.broadcast %jit3A_606 : i32 to vector<16xi32>
        %broadcast_in_dim3A_609 = vector.broadcast %jit3A_607 : i32 to vector<16xi32>
        %select_n3A_610 = arith.select %gt3A_605, %broadcast_in_dim3A_608, %broadcast_in_dim3A_609 : vector<16xi1>, vector<16xi32>
        %sub3A_611 = arith.subi %convert_element_type3A_603, %select_n3A_610 : vector<16xi32>
        %convert_element_type3A_612 = arith.sitofp %sub3A_611 : vector<16xi32> to vector<16xf32>
        %mul3A_613 = arith.constant 3.14159274 : f32
        %mul3A_614 = vector.broadcast %mul3A_613 : f32 to vector<16xf32>
        %mul3A_615 = arith.mulf %convert_element_type3A_612, %mul3A_614 : vector<16xf32>
        %sub3A_616 = arith.subf %select_n3A_592, %mul3A_615 : vector<16xf32>
        %mul3A_617 = arith.constant -8.74227765E-8 : f32
        %mul3A_618 = vector.broadcast %mul3A_617 : f32 to vector<16xf32>
        %mul3A_619 = arith.mulf %convert_element_type3A_612, %mul3A_618 : vector<16xf32>
        %sub3A_620 = arith.subf %sub3A_616, %mul3A_619 : vector<16xf32>
        %mul3A_621 = arith.mulf %sub3A_620, %sub3A_620 : vector<16xf32>
        %mul3A_622 = arith.constant 2.08767559E-9 : f32
        %mul3A_623 = vector.broadcast %mul3A_622 : f32 to vector<16xf32>
        %mul3A_624 = arith.mulf %mul3A_623, %mul3A_621 : vector<16xf32>
        %add3A_625 = arith.constant -2.755732E-7 : f32
        %add3A_626 = vector.broadcast %add3A_625 : f32 to vector<16xf32>
        %add3A_627 = arith.addf %mul3A_624, %add3A_626 : vector<16xf32>
        %mul3A_628 = arith.mulf %add3A_627, %mul3A_621 : vector<16xf32>
        %add3A_629 = arith.constant 2.48015876E-5 : f32
        %add3A_630 = vector.broadcast %add3A_629 : f32 to vector<16xf32>
        %add3A_631 = arith.addf %mul3A_628, %add3A_630 : vector<16xf32>
        %mul3A_632 = arith.mulf %add3A_631, %mul3A_621 : vector<16xf32>
        %add3A_633 = arith.constant -0.00138888892 : f32
        %add3A_634 = vector.broadcast %add3A_633 : f32 to vector<16xf32>
        %add3A_635 = arith.addf %mul3A_632, %add3A_634 : vector<16xf32>
        %mul3A_636 = arith.mulf %add3A_635, %mul3A_621 : vector<16xf32>
        %add3A_637 = arith.constant 0.0416666679 : f32
        %add3A_638 = vector.broadcast %add3A_637 : f32 to vector<16xf32>
        %add3A_639 = arith.addf %mul3A_636, %add3A_638 : vector<16xf32>
        %mul3A_640 = arith.mulf %add3A_639, %mul3A_621 : vector<16xf32>
        %add3A_641 = arith.constant -5.000000e-01 : f32
        %add3A_642 = vector.broadcast %add3A_641 : f32 to vector<16xf32>
        %add3A_643 = arith.addf %mul3A_640, %add3A_642 : vector<16xf32>
        %mul3A_644 = arith.mulf %add3A_643, %mul3A_621 : vector<16xf32>
        %add3A_645 = arith.constant 1.000000e+00 : f32
        %add3A_646 = vector.broadcast %add3A_645 : f32 to vector<16xf32>
        %add3A_647 = arith.addf %mul3A_644, %add3A_646 : vector<16xf32>
        %mul3A_648 = arith.constant -2.50521079E-8 : f32
        %mul3A_649 = vector.broadcast %mul3A_648 : f32 to vector<16xf32>
        %mul3A_650 = arith.mulf %mul3A_649, %mul3A_621 : vector<16xf32>
        %add3A_651 = arith.constant 2.75573188E-6 : f32
        %add3A_652 = vector.broadcast %add3A_651 : f32 to vector<16xf32>
        %add3A_653 = arith.addf %mul3A_650, %add3A_652 : vector<16xf32>
        %mul3A_654 = arith.mulf %add3A_653, %mul3A_621 : vector<16xf32>
        %add3A_655 = arith.constant -1.98412701E-4 : f32
        %add3A_656 = vector.broadcast %add3A_655 : f32 to vector<16xf32>
        %add3A_657 = arith.addf %mul3A_654, %add3A_656 : vector<16xf32>
        %mul3A_658 = arith.mulf %add3A_657, %mul3A_621 : vector<16xf32>
        %add3A_659 = arith.constant 0.00833333377 : f32
        %add3A_660 = vector.broadcast %add3A_659 : f32 to vector<16xf32>
        %add3A_661 = arith.addf %mul3A_658, %add3A_660 : vector<16xf32>
        %mul3A_662 = arith.mulf %add3A_661, %mul3A_621 : vector<16xf32>
        %add3A_663 = arith.constant -0.166666672 : f32
        %add3A_664 = vector.broadcast %add3A_663 : f32 to vector<16xf32>
        %add3A_665 = arith.addf %mul3A_662, %add3A_664 : vector<16xf32>
        %mul3A_666 = arith.mulf %add3A_665, %mul3A_621 : vector<16xf32>
        %add3A_667 = arith.constant 1.000000e+00 : f32
        %add3A_668 = vector.broadcast %add3A_667 : f32 to vector<16xf32>
        %add3A_669 = arith.addf %mul3A_666, %add3A_668 : vector<16xf32>
        %mul3A_670 = arith.mulf %add3A_669, %sub3A_620 : vector<16xf32>
        %and3A_671 = arith.constant 1 : i32
        %and3A_672 = vector.broadcast %and3A_671 : i32 to vector<16xi32>
        %and3A_673 = arith.andi %sub3A_611, %and3A_672 : vector<16xi32>
        %eq3A_674 = arith.constant 1 : i32
        %eq3A_675 = vector.broadcast %eq3A_674 : i32 to vector<16xi32>
        %eq3A_676 = arith.cmpi eq, %and3A_673, %eq3A_675 : vector<16xi32>
        %jit3A_677 = arith.constant -1.000000e+00 : f32
        %jit3A_678 = arith.constant 1.000000e+00 : f32
        %broadcast_in_dim3A_679 = vector.broadcast %jit3A_677 : f32 to vector<16xf32>
        %broadcast_in_dim3A_680 = vector.broadcast %jit3A_678 : f32 to vector<16xf32>
        %select_n3A_681 = arith.select %eq3A_676, %broadcast_in_dim3A_679, %broadcast_in_dim3A_680 : vector<16xi1>, vector<16xf32>
        %mul3A_682 = arith.mulf %mul3A_670, %select_n3A_681 : vector<16xf32>
        %mul3A_683 = arith.mulf %add3A_647, %select_n3A_681 : vector<16xf32>
        %mul3A_684 = arith.mulf %select_n3A_596, %mul3A_683 : vector<16xf32>
        %mul3A_685 = arith.mulf %get3A_548, %get3A_3 : vector<16xf32>
        %add3A_686 = arith.addf %mul3A_685, %get3A_7 : vector<16xf32>
        %select_n3A_687 = arith.select %lt3A_555, %mul3A_684, %add3A_686 : vector<16xi1>, vector<16xf32>
        %mul3A_688 = arith.mulf %select_n3A_596, %mul3A_682 : vector<16xf32>
        %mul3A_689 = arith.mulf %get3A_550, %get3A_5 : vector<16xf32>
        %add3A_690 = arith.addf %mul3A_689, %get3A_9 : vector<16xf32>
        %select_n3A_691 = arith.select %lt3A_555, %mul3A_688, %add3A_690 : vector<16xi1>, vector<16xf32>
        %mul3A_692 = arith.mulf %select_n3A_687, %select_n3A_687 : vector<16xf32>
        %mul3A_693 = arith.mulf %select_n3A_691, %select_n3A_691 : vector<16xf32>
        %add3A_694 = arith.addf %mul3A_692, %mul3A_693 : vector<16xf32>
        %ge3A_695 = arith.constant 1.000000e+00 : f32
        %ge3A_696 = vector.broadcast %ge3A_695 : f32 to vector<16xf32>
        %ge3A_697 = arith.cmpf oge, %add3A_694, %ge3A_696 : vector<16xf32>
        %select_n3A_698 = arith.select %ge3A_697, %get3A_13, %get3A_11 : vector<16xi1>, vector<16xf32>
        %exp3A_699 = math.exp %select_n3A_698 : vector<16xf32>
        %mul3A_700 = arith.constant 256 : i32
        %mul3A_701 = arith.muli %mul3A_700, %scan3A_37 : i32
        %add3A_702 = arith.constant 64 : i32
        %add3A_703 = arith.addi %mul3A_701, %add3A_702 : i32
        %mul3A_704 = arith.constant 256 : i32
        %mul3A_705 = arith.muli %mul3A_704, %scan3A_37 : i32
        %add3A_706 = arith.constant 128 : i32
        %add3A_707 = arith.addi %mul3A_705, %add3A_706 : i32
        %add3A_708 = arith.constant 64 : i32
        %add3A_709 = arith.addi %add3A_707, %add3A_708 : i32
        %mul3A_710 = arith.constant 128 : i32
        %mul3A_711 = arith.muli %mul3A_710, %scan3A_37 : i32
        %add3A_712 = arith.constant 64 : i32
        %add3A_713 = arith.addi %mul3A_711, %add3A_712 : i32
        %get3A_714 = arith.index_cast %add3A_713 : i32 to index
        %get3A_715 = tpu.vector_load %arg10[%get3A_714] {strides = array<i32>} : memref<2048xf32, #tpu.memory_space<vmem>>, vector<16xf32>,
        %get3A_716 = arith.index_cast %add3A_703 : i32 to index
        %get3A_717 = tpu.vector_load %arg11[%get3A_716] {strides = array<i32>} : memref<4096xf32, #tpu.memory_space<vmem>>, vector<16xf32>,
        %get3A_718 = arith.index_cast %add3A_709 : i32 to index
        %get3A_719 = tpu.vector_load %arg11[%get3A_718] {strides = array<i32>} : memref<4096xf32, #tpu.memory_space<vmem>>, vector<16xf32>,
        %get3A_720 = arith.index_cast %add3A_703 : i32 to index
        %get3A_721 = tpu.vector_load %arg12[%get3A_720] {strides = array<i32>} : memref<4096xf32, #tpu.memory_space<vmem>>, vector<16xf32>,
        %get3A_722 = arith.index_cast %add3A_709 : i32 to index
        %get3A_723 = tpu.vector_load %arg12[%get3A_722] {strides = array<i32>} : memref<4096xf32, #tpu.memory_space<vmem>>, vector<16xf32>,
        %lt3A_724 = arith.cmpf olt, %get3A_715, %get3A_1 : vector<16xf32>
        %abs3A_725 = math.absf %get3A_721 : vector<16xf32>
        %abs3A_726 = math.absf %get3A_723 : vector<16xf32>
        %gt3A_727 = arith.cmpf ogt, %abs3A_725, %abs3A_726 : vector<16xf32>
        %eq3A_728 = arith.constant 0.000000e+00 : f32
        %eq3A_729 = vector.broadcast %eq3A_728 : f32 to vector<16xf32>
        %eq3A_730 = arith.cmpf oeq, %get3A_721, %eq3A_729 : vector<16xf32>
        %eq3A_731 = arith.constant 0.000000e+00 : f32
        %eq3A_732 = vector.broadcast %eq3A_731 : f32 to vector<16xf32>
        %eq3A_733 = arith.cmpf oeq, %get3A_723, %eq3A_732 : vector<16xf32>
        %and3A_734 = arith.andi %eq3A_730, %eq3A_733 : vector<16xi1>
        %not3A_735 = arith.constant dense<true> : vector<16xi1>
        %not3A_736 = arith.xori %gt3A_727, %not3A_735 : vector<16xi1>
        %not3A_737 = arith.constant dense<true> : vector<16xi1>
        %not3A_738 = arith.xori %and3A_734, %not3A_737 : vector<16xi1>
        %and3A_739 = arith.andi %not3A_736, %not3A_738 : vector<16xi1>
        %eq3A_740 = arith.constant 0.000000e+00 : f32
        %eq3A_741 = vector.broadcast %eq3A_740 : f32 to vector<16xf32>
        %eq3A_742 = arith.cmpf oeq, %get3A_721, %eq3A_741 : vector<16xf32>
        %jit3A_743 = arith.constant 1.000000e+00 : f32
        %broadcast_in_dim3A_744 = vector.broadcast %jit3A_743 : f32 to vector<16xf32>
        %select_n3A_745 = arith.select %eq3A_742, %broadcast_in_dim3A_744, %get3A_721 : vector<16xi1>, vector<16xf32>
        %eq3A_746 = arith.constant 0.000000e+00 : f32
        %eq3A_747 = vector.broadcast %eq3A_746 : f32 to vector<16xf32>
        %eq3A_748 = arith.cmpf oeq, %get3A_723, %eq3A_747 : vector<16xf32>
        %jit3A_749 = arith.constant 1.000000e+00 : f32
        %broadcast_in_dim3A_750 = vector.broadcast %jit3A_749 : f32 to vector<16xf32>
        %select_n3A_751 = arith.select %eq3A_748, %broadcast_in_dim3A_750, %get3A_723 : vector<16xi1>, vector<16xf32>
        %select_n3A_752 = arith.select %gt3A_727, %get3A_723, %get3A_721 : vector<16xi1>, vector<16xf32>
        %select_n3A_753 = arith.select %gt3A_727, %select_n3A_745, %select_n3A_751 : vector<16xi1>, vector<16xf32>
        %mul3A_754 = arith.constant 12.566371 : f32
        %mul3A_755 = vector.broadcast %mul3A_754 : f32 to vector<16xf32>
        %mul3A_756 = arith.mulf %mul3A_755, %select_n3A_752 : vector<16xf32>
        %div3A_757 = arith.divf %mul3A_756, %select_n3A_753 : vector<16xf32>
        %sub3A_758 = arith.constant 6.28318548 : f32
        %sub3A_759 = vector.broadcast %sub3A_758 : f32 to vector<16xf32>
        %sub3A_760 = arith.subf %sub3A_759, %div3A_757 : vector<16xf32>
        %select_n3A_761 = arith.select %gt3A_727, %div3A_757, %sub3A_760 : vector<16xi1>, vector<16xf32>
        %jit3A_762 = arith.constant 0.000000e+00 : f32
        %broadcast_in_dim3A_763 = vector.broadcast %jit3A_762 : f32 to vector<16xf32>
        %select_n3A_764 = arith.select %and3A_739, %get3A_723, %broadcast_in_dim3A_763 : vector<16xi1>, vector<16xf32>
        %select_n3A_765 = arith.select %gt3A_727, %get3A_721, %select_n3A_764 : vector<16xi1>, vector<16xf32>
        %mul3A_766 = arith.constant 0.318309873 : f32
        %mul3A_767 = vector.broadcast %mul3A_766 : f32 to vector<16xf32>
        %mul3A_768 = arith.mulf %select_n3A_761, %mul3A_767 : vector<16xf32>
        %add3A_769 = arith.constant 5.000000e-01 : f32
        %add3A_770 = vector.broadcast %add3A_769 : f32 to vector<16xf32>
        %add3A_771 = arith.addf %mul3A_768, %add3A_770 : vector<16xf32>
        %convert_element_type3A_772 = arith.fptosi %add3A_771 : vector<16xf32> to vector<16xi32>
        %convert_element_type3A_773 = arith.sitofp %convert_element_type3A_772 : vector<16xi32> to vector<16xf32>
        %gt3A_774 = arith.cmpf ogt, %convert_element_type3A_773, %add3A_771 : vector<16xf32>
        %jit3A_775 = arith.constant 1 : i32
        %jit3A_776 = arith.constant 0 : i32
        %broadcast_in_dim3A_777 = vector.broadcast %jit3A_775 : i32 to vector<16xi32>
        %broadcast_in_dim3A_778 = vector.broadcast %jit3A_776 : i32 to vector<16xi32>
        %select_n3A_779 = arith.select %gt3A_774, %broadcast_in_dim3A_777, %broadcast_in_dim3A_778 : vector<16xi1>, vector<16xi32>
        %sub3A_780 = arith.subi %convert_element_type3A_772, %select_n3A_779 : vector<16xi32>
        %convert_element_type3A_781 = arith.sitofp %sub3A_780 : vector<16xi32> to vector<16xf32>
        %mul3A_782 = arith.constant 3.14159274 : f32
        %mul3A_783 = vector.broadcast %mul3A_782 : f32 to vector<16xf32>
        %mul3A_784 = arith.mulf %convert_element_type3A_781, %mul3A_783 : vector<16xf32>
        %sub3A_785 = arith.subf %select_n3A_761, %mul3A_784 : vector<16xf32>
        %mul3A_786 = arith.constant -8.74227765E-8 : f32
        %mul3A_787 = vector.broadcast %mul3A_786 : f32 to vector<16xf32>
        %mul3A_788 = arith.mulf %convert_element_type3A_781, %mul3A_787 : vector<16xf32>
        %sub3A_789 = arith.subf %sub3A_785, %mul3A_788 : vector<16xf32>
        %mul3A_790 = arith.mulf %sub3A_789, %sub3A_789 : vector<16xf32>
        %mul3A_791 = arith.constant 2.08767559E-9 : f32
        %mul3A_792 = vector.broadcast %mul3A_791 : f32 to vector<16xf32>
        %mul3A_793 = arith.mulf %mul3A_792, %mul3A_790 : vector<16xf32>
        %add3A_794 = arith.constant -2.755732E-7 : f32
        %add3A_795 = vector.broadcast %add3A_794 : f32 to vector<16xf32>
        %add3A_796 = arith.addf %mul3A_793, %add3A_795 : vector<16xf32>
        %mul3A_797 = arith.mulf %add3A_796, %mul3A_790 : vector<16xf32>
        %add3A_798 = arith.constant 2.48015876E-5 : f32
        %add3A_799 = vector.broadcast %add3A_798 : f32 to vector<16xf32>
        %add3A_800 = arith.addf %mul3A_797, %add3A_799 : vector<16xf32>
        %mul3A_801 = arith.mulf %add3A_800, %mul3A_790 : vector<16xf32>
        %add3A_802 = arith.constant -0.00138888892 : f32
        %add3A_803 = vector.broadcast %add3A_802 : f32 to vector<16xf32>
        %add3A_804 = arith.addf %mul3A_801, %add3A_803 : vector<16xf32>
        %mul3A_805 = arith.mulf %add3A_804, %mul3A_790 : vector<16xf32>
        %add3A_806 = arith.constant 0.0416666679 : f32
        %add3A_807 = vector.broadcast %add3A_806 : f32 to vector<16xf32>
        %add3A_808 = arith.addf %mul3A_805, %add3A_807 : vector<16xf32>
        %mul3A_809 = arith.mulf %add3A_808, %mul3A_790 : vector<16xf32>
        %add3A_810 = arith.constant -5.000000e-01 : f32
        %add3A_811 = vector.broadcast %add3A_810 : f32 to vector<16xf32>
        %add3A_812 = arith.addf %mul3A_809, %add3A_811 : vector<16xf32>
        %mul3A_813 = arith.mulf %add3A_812, %mul3A_790 : vector<16xf32>
        %add3A_814 = arith.constant 1.000000e+00 : f32
        %add3A_815 = vector.broadcast %add3A_814 : f32 to vector<16xf32>
        %add3A_816 = arith.addf %mul3A_813, %add3A_815 : vector<16xf32>
        %mul3A_817 = arith.constant -2.50521079E-8 : f32
        %mul3A_818 = vector.broadcast %mul3A_817 : f32 to vector<16xf32>
        %mul3A_819 = arith.mulf %mul3A_818, %mul3A_790 : vector<16xf32>
        %add3A_820 = arith.constant 2.75573188E-6 : f32
        %add3A_821 = vector.broadcast %add3A_820 : f32 to vector<16xf32>
        %add3A_822 = arith.addf %mul3A_819, %add3A_821 : vector<16xf32>
        %mul3A_823 = arith.mulf %add3A_822, %mul3A_790 : vector<16xf32>
        %add3A_824 = arith.constant -1.98412701E-4 : f32
        %add3A_825 = vector.broadcast %add3A_824 : f32 to vector<16xf32>
        %add3A_826 = arith.addf %mul3A_823, %add3A_825 : vector<16xf32>
        %mul3A_827 = arith.mulf %add3A_826, %mul3A_790 : vector<16xf32>
        %add3A_828 = arith.constant 0.00833333377 : f32
        %add3A_829 = vector.broadcast %add3A_828 : f32 to vector<16xf32>
        %add3A_830 = arith.addf %mul3A_827, %add3A_829 : vector<16xf32>
        %mul3A_831 = arith.mulf %add3A_830, %mul3A_790 : vector<16xf32>
        %add3A_832 = arith.constant -0.166666672 : f32
        %add3A_833 = vector.broadcast %add3A_832 : f32 to vector<16xf32>
        %add3A_834 = arith.addf %mul3A_831, %add3A_833 : vector<16xf32>
        %mul3A_835 = arith.mulf %add3A_834, %mul3A_790 : vector<16xf32>
        %add3A_836 = arith.constant 1.000000e+00 : f32
        %add3A_837 = vector.broadcast %add3A_836 : f32 to vector<16xf32>
        %add3A_838 = arith.addf %mul3A_835, %add3A_837 : vector<16xf32>
        %mul3A_839 = arith.mulf %add3A_838, %sub3A_789 : vector<16xf32>
        %and3A_840 = arith.constant 1 : i32
        %and3A_841 = vector.broadcast %and3A_840 : i32 to vector<16xi32>
        %and3A_842 = arith.andi %sub3A_780, %and3A_841 : vector<16xi32>
        %eq3A_843 = arith.constant 1 : i32
        %eq3A_844 = vector.broadcast %eq3A_843 : i32 to vector<16xi32>
        %eq3A_845 = arith.cmpi eq, %and3A_842, %eq3A_844 : vector<16xi32>
        %jit3A_846 = arith.constant -1.000000e+00 : f32
        %jit3A_847 = arith.constant 1.000000e+00 : f32
        %broadcast_in_dim3A_848 = vector.broadcast %jit3A_846 : f32 to vector<16xf32>
        %broadcast_in_dim3A_849 = vector.broadcast %jit3A_847 : f32 to vector<16xf32>
        %select_n3A_850 = arith.select %eq3A_845, %broadcast_in_dim3A_848, %broadcast_in_dim3A_849 : vector<16xi1>, vector<16xf32>
        %mul3A_851 = arith.mulf %mul3A_839, %select_n3A_850 : vector<16xf32>
        %mul3A_852 = arith.mulf %add3A_816, %select_n3A_850 : vector<16xf32>
        %mul3A_853 = arith.mulf %select_n3A_765, %mul3A_852 : vector<16xf32>
        %mul3A_854 = arith.mulf %get3A_717, %get3A_3 : vector<16xf32>
        %add3A_855 = arith.addf %mul3A_854, %get3A_7 : vector<16xf32>
        %select_n3A_856 = arith.select %lt3A_724, %mul3A_853, %add3A_855 : vector<16xi1>, vector<16xf32>
        %mul3A_857 = arith.mulf %select_n3A_765, %mul3A_851 : vector<16xf32>
        %mul3A_858 = arith.mulf %get3A_719, %get3A_5 : vector<16xf32>
        %add3A_859 = arith.addf %mul3A_858, %get3A_9 : vector<16xf32>
        %select_n3A_860 = arith.select %lt3A_724, %mul3A_857, %add3A_859 : vector<16xi1>, vector<16xf32>
        %mul3A_861 = arith.mulf %select_n3A_856, %select_n3A_856 : vector<16xf32>
        %mul3A_862 = arith.mulf %select_n3A_860, %select_n3A_860 : vector<16xf32>
        %add3A_863 = arith.addf %mul3A_861, %mul3A_862 : vector<16xf32>
        %ge3A_864 = arith.constant 1.000000e+00 : f32
        %ge3A_865 = vector.broadcast %ge3A_864 : f32 to vector<16xf32>
        %ge3A_866 = arith.cmpf oge, %add3A_863, %ge3A_865 : vector<16xf32>
        %select_n3A_867 = arith.select %ge3A_866, %get3A_13, %get3A_11 : vector<16xi1>, vector<16xf32>
        %exp3A_868 = math.exp %select_n3A_867 : vector<16xf32>
        %mul3A_869 = arith.constant 256 : i32
        %mul3A_870 = arith.muli %mul3A_869, %scan3A_37 : i32
        %add3A_871 = arith.constant 80 : i32
        %add3A_872 = arith.addi %mul3A_870, %add3A_871 : i32
        %mul3A_873 = arith.constant 256 : i32
        %mul3A_874 = arith.muli %mul3A_873, %scan3A_37 : i32
        %add3A_875 = arith.constant 128 : i32
        %add3A_876 = arith.addi %mul3A_874, %add3A_875 : i32
        %add3A_877 = arith.constant 80 : i32
        %add3A_878 = arith.addi %add3A_876, %add3A_877 : i32
        %mul3A_879 = arith.constant 128 : i32
        %mul3A_880 = arith.muli %mul3A_879, %scan3A_37 : i32
        %add3A_881 = arith.constant 80 : i32
        %add3A_882 = arith.addi %mul3A_880, %add3A_881 : i32
        %get3A_883 = arith.index_cast %add3A_882 : i32 to index
        %get3A_884 = tpu.vector_load %arg10[%get3A_883] {strides = array<i32>} : memref<2048xf32, #tpu.memory_space<vmem>>, vector<16xf32>,
        %get3A_885 = arith.index_cast %add3A_872 : i32 to index
        %get3A_886 = tpu.vector_load %arg11[%get3A_885] {strides = array<i32>} : memref<4096xf32, #tpu.memory_space<vmem>>, vector<16xf32>,
        %get3A_887 = arith.index_cast %add3A_878 : i32 to index
        %get3A_888 = tpu.vector_load %arg11[%get3A_887] {strides = array<i32>} : memref<4096xf32, #tpu.memory_space<vmem>>, vector<16xf32>,
        %get3A_889 = arith.index_cast %add3A_872 : i32 to index
        %get3A_890 = tpu.vector_load %arg12[%get3A_889] {strides = array<i32>} : memref<4096xf32, #tpu.memory_space<vmem>>, vector<16xf32>,
        %get3A_891 = arith.index_cast %add3A_878 : i32 to index
        %get3A_892 = tpu.vector_load %arg12[%get3A_891] {strides = array<i32>} : memref<4096xf32, #tpu.memory_space<vmem>>, vector<16xf32>,
        %lt3A_893 = arith.cmpf olt, %get3A_884, %get3A_1 : vector<16xf32>
        %abs3A_894 = math.absf %get3A_890 : vector<16xf32>
        %abs3A_895 = math.absf %get3A_892 : vector<16xf32>
        %gt3A_896 = arith.cmpf ogt, %abs3A_894, %abs3A_895 : vector<16xf32>
        %eq3A_897 = arith.constant 0.000000e+00 : f32
        %eq3A_898 = vector.broadcast %eq3A_897 : f32 to vector<16xf32>
        %eq3A_899 = arith.cmpf oeq, %get3A_890, %eq3A_898 : vector<16xf32>
        %eq3A_900 = arith.constant 0.000000e+00 : f32
        %eq3A_901 = vector.broadcast %eq3A_900 : f32 to vector<16xf32>
        %eq3A_902 = arith.cmpf oeq, %get3A_892, %eq3A_901 : vector<16xf32>
        %and3A_903 = arith.andi %eq3A_899, %eq3A_902 : vector<16xi1>
        %not3A_904 = arith.constant dense<true> : vector<16xi1>
        %not3A_905 = arith.xori %gt3A_896, %not3A_904 : vector<16xi1>
        %not3A_906 = arith.constant dense<true> : vector<16xi1>
        %not3A_907 = arith.xori %and3A_903, %not3A_906 : vector<16xi1>
        %and3A_908 = arith.andi %not3A_905, %not3A_907 : vector<16xi1>
        %eq3A_909 = arith.constant 0.000000e+00 : f32
        %eq3A_910 = vector.broadcast %eq3A_909 : f32 to vector<16xf32>
        %eq3A_911 = arith.cmpf oeq, %get3A_890, %eq3A_910 : vector<16xf32>
        %jit3A_912 = arith.constant 1.000000e+00 : f32
        %broadcast_in_dim3A_913 = vector.broadcast %jit3A_912 : f32 to vector<16xf32>
        %select_n3A_914 = arith.select %eq3A_911, %broadcast_in_dim3A_913, %get3A_890 : vector<16xi1>, vector<16xf32>
        %eq3A_915 = arith.constant 0.000000e+00 : f32
        %eq3A_916 = vector.broadcast %eq3A_915 : f32 to vector<16xf32>
        %eq3A_917 = arith.cmpf oeq, %get3A_892, %eq3A_916 : vector<16xf32>
        %jit3A_918 = arith.constant 1.000000e+00 : f32
        %broadcast_in_dim3A_919 = vector.broadcast %jit3A_918 : f32 to vector<16xf32>
        %select_n3A_920 = arith.select %eq3A_917, %broadcast_in_dim3A_919, %get3A_892 : vector<16xi1>, vector<16xf32>
        %select_n3A_921 = arith.select %gt3A_896, %get3A_892, %get3A_890 : vector<16xi1>, vector<16xf32>
        %select_n3A_922 = arith.select %gt3A_896, %select_n3A_914, %select_n3A_920 : vector<16xi1>, vector<16xf32>
        %mul3A_923 = arith.constant 12.566371 : f32
        %mul3A_924 = vector.broadcast %mul3A_923 : f32 to vector<16xf32>
        %mul3A_925 = arith.mulf %mul3A_924, %select_n3A_921 : vector<16xf32>
        %div3A_926 = arith.divf %mul3A_925, %select_n3A_922 : vector<16xf32>
        %sub3A_927 = arith.constant 6.28318548 : f32
        %sub3A_928 = vector.broadcast %sub3A_927 : f32 to vector<16xf32>
        %sub3A_929 = arith.subf %sub3A_928, %div3A_926 : vector<16xf32>
        %select_n3A_930 = arith.select %gt3A_896, %div3A_926, %sub3A_929 : vector<16xi1>, vector<16xf32>
        %jit3A_931 = arith.constant 0.000000e+00 : f32
        %broadcast_in_dim3A_932 = vector.broadcast %jit3A_931 : f32 to vector<16xf32>
        %select_n3A_933 = arith.select %and3A_908, %get3A_892, %broadcast_in_dim3A_932 : vector<16xi1>, vector<16xf32>
        %select_n3A_934 = arith.select %gt3A_896, %get3A_890, %select_n3A_933 : vector<16xi1>, vector<16xf32>
        %mul3A_935 = arith.constant 0.318309873 : f32
        %mul3A_936 = vector.broadcast %mul3A_935 : f32 to vector<16xf32>
        %mul3A_937 = arith.mulf %select_n3A_930, %mul3A_936 : vector<16xf32>
        %add3A_938 = arith.constant 5.000000e-01 : f32
        %add3A_939 = vector.broadcast %add3A_938 : f32 to vector<16xf32>
        %add3A_940 = arith.addf %mul3A_937, %add3A_939 : vector<16xf32>
        %convert_element_type3A_941 = arith.fptosi %add3A_940 : vector<16xf32> to vector<16xi32>
        %convert_element_type3A_942 = arith.sitofp %convert_element_type3A_941 : vector<16xi32> to vector<16xf32>
        %gt3A_943 = arith.cmpf ogt, %convert_element_type3A_942, %add3A_940 : vector<16xf32>
        %jit3A_944 = arith.constant 1 : i32
        %jit3A_945 = arith.constant 0 : i32
        %broadcast_in_dim3A_946 = vector.broadcast %jit3A_944 : i32 to vector<16xi32>
        %broadcast_in_dim3A_947 = vector.broadcast %jit3A_945 : i32 to vector<16xi32>
        %select_n3A_948 = arith.select %gt3A_943, %broadcast_in_dim3A_946, %broadcast_in_dim3A_947 : vector<16xi1>, vector<16xi32>
        %sub3A_949 = arith.subi %convert_element_type3A_941, %select_n3A_948 : vector<16xi32>
        %convert_element_type3A_950 = arith.sitofp %sub3A_949 : vector<16xi32> to vector<16xf32>
        %mul3A_951 = arith.constant 3.14159274 : f32
        %mul3A_952 = vector.broadcast %mul3A_951 : f32 to vector<16xf32>
        %mul3A_953 = arith.mulf %convert_element_type3A_950, %mul3A_952 : vector<16xf32>
        %sub3A_954 = arith.subf %select_n3A_930, %mul3A_953 : vector<16xf32>
        %mul3A_955 = arith.constant -8.74227765E-8 : f32
        %mul3A_956 = vector.broadcast %mul3A_955 : f32 to vector<16xf32>
        %mul3A_957 = arith.mulf %convert_element_type3A_950, %mul3A_956 : vector<16xf32>
        %sub3A_958 = arith.subf %sub3A_954, %mul3A_957 : vector<16xf32>
        %mul3A_959 = arith.mulf %sub3A_958, %sub3A_958 : vector<16xf32>
        %mul3A_960 = arith.constant 2.08767559E-9 : f32
        %mul3A_961 = vector.broadcast %mul3A_960 : f32 to vector<16xf32>
        %mul3A_962 = arith.mulf %mul3A_961, %mul3A_959 : vector<16xf32>
        %add3A_963 = arith.constant -2.755732E-7 : f32
        %add3A_964 = vector.broadcast %add3A_963 : f32 to vector<16xf32>
        %add3A_965 = arith.addf %mul3A_962, %add3A_964 : vector<16xf32>
        %mul3A_966 = arith.mulf %add3A_965, %mul3A_959 : vector<16xf32>
        %add3A_967 = arith.constant 2.48015876E-5 : f32
        %add3A_968 = vector.broadcast %add3A_967 : f32 to vector<16xf32>
        %add3A_969 = arith.addf %mul3A_966, %add3A_968 : vector<16xf32>
        %mul3A_970 = arith.mulf %add3A_969, %mul3A_959 : vector<16xf32>
        %add3A_971 = arith.constant -0.00138888892 : f32
        %add3A_972 = vector.broadcast %add3A_971 : f32 to vector<16xf32>
        %add3A_973 = arith.addf %mul3A_970, %add3A_972 : vector<16xf32>
        %mul3A_974 = arith.mulf %add3A_973, %mul3A_959 : vector<16xf32>
        %add3A_975 = arith.constant 0.0416666679 : f32
        %add3A_976 = vector.broadcast %add3A_975 : f32 to vector<16xf32>
        %add3A_977 = arith.addf %mul3A_974, %add3A_976 : vector<16xf32>
        %mul3A_978 = arith.mulf %add3A_977, %mul3A_959 : vector<16xf32>
        %add3A_979 = arith.constant -5.000000e-01 : f32
        %add3A_980 = vector.broadcast %add3A_979 : f32 to vector<16xf32>
        %add3A_981 = arith.addf %mul3A_978, %add3A_980 : vector<16xf32>
        %mul3A_982 = arith.mulf %add3A_981, %mul3A_959 : vector<16xf32>
        %add3A_983 = arith.constant 1.000000e+00 : f32
        %add3A_984 = vector.broadcast %add3A_983 : f32 to vector<16xf32>
        %add3A_985 = arith.addf %mul3A_982, %add3A_984 : vector<16xf32>
        %mul3A_986 = arith.constant -2.50521079E-8 : f32
        %mul3A_987 = vector.broadcast %mul3A_986 : f32 to vector<16xf32>
        %mul3A_988 = arith.mulf %mul3A_987, %mul3A_959 : vector<16xf32>
        %add3A_989 = arith.constant 2.75573188E-6 : f32
        %add3A_990 = vector.broadcast %add3A_989 : f32 to vector<16xf32>
        %add3A_991 = arith.addf %mul3A_988, %add3A_990 : vector<16xf32>
        %mul3A_992 = arith.mulf %add3A_991, %mul3A_959 : vector<16xf32>
        %add3A_993 = arith.constant -1.98412701E-4 : f32
        %add3A_994 = vector.broadcast %add3A_993 : f32 to vector<16xf32>
        %add3A_995 = arith.addf %mul3A_992, %add3A_994 : vector<16xf32>
        %mul3A_996 = arith.mulf %add3A_995, %mul3A_959 : vector<16xf32>
        %add3A_997 = arith.constant 0.00833333377 : f32
        %add3A_998 = vector.broadcast %add3A_997 : f32 to vector<16xf32>
        %add3A_999 = arith.addf %mul3A_996, %add3A_998 : vector<16xf32>
        %mul3A_1000 = arith.mulf %add3A_999, %mul3A_959 : vector<16xf32>
        %add3A_1001 = arith.constant -0.166666672 : f32
        %add3A_1002 = vector.broadcast %add3A_1001 : f32 to vector<16xf32>
        %add3A_1003 = arith.addf %mul3A_1000, %add3A_1002 : vector<16xf32>
        %mul3A_1004 = arith.mulf %add3A_1003, %mul3A_959 : vector<16xf32>
        %add3A_1005 = arith.constant 1.000000e+00 : f32
        %add3A_1006 = vector.broadcast %add3A_1005 : f32 to vector<16xf32>
        %add3A_1007 = arith.addf %mul3A_1004, %add3A_1006 : vector<16xf32>
        %mul3A_1008 = arith.mulf %add3A_1007, %sub3A_958 : vector<16xf32>
        %and3A_1009 = arith.constant 1 : i32
        %and3A_1010 = vector.broadcast %and3A_1009 : i32 to vector<16xi32>
        %and3A_1011 = arith.andi %sub3A_949, %and3A_1010 : vector<16xi32>
        %eq3A_1012 = arith.constant 1 : i32
        %eq3A_1013 = vector.broadcast %eq3A_1012 : i32 to vector<16xi32>
        %eq3A_1014 = arith.cmpi eq, %and3A_1011, %eq3A_1013 : vector<16xi32>
        %jit3A_1015 = arith.constant -1.000000e+00 : f32
        %jit3A_1016 = arith.constant 1.000000e+00 : f32
        %broadcast_in_dim3A_1017 = vector.broadcast %jit3A_1015 : f32 to vector<16xf32>
        %broadcast_in_dim3A_1018 = vector.broadcast %jit3A_1016 : f32 to vector<16xf32>
        %select_n3A_1019 = arith.select %eq3A_1014, %broadcast_in_dim3A_1017, %broadcast_in_dim3A_1018 : vector<16xi1>, vector<16xf32>
        %mul3A_1020 = arith.mulf %mul3A_1008, %select_n3A_1019 : vector<16xf32>
        %mul3A_1021 = arith.mulf %add3A_985, %select_n3A_1019 : vector<16xf32>
        %mul3A_1022 = arith.mulf %select_n3A_934, %mul3A_1021 : vector<16xf32>
        %mul3A_1023 = arith.mulf %get3A_886, %get3A_3 : vector<16xf32>
        %add3A_1024 = arith.addf %mul3A_1023, %get3A_7 : vector<16xf32>
        %select_n3A_1025 = arith.select %lt3A_893, %mul3A_1022, %add3A_1024 : vector<16xi1>, vector<16xf32>
        %mul3A_1026 = arith.mulf %select_n3A_934, %mul3A_1020 : vector<16xf32>
        %mul3A_1027 = arith.mulf %get3A_888, %get3A_5 : vector<16xf32>
        %add3A_1028 = arith.addf %mul3A_1027, %get3A_9 : vector<16xf32>
        %select_n3A_1029 = arith.select %lt3A_893, %mul3A_1026, %add3A_1028 : vector<16xi1>, vector<16xf32>
        %mul3A_1030 = arith.mulf %select_n3A_1025, %select_n3A_1025 : vector<16xf32>
        %mul3A_1031 = arith.mulf %select_n3A_1029, %select_n3A_1029 : vector<16xf32>
        %add3A_1032 = arith.addf %mul3A_1030, %mul3A_1031 : vector<16xf32>
        %ge3A_1033 = arith.constant 1.000000e+00 : f32
        %ge3A_1034 = vector.broadcast %ge3A_1033 : f32 to vector<16xf32>
        %ge3A_1035 = arith.cmpf oge, %add3A_1032, %ge3A_1034 : vector<16xf32>
        %select_n3A_1036 = arith.select %ge3A_1035, %get3A_13, %get3A_11 : vector<16xi1>, vector<16xf32>
        %exp3A_1037 = math.exp %select_n3A_1036 : vector<16xf32>
        %mul3A_1038 = arith.constant 256 : i32
        %mul3A_1039 = arith.muli %mul3A_1038, %scan3A_37 : i32
        %add3A_1040 = arith.constant 96 : i32
        %add3A_1041 = arith.addi %mul3A_1039, %add3A_1040 : i32
        %mul3A_1042 = arith.constant 256 : i32
        %mul3A_1043 = arith.muli %mul3A_1042, %scan3A_37 : i32
        %add3A_1044 = arith.constant 128 : i32
        %add3A_1045 = arith.addi %mul3A_1043, %add3A_1044 : i32
        %add3A_1046 = arith.constant 96 : i32
        %add3A_1047 = arith.addi %add3A_1045, %add3A_1046 : i32
        %mul3A_1048 = arith.constant 128 : i32
        %mul3A_1049 = arith.muli %mul3A_1048, %scan3A_37 : i32
        %add3A_1050 = arith.constant 96 : i32
        %add3A_1051 = arith.addi %mul3A_1049, %add3A_1050 : i32
        %get3A_1052 = arith.index_cast %add3A_1051 : i32 to index
        %get3A_1053 = tpu.vector_load %arg10[%get3A_1052] {strides = array<i32>} : memref<2048xf32, #tpu.memory_space<vmem>>, vector<16xf32>,
        %get3A_1054 = arith.index_cast %add3A_1041 : i32 to index
        %get3A_1055 = tpu.vector_load %arg11[%get3A_1054] {strides = array<i32>} : memref<4096xf32, #tpu.memory_space<vmem>>, vector<16xf32>,
        %get3A_1056 = arith.index_cast %add3A_1047 : i32 to index
        %get3A_1057 = tpu.vector_load %arg11[%get3A_1056] {strides = array<i32>} : memref<4096xf32, #tpu.memory_space<vmem>>, vector<16xf32>,
        %get3A_1058 = arith.index_cast %add3A_1041 : i32 to index
        %get3A_1059 = tpu.vector_load %arg12[%get3A_1058] {strides = array<i32>} : memref<4096xf32, #tpu.memory_space<vmem>>, vector<16xf32>,
        %get3A_1060 = arith.index_cast %add3A_1047 : i32 to index
        %get3A_1061 = tpu.vector_load %arg12[%get3A_1060] {strides = array<i32>} : memref<4096xf32, #tpu.memory_space<vmem>>, vector<16xf32>,
        %lt3A_1062 = arith.cmpf olt, %get3A_1053, %get3A_1 : vector<16xf32>
        %abs3A_1063 = math.absf %get3A_1059 : vector<16xf32>
        %abs3A_1064 = math.absf %get3A_1061 : vector<16xf32>
        %gt3A_1065 = arith.cmpf ogt, %abs3A_1063, %abs3A_1064 : vector<16xf32>
        %eq3A_1066 = arith.constant 0.000000e+00 : f32
        %eq3A_1067 = vector.broadcast %eq3A_1066 : f32 to vector<16xf32>
        %eq3A_1068 = arith.cmpf oeq, %get3A_1059, %eq3A_1067 : vector<16xf32>
        %eq3A_1069 = arith.constant 0.000000e+00 : f32
        %eq3A_1070 = vector.broadcast %eq3A_1069 : f32 to vector<16xf32>
        %eq3A_1071 = arith.cmpf oeq, %get3A_1061, %eq3A_1070 : vector<16xf32>
        %and3A_1072 = arith.andi %eq3A_1068, %eq3A_1071 : vector<16xi1>
        %not3A_1073 = arith.constant dense<true> : vector<16xi1>
        %not3A_1074 = arith.xori %gt3A_1065, %not3A_1073 : vector<16xi1>
        %not3A_1075 = arith.constant dense<true> : vector<16xi1>
        %not3A_1076 = arith.xori %and3A_1072, %not3A_1075 : vector<16xi1>
        %and3A_1077 = arith.andi %not3A_1074, %not3A_1076 : vector<16xi1>
        %eq3A_1078 = arith.constant 0.000000e+00 : f32
        %eq3A_1079 = vector.broadcast %eq3A_1078 : f32 to vector<16xf32>
        %eq3A_1080 = arith.cmpf oeq, %get3A_1059, %eq3A_1079 : vector<16xf32>
        %jit3A_1081 = arith.constant 1.000000e+00 : f32
        %broadcast_in_dim3A_1082 = vector.broadcast %jit3A_1081 : f32 to vector<16xf32>
        %select_n3A_1083 = arith.select %eq3A_1080, %broadcast_in_dim3A_1082, %get3A_1059 : vector<16xi1>, vector<16xf32>
        %eq3A_1084 = arith.constant 0.000000e+00 : f32
        %eq3A_1085 = vector.broadcast %eq3A_1084 : f32 to vector<16xf32>
        %eq3A_1086 = arith.cmpf oeq, %get3A_1061, %eq3A_1085 : vector<16xf32>
        %jit3A_1087 = arith.constant 1.000000e+00 : f32
        %broadcast_in_dim3A_1088 = vector.broadcast %jit3A_1087 : f32 to vector<16xf32>
        %select_n3A_1089 = arith.select %eq3A_1086, %broadcast_in_dim3A_1088, %get3A_1061 : vector<16xi1>, vector<16xf32>
        %select_n3A_1090 = arith.select %gt3A_1065, %get3A_1061, %get3A_1059 : vector<16xi1>, vector<16xf32>
        %select_n3A_1091 = arith.select %gt3A_1065, %select_n3A_1083, %select_n3A_1089 : vector<16xi1>, vector<16xf32>
        %mul3A_1092 = arith.constant 12.566371 : f32
        %mul3A_1093 = vector.broadcast %mul3A_1092 : f32 to vector<16xf32>
        %mul3A_1094 = arith.mulf %mul3A_1093, %select_n3A_1090 : vector<16xf32>
        %div3A_1095 = arith.divf %mul3A_1094, %select_n3A_1091 : vector<16xf32>
        %sub3A_1096 = arith.constant 6.28318548 : f32
        %sub3A_1097 = vector.broadcast %sub3A_1096 : f32 to vector<16xf32>
        %sub3A_1098 = arith.subf %sub3A_1097, %div3A_1095 : vector<16xf32>
        %select_n3A_1099 = arith.select %gt3A_1065, %div3A_1095, %sub3A_1098 : vector<16xi1>, vector<16xf32>
        %jit3A_1100 = arith.constant 0.000000e+00 : f32
        %broadcast_in_dim3A_1101 = vector.broadcast %jit3A_1100 : f32 to vector<16xf32>
        %select_n3A_1102 = arith.select %and3A_1077, %get3A_1061, %broadcast_in_dim3A_1101 : vector<16xi1>, vector<16xf32>
        %select_n3A_1103 = arith.select %gt3A_1065, %get3A_1059, %select_n3A_1102 : vector<16xi1>, vector<16xf32>
        %mul3A_1104 = arith.constant 0.318309873 : f32
        %mul3A_1105 = vector.broadcast %mul3A_1104 : f32 to vector<16xf32>
        %mul3A_1106 = arith.mulf %select_n3A_1099, %mul3A_1105 : vector<16xf32>
        %add3A_1107 = arith.constant 5.000000e-01 : f32
        %add3A_1108 = vector.broadcast %add3A_1107 : f32 to vector<16xf32>
        %add3A_1109 = arith.addf %mul3A_1106, %add3A_1108 : vector<16xf32>
        %convert_element_type3A_1110 = arith.fptosi %add3A_1109 : vector<16xf32> to vector<16xi32>
        %convert_element_type3A_1111 = arith.sitofp %convert_element_type3A_1110 : vector<16xi32> to vector<16xf32>
        %gt3A_1112 = arith.cmpf ogt, %convert_element_type3A_1111, %add3A_1109 : vector<16xf32>
        %jit3A_1113 = arith.constant 1 : i32
        %jit3A_1114 = arith.constant 0 : i32
        %broadcast_in_dim3A_1115 = vector.broadcast %jit3A_1113 : i32 to vector<16xi32>
        %broadcast_in_dim3A_1116 = vector.broadcast %jit3A_1114 : i32 to vector<16xi32>
        %select_n3A_1117 = arith.select %gt3A_1112, %broadcast_in_dim3A_1115, %broadcast_in_dim3A_1116 : vector<16xi1>, vector<16xi32>
        %sub3A_1118 = arith.subi %convert_element_type3A_1110, %select_n3A_1117 : vector<16xi32>
        %convert_element_type3A_1119 = arith.sitofp %sub3A_1118 : vector<16xi32> to vector<16xf32>
        %mul3A_1120 = arith.constant 3.14159274 : f32
        %mul3A_1121 = vector.broadcast %mul3A_1120 : f32 to vector<16xf32>
        %mul3A_1122 = arith.mulf %convert_element_type3A_1119, %mul3A_1121 : vector<16xf32>
        %sub3A_1123 = arith.subf %select_n3A_1099, %mul3A_1122 : vector<16xf32>
        %mul3A_1124 = arith.constant -8.74227765E-8 : f32
        %mul3A_1125 = vector.broadcast %mul3A_1124 : f32 to vector<16xf32>
        %mul3A_1126 = arith.mulf %convert_element_type3A_1119, %mul3A_1125 : vector<16xf32>
        %sub3A_1127 = arith.subf %sub3A_1123, %mul3A_1126 : vector<16xf32>
        %mul3A_1128 = arith.mulf %sub3A_1127, %sub3A_1127 : vector<16xf32>
        %mul3A_1129 = arith.constant 2.08767559E-9 : f32
        %mul3A_1130 = vector.broadcast %mul3A_1129 : f32 to vector<16xf32>
        %mul3A_1131 = arith.mulf %mul3A_1130, %mul3A_1128 : vector<16xf32>
        %add3A_1132 = arith.constant -2.755732E-7 : f32
        %add3A_1133 = vector.broadcast %add3A_1132 : f32 to vector<16xf32>
        %add3A_1134 = arith.addf %mul3A_1131, %add3A_1133 : vector<16xf32>
        %mul3A_1135 = arith.mulf %add3A_1134, %mul3A_1128 : vector<16xf32>
        %add3A_1136 = arith.constant 2.48015876E-5 : f32
        %add3A_1137 = vector.broadcast %add3A_1136 : f32 to vector<16xf32>
        %add3A_1138 = arith.addf %mul3A_1135, %add3A_1137 : vector<16xf32>
        %mul3A_1139 = arith.mulf %add3A_1138, %mul3A_1128 : vector<16xf32>
        %add3A_1140 = arith.constant -0.00138888892 : f32
        %add3A_1141 = vector.broadcast %add3A_1140 : f32 to vector<16xf32>
        %add3A_1142 = arith.addf %mul3A_1139, %add3A_1141 : vector<16xf32>
        %mul3A_1143 = arith.mulf %add3A_1142, %mul3A_1128 : vector<16xf32>
        %add3A_1144 = arith.constant 0.0416666679 : f32
        %add3A_1145 = vector.broadcast %add3A_1144 : f32 to vector<16xf32>
        %add3A_1146 = arith.addf %mul3A_1143, %add3A_1145 : vector<16xf32>
        %mul3A_1147 = arith.mulf %add3A_1146, %mul3A_1128 : vector<16xf32>
        %add3A_1148 = arith.constant -5.000000e-01 : f32
        %add3A_1149 = vector.broadcast %add3A_1148 : f32 to vector<16xf32>
        %add3A_1150 = arith.addf %mul3A_1147, %add3A_1149 : vector<16xf32>
        %mul3A_1151 = arith.mulf %add3A_1150, %mul3A_1128 : vector<16xf32>
        %add3A_1152 = arith.constant 1.000000e+00 : f32
        %add3A_1153 = vector.broadcast %add3A_1152 : f32 to vector<16xf32>
        %add3A_1154 = arith.addf %mul3A_1151, %add3A_1153 : vector<16xf32>
        %mul3A_1155 = arith.constant -2.50521079E-8 : f32
        %mul3A_1156 = vector.broadcast %mul3A_1155 : f32 to vector<16xf32>
        %mul3A_1157 = arith.mulf %mul3A_1156, %mul3A_1128 : vector<16xf32>
        %add3A_1158 = arith.constant 2.75573188E-6 : f32
        %add3A_1159 = vector.broadcast %add3A_1158 : f32 to vector<16xf32>
        %add3A_1160 = arith.addf %mul3A_1157, %add3A_1159 : vector<16xf32>
        %mul3A_1161 = arith.mulf %add3A_1160, %mul3A_1128 : vector<16xf32>
        %add3A_1162 = arith.constant -1.98412701E-4 : f32
        %add3A_1163 = vector.broadcast %add3A_1162 : f32 to vector<16xf32>
        %add3A_1164 = arith.addf %mul3A_1161, %add3A_1163 : vector<16xf32>
        %mul3A_1165 = arith.mulf %add3A_1164, %mul3A_1128 : vector<16xf32>
        %add3A_1166 = arith.constant 0.00833333377 : f32
        %add3A_1167 = vector.broadcast %add3A_1166 : f32 to vector<16xf32>
        %add3A_1168 = arith.addf %mul3A_1165, %add3A_1167 : vector<16xf32>
        %mul3A_1169 = arith.mulf %add3A_1168, %mul3A_1128 : vector<16xf32>
        %add3A_1170 = arith.constant -0.166666672 : f32
        %add3A_1171 = vector.broadcast %add3A_1170 : f32 to vector<16xf32>
        %add3A_1172 = arith.addf %mul3A_1169, %add3A_1171 : vector<16xf32>
        %mul3A_1173 = arith.mulf %add3A_1172, %mul3A_1128 : vector<16xf32>
        %add3A_1174 = arith.constant 1.000000e+00 : f32
        %add3A_1175 = vector.broadcast %add3A_1174 : f32 to vector<16xf32>
        %add3A_1176 = arith.addf %mul3A_1173, %add3A_1175 : vector<16xf32>
        %mul3A_1177 = arith.mulf %add3A_1176, %sub3A_1127 : vector<16xf32>
        %and3A_1178 = arith.constant 1 : i32
        %and3A_1179 = vector.broadcast %and3A_1178 : i32 to vector<16xi32>
        %and3A_1180 = arith.andi %sub3A_1118, %and3A_1179 : vector<16xi32>
        %eq3A_1181 = arith.constant 1 : i32
        %eq3A_1182 = vector.broadcast %eq3A_1181 : i32 to vector<16xi32>
        %eq3A_1183 = arith.cmpi eq, %and3A_1180, %eq3A_1182 : vector<16xi32>
        %jit3A_1184 = arith.constant -1.000000e+00 : f32
        %jit3A_1185 = arith.constant 1.000000e+00 : f32
        %broadcast_in_dim3A_1186 = vector.broadcast %jit3A_1184 : f32 to vector<16xf32>
        %broadcast_in_dim3A_1187 = vector.broadcast %jit3A_1185 : f32 to vector<16xf32>
        %select_n3A_1188 = arith.select %eq3A_1183, %broadcast_in_dim3A_1186, %broadcast_in_dim3A_1187 : vector<16xi1>, vector<16xf32>
        %mul3A_1189 = arith.mulf %mul3A_1177, %select_n3A_1188 : vector<16xf32>
        %mul3A_1190 = arith.mulf %add3A_1154, %select_n3A_1188 : vector<16xf32>
        %mul3A_1191 = arith.mulf %select_n3A_1103, %mul3A_1190 : vector<16xf32>
        %mul3A_1192 = arith.mulf %get3A_1055, %get3A_3 : vector<16xf32>
        %add3A_1193 = arith.addf %mul3A_1192, %get3A_7 : vector<16xf32>
        %select_n3A_1194 = arith.select %lt3A_1062, %mul3A_1191, %add3A_1193 : vector<16xi1>, vector<16xf32>
        %mul3A_1195 = arith.mulf %select_n3A_1103, %mul3A_1189 : vector<16xf32>
        %mul3A_1196 = arith.mulf %get3A_1057, %get3A_5 : vector<16xf32>
        %add3A_1197 = arith.addf %mul3A_1196, %get3A_9 : vector<16xf32>
        %select_n3A_1198 = arith.select %lt3A_1062, %mul3A_1195, %add3A_1197 : vector<16xi1>, vector<16xf32>
        %mul3A_1199 = arith.mulf %select_n3A_1194, %select_n3A_1194 : vector<16xf32>
        %mul3A_1200 = arith.mulf %select_n3A_1198, %select_n3A_1198 : vector<16xf32>
        %add3A_1201 = arith.addf %mul3A_1199, %mul3A_1200 : vector<16xf32>
        %ge3A_1202 = arith.constant 1.000000e+00 : f32
        %ge3A_1203 = vector.broadcast %ge3A_1202 : f32 to vector<16xf32>
        %ge3A_1204 = arith.cmpf oge, %add3A_1201, %ge3A_1203 : vector<16xf32>
        %select_n3A_1205 = arith.select %ge3A_1204, %get3A_13, %get3A_11 : vector<16xi1>, vector<16xf32>
        %exp3A_1206 = math.exp %select_n3A_1205 : vector<16xf32>
        %mul3A_1207 = arith.constant 256 : i32
        %mul3A_1208 = arith.muli %mul3A_1207, %scan3A_37 : i32
        %add3A_1209 = arith.constant 112 : i32
        %add3A_1210 = arith.addi %mul3A_1208, %add3A_1209 : i32
        %mul3A_1211 = arith.constant 256 : i32
        %mul3A_1212 = arith.muli %mul3A_1211, %scan3A_37 : i32
        %add3A_1213 = arith.constant 128 : i32
        %add3A_1214 = arith.addi %mul3A_1212, %add3A_1213 : i32
        %add3A_1215 = arith.constant 112 : i32
        %add3A_1216 = arith.addi %add3A_1214, %add3A_1215 : i32
        %mul3A_1217 = arith.constant 128 : i32
        %mul3A_1218 = arith.muli %mul3A_1217, %scan3A_37 : i32
        %add3A_1219 = arith.constant 112 : i32
        %add3A_1220 = arith.addi %mul3A_1218, %add3A_1219 : i32
        %get3A_1221 = arith.index_cast %add3A_1220 : i32 to index
        %get3A_1222 = tpu.vector_load %arg10[%get3A_1221] {strides = array<i32>} : memref<2048xf32, #tpu.memory_space<vmem>>, vector<16xf32>,
        %get3A_1223 = arith.index_cast %add3A_1210 : i32 to index
        %get3A_1224 = tpu.vector_load %arg11[%get3A_1223] {strides = array<i32>} : memref<4096xf32, #tpu.memory_space<vmem>>, vector<16xf32>,
        %get3A_1225 = arith.index_cast %add3A_1216 : i32 to index
        %get3A_1226 = tpu.vector_load %arg11[%get3A_1225] {strides = array<i32>} : memref<4096xf32, #tpu.memory_space<vmem>>, vector<16xf32>,
        %get3A_1227 = arith.index_cast %add3A_1210 : i32 to index
        %get3A_1228 = tpu.vector_load %arg12[%get3A_1227] {strides = array<i32>} : memref<4096xf32, #tpu.memory_space<vmem>>, vector<16xf32>,
        %get3A_1229 = arith.index_cast %add3A_1216 : i32 to index
        %get3A_1230 = tpu.vector_load %arg12[%get3A_1229] {strides = array<i32>} : memref<4096xf32, #tpu.memory_space<vmem>>, vector<16xf32>,
        %lt3A_1231 = arith.cmpf olt, %get3A_1222, %get3A_1 : vector<16xf32>
        %abs3A_1232 = math.absf %get3A_1228 : vector<16xf32>
        %abs3A_1233 = math.absf %get3A_1230 : vector<16xf32>
        %gt3A_1234 = arith.cmpf ogt, %abs3A_1232, %abs3A_1233 : vector<16xf32>
        %eq3A_1235 = arith.constant 0.000000e+00 : f32
        %eq3A_1236 = vector.broadcast %eq3A_1235 : f32 to vector<16xf32>
        %eq3A_1237 = arith.cmpf oeq, %get3A_1228, %eq3A_1236 : vector<16xf32>
        %eq3A_1238 = arith.constant 0.000000e+00 : f32
        %eq3A_1239 = vector.broadcast %eq3A_1238 : f32 to vector<16xf32>
        %eq3A_1240 = arith.cmpf oeq, %get3A_1230, %eq3A_1239 : vector<16xf32>
        %and3A_1241 = arith.andi %eq3A_1237, %eq3A_1240 : vector<16xi1>
        %not3A_1242 = arith.constant dense<true> : vector<16xi1>
        %not3A_1243 = arith.xori %gt3A_1234, %not3A_1242 : vector<16xi1>
        %not3A_1244 = arith.constant dense<true> : vector<16xi1>
        %not3A_1245 = arith.xori %and3A_1241, %not3A_1244 : vector<16xi1>
        %and3A_1246 = arith.andi %not3A_1243, %not3A_1245 : vector<16xi1>
        %eq3A_1247 = arith.constant 0.000000e+00 : f32
        %eq3A_1248 = vector.broadcast %eq3A_1247 : f32 to vector<16xf32>
        %eq3A_1249 = arith.cmpf oeq, %get3A_1228, %eq3A_1248 : vector<16xf32>
        %jit3A_1250 = arith.constant 1.000000e+00 : f32
        %broadcast_in_dim3A_1251 = vector.broadcast %jit3A_1250 : f32 to vector<16xf32>
        %select_n3A_1252 = arith.select %eq3A_1249, %broadcast_in_dim3A_1251, %get3A_1228 : vector<16xi1>, vector<16xf32>
        %eq3A_1253 = arith.constant 0.000000e+00 : f32
        %eq3A_1254 = vector.broadcast %eq3A_1253 : f32 to vector<16xf32>
        %eq3A_1255 = arith.cmpf oeq, %get3A_1230, %eq3A_1254 : vector<16xf32>
        %jit3A_1256 = arith.constant 1.000000e+00 : f32
        %broadcast_in_dim3A_1257 = vector.broadcast %jit3A_1256 : f32 to vector<16xf32>
        %select_n3A_1258 = arith.select %eq3A_1255, %broadcast_in_dim3A_1257, %get3A_1230 : vector<16xi1>, vector<16xf32>
        %select_n3A_1259 = arith.select %gt3A_1234, %get3A_1230, %get3A_1228 : vector<16xi1>, vector<16xf32>
        %select_n3A_1260 = arith.select %gt3A_1234, %select_n3A_1252, %select_n3A_1258 : vector<16xi1>, vector<16xf32>
        %mul3A_1261 = arith.constant 12.566371 : f32
        %mul3A_1262 = vector.broadcast %mul3A_1261 : f32 to vector<16xf32>
        %mul3A_1263 = arith.mulf %mul3A_1262, %select_n3A_1259 : vector<16xf32>
        %div3A_1264 = arith.divf %mul3A_1263, %select_n3A_1260 : vector<16xf32>
        %sub3A_1265 = arith.constant 6.28318548 : f32
        %sub3A_1266 = vector.broadcast %sub3A_1265 : f32 to vector<16xf32>
        %sub3A_1267 = arith.subf %sub3A_1266, %div3A_1264 : vector<16xf32>
        %select_n3A_1268 = arith.select %gt3A_1234, %div3A_1264, %sub3A_1267 : vector<16xi1>, vector<16xf32>
        %jit3A_1269 = arith.constant 0.000000e+00 : f32
        %broadcast_in_dim3A_1270 = vector.broadcast %jit3A_1269 : f32 to vector<16xf32>
        %select_n3A_1271 = arith.select %and3A_1246, %get3A_1230, %broadcast_in_dim3A_1270 : vector<16xi1>, vector<16xf32>
        %select_n3A_1272 = arith.select %gt3A_1234, %get3A_1228, %select_n3A_1271 : vector<16xi1>, vector<16xf32>
        %mul3A_1273 = arith.constant 0.318309873 : f32
        %mul3A_1274 = vector.broadcast %mul3A_1273 : f32 to vector<16xf32>
        %mul3A_1275 = arith.mulf %select_n3A_1268, %mul3A_1274 : vector<16xf32>
        %add3A_1276 = arith.constant 5.000000e-01 : f32
        %add3A_1277 = vector.broadcast %add3A_1276 : f32 to vector<16xf32>
        %add3A_1278 = arith.addf %mul3A_1275, %add3A_1277 : vector<16xf32>
        %convert_element_type3A_1279 = arith.fptosi %add3A_1278 : vector<16xf32> to vector<16xi32>
        %convert_element_type3A_1280 = arith.sitofp %convert_element_type3A_1279 : vector<16xi32> to vector<16xf32>
        %gt3A_1281 = arith.cmpf ogt, %convert_element_type3A_1280, %add3A_1278 : vector<16xf32>
        %jit3A_1282 = arith.constant 1 : i32
        %jit3A_1283 = arith.constant 0 : i32
        %broadcast_in_dim3A_1284 = vector.broadcast %jit3A_1282 : i32 to vector<16xi32>
        %broadcast_in_dim3A_1285 = vector.broadcast %jit3A_1283 : i32 to vector<16xi32>
        %select_n3A_1286 = arith.select %gt3A_1281, %broadcast_in_dim3A_1284, %broadcast_in_dim3A_1285 : vector<16xi1>, vector<16xi32>
        %sub3A_1287 = arith.subi %convert_element_type3A_1279, %select_n3A_1286 : vector<16xi32>
        %convert_element_type3A_1288 = arith.sitofp %sub3A_1287 : vector<16xi32> to vector<16xf32>
        %mul3A_1289 = arith.constant 3.14159274 : f32
        %mul3A_1290 = vector.broadcast %mul3A_1289 : f32 to vector<16xf32>
        %mul3A_1291 = arith.mulf %convert_element_type3A_1288, %mul3A_1290 : vector<16xf32>
        %sub3A_1292 = arith.subf %select_n3A_1268, %mul3A_1291 : vector<16xf32>
        %mul3A_1293 = arith.constant -8.74227765E-8 : f32
        %mul3A_1294 = vector.broadcast %mul3A_1293 : f32 to vector<16xf32>
        %mul3A_1295 = arith.mulf %convert_element_type3A_1288, %mul3A_1294 : vector<16xf32>
        %sub3A_1296 = arith.subf %sub3A_1292, %mul3A_1295 : vector<16xf32>
        %mul3A_1297 = arith.mulf %sub3A_1296, %sub3A_1296 : vector<16xf32>
        %mul3A_1298 = arith.constant 2.08767559E-9 : f32
        %mul3A_1299 = vector.broadcast %mul3A_1298 : f32 to vector<16xf32>
        %mul3A_1300 = arith.mulf %mul3A_1299, %mul3A_1297 : vector<16xf32>
        %add3A_1301 = arith.constant -2.755732E-7 : f32
        %add3A_1302 = vector.broadcast %add3A_1301 : f32 to vector<16xf32>
        %add3A_1303 = arith.addf %mul3A_1300, %add3A_1302 : vector<16xf32>
        %mul3A_1304 = arith.mulf %add3A_1303, %mul3A_1297 : vector<16xf32>
        %add3A_1305 = arith.constant 2.48015876E-5 : f32
        %add3A_1306 = vector.broadcast %add3A_1305 : f32 to vector<16xf32>
        %add3A_1307 = arith.addf %mul3A_1304, %add3A_1306 : vector<16xf32>
        %mul3A_1308 = arith.mulf %add3A_1307, %mul3A_1297 : vector<16xf32>
        %add3A_1309 = arith.constant -0.00138888892 : f32
        %add3A_1310 = vector.broadcast %add3A_1309 : f32 to vector<16xf32>
        %add3A_1311 = arith.addf %mul3A_1308, %add3A_1310 : vector<16xf32>
        %mul3A_1312 = arith.mulf %add3A_1311, %mul3A_1297 : vector<16xf32>
        %add3A_1313 = arith.constant 0.0416666679 : f32
        %add3A_1314 = vector.broadcast %add3A_1313 : f32 to vector<16xf32>
        %add3A_1315 = arith.addf %mul3A_1312, %add3A_1314 : vector<16xf32>
        %mul3A_1316 = arith.mulf %add3A_1315, %mul3A_1297 : vector<16xf32>
        %add3A_1317 = arith.constant -5.000000e-01 : f32
        %add3A_1318 = vector.broadcast %add3A_1317 : f32 to vector<16xf32>
        %add3A_1319 = arith.addf %mul3A_1316, %add3A_1318 : vector<16xf32>
        %mul3A_1320 = arith.mulf %add3A_1319, %mul3A_1297 : vector<16xf32>
        %add3A_1321 = arith.constant 1.000000e+00 : f32
        %add3A_1322 = vector.broadcast %add3A_1321 : f32 to vector<16xf32>
        %add3A_1323 = arith.addf %mul3A_1320, %add3A_1322 : vector<16xf32>
        %mul3A_1324 = arith.constant -2.50521079E-8 : f32
        %mul3A_1325 = vector.broadcast %mul3A_1324 : f32 to vector<16xf32>
        %mul3A_1326 = arith.mulf %mul3A_1325, %mul3A_1297 : vector<16xf32>
        %add3A_1327 = arith.constant 2.75573188E-6 : f32
        %add3A_1328 = vector.broadcast %add3A_1327 : f32 to vector<16xf32>
        %add3A_1329 = arith.addf %mul3A_1326, %add3A_1328 : vector<16xf32>
        %mul3A_1330 = arith.mulf %add3A_1329, %mul3A_1297 : vector<16xf32>
        %add3A_1331 = arith.constant -1.98412701E-4 : f32
        %add3A_1332 = vector.broadcast %add3A_1331 : f32 to vector<16xf32>
        %add3A_1333 = arith.addf %mul3A_1330, %add3A_1332 : vector<16xf32>
        %mul3A_1334 = arith.mulf %add3A_1333, %mul3A_1297 : vector<16xf32>
        %add3A_1335 = arith.constant 0.00833333377 : f32
        %add3A_1336 = vector.broadcast %add3A_1335 : f32 to vector<16xf32>
        %add3A_1337 = arith.addf %mul3A_1334, %add3A_1336 : vector<16xf32>
        %mul3A_1338 = arith.mulf %add3A_1337, %mul3A_1297 : vector<16xf32>
        %add3A_1339 = arith.constant -0.166666672 : f32
        %add3A_1340 = vector.broadcast %add3A_1339 : f32 to vector<16xf32>
        %add3A_1341 = arith.addf %mul3A_1338, %add3A_1340 : vector<16xf32>
        %mul3A_1342 = arith.mulf %add3A_1341, %mul3A_1297 : vector<16xf32>
        %add3A_1343 = arith.constant 1.000000e+00 : f32
        %add3A_1344 = vector.broadcast %add3A_1343 : f32 to vector<16xf32>
        %add3A_1345 = arith.addf %mul3A_1342, %add3A_1344 : vector<16xf32>
        %mul3A_1346 = arith.mulf %add3A_1345, %sub3A_1296 : vector<16xf32>
        %and3A_1347 = arith.constant 1 : i32
        %and3A_1348 = vector.broadcast %and3A_1347 : i32 to vector<16xi32>
        %and3A_1349 = arith.andi %sub3A_1287, %and3A_1348 : vector<16xi32>
        %eq3A_1350 = arith.constant 1 : i32
        %eq3A_1351 = vector.broadcast %eq3A_1350 : i32 to vector<16xi32>
        %eq3A_1352 = arith.cmpi eq, %and3A_1349, %eq3A_1351 : vector<16xi32>
        %jit3A_1353 = arith.constant -1.000000e+00 : f32
        %jit3A_1354 = arith.constant 1.000000e+00 : f32
        %broadcast_in_dim3A_1355 = vector.broadcast %jit3A_1353 : f32 to vector<16xf32>
        %broadcast_in_dim3A_1356 = vector.broadcast %jit3A_1354 : f32 to vector<16xf32>
        %select_n3A_1357 = arith.select %eq3A_1352, %broadcast_in_dim3A_1355, %broadcast_in_dim3A_1356 : vector<16xi1>, vector<16xf32>
        %mul3A_1358 = arith.mulf %mul3A_1346, %select_n3A_1357 : vector<16xf32>
        %mul3A_1359 = arith.mulf %add3A_1323, %select_n3A_1357 : vector<16xf32>
        %mul3A_1360 = arith.mulf %select_n3A_1272, %mul3A_1359 : vector<16xf32>
        %mul3A_1361 = arith.mulf %get3A_1224, %get3A_3 : vector<16xf32>
        %add3A_1362 = arith.addf %mul3A_1361, %get3A_7 : vector<16xf32>
        %select_n3A_1363 = arith.select %lt3A_1231, %mul3A_1360, %add3A_1362 : vector<16xi1>, vector<16xf32>
        %mul3A_1364 = arith.mulf %select_n3A_1272, %mul3A_1358 : vector<16xf32>
        %mul3A_1365 = arith.mulf %get3A_1226, %get3A_5 : vector<16xf32>
        %add3A_1366 = arith.addf %mul3A_1365, %get3A_9 : vector<16xf32>
        %select_n3A_1367 = arith.select %lt3A_1231, %mul3A_1364, %add3A_1366 : vector<16xi1>, vector<16xf32>
        %mul3A_1368 = arith.mulf %select_n3A_1363, %select_n3A_1363 : vector<16xf32>
        %mul3A_1369 = arith.mulf %select_n3A_1367, %select_n3A_1367 : vector<16xf32>
        %add3A_1370 = arith.addf %mul3A_1368, %mul3A_1369 : vector<16xf32>
        %ge3A_1371 = arith.constant 1.000000e+00 : f32
        %ge3A_1372 = vector.broadcast %ge3A_1371 : f32 to vector<16xf32>
        %ge3A_1373 = arith.cmpf oge, %add3A_1370, %ge3A_1372 : vector<16xf32>
        %select_n3A_1374 = arith.select %ge3A_1373, %get3A_13, %get3A_11 : vector<16xi1>, vector<16xf32>
        %exp3A_1375 = math.exp %select_n3A_1374 : vector<16xf32>
        %get3A_1376 = arith.constant 128 : index
        %get3A_1377 = tpu.vector_load %arg9[%get3A_1376] {strides = array<i32>} : memref<1408xf32, #tpu.memory_space<vmem>>, vector<16xf32>,
        %get3A_1378 = arith.constant 384 : index
        %get3A_1379 = tpu.vector_load %arg9[%get3A_1378] {strides = array<i32>} : memref<1408xf32, #tpu.memory_space<vmem>>, vector<16xf32>,
        %get3A_1380 = arith.constant 640 : index
        %get3A_1381 = tpu.vector_load %arg9[%get3A_1380] {strides = array<i32>} : memref<1408xf32, #tpu.memory_space<vmem>>, vector<16xf32>,
        %get3A_1382 = arith.constant 896 : index
        %get3A_1383 = tpu.vector_load %arg9[%get3A_1382] {strides = array<i32>} : memref<1408xf32, #tpu.memory_space<vmem>>, vector<16xf32>,
        %get3A_1384 = arith.constant 1152 : index
        %get3A_1385 = tpu.vector_load %arg9[%get3A_1384] {strides = array<i32>} : memref<1408xf32, #tpu.memory_space<vmem>>, vector<16xf32>,
        %mul3A_1386 = arith.mulf %get3A_1379, %select_n3A_182 : vector<16xf32>
        %add3A_1387 = arith.addf %get3A_1377, %mul3A_1386 : vector<16xf32>
        %mul3A_1388 = arith.mulf %get3A_1381, %select_n3A_186 : vector<16xf32>
        %add3A_1389 = arith.addf %add3A_1387, %mul3A_1388 : vector<16xf32>
        %mul3A_1390 = arith.mulf %get3A_1383, %mul3A_187 : vector<16xf32>
        %sub3A_1391 = arith.subf %add3A_1389, %mul3A_1390 : vector<16xf32>
        %mul3A_1392 = arith.mulf %get3A_1385, %mul3A_188 : vector<16xf32>
        %sub3A_1393 = arith.subf %sub3A_1391, %mul3A_1392 : vector<16xf32>
        %exp3A_1394 = math.exp %sub3A_1393 : vector<16xf32>
        %add3A_1395 = arith.addf %exp3A, %exp3A_1394 : vector<16xf32>
        %mul3A_1396 = arith.mulf %get3A_1379, %select_n3A_349 : vector<16xf32>
        %add3A_1397 = arith.addf %get3A_1377, %mul3A_1396 : vector<16xf32>
        %mul3A_1398 = arith.mulf %get3A_1381, %select_n3A_353 : vector<16xf32>
        %add3A_1399 = arith.addf %add3A_1397, %mul3A_1398 : vector<16xf32>
        %mul3A_1400 = arith.mulf %get3A_1383, %mul3A_354 : vector<16xf32>
        %sub3A_1401 = arith.subf %add3A_1399, %mul3A_1400 : vector<16xf32>
        %mul3A_1402 = arith.mulf %get3A_1385, %mul3A_355 : vector<16xf32>
        %sub3A_1403 = arith.subf %sub3A_1401, %mul3A_1402 : vector<16xf32>
        %exp3A_1404 = math.exp %sub3A_1403 : vector<16xf32>
        %add3A_1405 = arith.addf %exp3A_361, %exp3A_1404 : vector<16xf32>
        %mul3A_1406 = arith.mulf %get3A_1379, %select_n3A_518 : vector<16xf32>
        %add3A_1407 = arith.addf %get3A_1377, %mul3A_1406 : vector<16xf32>
        %mul3A_1408 = arith.mulf %get3A_1381, %select_n3A_522 : vector<16xf32>
        %add3A_1409 = arith.addf %add3A_1407, %mul3A_1408 : vector<16xf32>
        %mul3A_1410 = arith.mulf %get3A_1383, %mul3A_523 : vector<16xf32>
        %sub3A_1411 = arith.subf %add3A_1409, %mul3A_1410 : vector<16xf32>
        %mul3A_1412 = arith.mulf %get3A_1385, %mul3A_524 : vector<16xf32>
        %sub3A_1413 = arith.subf %sub3A_1411, %mul3A_1412 : vector<16xf32>
        %exp3A_1414 = math.exp %sub3A_1413 : vector<16xf32>
        %add3A_1415 = arith.addf %exp3A_530, %exp3A_1414 : vector<16xf32>
        %mul3A_1416 = arith.mulf %get3A_1379, %select_n3A_687 : vector<16xf32>
        %add3A_1417 = arith.addf %get3A_1377, %mul3A_1416 : vector<16xf32>
        %mul3A_1418 = arith.mulf %get3A_1381, %select_n3A_691 : vector<16xf32>
        %add3A_1419 = arith.addf %add3A_1417, %mul3A_1418 : vector<16xf32>
        %mul3A_1420 = arith.mulf %get3A_1383, %mul3A_692 : vector<16xf32>
        %sub3A_1421 = arith.subf %add3A_1419, %mul3A_1420 : vector<16xf32>
        %mul3A_1422 = arith.mulf %get3A_1385, %mul3A_693 : vector<16xf32>
        %sub3A_1423 = arith.subf %sub3A_1421, %mul3A_1422 : vector<16xf32>
        %exp3A_1424 = math.exp %sub3A_1423 : vector<16xf32>
        %add3A_1425 = arith.addf %exp3A_699, %exp3A_1424 : vector<16xf32>
        %mul3A_1426 = arith.mulf %get3A_1379, %select_n3A_856 : vector<16xf32>
        %add3A_1427 = arith.addf %get3A_1377, %mul3A_1426 : vector<16xf32>
        %mul3A_1428 = arith.mulf %get3A_1381, %select_n3A_860 : vector<16xf32>
        %add3A_1429 = arith.addf %add3A_1427, %mul3A_1428 : vector<16xf32>
        %mul3A_1430 = arith.mulf %get3A_1383, %mul3A_861 : vector<16xf32>
        %sub3A_1431 = arith.subf %add3A_1429, %mul3A_1430 : vector<16xf32>
        %mul3A_1432 = arith.mulf %get3A_1385, %mul3A_862 : vector<16xf32>
        %sub3A_1433 = arith.subf %sub3A_1431, %mul3A_1432 : vector<16xf32>
        %exp3A_1434 = math.exp %sub3A_1433 : vector<16xf32>
        %add3A_1435 = arith.addf %exp3A_868, %exp3A_1434 : vector<16xf32>
        %mul3A_1436 = arith.mulf %get3A_1379, %select_n3A_1025 : vector<16xf32>
        %add3A_1437 = arith.addf %get3A_1377, %mul3A_1436 : vector<16xf32>
        %mul3A_1438 = arith.mulf %get3A_1381, %select_n3A_1029 : vector<16xf32>
        %add3A_1439 = arith.addf %add3A_1437, %mul3A_1438 : vector<16xf32>
        %mul3A_1440 = arith.mulf %get3A_1383, %mul3A_1030 : vector<16xf32>
        %sub3A_1441 = arith.subf %add3A_1439, %mul3A_1440 : vector<16xf32>
        %mul3A_1442 = arith.mulf %get3A_1385, %mul3A_1031 : vector<16xf32>
        %sub3A_1443 = arith.subf %sub3A_1441, %mul3A_1442 : vector<16xf32>
        %exp3A_1444 = math.exp %sub3A_1443 : vector<16xf32>
        %add3A_1445 = arith.addf %exp3A_1037, %exp3A_1444 : vector<16xf32>
        %mul3A_1446 = arith.mulf %get3A_1379, %select_n3A_1194 : vector<16xf32>
        %add3A_1447 = arith.addf %get3A_1377, %mul3A_1446 : vector<16xf32>
        %mul3A_1448 = arith.mulf %get3A_1381, %select_n3A_1198 : vector<16xf32>
        %add3A_1449 = arith.addf %add3A_1447, %mul3A_1448 : vector<16xf32>
        %mul3A_1450 = arith.mulf %get3A_1383, %mul3A_1199 : vector<16xf32>
        %sub3A_1451 = arith.subf %add3A_1449, %mul3A_1450 : vector<16xf32>
        %mul3A_1452 = arith.mulf %get3A_1385, %mul3A_1200 : vector<16xf32>
        %sub3A_1453 = arith.subf %sub3A_1451, %mul3A_1452 : vector<16xf32>
        %exp3A_1454 = math.exp %sub3A_1453 : vector<16xf32>
        %add3A_1455 = arith.addf %exp3A_1206, %exp3A_1454 : vector<16xf32>
        %mul3A_1456 = arith.mulf %get3A_1379, %select_n3A_1363 : vector<16xf32>
        %add3A_1457 = arith.addf %get3A_1377, %mul3A_1456 : vector<16xf32>
        %mul3A_1458 = arith.mulf %get3A_1381, %select_n3A_1367 : vector<16xf32>
        %add3A_1459 = arith.addf %add3A_1457, %mul3A_1458 : vector<16xf32>
        %mul3A_1460 = arith.mulf %get3A_1383, %mul3A_1368 : vector<16xf32>
        %sub3A_1461 = arith.subf %add3A_1459, %mul3A_1460 : vector<16xf32>
        %mul3A_1462 = arith.mulf %get3A_1385, %mul3A_1369 : vector<16xf32>
        %sub3A_1463 = arith.subf %sub3A_1461, %mul3A_1462 : vector<16xf32>
        %exp3A_1464 = math.exp %sub3A_1463 : vector<16xf32>
        %add3A_1465 = arith.addf %exp3A_1375, %exp3A_1464 : vector<16xf32>
        %get3A_1466 = arith.constant 144 : index
        %get3A_1467 = tpu.vector_load %arg9[%get3A_1466] {strides = array<i32>} : memref<1408xf32, #tpu.memory_space<vmem>>, vector<16xf32>,
        %get3A_1468 = arith.constant 400 : index
        %get3A_1469 = tpu.vector_load %arg9[%get3A_1468] {strides = array<i32>} : memref<1408xf32, #tpu.memory_space<vmem>>, vector<16xf32>,
        %get3A_1470 = arith.constant 656 : index
        %get3A_1471 = tpu.vector_load %arg9[%get3A_1470] {strides = array<i32>} : memref<1408xf32, #tpu.memory_space<vmem>>, vector<16xf32>,
        %get3A_1472 = arith.constant 912 : index
        %get3A_1473 = tpu.vector_load %arg9[%get3A_1472] {strides = array<i32>} : memref<1408xf32, #tpu.memory_space<vmem>>, vector<16xf32>,
        %get3A_1474 = arith.constant 1168 : index
        %get3A_1475 = tpu.vector_load %arg9[%get3A_1474] {strides = array<i32>} : memref<1408xf32, #tpu.memory_space<vmem>>, vector<16xf32>,
        %mul3A_1476 = arith.mulf %get3A_1469, %select_n3A_182 : vector<16xf32>
        %add3A_1477 = arith.addf %get3A_1467, %mul3A_1476 : vector<16xf32>
        %mul3A_1478 = arith.mulf %get3A_1471, %select_n3A_186 : vector<16xf32>
        %add3A_1479 = arith.addf %add3A_1477, %mul3A_1478 : vector<16xf32>
        %mul3A_1480 = arith.mulf %get3A_1473, %mul3A_187 : vector<16xf32>
        %sub3A_1481 = arith.subf %add3A_1479, %mul3A_1480 : vector<16xf32>
        %mul3A_1482 = arith.mulf %get3A_1475, %mul3A_188 : vector<16xf32>
        %sub3A_1483 = arith.subf %sub3A_1481, %mul3A_1482 : vector<16xf32>
        %exp3A_1484 = math.exp %sub3A_1483 : vector<16xf32>
        %add3A_1485 = arith.addf %add3A_1395, %exp3A_1484 : vector<16xf32>
        %mul3A_1486 = arith.mulf %get3A_1469, %select_n3A_349 : vector<16xf32>
        %add3A_1487 = arith.addf %get3A_1467, %mul3A_1486 : vector<16xf32>
        %mul3A_1488 = arith.mulf %get3A_1471, %select_n3A_353 : vector<16xf32>
        %add3A_1489 = arith.addf %add3A_1487, %mul3A_1488 : vector<16xf32>
        %mul3A_1490 = arith.mulf %get3A_1473, %mul3A_354 : vector<16xf32>
        %sub3A_1491 = arith.subf %add3A_1489, %mul3A_1490 : vector<16xf32>
        %mul3A_1492 = arith.mulf %get3A_1475, %mul3A_355 : vector<16xf32>
        %sub3A_1493 = arith.subf %sub3A_1491, %mul3A_1492 : vector<16xf32>
        %exp3A_1494 = math.exp %sub3A_1493 : vector<16xf32>
        %add3A_1495 = arith.addf %add3A_1405, %exp3A_1494 : vector<16xf32>
        %mul3A_1496 = arith.mulf %get3A_1469, %select_n3A_518 : vector<16xf32>
        %add3A_1497 = arith.addf %get3A_1467, %mul3A_1496 : vector<16xf32>
        %mul3A_1498 = arith.mulf %get3A_1471, %select_n3A_522 : vector<16xf32>
        %add3A_1499 = arith.addf %add3A_1497, %mul3A_1498 : vector<16xf32>
        %mul3A_1500 = arith.mulf %get3A_1473, %mul3A_523 : vector<16xf32>
        %sub3A_1501 = arith.subf %add3A_1499, %mul3A_1500 : vector<16xf32>
        %mul3A_1502 = arith.mulf %get3A_1475, %mul3A_524 : vector<16xf32>
        %sub3A_1503 = arith.subf %sub3A_1501, %mul3A_1502 : vector<16xf32>
        %exp3A_1504 = math.exp %sub3A_1503 : vector<16xf32>
        %add3A_1505 = arith.addf %add3A_1415, %exp3A_1504 : vector<16xf32>
        %mul3A_1506 = arith.mulf %get3A_1469, %select_n3A_687 : vector<16xf32>
        %add3A_1507 = arith.addf %get3A_1467, %mul3A_1506 : vector<16xf32>
        %mul3A_1508 = arith.mulf %get3A_1471, %select_n3A_691 : vector<16xf32>
        %add3A_1509 = arith.addf %add3A_1507, %mul3A_1508 : vector<16xf32>
        %mul3A_1510 = arith.mulf %get3A_1473, %mul3A_692 : vector<16xf32>
        %sub3A_1511 = arith.subf %add3A_1509, %mul3A_1510 : vector<16xf32>
        %mul3A_1512 = arith.mulf %get3A_1475, %mul3A_693 : vector<16xf32>
        %sub3A_1513 = arith.subf %sub3A_1511, %mul3A_1512 : vector<16xf32>
        %exp3A_1514 = math.exp %sub3A_1513 : vector<16xf32>
        %add3A_1515 = arith.addf %add3A_1425, %exp3A_1514 : vector<16xf32>
        %mul3A_1516 = arith.mulf %get3A_1469, %select_n3A_856 : vector<16xf32>
        %add3A_1517 = arith.addf %get3A_1467, %mul3A_1516 : vector<16xf32>
        %mul3A_1518 = arith.mulf %get3A_1471, %select_n3A_860 : vector<16xf32>
        %add3A_1519 = arith.addf %add3A_1517, %mul3A_1518 : vector<16xf32>
        %mul3A_1520 = arith.mulf %get3A_1473, %mul3A_861 : vector<16xf32>
        %sub3A_1521 = arith.subf %add3A_1519, %mul3A_1520 : vector<16xf32>
        %mul3A_1522 = arith.mulf %get3A_1475, %mul3A_862 : vector<16xf32>
        %sub3A_1523 = arith.subf %sub3A_1521, %mul3A_1522 : vector<16xf32>
        %exp3A_1524 = math.exp %sub3A_1523 : vector<16xf32>
        %add3A_1525 = arith.addf %add3A_1435, %exp3A_1524 : vector<16xf32>
        %mul3A_1526 = arith.mulf %get3A_1469, %select_n3A_1025 : vector<16xf32>
        %add3A_1527 = arith.addf %get3A_1467, %mul3A_1526 : vector<16xf32>
        %mul3A_1528 = arith.mulf %get3A_1471, %select_n3A_1029 : vector<16xf32>
        %add3A_1529 = arith.addf %add3A_1527, %mul3A_1528 : vector<16xf32>
        %mul3A_1530 = arith.mulf %get3A_1473, %mul3A_1030 : vector<16xf32>
        %sub3A_1531 = arith.subf %add3A_1529, %mul3A_1530 : vector<16xf32>
        %mul3A_1532 = arith.mulf %get3A_1475, %mul3A_1031 : vector<16xf32>
        %sub3A_1533 = arith.subf %sub3A_1531, %mul3A_1532 : vector<16xf32>
        %exp3A_1534 = math.exp %sub3A_1533 : vector<16xf32>
        %add3A_1535 = arith.addf %add3A_1445, %exp3A_1534 : vector<16xf32>
        %mul3A_1536 = arith.mulf %get3A_1469, %select_n3A_1194 : vector<16xf32>
        %add3A_1537 = arith.addf %get3A_1467, %mul3A_1536 : vector<16xf32>
        %mul3A_1538 = arith.mulf %get3A_1471, %select_n3A_1198 : vector<16xf32>
        %add3A_1539 = arith.addf %add3A_1537, %mul3A_1538 : vector<16xf32>
        %mul3A_1540 = arith.mulf %get3A_1473, %mul3A_1199 : vector<16xf32>
        %sub3A_1541 = arith.subf %add3A_1539, %mul3A_1540 : vector<16xf32>
        %mul3A_1542 = arith.mulf %get3A_1475, %mul3A_1200 : vector<16xf32>
        %sub3A_1543 = arith.subf %sub3A_1541, %mul3A_1542 : vector<16xf32>
        %exp3A_1544 = math.exp %sub3A_1543 : vector<16xf32>
        %add3A_1545 = arith.addf %add3A_1455, %exp3A_1544 : vector<16xf32>
        %mul3A_1546 = arith.mulf %get3A_1469, %select_n3A_1363 : vector<16xf32>
        %add3A_1547 = arith.addf %get3A_1467, %mul3A_1546 : vector<16xf32>
        %mul3A_1548 = arith.mulf %get3A_1471, %select_n3A_1367 : vector<16xf32>
        %add3A_1549 = arith.addf %add3A_1547, %mul3A_1548 : vector<16xf32>
        %mul3A_1550 = arith.mulf %get3A_1473, %mul3A_1368 : vector<16xf32>
        %sub3A_1551 = arith.subf %add3A_1549, %mul3A_1550 : vector<16xf32>
        %mul3A_1552 = arith.mulf %get3A_1475, %mul3A_1369 : vector<16xf32>
        %sub3A_1553 = arith.subf %sub3A_1551, %mul3A_1552 : vector<16xf32>
        %exp3A_1554 = math.exp %sub3A_1553 : vector<16xf32>
        %add3A_1555 = arith.addf %add3A_1465, %exp3A_1554 : vector<16xf32>
        %get3A_1556 = arith.constant 160 : index
        %get3A_1557 = tpu.vector_load %arg9[%get3A_1556] {strides = array<i32>} : memref<1408xf32, #tpu.memory_space<vmem>>, vector<16xf32>,
        %get3A_1558 = arith.constant 416 : index
        %get3A_1559 = tpu.vector_load %arg9[%get3A_1558] {strides = array<i32>} : memref<1408xf32, #tpu.memory_space<vmem>>, vector<16xf32>,
        %get3A_1560 = arith.constant 672 : index
        %get3A_1561 = tpu.vector_load %arg9[%get3A_1560] {strides = array<i32>} : memref<1408xf32, #tpu.memory_space<vmem>>, vector<16xf32>,
        %get3A_1562 = arith.constant 928 : index
        %get3A_1563 = tpu.vector_load %arg9[%get3A_1562] {strides = array<i32>} : memref<1408xf32, #tpu.memory_space<vmem>>, vector<16xf32>,
        %get3A_1564 = arith.constant 1184 : index
        %get3A_1565 = tpu.vector_load %arg9[%get3A_1564] {strides = array<i32>} : memref<1408xf32, #tpu.memory_space<vmem>>, vector<16xf32>,
        %mul3A_1566 = arith.mulf %get3A_1559, %select_n3A_182 : vector<16xf32>
        %add3A_1567 = arith.addf %get3A_1557, %mul3A_1566 : vector<16xf32>
        %mul3A_1568 = arith.mulf %get3A_1561, %select_n3A_186 : vector<16xf32>
        %add3A_1569 = arith.addf %add3A_1567, %mul3A_1568 : vector<16xf32>
        %mul3A_1570 = arith.mulf %get3A_1563, %mul3A_187 : vector<16xf32>
        %sub3A_1571 = arith.subf %add3A_1569, %mul3A_1570 : vector<16xf32>
        %mul3A_1572 = arith.mulf %get3A_1565, %mul3A_188 : vector<16xf32>
        %sub3A_1573 = arith.subf %sub3A_1571, %mul3A_1572 : vector<16xf32>
        %exp3A_1574 = math.exp %sub3A_1573 : vector<16xf32>
        %add3A_1575 = arith.addf %add3A_1485, %exp3A_1574 : vector<16xf32>
        %mul3A_1576 = arith.mulf %get3A_1559, %select_n3A_349 : vector<16xf32>
        %add3A_1577 = arith.addf %get3A_1557, %mul3A_1576 : vector<16xf32>
        %mul3A_1578 = arith.mulf %get3A_1561, %select_n3A_353 : vector<16xf32>
        %add3A_1579 = arith.addf %add3A_1577, %mul3A_1578 : vector<16xf32>
        %mul3A_1580 = arith.mulf %get3A_1563, %mul3A_354 : vector<16xf32>
        %sub3A_1581 = arith.subf %add3A_1579, %mul3A_1580 : vector<16xf32>
        %mul3A_1582 = arith.mulf %get3A_1565, %mul3A_355 : vector<16xf32>
        %sub3A_1583 = arith.subf %sub3A_1581, %mul3A_1582 : vector<16xf32>
        %exp3A_1584 = math.exp %sub3A_1583 : vector<16xf32>
        %add3A_1585 = arith.addf %add3A_1495, %exp3A_1584 : vector<16xf32>
        %mul3A_1586 = arith.mulf %get3A_1559, %select_n3A_518 : vector<16xf32>
        %add3A_1587 = arith.addf %get3A_1557, %mul3A_1586 : vector<16xf32>
        %mul3A_1588 = arith.mulf %get3A_1561, %select_n3A_522 : vector<16xf32>
        %add3A_1589 = arith.addf %add3A_1587, %mul3A_1588 : vector<16xf32>
        %mul3A_1590 = arith.mulf %get3A_1563, %mul3A_523 : vector<16xf32>
        %sub3A_1591 = arith.subf %add3A_1589, %mul3A_1590 : vector<16xf32>
        %mul3A_1592 = arith.mulf %get3A_1565, %mul3A_524 : vector<16xf32>
        %sub3A_1593 = arith.subf %sub3A_1591, %mul3A_1592 : vector<16xf32>
        %exp3A_1594 = math.exp %sub3A_1593 : vector<16xf32>
        %add3A_1595 = arith.addf %add3A_1505, %exp3A_1594 : vector<16xf32>
        %mul3A_1596 = arith.mulf %get3A_1559, %select_n3A_687 : vector<16xf32>
        %add3A_1597 = arith.addf %get3A_1557, %mul3A_1596 : vector<16xf32>
        %mul3A_1598 = arith.mulf %get3A_1561, %select_n3A_691 : vector<16xf32>
        %add3A_1599 = arith.addf %add3A_1597, %mul3A_1598 : vector<16xf32>
        %mul3A_1600 = arith.mulf %get3A_1563, %mul3A_692 : vector<16xf32>
        %sub3A_1601 = arith.subf %add3A_1599, %mul3A_1600 : vector<16xf32>
        %mul3A_1602 = arith.mulf %get3A_1565, %mul3A_693 : vector<16xf32>
        %sub3A_1603 = arith.subf %sub3A_1601, %mul3A_1602 : vector<16xf32>
        %exp3A_1604 = math.exp %sub3A_1603 : vector<16xf32>
        %add3A_1605 = arith.addf %add3A_1515, %exp3A_1604 : vector<16xf32>
        %mul3A_1606 = arith.mulf %get3A_1559, %select_n3A_856 : vector<16xf32>
        %add3A_1607 = arith.addf %get3A_1557, %mul3A_1606 : vector<16xf32>
        %mul3A_1608 = arith.mulf %get3A_1561, %select_n3A_860 : vector<16xf32>
        %add3A_1609 = arith.addf %add3A_1607, %mul3A_1608 : vector<16xf32>
        %mul3A_1610 = arith.mulf %get3A_1563, %mul3A_861 : vector<16xf32>
        %sub3A_1611 = arith.subf %add3A_1609, %mul3A_1610 : vector<16xf32>
        %mul3A_1612 = arith.mulf %get3A_1565, %mul3A_862 : vector<16xf32>
        %sub3A_1613 = arith.subf %sub3A_1611, %mul3A_1612 : vector<16xf32>
        %exp3A_1614 = math.exp %sub3A_1613 : vector<16xf32>
        %add3A_1615 = arith.addf %add3A_1525, %exp3A_1614 : vector<16xf32>
        %mul3A_1616 = arith.mulf %get3A_1559, %select_n3A_1025 : vector<16xf32>
        %add3A_1617 = arith.addf %get3A_1557, %mul3A_1616 : vector<16xf32>
        %mul3A_1618 = arith.mulf %get3A_1561, %select_n3A_1029 : vector<16xf32>
        %add3A_1619 = arith.addf %add3A_1617, %mul3A_1618 : vector<16xf32>
        %mul3A_1620 = arith.mulf %get3A_1563, %mul3A_1030 : vector<16xf32>
        %sub3A_1621 = arith.subf %add3A_1619, %mul3A_1620 : vector<16xf32>
        %mul3A_1622 = arith.mulf %get3A_1565, %mul3A_1031 : vector<16xf32>
        %sub3A_1623 = arith.subf %sub3A_1621, %mul3A_1622 : vector<16xf32>
        %exp3A_1624 = math.exp %sub3A_1623 : vector<16xf32>
        %add3A_1625 = arith.addf %add3A_1535, %exp3A_1624 : vector<16xf32>
        %mul3A_1626 = arith.mulf %get3A_1559, %select_n3A_1194 : vector<16xf32>
        %add3A_1627 = arith.addf %get3A_1557, %mul3A_1626 : vector<16xf32>
        %mul3A_1628 = arith.mulf %get3A_1561, %select_n3A_1198 : vector<16xf32>
        %add3A_1629 = arith.addf %add3A_1627, %mul3A_1628 : vector<16xf32>
        %mul3A_1630 = arith.mulf %get3A_1563, %mul3A_1199 : vector<16xf32>
        %sub3A_1631 = arith.subf %add3A_1629, %mul3A_1630 : vector<16xf32>
        %mul3A_1632 = arith.mulf %get3A_1565, %mul3A_1200 : vector<16xf32>
        %sub3A_1633 = arith.subf %sub3A_1631, %mul3A_1632 : vector<16xf32>
        %exp3A_1634 = math.exp %sub3A_1633 : vector<16xf32>
        %add3A_1635 = arith.addf %add3A_1545, %exp3A_1634 : vector<16xf32>
        %mul3A_1636 = arith.mulf %get3A_1559, %select_n3A_1363 : vector<16xf32>
        %add3A_1637 = arith.addf %get3A_1557, %mul3A_1636 : vector<16xf32>
        %mul3A_1638 = arith.mulf %get3A_1561, %select_n3A_1367 : vector<16xf32>
        %add3A_1639 = arith.addf %add3A_1637, %mul3A_1638 : vector<16xf32>
        %mul3A_1640 = arith.mulf %get3A_1563, %mul3A_1368 : vector<16xf32>
        %sub3A_1641 = arith.subf %add3A_1639, %mul3A_1640 : vector<16xf32>
        %mul3A_1642 = arith.mulf %get3A_1565, %mul3A_1369 : vector<16xf32>
        %sub3A_1643 = arith.subf %sub3A_1641, %mul3A_1642 : vector<16xf32>
        %exp3A_1644 = math.exp %sub3A_1643 : vector<16xf32>
        %add3A_1645 = arith.addf %add3A_1555, %exp3A_1644 : vector<16xf32>
        %get3A_1646 = arith.constant 176 : index
        %get3A_1647 = tpu.vector_load %arg9[%get3A_1646] {strides = array<i32>} : memref<1408xf32, #tpu.memory_space<vmem>>, vector<16xf32>,
        %get3A_1648 = arith.constant 432 : index
        %get3A_1649 = tpu.vector_load %arg9[%get3A_1648] {strides = array<i32>} : memref<1408xf32, #tpu.memory_space<vmem>>, vector<16xf32>,
        %get3A_1650 = arith.constant 688 : index
        %get3A_1651 = tpu.vector_load %arg9[%get3A_1650] {strides = array<i32>} : memref<1408xf32, #tpu.memory_space<vmem>>, vector<16xf32>,
        %get3A_1652 = arith.constant 944 : index
        %get3A_1653 = tpu.vector_load %arg9[%get3A_1652] {strides = array<i32>} : memref<1408xf32, #tpu.memory_space<vmem>>, vector<16xf32>,
        %get3A_1654 = arith.constant 1200 : index
        %get3A_1655 = tpu.vector_load %arg9[%get3A_1654] {strides = array<i32>} : memref<1408xf32, #tpu.memory_space<vmem>>, vector<16xf32>,
        %mul3A_1656 = arith.mulf %get3A_1649, %select_n3A_182 : vector<16xf32>
        %add3A_1657 = arith.addf %get3A_1647, %mul3A_1656 : vector<16xf32>
        %mul3A_1658 = arith.mulf %get3A_1651, %select_n3A_186 : vector<16xf32>
        %add3A_1659 = arith.addf %add3A_1657, %mul3A_1658 : vector<16xf32>
        %mul3A_1660 = arith.mulf %get3A_1653, %mul3A_187 : vector<16xf32>
        %sub3A_1661 = arith.subf %add3A_1659, %mul3A_1660 : vector<16xf32>
        %mul3A_1662 = arith.mulf %get3A_1655, %mul3A_188 : vector<16xf32>
        %sub3A_1663 = arith.subf %sub3A_1661, %mul3A_1662 : vector<16xf32>
        %exp3A_1664 = math.exp %sub3A_1663 : vector<16xf32>
        %add3A_1665 = arith.addf %add3A_1575, %exp3A_1664 : vector<16xf32>
        %mul3A_1666 = arith.mulf %get3A_1649, %select_n3A_349 : vector<16xf32>
        %add3A_1667 = arith.addf %get3A_1647, %mul3A_1666 : vector<16xf32>
        %mul3A_1668 = arith.mulf %get3A_1651, %select_n3A_353 : vector<16xf32>
        %add3A_1669 = arith.addf %add3A_1667, %mul3A_1668 : vector<16xf32>
        %mul3A_1670 = arith.mulf %get3A_1653, %mul3A_354 : vector<16xf32>
        %sub3A_1671 = arith.subf %add3A_1669, %mul3A_1670 : vector<16xf32>
        %mul3A_1672 = arith.mulf %get3A_1655, %mul3A_355 : vector<16xf32>
        %sub3A_1673 = arith.subf %sub3A_1671, %mul3A_1672 : vector<16xf32>
        %exp3A_1674 = math.exp %sub3A_1673 : vector<16xf32>
        %add3A_1675 = arith.addf %add3A_1585, %exp3A_1674 : vector<16xf32>
        %mul3A_1676 = arith.mulf %get3A_1649, %select_n3A_518 : vector<16xf32>
        %add3A_1677 = arith.addf %get3A_1647, %mul3A_1676 : vector<16xf32>
        %mul3A_1678 = arith.mulf %get3A_1651, %select_n3A_522 : vector<16xf32>
        %add3A_1679 = arith.addf %add3A_1677, %mul3A_1678 : vector<16xf32>
        %mul3A_1680 = arith.mulf %get3A_1653, %mul3A_523 : vector<16xf32>
        %sub3A_1681 = arith.subf %add3A_1679, %mul3A_1680 : vector<16xf32>
        %mul3A_1682 = arith.mulf %get3A_1655, %mul3A_524 : vector<16xf32>
        %sub3A_1683 = arith.subf %sub3A_1681, %mul3A_1682 : vector<16xf32>
        %exp3A_1684 = math.exp %sub3A_1683 : vector<16xf32>
        %add3A_1685 = arith.addf %add3A_1595, %exp3A_1684 : vector<16xf32>
        %mul3A_1686 = arith.mulf %get3A_1649, %select_n3A_687 : vector<16xf32>
        %add3A_1687 = arith.addf %get3A_1647, %mul3A_1686 : vector<16xf32>
        %mul3A_1688 = arith.mulf %get3A_1651, %select_n3A_691 : vector<16xf32>
        %add3A_1689 = arith.addf %add3A_1687, %mul3A_1688 : vector<16xf32>
        %mul3A_1690 = arith.mulf %get3A_1653, %mul3A_692 : vector<16xf32>
        %sub3A_1691 = arith.subf %add3A_1689, %mul3A_1690 : vector<16xf32>
        %mul3A_1692 = arith.mulf %get3A_1655, %mul3A_693 : vector<16xf32>
        %sub3A_1693 = arith.subf %sub3A_1691, %mul3A_1692 : vector<16xf32>
        %exp3A_1694 = math.exp %sub3A_1693 : vector<16xf32>
        %add3A_1695 = arith.addf %add3A_1605, %exp3A_1694 : vector<16xf32>
        %mul3A_1696 = arith.mulf %get3A_1649, %select_n3A_856 : vector<16xf32>
        %add3A_1697 = arith.addf %get3A_1647, %mul3A_1696 : vector<16xf32>
        %mul3A_1698 = arith.mulf %get3A_1651, %select_n3A_860 : vector<16xf32>
        %add3A_1699 = arith.addf %add3A_1697, %mul3A_1698 : vector<16xf32>
        %mul3A_1700 = arith.mulf %get3A_1653, %mul3A_861 : vector<16xf32>
        %sub3A_1701 = arith.subf %add3A_1699, %mul3A_1700 : vector<16xf32>
        %mul3A_1702 = arith.mulf %get3A_1655, %mul3A_862 : vector<16xf32>
        %sub3A_1703 = arith.subf %sub3A_1701, %mul3A_1702 : vector<16xf32>
        %exp3A_1704 = math.exp %sub3A_1703 : vector<16xf32>
        %add3A_1705 = arith.addf %add3A_1615, %exp3A_1704 : vector<16xf32>
        %mul3A_1706 = arith.mulf %get3A_1649, %select_n3A_1025 : vector<16xf32>
        %add3A_1707 = arith.addf %get3A_1647, %mul3A_1706 : vector<16xf32>
        %mul3A_1708 = arith.mulf %get3A_1651, %select_n3A_1029 : vector<16xf32>
        %add3A_1709 = arith.addf %add3A_1707, %mul3A_1708 : vector<16xf32>
        %mul3A_1710 = arith.mulf %get3A_1653, %mul3A_1030 : vector<16xf32>
        %sub3A_1711 = arith.subf %add3A_1709, %mul3A_1710 : vector<16xf32>
        %mul3A_1712 = arith.mulf %get3A_1655, %mul3A_1031 : vector<16xf32>
        %sub3A_1713 = arith.subf %sub3A_1711, %mul3A_1712 : vector<16xf32>
        %exp3A_1714 = math.exp %sub3A_1713 : vector<16xf32>
        %add3A_1715 = arith.addf %add3A_1625, %exp3A_1714 : vector<16xf32>
        %mul3A_1716 = arith.mulf %get3A_1649, %select_n3A_1194 : vector<16xf32>
        %add3A_1717 = arith.addf %get3A_1647, %mul3A_1716 : vector<16xf32>
        %mul3A_1718 = arith.mulf %get3A_1651, %select_n3A_1198 : vector<16xf32>
        %add3A_1719 = arith.addf %add3A_1717, %mul3A_1718 : vector<16xf32>
        %mul3A_1720 = arith.mulf %get3A_1653, %mul3A_1199 : vector<16xf32>
        %sub3A_1721 = arith.subf %add3A_1719, %mul3A_1720 : vector<16xf32>
        %mul3A_1722 = arith.mulf %get3A_1655, %mul3A_1200 : vector<16xf32>
        %sub3A_1723 = arith.subf %sub3A_1721, %mul3A_1722 : vector<16xf32>
        %exp3A_1724 = math.exp %sub3A_1723 : vector<16xf32>
        %add3A_1725 = arith.addf %add3A_1635, %exp3A_1724 : vector<16xf32>
        %mul3A_1726 = arith.mulf %get3A_1649, %select_n3A_1363 : vector<16xf32>
        %add3A_1727 = arith.addf %get3A_1647, %mul3A_1726 : vector<16xf32>
        %mul3A_1728 = arith.mulf %get3A_1651, %select_n3A_1367 : vector<16xf32>
        %add3A_1729 = arith.addf %add3A_1727, %mul3A_1728 : vector<16xf32>
        %mul3A_1730 = arith.mulf %get3A_1653, %mul3A_1368 : vector<16xf32>
        %sub3A_1731 = arith.subf %add3A_1729, %mul3A_1730 : vector<16xf32>
        %mul3A_1732 = arith.mulf %get3A_1655, %mul3A_1369 : vector<16xf32>
        %sub3A_1733 = arith.subf %sub3A_1731, %mul3A_1732 : vector<16xf32>
        %exp3A_1734 = math.exp %sub3A_1733 : vector<16xf32>
        %add3A_1735 = arith.addf %add3A_1645, %exp3A_1734 : vector<16xf32>
        %get3A_1736 = arith.constant 192 : index
        %get3A_1737 = tpu.vector_load %arg9[%get3A_1736] {strides = array<i32>} : memref<1408xf32, #tpu.memory_space<vmem>>, vector<16xf32>,
        %get3A_1738 = arith.constant 448 : index
        %get3A_1739 = tpu.vector_load %arg9[%get3A_1738] {strides = array<i32>} : memref<1408xf32, #tpu.memory_space<vmem>>, vector<16xf32>,
        %get3A_1740 = arith.constant 704 : index
        %get3A_1741 = tpu.vector_load %arg9[%get3A_1740] {strides = array<i32>} : memref<1408xf32, #tpu.memory_space<vmem>>, vector<16xf32>,
        %get3A_1742 = arith.constant 960 : index
        %get3A_1743 = tpu.vector_load %arg9[%get3A_1742] {strides = array<i32>} : memref<1408xf32, #tpu.memory_space<vmem>>, vector<16xf32>,
        %get3A_1744 = arith.constant 1216 : index
        %get3A_1745 = tpu.vector_load %arg9[%get3A_1744] {strides = array<i32>} : memref<1408xf32, #tpu.memory_space<vmem>>, vector<16xf32>,
        %mul3A_1746 = arith.mulf %get3A_1739, %select_n3A_182 : vector<16xf32>
        %add3A_1747 = arith.addf %get3A_1737, %mul3A_1746 : vector<16xf32>
        %mul3A_1748 = arith.mulf %get3A_1741, %select_n3A_186 : vector<16xf32>
        %add3A_1749 = arith.addf %add3A_1747, %mul3A_1748 : vector<16xf32>
        %mul3A_1750 = arith.mulf %get3A_1743, %mul3A_187 : vector<16xf32>
        %sub3A_1751 = arith.subf %add3A_1749, %mul3A_1750 : vector<16xf32>
        %mul3A_1752 = arith.mulf %get3A_1745, %mul3A_188 : vector<16xf32>
        %sub3A_1753 = arith.subf %sub3A_1751, %mul3A_1752 : vector<16xf32>
        %exp3A_1754 = math.exp %sub3A_1753 : vector<16xf32>
        %add3A_1755 = arith.addf %add3A_1665, %exp3A_1754 : vector<16xf32>
        %mul3A_1756 = arith.mulf %get3A_1739, %select_n3A_349 : vector<16xf32>
        %add3A_1757 = arith.addf %get3A_1737, %mul3A_1756 : vector<16xf32>
        %mul3A_1758 = arith.mulf %get3A_1741, %select_n3A_353 : vector<16xf32>
        %add3A_1759 = arith.addf %add3A_1757, %mul3A_1758 : vector<16xf32>
        %mul3A_1760 = arith.mulf %get3A_1743, %mul3A_354 : vector<16xf32>
        %sub3A_1761 = arith.subf %add3A_1759, %mul3A_1760 : vector<16xf32>
        %mul3A_1762 = arith.mulf %get3A_1745, %mul3A_355 : vector<16xf32>
        %sub3A_1763 = arith.subf %sub3A_1761, %mul3A_1762 : vector<16xf32>
        %exp3A_1764 = math.exp %sub3A_1763 : vector<16xf32>
        %add3A_1765 = arith.addf %add3A_1675, %exp3A_1764 : vector<16xf32>
        %mul3A_1766 = arith.mulf %get3A_1739, %select_n3A_518 : vector<16xf32>
        %add3A_1767 = arith.addf %get3A_1737, %mul3A_1766 : vector<16xf32>
        %mul3A_1768 = arith.mulf %get3A_1741, %select_n3A_522 : vector<16xf32>
        %add3A_1769 = arith.addf %add3A_1767, %mul3A_1768 : vector<16xf32>
        %mul3A_1770 = arith.mulf %get3A_1743, %mul3A_523 : vector<16xf32>
        %sub3A_1771 = arith.subf %add3A_1769, %mul3A_1770 : vector<16xf32>
        %mul3A_1772 = arith.mulf %get3A_1745, %mul3A_524 : vector<16xf32>
        %sub3A_1773 = arith.subf %sub3A_1771, %mul3A_1772 : vector<16xf32>
        %exp3A_1774 = math.exp %sub3A_1773 : vector<16xf32>
        %add3A_1775 = arith.addf %add3A_1685, %exp3A_1774 : vector<16xf32>
        %mul3A_1776 = arith.mulf %get3A_1739, %select_n3A_687 : vector<16xf32>
        %add3A_1777 = arith.addf %get3A_1737, %mul3A_1776 : vector<16xf32>
        %mul3A_1778 = arith.mulf %get3A_1741, %select_n3A_691 : vector<16xf32>
        %add3A_1779 = arith.addf %add3A_1777, %mul3A_1778 : vector<16xf32>
        %mul3A_1780 = arith.mulf %get3A_1743, %mul3A_692 : vector<16xf32>
        %sub3A_1781 = arith.subf %add3A_1779, %mul3A_1780 : vector<16xf32>
        %mul3A_1782 = arith.mulf %get3A_1745, %mul3A_693 : vector<16xf32>
        %sub3A_1783 = arith.subf %sub3A_1781, %mul3A_1782 : vector<16xf32>
        %exp3A_1784 = math.exp %sub3A_1783 : vector<16xf32>
        %add3A_1785 = arith.addf %add3A_1695, %exp3A_1784 : vector<16xf32>
        %mul3A_1786 = arith.mulf %get3A_1739, %select_n3A_856 : vector<16xf32>
        %add3A_1787 = arith.addf %get3A_1737, %mul3A_1786 : vector<16xf32>
        %mul3A_1788 = arith.mulf %get3A_1741, %select_n3A_860 : vector<16xf32>
        %add3A_1789 = arith.addf %add3A_1787, %mul3A_1788 : vector<16xf32>
        %mul3A_1790 = arith.mulf %get3A_1743, %mul3A_861 : vector<16xf32>
        %sub3A_1791 = arith.subf %add3A_1789, %mul3A_1790 : vector<16xf32>
        %mul3A_1792 = arith.mulf %get3A_1745, %mul3A_862 : vector<16xf32>
        %sub3A_1793 = arith.subf %sub3A_1791, %mul3A_1792 : vector<16xf32>
        %exp3A_1794 = math.exp %sub3A_1793 : vector<16xf32>
        %add3A_1795 = arith.addf %add3A_1705, %exp3A_1794 : vector<16xf32>
        %mul3A_1796 = arith.mulf %get3A_1739, %select_n3A_1025 : vector<16xf32>
        %add3A_1797 = arith.addf %get3A_1737, %mul3A_1796 : vector<16xf32>
        %mul3A_1798 = arith.mulf %get3A_1741, %select_n3A_1029 : vector<16xf32>
        %add3A_1799 = arith.addf %add3A_1797, %mul3A_1798 : vector<16xf32>
        %mul3A_1800 = arith.mulf %get3A_1743, %mul3A_1030 : vector<16xf32>
        %sub3A_1801 = arith.subf %add3A_1799, %mul3A_1800 : vector<16xf32>
        %mul3A_1802 = arith.mulf %get3A_1745, %mul3A_1031 : vector<16xf32>
        %sub3A_1803 = arith.subf %sub3A_1801, %mul3A_1802 : vector<16xf32>
        %exp3A_1804 = math.exp %sub3A_1803 : vector<16xf32>
        %add3A_1805 = arith.addf %add3A_1715, %exp3A_1804 : vector<16xf32>
        %mul3A_1806 = arith.mulf %get3A_1739, %select_n3A_1194 : vector<16xf32>
        %add3A_1807 = arith.addf %get3A_1737, %mul3A_1806 : vector<16xf32>
        %mul3A_1808 = arith.mulf %get3A_1741, %select_n3A_1198 : vector<16xf32>
        %add3A_1809 = arith.addf %add3A_1807, %mul3A_1808 : vector<16xf32>
        %mul3A_1810 = arith.mulf %get3A_1743, %mul3A_1199 : vector<16xf32>
        %sub3A_1811 = arith.subf %add3A_1809, %mul3A_1810 : vector<16xf32>
        %mul3A_1812 = arith.mulf %get3A_1745, %mul3A_1200 : vector<16xf32>
        %sub3A_1813 = arith.subf %sub3A_1811, %mul3A_1812 : vector<16xf32>
        %exp3A_1814 = math.exp %sub3A_1813 : vector<16xf32>
        %add3A_1815 = arith.addf %add3A_1725, %exp3A_1814 : vector<16xf32>
        %mul3A_1816 = arith.mulf %get3A_1739, %select_n3A_1363 : vector<16xf32>
        %add3A_1817 = arith.addf %get3A_1737, %mul3A_1816 : vector<16xf32>
        %mul3A_1818 = arith.mulf %get3A_1741, %select_n3A_1367 : vector<16xf32>
        %add3A_1819 = arith.addf %add3A_1817, %mul3A_1818 : vector<16xf32>
        %mul3A_1820 = arith.mulf %get3A_1743, %mul3A_1368 : vector<16xf32>
        %sub3A_1821 = arith.subf %add3A_1819, %mul3A_1820 : vector<16xf32>
        %mul3A_1822 = arith.mulf %get3A_1745, %mul3A_1369 : vector<16xf32>
        %sub3A_1823 = arith.subf %sub3A_1821, %mul3A_1822 : vector<16xf32>
        %exp3A_1824 = math.exp %sub3A_1823 : vector<16xf32>
        %add3A_1825 = arith.addf %add3A_1735, %exp3A_1824 : vector<16xf32>
        %get3A_1826 = arith.constant 208 : index
        %get3A_1827 = tpu.vector_load %arg9[%get3A_1826] {strides = array<i32>} : memref<1408xf32, #tpu.memory_space<vmem>>, vector<16xf32>,
        %get3A_1828 = arith.constant 464 : index
        %get3A_1829 = tpu.vector_load %arg9[%get3A_1828] {strides = array<i32>} : memref<1408xf32, #tpu.memory_space<vmem>>, vector<16xf32>,
        %get3A_1830 = arith.constant 720 : index
        %get3A_1831 = tpu.vector_load %arg9[%get3A_1830] {strides = array<i32>} : memref<1408xf32, #tpu.memory_space<vmem>>, vector<16xf32>,
        %get3A_1832 = arith.constant 976 : index
        %get3A_1833 = tpu.vector_load %arg9[%get3A_1832] {strides = array<i32>} : memref<1408xf32, #tpu.memory_space<vmem>>, vector<16xf32>,
        %get3A_1834 = arith.constant 1232 : index
        %get3A_1835 = tpu.vector_load %arg9[%get3A_1834] {strides = array<i32>} : memref<1408xf32, #tpu.memory_space<vmem>>, vector<16xf32>,
        %mul3A_1836 = arith.mulf %get3A_1829, %select_n3A_182 : vector<16xf32>
        %add3A_1837 = arith.addf %get3A_1827, %mul3A_1836 : vector<16xf32>
        %mul3A_1838 = arith.mulf %get3A_1831, %select_n3A_186 : vector<16xf32>
        %add3A_1839 = arith.addf %add3A_1837, %mul3A_1838 : vector<16xf32>
        %mul3A_1840 = arith.mulf %get3A_1833, %mul3A_187 : vector<16xf32>
        %sub3A_1841 = arith.subf %add3A_1839, %mul3A_1840 : vector<16xf32>
        %mul3A_1842 = arith.mulf %get3A_1835, %mul3A_188 : vector<16xf32>
        %sub3A_1843 = arith.subf %sub3A_1841, %mul3A_1842 : vector<16xf32>
        %exp3A_1844 = math.exp %sub3A_1843 : vector<16xf32>
        %add3A_1845 = arith.addf %add3A_1755, %exp3A_1844 : vector<16xf32>
        %mul3A_1846 = arith.mulf %get3A_1829, %select_n3A_349 : vector<16xf32>
        %add3A_1847 = arith.addf %get3A_1827, %mul3A_1846 : vector<16xf32>
        %mul3A_1848 = arith.mulf %get3A_1831, %select_n3A_353 : vector<16xf32>
        %add3A_1849 = arith.addf %add3A_1847, %mul3A_1848 : vector<16xf32>
        %mul3A_1850 = arith.mulf %get3A_1833, %mul3A_354 : vector<16xf32>
        %sub3A_1851 = arith.subf %add3A_1849, %mul3A_1850 : vector<16xf32>
        %mul3A_1852 = arith.mulf %get3A_1835, %mul3A_355 : vector<16xf32>
        %sub3A_1853 = arith.subf %sub3A_1851, %mul3A_1852 : vector<16xf32>
        %exp3A_1854 = math.exp %sub3A_1853 : vector<16xf32>
        %add3A_1855 = arith.addf %add3A_1765, %exp3A_1854 : vector<16xf32>
        %mul3A_1856 = arith.mulf %get3A_1829, %select_n3A_518 : vector<16xf32>
        %add3A_1857 = arith.addf %get3A_1827, %mul3A_1856 : vector<16xf32>
        %mul3A_1858 = arith.mulf %get3A_1831, %select_n3A_522 : vector<16xf32>
        %add3A_1859 = arith.addf %add3A_1857, %mul3A_1858 : vector<16xf32>
        %mul3A_1860 = arith.mulf %get3A_1833, %mul3A_523 : vector<16xf32>
        %sub3A_1861 = arith.subf %add3A_1859, %mul3A_1860 : vector<16xf32>
        %mul3A_1862 = arith.mulf %get3A_1835, %mul3A_524 : vector<16xf32>
        %sub3A_1863 = arith.subf %sub3A_1861, %mul3A_1862 : vector<16xf32>
        %exp3A_1864 = math.exp %sub3A_1863 : vector<16xf32>
        %add3A_1865 = arith.addf %add3A_1775, %exp3A_1864 : vector<16xf32>
        %mul3A_1866 = arith.mulf %get3A_1829, %select_n3A_687 : vector<16xf32>
        %add3A_1867 = arith.addf %get3A_1827, %mul3A_1866 : vector<16xf32>
        %mul3A_1868 = arith.mulf %get3A_1831, %select_n3A_691 : vector<16xf32>
        %add3A_1869 = arith.addf %add3A_1867, %mul3A_1868 : vector<16xf32>
        %mul3A_1870 = arith.mulf %get3A_1833, %mul3A_692 : vector<16xf32>
        %sub3A_1871 = arith.subf %add3A_1869, %mul3A_1870 : vector<16xf32>
        %mul3A_1872 = arith.mulf %get3A_1835, %mul3A_693 : vector<16xf32>
        %sub3A_1873 = arith.subf %sub3A_1871, %mul3A_1872 : vector<16xf32>
        %exp3A_1874 = math.exp %sub3A_1873 : vector<16xf32>
        %add3A_1875 = arith.addf %add3A_1785, %exp3A_1874 : vector<16xf32>
        %mul3A_1876 = arith.mulf %get3A_1829, %select_n3A_856 : vector<16xf32>
        %add3A_1877 = arith.addf %get3A_1827, %mul3A_1876 : vector<16xf32>
        %mul3A_1878 = arith.mulf %get3A_1831, %select_n3A_860 : vector<16xf32>
        %add3A_1879 = arith.addf %add3A_1877, %mul3A_1878 : vector<16xf32>
        %mul3A_1880 = arith.mulf %get3A_1833, %mul3A_861 : vector<16xf32>
        %sub3A_1881 = arith.subf %add3A_1879, %mul3A_1880 : vector<16xf32>
        %mul3A_1882 = arith.mulf %get3A_1835, %mul3A_862 : vector<16xf32>
        %sub3A_1883 = arith.subf %sub3A_1881, %mul3A_1882 : vector<16xf32>
        %exp3A_1884 = math.exp %sub3A_1883 : vector<16xf32>
        %add3A_1885 = arith.addf %add3A_1795, %exp3A_1884 : vector<16xf32>
        %mul3A_1886 = arith.mulf %get3A_1829, %select_n3A_1025 : vector<16xf32>
        %add3A_1887 = arith.addf %get3A_1827, %mul3A_1886 : vector<16xf32>
        %mul3A_1888 = arith.mulf %get3A_1831, %select_n3A_1029 : vector<16xf32>
        %add3A_1889 = arith.addf %add3A_1887, %mul3A_1888 : vector<16xf32>
        %mul3A_1890 = arith.mulf %get3A_1833, %mul3A_1030 : vector<16xf32>
        %sub3A_1891 = arith.subf %add3A_1889, %mul3A_1890 : vector<16xf32>
        %mul3A_1892 = arith.mulf %get3A_1835, %mul3A_1031 : vector<16xf32>
        %sub3A_1893 = arith.subf %sub3A_1891, %mul3A_1892 : vector<16xf32>
        %exp3A_1894 = math.exp %sub3A_1893 : vector<16xf32>
        %add3A_1895 = arith.addf %add3A_1805, %exp3A_1894 : vector<16xf32>
        %mul3A_1896 = arith.mulf %get3A_1829, %select_n3A_1194 : vector<16xf32>
        %add3A_1897 = arith.addf %get3A_1827, %mul3A_1896 : vector<16xf32>
        %mul3A_1898 = arith.mulf %get3A_1831, %select_n3A_1198 : vector<16xf32>
        %add3A_1899 = arith.addf %add3A_1897, %mul3A_1898 : vector<16xf32>
        %mul3A_1900 = arith.mulf %get3A_1833, %mul3A_1199 : vector<16xf32>
        %sub3A_1901 = arith.subf %add3A_1899, %mul3A_1900 : vector<16xf32>
        %mul3A_1902 = arith.mulf %get3A_1835, %mul3A_1200 : vector<16xf32>
        %sub3A_1903 = arith.subf %sub3A_1901, %mul3A_1902 : vector<16xf32>
        %exp3A_1904 = math.exp %sub3A_1903 : vector<16xf32>
        %add3A_1905 = arith.addf %add3A_1815, %exp3A_1904 : vector<16xf32>
        %mul3A_1906 = arith.mulf %get3A_1829, %select_n3A_1363 : vector<16xf32>
        %add3A_1907 = arith.addf %get3A_1827, %mul3A_1906 : vector<16xf32>
        %mul3A_1908 = arith.mulf %get3A_1831, %select_n3A_1367 : vector<16xf32>
        %add3A_1909 = arith.addf %add3A_1907, %mul3A_1908 : vector<16xf32>
        %mul3A_1910 = arith.mulf %get3A_1833, %mul3A_1368 : vector<16xf32>
        %sub3A_1911 = arith.subf %add3A_1909, %mul3A_1910 : vector<16xf32>
        %mul3A_1912 = arith.mulf %get3A_1835, %mul3A_1369 : vector<16xf32>
        %sub3A_1913 = arith.subf %sub3A_1911, %mul3A_1912 : vector<16xf32>
        %exp3A_1914 = math.exp %sub3A_1913 : vector<16xf32>
        %add3A_1915 = arith.addf %add3A_1825, %exp3A_1914 : vector<16xf32>
        %get3A_1916 = arith.constant 224 : index
        %get3A_1917 = tpu.vector_load %arg9[%get3A_1916] {strides = array<i32>} : memref<1408xf32, #tpu.memory_space<vmem>>, vector<16xf32>,
        %get3A_1918 = arith.constant 480 : index
        %get3A_1919 = tpu.vector_load %arg9[%get3A_1918] {strides = array<i32>} : memref<1408xf32, #tpu.memory_space<vmem>>, vector<16xf32>,
        %get3A_1920 = arith.constant 736 : index
        %get3A_1921 = tpu.vector_load %arg9[%get3A_1920] {strides = array<i32>} : memref<1408xf32, #tpu.memory_space<vmem>>, vector<16xf32>,
        %get3A_1922 = arith.constant 992 : index
        %get3A_1923 = tpu.vector_load %arg9[%get3A_1922] {strides = array<i32>} : memref<1408xf32, #tpu.memory_space<vmem>>, vector<16xf32>,
        %get3A_1924 = arith.constant 1248 : index
        %get3A_1925 = tpu.vector_load %arg9[%get3A_1924] {strides = array<i32>} : memref<1408xf32, #tpu.memory_space<vmem>>, vector<16xf32>,
        %mul3A_1926 = arith.mulf %get3A_1919, %select_n3A_182 : vector<16xf32>
        %add3A_1927 = arith.addf %get3A_1917, %mul3A_1926 : vector<16xf32>
        %mul3A_1928 = arith.mulf %get3A_1921, %select_n3A_186 : vector<16xf32>
        %add3A_1929 = arith.addf %add3A_1927, %mul3A_1928 : vector<16xf32>
        %mul3A_1930 = arith.mulf %get3A_1923, %mul3A_187 : vector<16xf32>
        %sub3A_1931 = arith.subf %add3A_1929, %mul3A_1930 : vector<16xf32>
        %mul3A_1932 = arith.mulf %get3A_1925, %mul3A_188 : vector<16xf32>
        %sub3A_1933 = arith.subf %sub3A_1931, %mul3A_1932 : vector<16xf32>
        %exp3A_1934 = math.exp %sub3A_1933 : vector<16xf32>
        %add3A_1935 = arith.addf %add3A_1845, %exp3A_1934 : vector<16xf32>
        %mul3A_1936 = arith.mulf %get3A_1919, %select_n3A_349 : vector<16xf32>
        %add3A_1937 = arith.addf %get3A_1917, %mul3A_1936 : vector<16xf32>
        %mul3A_1938 = arith.mulf %get3A_1921, %select_n3A_353 : vector<16xf32>
        %add3A_1939 = arith.addf %add3A_1937, %mul3A_1938 : vector<16xf32>
        %mul3A_1940 = arith.mulf %get3A_1923, %mul3A_354 : vector<16xf32>
        %sub3A_1941 = arith.subf %add3A_1939, %mul3A_1940 : vector<16xf32>
        %mul3A_1942 = arith.mulf %get3A_1925, %mul3A_355 : vector<16xf32>
        %sub3A_1943 = arith.subf %sub3A_1941, %mul3A_1942 : vector<16xf32>
        %exp3A_1944 = math.exp %sub3A_1943 : vector<16xf32>
        %add3A_1945 = arith.addf %add3A_1855, %exp3A_1944 : vector<16xf32>
        %mul3A_1946 = arith.mulf %get3A_1919, %select_n3A_518 : vector<16xf32>
        %add3A_1947 = arith.addf %get3A_1917, %mul3A_1946 : vector<16xf32>
        %mul3A_1948 = arith.mulf %get3A_1921, %select_n3A_522 : vector<16xf32>
        %add3A_1949 = arith.addf %add3A_1947, %mul3A_1948 : vector<16xf32>
        %mul3A_1950 = arith.mulf %get3A_1923, %mul3A_523 : vector<16xf32>
        %sub3A_1951 = arith.subf %add3A_1949, %mul3A_1950 : vector<16xf32>
        %mul3A_1952 = arith.mulf %get3A_1925, %mul3A_524 : vector<16xf32>
        %sub3A_1953 = arith.subf %sub3A_1951, %mul3A_1952 : vector<16xf32>
        %exp3A_1954 = math.exp %sub3A_1953 : vector<16xf32>
        %add3A_1955 = arith.addf %add3A_1865, %exp3A_1954 : vector<16xf32>
        %mul3A_1956 = arith.mulf %get3A_1919, %select_n3A_687 : vector<16xf32>
        %add3A_1957 = arith.addf %get3A_1917, %mul3A_1956 : vector<16xf32>
        %mul3A_1958 = arith.mulf %get3A_1921, %select_n3A_691 : vector<16xf32>
        %add3A_1959 = arith.addf %add3A_1957, %mul3A_1958 : vector<16xf32>
        %mul3A_1960 = arith.mulf %get3A_1923, %mul3A_692 : vector<16xf32>
        %sub3A_1961 = arith.subf %add3A_1959, %mul3A_1960 : vector<16xf32>
        %mul3A_1962 = arith.mulf %get3A_1925, %mul3A_693 : vector<16xf32>
        %sub3A_1963 = arith.subf %sub3A_1961, %mul3A_1962 : vector<16xf32>
        %exp3A_1964 = math.exp %sub3A_1963 : vector<16xf32>
        %add3A_1965 = arith.addf %add3A_1875, %exp3A_1964 : vector<16xf32>
        %mul3A_1966 = arith.mulf %get3A_1919, %select_n3A_856 : vector<16xf32>
        %add3A_1967 = arith.addf %get3A_1917, %mul3A_1966 : vector<16xf32>
        %mul3A_1968 = arith.mulf %get3A_1921, %select_n3A_860 : vector<16xf32>
        %add3A_1969 = arith.addf %add3A_1967, %mul3A_1968 : vector<16xf32>
        %mul3A_1970 = arith.mulf %get3A_1923, %mul3A_861 : vector<16xf32>
        %sub3A_1971 = arith.subf %add3A_1969, %mul3A_1970 : vector<16xf32>
        %mul3A_1972 = arith.mulf %get3A_1925, %mul3A_862 : vector<16xf32>
        %sub3A_1973 = arith.subf %sub3A_1971, %mul3A_1972 : vector<16xf32>
        %exp3A_1974 = math.exp %sub3A_1973 : vector<16xf32>
        %add3A_1975 = arith.addf %add3A_1885, %exp3A_1974 : vector<16xf32>
        %mul3A_1976 = arith.mulf %get3A_1919, %select_n3A_1025 : vector<16xf32>
        %add3A_1977 = arith.addf %get3A_1917, %mul3A_1976 : vector<16xf32>
        %mul3A_1978 = arith.mulf %get3A_1921, %select_n3A_1029 : vector<16xf32>
        %add3A_1979 = arith.addf %add3A_1977, %mul3A_1978 : vector<16xf32>
        %mul3A_1980 = arith.mulf %get3A_1923, %mul3A_1030 : vector<16xf32>
        %sub3A_1981 = arith.subf %add3A_1979, %mul3A_1980 : vector<16xf32>
        %mul3A_1982 = arith.mulf %get3A_1925, %mul3A_1031 : vector<16xf32>
        %sub3A_1983 = arith.subf %sub3A_1981, %mul3A_1982 : vector<16xf32>
        %exp3A_1984 = math.exp %sub3A_1983 : vector<16xf32>
        %add3A_1985 = arith.addf %add3A_1895, %exp3A_1984 : vector<16xf32>
        %mul3A_1986 = arith.mulf %get3A_1919, %select_n3A_1194 : vector<16xf32>
        %add3A_1987 = arith.addf %get3A_1917, %mul3A_1986 : vector<16xf32>
        %mul3A_1988 = arith.mulf %get3A_1921, %select_n3A_1198 : vector<16xf32>
        %add3A_1989 = arith.addf %add3A_1987, %mul3A_1988 : vector<16xf32>
        %mul3A_1990 = arith.mulf %get3A_1923, %mul3A_1199 : vector<16xf32>
        %sub3A_1991 = arith.subf %add3A_1989, %mul3A_1990 : vector<16xf32>
        %mul3A_1992 = arith.mulf %get3A_1925, %mul3A_1200 : vector<16xf32>
        %sub3A_1993 = arith.subf %sub3A_1991, %mul3A_1992 : vector<16xf32>
        %exp3A_1994 = math.exp %sub3A_1993 : vector<16xf32>
        %add3A_1995 = arith.addf %add3A_1905, %exp3A_1994 : vector<16xf32>
        %mul3A_1996 = arith.mulf %get3A_1919, %select_n3A_1363 : vector<16xf32>
        %add3A_1997 = arith.addf %get3A_1917, %mul3A_1996 : vector<16xf32>
        %mul3A_1998 = arith.mulf %get3A_1921, %select_n3A_1367 : vector<16xf32>
        %add3A_1999 = arith.addf %add3A_1997, %mul3A_1998 : vector<16xf32>
        %mul3A_2000 = arith.mulf %get3A_1923, %mul3A_1368 : vector<16xf32>
        %sub3A_2001 = arith.subf %add3A_1999, %mul3A_2000 : vector<16xf32>
        %mul3A_2002 = arith.mulf %get3A_1925, %mul3A_1369 : vector<16xf32>
        %sub3A_2003 = arith.subf %sub3A_2001, %mul3A_2002 : vector<16xf32>
        %exp3A_2004 = math.exp %sub3A_2003 : vector<16xf32>
        %add3A_2005 = arith.addf %add3A_1915, %exp3A_2004 : vector<16xf32>
        %get3A_2006 = arith.constant 240 : index
        %get3A_2007 = tpu.vector_load %arg9[%get3A_2006] {strides = array<i32>} : memref<1408xf32, #tpu.memory_space<vmem>>, vector<16xf32>,
        %get3A_2008 = arith.constant 496 : index
        %get3A_2009 = tpu.vector_load %arg9[%get3A_2008] {strides = array<i32>} : memref<1408xf32, #tpu.memory_space<vmem>>, vector<16xf32>,
        %get3A_2010 = arith.constant 752 : index
        %get3A_2011 = tpu.vector_load %arg9[%get3A_2010] {strides = array<i32>} : memref<1408xf32, #tpu.memory_space<vmem>>, vector<16xf32>,
        %get3A_2012 = arith.constant 1008 : index
        %get3A_2013 = tpu.vector_load %arg9[%get3A_2012] {strides = array<i32>} : memref<1408xf32, #tpu.memory_space<vmem>>, vector<16xf32>,
        %get3A_2014 = arith.constant 1264 : index
        %get3A_2015 = tpu.vector_load %arg9[%get3A_2014] {strides = array<i32>} : memref<1408xf32, #tpu.memory_space<vmem>>, vector<16xf32>,
        %mul3A_2016 = arith.mulf %get3A_2009, %select_n3A_182 : vector<16xf32>
        %add3A_2017 = arith.addf %get3A_2007, %mul3A_2016 : vector<16xf32>
        %mul3A_2018 = arith.mulf %get3A_2011, %select_n3A_186 : vector<16xf32>
        %add3A_2019 = arith.addf %add3A_2017, %mul3A_2018 : vector<16xf32>
        %mul3A_2020 = arith.mulf %get3A_2013, %mul3A_187 : vector<16xf32>
        %sub3A_2021 = arith.subf %add3A_2019, %mul3A_2020 : vector<16xf32>
        %mul3A_2022 = arith.mulf %get3A_2015, %mul3A_188 : vector<16xf32>
        %sub3A_2023 = arith.subf %sub3A_2021, %mul3A_2022 : vector<16xf32>
        %exp3A_2024 = math.exp %sub3A_2023 : vector<16xf32>
        %add3A_2025 = arith.addf %add3A_1935, %exp3A_2024 : vector<16xf32>
        %mul3A_2026 = arith.mulf %get3A_2009, %select_n3A_349 : vector<16xf32>
        %add3A_2027 = arith.addf %get3A_2007, %mul3A_2026 : vector<16xf32>
        %mul3A_2028 = arith.mulf %get3A_2011, %select_n3A_353 : vector<16xf32>
        %add3A_2029 = arith.addf %add3A_2027, %mul3A_2028 : vector<16xf32>
        %mul3A_2030 = arith.mulf %get3A_2013, %mul3A_354 : vector<16xf32>
        %sub3A_2031 = arith.subf %add3A_2029, %mul3A_2030 : vector<16xf32>
        %mul3A_2032 = arith.mulf %get3A_2015, %mul3A_355 : vector<16xf32>
        %sub3A_2033 = arith.subf %sub3A_2031, %mul3A_2032 : vector<16xf32>
        %exp3A_2034 = math.exp %sub3A_2033 : vector<16xf32>
        %add3A_2035 = arith.addf %add3A_1945, %exp3A_2034 : vector<16xf32>
        %mul3A_2036 = arith.mulf %get3A_2009, %select_n3A_518 : vector<16xf32>
        %add3A_2037 = arith.addf %get3A_2007, %mul3A_2036 : vector<16xf32>
        %mul3A_2038 = arith.mulf %get3A_2011, %select_n3A_522 : vector<16xf32>
        %add3A_2039 = arith.addf %add3A_2037, %mul3A_2038 : vector<16xf32>
        %mul3A_2040 = arith.mulf %get3A_2013, %mul3A_523 : vector<16xf32>
        %sub3A_2041 = arith.subf %add3A_2039, %mul3A_2040 : vector<16xf32>
        %mul3A_2042 = arith.mulf %get3A_2015, %mul3A_524 : vector<16xf32>
        %sub3A_2043 = arith.subf %sub3A_2041, %mul3A_2042 : vector<16xf32>
        %exp3A_2044 = math.exp %sub3A_2043 : vector<16xf32>
        %add3A_2045 = arith.addf %add3A_1955, %exp3A_2044 : vector<16xf32>
        %mul3A_2046 = arith.mulf %get3A_2009, %select_n3A_687 : vector<16xf32>
        %add3A_2047 = arith.addf %get3A_2007, %mul3A_2046 : vector<16xf32>
        %mul3A_2048 = arith.mulf %get3A_2011, %select_n3A_691 : vector<16xf32>
        %add3A_2049 = arith.addf %add3A_2047, %mul3A_2048 : vector<16xf32>
        %mul3A_2050 = arith.mulf %get3A_2013, %mul3A_692 : vector<16xf32>
        %sub3A_2051 = arith.subf %add3A_2049, %mul3A_2050 : vector<16xf32>
        %mul3A_2052 = arith.mulf %get3A_2015, %mul3A_693 : vector<16xf32>
        %sub3A_2053 = arith.subf %sub3A_2051, %mul3A_2052 : vector<16xf32>
        %exp3A_2054 = math.exp %sub3A_2053 : vector<16xf32>
        %add3A_2055 = arith.addf %add3A_1965, %exp3A_2054 : vector<16xf32>
        %mul3A_2056 = arith.mulf %get3A_2009, %select_n3A_856 : vector<16xf32>
        %add3A_2057 = arith.addf %get3A_2007, %mul3A_2056 : vector<16xf32>
        %mul3A_2058 = arith.mulf %get3A_2011, %select_n3A_860 : vector<16xf32>
        %add3A_2059 = arith.addf %add3A_2057, %mul3A_2058 : vector<16xf32>
        %mul3A_2060 = arith.mulf %get3A_2013, %mul3A_861 : vector<16xf32>
        %sub3A_2061 = arith.subf %add3A_2059, %mul3A_2060 : vector<16xf32>
        %mul3A_2062 = arith.mulf %get3A_2015, %mul3A_862 : vector<16xf32>
        %sub3A_2063 = arith.subf %sub3A_2061, %mul3A_2062 : vector<16xf32>
        %exp3A_2064 = math.exp %sub3A_2063 : vector<16xf32>
        %add3A_2065 = arith.addf %add3A_1975, %exp3A_2064 : vector<16xf32>
        %mul3A_2066 = arith.mulf %get3A_2009, %select_n3A_1025 : vector<16xf32>
        %add3A_2067 = arith.addf %get3A_2007, %mul3A_2066 : vector<16xf32>
        %mul3A_2068 = arith.mulf %get3A_2011, %select_n3A_1029 : vector<16xf32>
        %add3A_2069 = arith.addf %add3A_2067, %mul3A_2068 : vector<16xf32>
        %mul3A_2070 = arith.mulf %get3A_2013, %mul3A_1030 : vector<16xf32>
        %sub3A_2071 = arith.subf %add3A_2069, %mul3A_2070 : vector<16xf32>
        %mul3A_2072 = arith.mulf %get3A_2015, %mul3A_1031 : vector<16xf32>
        %sub3A_2073 = arith.subf %sub3A_2071, %mul3A_2072 : vector<16xf32>
        %exp3A_2074 = math.exp %sub3A_2073 : vector<16xf32>
        %add3A_2075 = arith.addf %add3A_1985, %exp3A_2074 : vector<16xf32>
        %mul3A_2076 = arith.mulf %get3A_2009, %select_n3A_1194 : vector<16xf32>
        %add3A_2077 = arith.addf %get3A_2007, %mul3A_2076 : vector<16xf32>
        %mul3A_2078 = arith.mulf %get3A_2011, %select_n3A_1198 : vector<16xf32>
        %add3A_2079 = arith.addf %add3A_2077, %mul3A_2078 : vector<16xf32>
        %mul3A_2080 = arith.mulf %get3A_2013, %mul3A_1199 : vector<16xf32>
        %sub3A_2081 = arith.subf %add3A_2079, %mul3A_2080 : vector<16xf32>
        %mul3A_2082 = arith.mulf %get3A_2015, %mul3A_1200 : vector<16xf32>
        %sub3A_2083 = arith.subf %sub3A_2081, %mul3A_2082 : vector<16xf32>
        %exp3A_2084 = math.exp %sub3A_2083 : vector<16xf32>
        %add3A_2085 = arith.addf %add3A_1995, %exp3A_2084 : vector<16xf32>
        %mul3A_2086 = arith.mulf %get3A_2009, %select_n3A_1363 : vector<16xf32>
        %add3A_2087 = arith.addf %get3A_2007, %mul3A_2086 : vector<16xf32>
        %mul3A_2088 = arith.mulf %get3A_2011, %select_n3A_1367 : vector<16xf32>
        %add3A_2089 = arith.addf %add3A_2087, %mul3A_2088 : vector<16xf32>
        %mul3A_2090 = arith.mulf %get3A_2013, %mul3A_1368 : vector<16xf32>
        %sub3A_2091 = arith.subf %add3A_2089, %mul3A_2090 : vector<16xf32>
        %mul3A_2092 = arith.mulf %get3A_2015, %mul3A_1369 : vector<16xf32>
        %sub3A_2093 = arith.subf %sub3A_2091, %mul3A_2092 : vector<16xf32>
        %exp3A_2094 = math.exp %sub3A_2093 : vector<16xf32>
        %add3A_2095 = arith.addf %add3A_2005, %exp3A_2094 : vector<16xf32>
        %get3A_2096 = arith.constant 256 : index
        %get3A_2097 = tpu.vector_load %arg9[%get3A_2096] {strides = array<i32>} : memref<1408xf32, #tpu.memory_space<vmem>>, vector<16xf32>,
        %get3A_2098 = arith.constant 512 : index
        %get3A_2099 = tpu.vector_load %arg9[%get3A_2098] {strides = array<i32>} : memref<1408xf32, #tpu.memory_space<vmem>>, vector<16xf32>,
        %get3A_2100 = arith.constant 768 : index
        %get3A_2101 = tpu.vector_load %arg9[%get3A_2100] {strides = array<i32>} : memref<1408xf32, #tpu.memory_space<vmem>>, vector<16xf32>,
        %get3A_2102 = arith.constant 1024 : index
        %get3A_2103 = tpu.vector_load %arg9[%get3A_2102] {strides = array<i32>} : memref<1408xf32, #tpu.memory_space<vmem>>, vector<16xf32>,
        %get3A_2104 = arith.constant 1280 : index
        %get3A_2105 = tpu.vector_load %arg9[%get3A_2104] {strides = array<i32>} : memref<1408xf32, #tpu.memory_space<vmem>>, vector<16xf32>,
        %mul3A_2106 = arith.mulf %get3A_2099, %select_n3A_182 : vector<16xf32>
        %add3A_2107 = arith.addf %get3A_2097, %mul3A_2106 : vector<16xf32>
        %mul3A_2108 = arith.mulf %get3A_2101, %select_n3A_186 : vector<16xf32>
        %add3A_2109 = arith.addf %add3A_2107, %mul3A_2108 : vector<16xf32>
        %mul3A_2110 = arith.mulf %get3A_2103, %mul3A_187 : vector<16xf32>
        %sub3A_2111 = arith.subf %add3A_2109, %mul3A_2110 : vector<16xf32>
        %mul3A_2112 = arith.mulf %get3A_2105, %mul3A_188 : vector<16xf32>
        %sub3A_2113 = arith.subf %sub3A_2111, %mul3A_2112 : vector<16xf32>
        %exp3A_2114 = math.exp %sub3A_2113 : vector<16xf32>
        %add3A_2115 = arith.addf %add3A_2025, %exp3A_2114 : vector<16xf32>
        %mul3A_2116 = arith.mulf %get3A_2099, %select_n3A_349 : vector<16xf32>
        %add3A_2117 = arith.addf %get3A_2097, %mul3A_2116 : vector<16xf32>
        %mul3A_2118 = arith.mulf %get3A_2101, %select_n3A_353 : vector<16xf32>
        %add3A_2119 = arith.addf %add3A_2117, %mul3A_2118 : vector<16xf32>
        %mul3A_2120 = arith.mulf %get3A_2103, %mul3A_354 : vector<16xf32>
        %sub3A_2121 = arith.subf %add3A_2119, %mul3A_2120 : vector<16xf32>
        %mul3A_2122 = arith.mulf %get3A_2105, %mul3A_355 : vector<16xf32>
        %sub3A_2123 = arith.subf %sub3A_2121, %mul3A_2122 : vector<16xf32>
        %exp3A_2124 = math.exp %sub3A_2123 : vector<16xf32>
        %add3A_2125 = arith.addf %add3A_2035, %exp3A_2124 : vector<16xf32>
        %mul3A_2126 = arith.mulf %get3A_2099, %select_n3A_518 : vector<16xf32>
        %add3A_2127 = arith.addf %get3A_2097, %mul3A_2126 : vector<16xf32>
        %mul3A_2128 = arith.mulf %get3A_2101, %select_n3A_522 : vector<16xf32>
        %add3A_2129 = arith.addf %add3A_2127, %mul3A_2128 : vector<16xf32>
        %mul3A_2130 = arith.mulf %get3A_2103, %mul3A_523 : vector<16xf32>
        %sub3A_2131 = arith.subf %add3A_2129, %mul3A_2130 : vector<16xf32>
        %mul3A_2132 = arith.mulf %get3A_2105, %mul3A_524 : vector<16xf32>
        %sub3A_2133 = arith.subf %sub3A_2131, %mul3A_2132 : vector<16xf32>
        %exp3A_2134 = math.exp %sub3A_2133 : vector<16xf32>
        %add3A_2135 = arith.addf %add3A_2045, %exp3A_2134 : vector<16xf32>
        %mul3A_2136 = arith.mulf %get3A_2099, %select_n3A_687 : vector<16xf32>
        %add3A_2137 = arith.addf %get3A_2097, %mul3A_2136 : vector<16xf32>
        %mul3A_2138 = arith.mulf %get3A_2101, %select_n3A_691 : vector<16xf32>
        %add3A_2139 = arith.addf %add3A_2137, %mul3A_2138 : vector<16xf32>
        %mul3A_2140 = arith.mulf %get3A_2103, %mul3A_692 : vector<16xf32>
        %sub3A_2141 = arith.subf %add3A_2139, %mul3A_2140 : vector<16xf32>
        %mul3A_2142 = arith.mulf %get3A_2105, %mul3A_693 : vector<16xf32>
        %sub3A_2143 = arith.subf %sub3A_2141, %mul3A_2142 : vector<16xf32>
        %exp3A_2144 = math.exp %sub3A_2143 : vector<16xf32>
        %add3A_2145 = arith.addf %add3A_2055, %exp3A_2144 : vector<16xf32>
        %mul3A_2146 = arith.mulf %get3A_2099, %select_n3A_856 : vector<16xf32>
        %add3A_2147 = arith.addf %get3A_2097, %mul3A_2146 : vector<16xf32>
        %mul3A_2148 = arith.mulf %get3A_2101, %select_n3A_860 : vector<16xf32>
        %add3A_2149 = arith.addf %add3A_2147, %mul3A_2148 : vector<16xf32>
        %mul3A_2150 = arith.mulf %get3A_2103, %mul3A_861 : vector<16xf32>
        %sub3A_2151 = arith.subf %add3A_2149, %mul3A_2150 : vector<16xf32>
        %mul3A_2152 = arith.mulf %get3A_2105, %mul3A_862 : vector<16xf32>
        %sub3A_2153 = arith.subf %sub3A_2151, %mul3A_2152 : vector<16xf32>
        %exp3A_2154 = math.exp %sub3A_2153 : vector<16xf32>
        %add3A_2155 = arith.addf %add3A_2065, %exp3A_2154 : vector<16xf32>
        %mul3A_2156 = arith.mulf %get3A_2099, %select_n3A_1025 : vector<16xf32>
        %add3A_2157 = arith.addf %get3A_2097, %mul3A_2156 : vector<16xf32>
        %mul3A_2158 = arith.mulf %get3A_2101, %select_n3A_1029 : vector<16xf32>
        %add3A_2159 = arith.addf %add3A_2157, %mul3A_2158 : vector<16xf32>
        %mul3A_2160 = arith.mulf %get3A_2103, %mul3A_1030 : vector<16xf32>
        %sub3A_2161 = arith.subf %add3A_2159, %mul3A_2160 : vector<16xf32>
        %mul3A_2162 = arith.mulf %get3A_2105, %mul3A_1031 : vector<16xf32>
        %sub3A_2163 = arith.subf %sub3A_2161, %mul3A_2162 : vector<16xf32>
        %exp3A_2164 = math.exp %sub3A_2163 : vector<16xf32>
        %add3A_2165 = arith.addf %add3A_2075, %exp3A_2164 : vector<16xf32>
        %mul3A_2166 = arith.mulf %get3A_2099, %select_n3A_1194 : vector<16xf32>
        %add3A_2167 = arith.addf %get3A_2097, %mul3A_2166 : vector<16xf32>
        %mul3A_2168 = arith.mulf %get3A_2101, %select_n3A_1198 : vector<16xf32>
        %add3A_2169 = arith.addf %add3A_2167, %mul3A_2168 : vector<16xf32>
        %mul3A_2170 = arith.mulf %get3A_2103, %mul3A_1199 : vector<16xf32>
        %sub3A_2171 = arith.subf %add3A_2169, %mul3A_2170 : vector<16xf32>
        %mul3A_2172 = arith.mulf %get3A_2105, %mul3A_1200 : vector<16xf32>
        %sub3A_2173 = arith.subf %sub3A_2171, %mul3A_2172 : vector<16xf32>
        %exp3A_2174 = math.exp %sub3A_2173 : vector<16xf32>
        %add3A_2175 = arith.addf %add3A_2085, %exp3A_2174 : vector<16xf32>
        %mul3A_2176 = arith.mulf %get3A_2099, %select_n3A_1363 : vector<16xf32>
        %add3A_2177 = arith.addf %get3A_2097, %mul3A_2176 : vector<16xf32>
        %mul3A_2178 = arith.mulf %get3A_2101, %select_n3A_1367 : vector<16xf32>
        %add3A_2179 = arith.addf %add3A_2177, %mul3A_2178 : vector<16xf32>
        %mul3A_2180 = arith.mulf %get3A_2103, %mul3A_1368 : vector<16xf32>
        %sub3A_2181 = arith.subf %add3A_2179, %mul3A_2180 : vector<16xf32>
        %mul3A_2182 = arith.mulf %get3A_2105, %mul3A_1369 : vector<16xf32>
        %sub3A_2183 = arith.subf %sub3A_2181, %mul3A_2182 : vector<16xf32>
        %exp3A_2184 = math.exp %sub3A_2183 : vector<16xf32>
        %add3A_2185 = arith.addf %add3A_2095, %exp3A_2184 : vector<16xf32>
        %get3A_2186 = arith.constant 272 : index
        %get3A_2187 = tpu.vector_load %arg9[%get3A_2186] {strides = array<i32>} : memref<1408xf32, #tpu.memory_space<vmem>>, vector<16xf32>,
        %get3A_2188 = arith.constant 528 : index
        %get3A_2189 = tpu.vector_load %arg9[%get3A_2188] {strides = array<i32>} : memref<1408xf32, #tpu.memory_space<vmem>>, vector<16xf32>,
        %get3A_2190 = arith.constant 784 : index
        %get3A_2191 = tpu.vector_load %arg9[%get3A_2190] {strides = array<i32>} : memref<1408xf32, #tpu.memory_space<vmem>>, vector<16xf32>,
        %get3A_2192 = arith.constant 1040 : index
        %get3A_2193 = tpu.vector_load %arg9[%get3A_2192] {strides = array<i32>} : memref<1408xf32, #tpu.memory_space<vmem>>, vector<16xf32>,
        %get3A_2194 = arith.constant 1296 : index
        %get3A_2195 = tpu.vector_load %arg9[%get3A_2194] {strides = array<i32>} : memref<1408xf32, #tpu.memory_space<vmem>>, vector<16xf32>,
        %mul3A_2196 = arith.mulf %get3A_2189, %select_n3A_182 : vector<16xf32>
        %add3A_2197 = arith.addf %get3A_2187, %mul3A_2196 : vector<16xf32>
        %mul3A_2198 = arith.mulf %get3A_2191, %select_n3A_186 : vector<16xf32>
        %add3A_2199 = arith.addf %add3A_2197, %mul3A_2198 : vector<16xf32>
        %mul3A_2200 = arith.mulf %get3A_2193, %mul3A_187 : vector<16xf32>
        %sub3A_2201 = arith.subf %add3A_2199, %mul3A_2200 : vector<16xf32>
        %mul3A_2202 = arith.mulf %get3A_2195, %mul3A_188 : vector<16xf32>
        %sub3A_2203 = arith.subf %sub3A_2201, %mul3A_2202 : vector<16xf32>
        %exp3A_2204 = math.exp %sub3A_2203 : vector<16xf32>
        %add3A_2205 = arith.addf %add3A_2115, %exp3A_2204 : vector<16xf32>
        %mul3A_2206 = arith.mulf %get3A_2189, %select_n3A_349 : vector<16xf32>
        %add3A_2207 = arith.addf %get3A_2187, %mul3A_2206 : vector<16xf32>
        %mul3A_2208 = arith.mulf %get3A_2191, %select_n3A_353 : vector<16xf32>
        %add3A_2209 = arith.addf %add3A_2207, %mul3A_2208 : vector<16xf32>
        %mul3A_2210 = arith.mulf %get3A_2193, %mul3A_354 : vector<16xf32>
        %sub3A_2211 = arith.subf %add3A_2209, %mul3A_2210 : vector<16xf32>
        %mul3A_2212 = arith.mulf %get3A_2195, %mul3A_355 : vector<16xf32>
        %sub3A_2213 = arith.subf %sub3A_2211, %mul3A_2212 : vector<16xf32>
        %exp3A_2214 = math.exp %sub3A_2213 : vector<16xf32>
        %add3A_2215 = arith.addf %add3A_2125, %exp3A_2214 : vector<16xf32>
        %mul3A_2216 = arith.mulf %get3A_2189, %select_n3A_518 : vector<16xf32>
        %add3A_2217 = arith.addf %get3A_2187, %mul3A_2216 : vector<16xf32>
        %mul3A_2218 = arith.mulf %get3A_2191, %select_n3A_522 : vector<16xf32>
        %add3A_2219 = arith.addf %add3A_2217, %mul3A_2218 : vector<16xf32>
        %mul3A_2220 = arith.mulf %get3A_2193, %mul3A_523 : vector<16xf32>
        %sub3A_2221 = arith.subf %add3A_2219, %mul3A_2220 : vector<16xf32>
        %mul3A_2222 = arith.mulf %get3A_2195, %mul3A_524 : vector<16xf32>
        %sub3A_2223 = arith.subf %sub3A_2221, %mul3A_2222 : vector<16xf32>
        %exp3A_2224 = math.exp %sub3A_2223 : vector<16xf32>
        %add3A_2225 = arith.addf %add3A_2135, %exp3A_2224 : vector<16xf32>
        %mul3A_2226 = arith.mulf %get3A_2189, %select_n3A_687 : vector<16xf32>
        %add3A_2227 = arith.addf %get3A_2187, %mul3A_2226 : vector<16xf32>
        %mul3A_2228 = arith.mulf %get3A_2191, %select_n3A_691 : vector<16xf32>
        %add3A_2229 = arith.addf %add3A_2227, %mul3A_2228 : vector<16xf32>
        %mul3A_2230 = arith.mulf %get3A_2193, %mul3A_692 : vector<16xf32>
        %sub3A_2231 = arith.subf %add3A_2229, %mul3A_2230 : vector<16xf32>
        %mul3A_2232 = arith.mulf %get3A_2195, %mul3A_693 : vector<16xf32>
        %sub3A_2233 = arith.subf %sub3A_2231, %mul3A_2232 : vector<16xf32>
        %exp3A_2234 = math.exp %sub3A_2233 : vector<16xf32>
        %add3A_2235 = arith.addf %add3A_2145, %exp3A_2234 : vector<16xf32>
        %mul3A_2236 = arith.mulf %get3A_2189, %select_n3A_856 : vector<16xf32>
        %add3A_2237 = arith.addf %get3A_2187, %mul3A_2236 : vector<16xf32>
        %mul3A_2238 = arith.mulf %get3A_2191, %select_n3A_860 : vector<16xf32>
        %add3A_2239 = arith.addf %add3A_2237, %mul3A_2238 : vector<16xf32>
        %mul3A_2240 = arith.mulf %get3A_2193, %mul3A_861 : vector<16xf32>
        %sub3A_2241 = arith.subf %add3A_2239, %mul3A_2240 : vector<16xf32>
        %mul3A_2242 = arith.mulf %get3A_2195, %mul3A_862 : vector<16xf32>
        %sub3A_2243 = arith.subf %sub3A_2241, %mul3A_2242 : vector<16xf32>
        %exp3A_2244 = math.exp %sub3A_2243 : vector<16xf32>
        %add3A_2245 = arith.addf %add3A_2155, %exp3A_2244 : vector<16xf32>
        %mul3A_2246 = arith.mulf %get3A_2189, %select_n3A_1025 : vector<16xf32>
        %add3A_2247 = arith.addf %get3A_2187, %mul3A_2246 : vector<16xf32>
        %mul3A_2248 = arith.mulf %get3A_2191, %select_n3A_1029 : vector<16xf32>
        %add3A_2249 = arith.addf %add3A_2247, %mul3A_2248 : vector<16xf32>
        %mul3A_2250 = arith.mulf %get3A_2193, %mul3A_1030 : vector<16xf32>
        %sub3A_2251 = arith.subf %add3A_2249, %mul3A_2250 : vector<16xf32>
        %mul3A_2252 = arith.mulf %get3A_2195, %mul3A_1031 : vector<16xf32>
        %sub3A_2253 = arith.subf %sub3A_2251, %mul3A_2252 : vector<16xf32>
        %exp3A_2254 = math.exp %sub3A_2253 : vector<16xf32>
        %add3A_2255 = arith.addf %add3A_2165, %exp3A_2254 : vector<16xf32>
        %mul3A_2256 = arith.mulf %get3A_2189, %select_n3A_1194 : vector<16xf32>
        %add3A_2257 = arith.addf %get3A_2187, %mul3A_2256 : vector<16xf32>
        %mul3A_2258 = arith.mulf %get3A_2191, %select_n3A_1198 : vector<16xf32>
        %add3A_2259 = arith.addf %add3A_2257, %mul3A_2258 : vector<16xf32>
        %mul3A_2260 = arith.mulf %get3A_2193, %mul3A_1199 : vector<16xf32>
        %sub3A_2261 = arith.subf %add3A_2259, %mul3A_2260 : vector<16xf32>
        %mul3A_2262 = arith.mulf %get3A_2195, %mul3A_1200 : vector<16xf32>
        %sub3A_2263 = arith.subf %sub3A_2261, %mul3A_2262 : vector<16xf32>
        %exp3A_2264 = math.exp %sub3A_2263 : vector<16xf32>
        %add3A_2265 = arith.addf %add3A_2175, %exp3A_2264 : vector<16xf32>
        %mul3A_2266 = arith.mulf %get3A_2189, %select_n3A_1363 : vector<16xf32>
        %add3A_2267 = arith.addf %get3A_2187, %mul3A_2266 : vector<16xf32>
        %mul3A_2268 = arith.mulf %get3A_2191, %select_n3A_1367 : vector<16xf32>
        %add3A_2269 = arith.addf %add3A_2267, %mul3A_2268 : vector<16xf32>
        %mul3A_2270 = arith.mulf %get3A_2193, %mul3A_1368 : vector<16xf32>
        %sub3A_2271 = arith.subf %add3A_2269, %mul3A_2270 : vector<16xf32>
        %mul3A_2272 = arith.mulf %get3A_2195, %mul3A_1369 : vector<16xf32>
        %sub3A_2273 = arith.subf %sub3A_2271, %mul3A_2272 : vector<16xf32>
        %exp3A_2274 = math.exp %sub3A_2273 : vector<16xf32>
        %add3A_2275 = arith.addf %add3A_2185, %exp3A_2274 : vector<16xf32>
        %get3A_2276 = arith.constant 288 : index
        %get3A_2277 = tpu.vector_load %arg9[%get3A_2276] {strides = array<i32>} : memref<1408xf32, #tpu.memory_space<vmem>>, vector<16xf32>,
        %get3A_2278 = arith.constant 544 : index
        %get3A_2279 = tpu.vector_load %arg9[%get3A_2278] {strides = array<i32>} : memref<1408xf32, #tpu.memory_space<vmem>>, vector<16xf32>,
        %get3A_2280 = arith.constant 800 : index
        %get3A_2281 = tpu.vector_load %arg9[%get3A_2280] {strides = array<i32>} : memref<1408xf32, #tpu.memory_space<vmem>>, vector<16xf32>,
        %get3A_2282 = arith.constant 1056 : index
        %get3A_2283 = tpu.vector_load %arg9[%get3A_2282] {strides = array<i32>} : memref<1408xf32, #tpu.memory_space<vmem>>, vector<16xf32>,
        %get3A_2284 = arith.constant 1312 : index
        %get3A_2285 = tpu.vector_load %arg9[%get3A_2284] {strides = array<i32>} : memref<1408xf32, #tpu.memory_space<vmem>>, vector<16xf32>,
        %mul3A_2286 = arith.mulf %get3A_2279, %select_n3A_182 : vector<16xf32>
        %add3A_2287 = arith.addf %get3A_2277, %mul3A_2286 : vector<16xf32>
        %mul3A_2288 = arith.mulf %get3A_2281, %select_n3A_186 : vector<16xf32>
        %add3A_2289 = arith.addf %add3A_2287, %mul3A_2288 : vector<16xf32>
        %mul3A_2290 = arith.mulf %get3A_2283, %mul3A_187 : vector<16xf32>
        %sub3A_2291 = arith.subf %add3A_2289, %mul3A_2290 : vector<16xf32>
        %mul3A_2292 = arith.mulf %get3A_2285, %mul3A_188 : vector<16xf32>
        %sub3A_2293 = arith.subf %sub3A_2291, %mul3A_2292 : vector<16xf32>
        %exp3A_2294 = math.exp %sub3A_2293 : vector<16xf32>
        %add3A_2295 = arith.addf %add3A_2205, %exp3A_2294 : vector<16xf32>
        %mul3A_2296 = arith.mulf %get3A_2279, %select_n3A_349 : vector<16xf32>
        %add3A_2297 = arith.addf %get3A_2277, %mul3A_2296 : vector<16xf32>
        %mul3A_2298 = arith.mulf %get3A_2281, %select_n3A_353 : vector<16xf32>
        %add3A_2299 = arith.addf %add3A_2297, %mul3A_2298 : vector<16xf32>
        %mul3A_2300 = arith.mulf %get3A_2283, %mul3A_354 : vector<16xf32>
        %sub3A_2301 = arith.subf %add3A_2299, %mul3A_2300 : vector<16xf32>
        %mul3A_2302 = arith.mulf %get3A_2285, %mul3A_355 : vector<16xf32>
        %sub3A_2303 = arith.subf %sub3A_2301, %mul3A_2302 : vector<16xf32>
        %exp3A_2304 = math.exp %sub3A_2303 : vector<16xf32>
        %add3A_2305 = arith.addf %add3A_2215, %exp3A_2304 : vector<16xf32>
        %mul3A_2306 = arith.mulf %get3A_2279, %select_n3A_518 : vector<16xf32>
        %add3A_2307 = arith.addf %get3A_2277, %mul3A_2306 : vector<16xf32>
        %mul3A_2308 = arith.mulf %get3A_2281, %select_n3A_522 : vector<16xf32>
        %add3A_2309 = arith.addf %add3A_2307, %mul3A_2308 : vector<16xf32>
        %mul3A_2310 = arith.mulf %get3A_2283, %mul3A_523 : vector<16xf32>
        %sub3A_2311 = arith.subf %add3A_2309, %mul3A_2310 : vector<16xf32>
        %mul3A_2312 = arith.mulf %get3A_2285, %mul3A_524 : vector<16xf32>
        %sub3A_2313 = arith.subf %sub3A_2311, %mul3A_2312 : vector<16xf32>
        %exp3A_2314 = math.exp %sub3A_2313 : vector<16xf32>
        %add3A_2315 = arith.addf %add3A_2225, %exp3A_2314 : vector<16xf32>
        %mul3A_2316 = arith.mulf %get3A_2279, %select_n3A_687 : vector<16xf32>
        %add3A_2317 = arith.addf %get3A_2277, %mul3A_2316 : vector<16xf32>
        %mul3A_2318 = arith.mulf %get3A_2281, %select_n3A_691 : vector<16xf32>
        %add3A_2319 = arith.addf %add3A_2317, %mul3A_2318 : vector<16xf32>
        %mul3A_2320 = arith.mulf %get3A_2283, %mul3A_692 : vector<16xf32>
        %sub3A_2321 = arith.subf %add3A_2319, %mul3A_2320 : vector<16xf32>
        %mul3A_2322 = arith.mulf %get3A_2285, %mul3A_693 : vector<16xf32>
        %sub3A_2323 = arith.subf %sub3A_2321, %mul3A_2322 : vector<16xf32>
        %exp3A_2324 = math.exp %sub3A_2323 : vector<16xf32>
        %add3A_2325 = arith.addf %add3A_2235, %exp3A_2324 : vector<16xf32>
        %mul3A_2326 = arith.mulf %get3A_2279, %select_n3A_856 : vector<16xf32>
        %add3A_2327 = arith.addf %get3A_2277, %mul3A_2326 : vector<16xf32>
        %mul3A_2328 = arith.mulf %get3A_2281, %select_n3A_860 : vector<16xf32>
        %add3A_2329 = arith.addf %add3A_2327, %mul3A_2328 : vector<16xf32>
        %mul3A_2330 = arith.mulf %get3A_2283, %mul3A_861 : vector<16xf32>
        %sub3A_2331 = arith.subf %add3A_2329, %mul3A_2330 : vector<16xf32>
        %mul3A_2332 = arith.mulf %get3A_2285, %mul3A_862 : vector<16xf32>
        %sub3A_2333 = arith.subf %sub3A_2331, %mul3A_2332 : vector<16xf32>
        %exp3A_2334 = math.exp %sub3A_2333 : vector<16xf32>
        %add3A_2335 = arith.addf %add3A_2245, %exp3A_2334 : vector<16xf32>
        %mul3A_2336 = arith.mulf %get3A_2279, %select_n3A_1025 : vector<16xf32>
        %add3A_2337 = arith.addf %get3A_2277, %mul3A_2336 : vector<16xf32>
        %mul3A_2338 = arith.mulf %get3A_2281, %select_n3A_1029 : vector<16xf32>
        %add3A_2339 = arith.addf %add3A_2337, %mul3A_2338 : vector<16xf32>
        %mul3A_2340 = arith.mulf %get3A_2283, %mul3A_1030 : vector<16xf32>
        %sub3A_2341 = arith.subf %add3A_2339, %mul3A_2340 : vector<16xf32>
        %mul3A_2342 = arith.mulf %get3A_2285, %mul3A_1031 : vector<16xf32>
        %sub3A_2343 = arith.subf %sub3A_2341, %mul3A_2342 : vector<16xf32>
        %exp3A_2344 = math.exp %sub3A_2343 : vector<16xf32>
        %add3A_2345 = arith.addf %add3A_2255, %exp3A_2344 : vector<16xf32>
        %mul3A_2346 = arith.mulf %get3A_2279, %select_n3A_1194 : vector<16xf32>
        %add3A_2347 = arith.addf %get3A_2277, %mul3A_2346 : vector<16xf32>
        %mul3A_2348 = arith.mulf %get3A_2281, %select_n3A_1198 : vector<16xf32>
        %add3A_2349 = arith.addf %add3A_2347, %mul3A_2348 : vector<16xf32>
        %mul3A_2350 = arith.mulf %get3A_2283, %mul3A_1199 : vector<16xf32>
        %sub3A_2351 = arith.subf %add3A_2349, %mul3A_2350 : vector<16xf32>
        %mul3A_2352 = arith.mulf %get3A_2285, %mul3A_1200 : vector<16xf32>
        %sub3A_2353 = arith.subf %sub3A_2351, %mul3A_2352 : vector<16xf32>
        %exp3A_2354 = math.exp %sub3A_2353 : vector<16xf32>
        %add3A_2355 = arith.addf %add3A_2265, %exp3A_2354 : vector<16xf32>
        %mul3A_2356 = arith.mulf %get3A_2279, %select_n3A_1363 : vector<16xf32>
        %add3A_2357 = arith.addf %get3A_2277, %mul3A_2356 : vector<16xf32>
        %mul3A_2358 = arith.mulf %get3A_2281, %select_n3A_1367 : vector<16xf32>
        %add3A_2359 = arith.addf %add3A_2357, %mul3A_2358 : vector<16xf32>
        %mul3A_2360 = arith.mulf %get3A_2283, %mul3A_1368 : vector<16xf32>
        %sub3A_2361 = arith.subf %add3A_2359, %mul3A_2360 : vector<16xf32>
        %mul3A_2362 = arith.mulf %get3A_2285, %mul3A_1369 : vector<16xf32>
        %sub3A_2363 = arith.subf %sub3A_2361, %mul3A_2362 : vector<16xf32>
        %exp3A_2364 = math.exp %sub3A_2363 : vector<16xf32>
        %add3A_2365 = arith.addf %add3A_2275, %exp3A_2364 : vector<16xf32>
        %get3A_2366 = arith.constant 304 : index
        %get3A_2367 = tpu.vector_load %arg9[%get3A_2366] {strides = array<i32>} : memref<1408xf32, #tpu.memory_space<vmem>>, vector<16xf32>,
        %get3A_2368 = arith.constant 560 : index
        %get3A_2369 = tpu.vector_load %arg9[%get3A_2368] {strides = array<i32>} : memref<1408xf32, #tpu.memory_space<vmem>>, vector<16xf32>,
        %get3A_2370 = arith.constant 816 : index
        %get3A_2371 = tpu.vector_load %arg9[%get3A_2370] {strides = array<i32>} : memref<1408xf32, #tpu.memory_space<vmem>>, vector<16xf32>,
        %get3A_2372 = arith.constant 1072 : index
        %get3A_2373 = tpu.vector_load %arg9[%get3A_2372] {strides = array<i32>} : memref<1408xf32, #tpu.memory_space<vmem>>, vector<16xf32>,
        %get3A_2374 = arith.constant 1328 : index
        %get3A_2375 = tpu.vector_load %arg9[%get3A_2374] {strides = array<i32>} : memref<1408xf32, #tpu.memory_space<vmem>>, vector<16xf32>,
        %mul3A_2376 = arith.mulf %get3A_2369, %select_n3A_182 : vector<16xf32>
        %add3A_2377 = arith.addf %get3A_2367, %mul3A_2376 : vector<16xf32>
        %mul3A_2378 = arith.mulf %get3A_2371, %select_n3A_186 : vector<16xf32>
        %add3A_2379 = arith.addf %add3A_2377, %mul3A_2378 : vector<16xf32>
        %mul3A_2380 = arith.mulf %get3A_2373, %mul3A_187 : vector<16xf32>
        %sub3A_2381 = arith.subf %add3A_2379, %mul3A_2380 : vector<16xf32>
        %mul3A_2382 = arith.mulf %get3A_2375, %mul3A_188 : vector<16xf32>
        %sub3A_2383 = arith.subf %sub3A_2381, %mul3A_2382 : vector<16xf32>
        %exp3A_2384 = math.exp %sub3A_2383 : vector<16xf32>
        %add3A_2385 = arith.addf %add3A_2295, %exp3A_2384 : vector<16xf32>
        %mul3A_2386 = arith.mulf %get3A_2369, %select_n3A_349 : vector<16xf32>
        %add3A_2387 = arith.addf %get3A_2367, %mul3A_2386 : vector<16xf32>
        %mul3A_2388 = arith.mulf %get3A_2371, %select_n3A_353 : vector<16xf32>
        %add3A_2389 = arith.addf %add3A_2387, %mul3A_2388 : vector<16xf32>
        %mul3A_2390 = arith.mulf %get3A_2373, %mul3A_354 : vector<16xf32>
        %sub3A_2391 = arith.subf %add3A_2389, %mul3A_2390 : vector<16xf32>
        %mul3A_2392 = arith.mulf %get3A_2375, %mul3A_355 : vector<16xf32>
        %sub3A_2393 = arith.subf %sub3A_2391, %mul3A_2392 : vector<16xf32>
        %exp3A_2394 = math.exp %sub3A_2393 : vector<16xf32>
        %add3A_2395 = arith.addf %add3A_2305, %exp3A_2394 : vector<16xf32>
        %mul3A_2396 = arith.mulf %get3A_2369, %select_n3A_518 : vector<16xf32>
        %add3A_2397 = arith.addf %get3A_2367, %mul3A_2396 : vector<16xf32>
        %mul3A_2398 = arith.mulf %get3A_2371, %select_n3A_522 : vector<16xf32>
        %add3A_2399 = arith.addf %add3A_2397, %mul3A_2398 : vector<16xf32>
        %mul3A_2400 = arith.mulf %get3A_2373, %mul3A_523 : vector<16xf32>
        %sub3A_2401 = arith.subf %add3A_2399, %mul3A_2400 : vector<16xf32>
        %mul3A_2402 = arith.mulf %get3A_2375, %mul3A_524 : vector<16xf32>
        %sub3A_2403 = arith.subf %sub3A_2401, %mul3A_2402 : vector<16xf32>
        %exp3A_2404 = math.exp %sub3A_2403 : vector<16xf32>
        %add3A_2405 = arith.addf %add3A_2315, %exp3A_2404 : vector<16xf32>
        %mul3A_2406 = arith.mulf %get3A_2369, %select_n3A_687 : vector<16xf32>
        %add3A_2407 = arith.addf %get3A_2367, %mul3A_2406 : vector<16xf32>
        %mul3A_2408 = arith.mulf %get3A_2371, %select_n3A_691 : vector<16xf32>
        %add3A_2409 = arith.addf %add3A_2407, %mul3A_2408 : vector<16xf32>
        %mul3A_2410 = arith.mulf %get3A_2373, %mul3A_692 : vector<16xf32>
        %sub3A_2411 = arith.subf %add3A_2409, %mul3A_2410 : vector<16xf32>
        %mul3A_2412 = arith.mulf %get3A_2375, %mul3A_693 : vector<16xf32>
        %sub3A_2413 = arith.subf %sub3A_2411, %mul3A_2412 : vector<16xf32>
        %exp3A_2414 = math.exp %sub3A_2413 : vector<16xf32>
        %add3A_2415 = arith.addf %add3A_2325, %exp3A_2414 : vector<16xf32>
        %mul3A_2416 = arith.mulf %get3A_2369, %select_n3A_856 : vector<16xf32>
        %add3A_2417 = arith.addf %get3A_2367, %mul3A_2416 : vector<16xf32>
        %mul3A_2418 = arith.mulf %get3A_2371, %select_n3A_860 : vector<16xf32>
        %add3A_2419 = arith.addf %add3A_2417, %mul3A_2418 : vector<16xf32>
        %mul3A_2420 = arith.mulf %get3A_2373, %mul3A_861 : vector<16xf32>
        %sub3A_2421 = arith.subf %add3A_2419, %mul3A_2420 : vector<16xf32>
        %mul3A_2422 = arith.mulf %get3A_2375, %mul3A_862 : vector<16xf32>
        %sub3A_2423 = arith.subf %sub3A_2421, %mul3A_2422 : vector<16xf32>
        %exp3A_2424 = math.exp %sub3A_2423 : vector<16xf32>
        %add3A_2425 = arith.addf %add3A_2335, %exp3A_2424 : vector<16xf32>
        %mul3A_2426 = arith.mulf %get3A_2369, %select_n3A_1025 : vector<16xf32>
        %add3A_2427 = arith.addf %get3A_2367, %mul3A_2426 : vector<16xf32>
        %mul3A_2428 = arith.mulf %get3A_2371, %select_n3A_1029 : vector<16xf32>
        %add3A_2429 = arith.addf %add3A_2427, %mul3A_2428 : vector<16xf32>
        %mul3A_2430 = arith.mulf %get3A_2373, %mul3A_1030 : vector<16xf32>
        %sub3A_2431 = arith.subf %add3A_2429, %mul3A_2430 : vector<16xf32>
        %mul3A_2432 = arith.mulf %get3A_2375, %mul3A_1031 : vector<16xf32>
        %sub3A_2433 = arith.subf %sub3A_2431, %mul3A_2432 : vector<16xf32>
        %exp3A_2434 = math.exp %sub3A_2433 : vector<16xf32>
        %add3A_2435 = arith.addf %add3A_2345, %exp3A_2434 : vector<16xf32>
        %mul3A_2436 = arith.mulf %get3A_2369, %select_n3A_1194 : vector<16xf32>
        %add3A_2437 = arith.addf %get3A_2367, %mul3A_2436 : vector<16xf32>
        %mul3A_2438 = arith.mulf %get3A_2371, %select_n3A_1198 : vector<16xf32>
        %add3A_2439 = arith.addf %add3A_2437, %mul3A_2438 : vector<16xf32>
        %mul3A_2440 = arith.mulf %get3A_2373, %mul3A_1199 : vector<16xf32>
        %sub3A_2441 = arith.subf %add3A_2439, %mul3A_2440 : vector<16xf32>
        %mul3A_2442 = arith.mulf %get3A_2375, %mul3A_1200 : vector<16xf32>
        %sub3A_2443 = arith.subf %sub3A_2441, %mul3A_2442 : vector<16xf32>
        %exp3A_2444 = math.exp %sub3A_2443 : vector<16xf32>
        %add3A_2445 = arith.addf %add3A_2355, %exp3A_2444 : vector<16xf32>
        %mul3A_2446 = arith.mulf %get3A_2369, %select_n3A_1363 : vector<16xf32>
        %add3A_2447 = arith.addf %get3A_2367, %mul3A_2446 : vector<16xf32>
        %mul3A_2448 = arith.mulf %get3A_2371, %select_n3A_1367 : vector<16xf32>
        %add3A_2449 = arith.addf %add3A_2447, %mul3A_2448 : vector<16xf32>
        %mul3A_2450 = arith.mulf %get3A_2373, %mul3A_1368 : vector<16xf32>
        %sub3A_2451 = arith.subf %add3A_2449, %mul3A_2450 : vector<16xf32>
        %mul3A_2452 = arith.mulf %get3A_2375, %mul3A_1369 : vector<16xf32>
        %sub3A_2453 = arith.subf %sub3A_2451, %mul3A_2452 : vector<16xf32>
        %exp3A_2454 = math.exp %sub3A_2453 : vector<16xf32>
        %add3A_2455 = arith.addf %add3A_2365, %exp3A_2454 : vector<16xf32>
        %get3A_2456 = arith.constant 320 : index
        %get3A_2457 = tpu.vector_load %arg9[%get3A_2456] {strides = array<i32>} : memref<1408xf32, #tpu.memory_space<vmem>>, vector<16xf32>,
        %get3A_2458 = arith.constant 576 : index
        %get3A_2459 = tpu.vector_load %arg9[%get3A_2458] {strides = array<i32>} : memref<1408xf32, #tpu.memory_space<vmem>>, vector<16xf32>,
        %get3A_2460 = arith.constant 832 : index
        %get3A_2461 = tpu.vector_load %arg9[%get3A_2460] {strides = array<i32>} : memref<1408xf32, #tpu.memory_space<vmem>>, vector<16xf32>,
        %get3A_2462 = arith.constant 1088 : index
        %get3A_2463 = tpu.vector_load %arg9[%get3A_2462] {strides = array<i32>} : memref<1408xf32, #tpu.memory_space<vmem>>, vector<16xf32>,
        %get3A_2464 = arith.constant 1344 : index
        %get3A_2465 = tpu.vector_load %arg9[%get3A_2464] {strides = array<i32>} : memref<1408xf32, #tpu.memory_space<vmem>>, vector<16xf32>,
        %mul3A_2466 = arith.mulf %get3A_2459, %select_n3A_182 : vector<16xf32>
        %add3A_2467 = arith.addf %get3A_2457, %mul3A_2466 : vector<16xf32>
        %mul3A_2468 = arith.mulf %get3A_2461, %select_n3A_186 : vector<16xf32>
        %add3A_2469 = arith.addf %add3A_2467, %mul3A_2468 : vector<16xf32>
        %mul3A_2470 = arith.mulf %get3A_2463, %mul3A_187 : vector<16xf32>
        %sub3A_2471 = arith.subf %add3A_2469, %mul3A_2470 : vector<16xf32>
        %mul3A_2472 = arith.mulf %get3A_2465, %mul3A_188 : vector<16xf32>
        %sub3A_2473 = arith.subf %sub3A_2471, %mul3A_2472 : vector<16xf32>
        %exp3A_2474 = math.exp %sub3A_2473 : vector<16xf32>
        %add3A_2475 = arith.addf %add3A_2385, %exp3A_2474 : vector<16xf32>
        %mul3A_2476 = arith.mulf %get3A_2459, %select_n3A_349 : vector<16xf32>
        %add3A_2477 = arith.addf %get3A_2457, %mul3A_2476 : vector<16xf32>
        %mul3A_2478 = arith.mulf %get3A_2461, %select_n3A_353 : vector<16xf32>
        %add3A_2479 = arith.addf %add3A_2477, %mul3A_2478 : vector<16xf32>
        %mul3A_2480 = arith.mulf %get3A_2463, %mul3A_354 : vector<16xf32>
        %sub3A_2481 = arith.subf %add3A_2479, %mul3A_2480 : vector<16xf32>
        %mul3A_2482 = arith.mulf %get3A_2465, %mul3A_355 : vector<16xf32>
        %sub3A_2483 = arith.subf %sub3A_2481, %mul3A_2482 : vector<16xf32>
        %exp3A_2484 = math.exp %sub3A_2483 : vector<16xf32>
        %add3A_2485 = arith.addf %add3A_2395, %exp3A_2484 : vector<16xf32>
        %mul3A_2486 = arith.mulf %get3A_2459, %select_n3A_518 : vector<16xf32>
        %add3A_2487 = arith.addf %get3A_2457, %mul3A_2486 : vector<16xf32>
        %mul3A_2488 = arith.mulf %get3A_2461, %select_n3A_522 : vector<16xf32>
        %add3A_2489 = arith.addf %add3A_2487, %mul3A_2488 : vector<16xf32>
        %mul3A_2490 = arith.mulf %get3A_2463, %mul3A_523 : vector<16xf32>
        %sub3A_2491 = arith.subf %add3A_2489, %mul3A_2490 : vector<16xf32>
        %mul3A_2492 = arith.mulf %get3A_2465, %mul3A_524 : vector<16xf32>
        %sub3A_2493 = arith.subf %sub3A_2491, %mul3A_2492 : vector<16xf32>
        %exp3A_2494 = math.exp %sub3A_2493 : vector<16xf32>
        %add3A_2495 = arith.addf %add3A_2405, %exp3A_2494 : vector<16xf32>
        %mul3A_2496 = arith.mulf %get3A_2459, %select_n3A_687 : vector<16xf32>
        %add3A_2497 = arith.addf %get3A_2457, %mul3A_2496 : vector<16xf32>
        %mul3A_2498 = arith.mulf %get3A_2461, %select_n3A_691 : vector<16xf32>
        %add3A_2499 = arith.addf %add3A_2497, %mul3A_2498 : vector<16xf32>
        %mul3A_2500 = arith.mulf %get3A_2463, %mul3A_692 : vector<16xf32>
        %sub3A_2501 = arith.subf %add3A_2499, %mul3A_2500 : vector<16xf32>
        %mul3A_2502 = arith.mulf %get3A_2465, %mul3A_693 : vector<16xf32>
        %sub3A_2503 = arith.subf %sub3A_2501, %mul3A_2502 : vector<16xf32>
        %exp3A_2504 = math.exp %sub3A_2503 : vector<16xf32>
        %add3A_2505 = arith.addf %add3A_2415, %exp3A_2504 : vector<16xf32>
        %mul3A_2506 = arith.mulf %get3A_2459, %select_n3A_856 : vector<16xf32>
        %add3A_2507 = arith.addf %get3A_2457, %mul3A_2506 : vector<16xf32>
        %mul3A_2508 = arith.mulf %get3A_2461, %select_n3A_860 : vector<16xf32>
        %add3A_2509 = arith.addf %add3A_2507, %mul3A_2508 : vector<16xf32>
        %mul3A_2510 = arith.mulf %get3A_2463, %mul3A_861 : vector<16xf32>
        %sub3A_2511 = arith.subf %add3A_2509, %mul3A_2510 : vector<16xf32>
        %mul3A_2512 = arith.mulf %get3A_2465, %mul3A_862 : vector<16xf32>
        %sub3A_2513 = arith.subf %sub3A_2511, %mul3A_2512 : vector<16xf32>
        %exp3A_2514 = math.exp %sub3A_2513 : vector<16xf32>
        %add3A_2515 = arith.addf %add3A_2425, %exp3A_2514 : vector<16xf32>
        %mul3A_2516 = arith.mulf %get3A_2459, %select_n3A_1025 : vector<16xf32>
        %add3A_2517 = arith.addf %get3A_2457, %mul3A_2516 : vector<16xf32>
        %mul3A_2518 = arith.mulf %get3A_2461, %select_n3A_1029 : vector<16xf32>
        %add3A_2519 = arith.addf %add3A_2517, %mul3A_2518 : vector<16xf32>
        %mul3A_2520 = arith.mulf %get3A_2463, %mul3A_1030 : vector<16xf32>
        %sub3A_2521 = arith.subf %add3A_2519, %mul3A_2520 : vector<16xf32>
        %mul3A_2522 = arith.mulf %get3A_2465, %mul3A_1031 : vector<16xf32>
        %sub3A_2523 = arith.subf %sub3A_2521, %mul3A_2522 : vector<16xf32>
        %exp3A_2524 = math.exp %sub3A_2523 : vector<16xf32>
        %add3A_2525 = arith.addf %add3A_2435, %exp3A_2524 : vector<16xf32>
        %mul3A_2526 = arith.mulf %get3A_2459, %select_n3A_1194 : vector<16xf32>
        %add3A_2527 = arith.addf %get3A_2457, %mul3A_2526 : vector<16xf32>
        %mul3A_2528 = arith.mulf %get3A_2461, %select_n3A_1198 : vector<16xf32>
        %add3A_2529 = arith.addf %add3A_2527, %mul3A_2528 : vector<16xf32>
        %mul3A_2530 = arith.mulf %get3A_2463, %mul3A_1199 : vector<16xf32>
        %sub3A_2531 = arith.subf %add3A_2529, %mul3A_2530 : vector<16xf32>
        %mul3A_2532 = arith.mulf %get3A_2465, %mul3A_1200 : vector<16xf32>
        %sub3A_2533 = arith.subf %sub3A_2531, %mul3A_2532 : vector<16xf32>
        %exp3A_2534 = math.exp %sub3A_2533 : vector<16xf32>
        %add3A_2535 = arith.addf %add3A_2445, %exp3A_2534 : vector<16xf32>
        %mul3A_2536 = arith.mulf %get3A_2459, %select_n3A_1363 : vector<16xf32>
        %add3A_2537 = arith.addf %get3A_2457, %mul3A_2536 : vector<16xf32>
        %mul3A_2538 = arith.mulf %get3A_2461, %select_n3A_1367 : vector<16xf32>
        %add3A_2539 = arith.addf %add3A_2537, %mul3A_2538 : vector<16xf32>
        %mul3A_2540 = arith.mulf %get3A_2463, %mul3A_1368 : vector<16xf32>
        %sub3A_2541 = arith.subf %add3A_2539, %mul3A_2540 : vector<16xf32>
        %mul3A_2542 = arith.mulf %get3A_2465, %mul3A_1369 : vector<16xf32>
        %sub3A_2543 = arith.subf %sub3A_2541, %mul3A_2542 : vector<16xf32>
        %exp3A_2544 = math.exp %sub3A_2543 : vector<16xf32>
        %add3A_2545 = arith.addf %add3A_2455, %exp3A_2544 : vector<16xf32>
        %get3A_2546 = arith.constant 336 : index
        %get3A_2547 = tpu.vector_load %arg9[%get3A_2546] {strides = array<i32>} : memref<1408xf32, #tpu.memory_space<vmem>>, vector<16xf32>,
        %get3A_2548 = arith.constant 592 : index
        %get3A_2549 = tpu.vector_load %arg9[%get3A_2548] {strides = array<i32>} : memref<1408xf32, #tpu.memory_space<vmem>>, vector<16xf32>,
        %get3A_2550 = arith.constant 848 : index
        %get3A_2551 = tpu.vector_load %arg9[%get3A_2550] {strides = array<i32>} : memref<1408xf32, #tpu.memory_space<vmem>>, vector<16xf32>,
        %get3A_2552 = arith.constant 1104 : index
        %get3A_2553 = tpu.vector_load %arg9[%get3A_2552] {strides = array<i32>} : memref<1408xf32, #tpu.memory_space<vmem>>, vector<16xf32>,
        %get3A_2554 = arith.constant 1360 : index
        %get3A_2555 = tpu.vector_load %arg9[%get3A_2554] {strides = array<i32>} : memref<1408xf32, #tpu.memory_space<vmem>>, vector<16xf32>,
        %mul3A_2556 = arith.mulf %get3A_2549, %select_n3A_182 : vector<16xf32>
        %add3A_2557 = arith.addf %get3A_2547, %mul3A_2556 : vector<16xf32>
        %mul3A_2558 = arith.mulf %get3A_2551, %select_n3A_186 : vector<16xf32>
        %add3A_2559 = arith.addf %add3A_2557, %mul3A_2558 : vector<16xf32>
        %mul3A_2560 = arith.mulf %get3A_2553, %mul3A_187 : vector<16xf32>
        %sub3A_2561 = arith.subf %add3A_2559, %mul3A_2560 : vector<16xf32>
        %mul3A_2562 = arith.mulf %get3A_2555, %mul3A_188 : vector<16xf32>
        %sub3A_2563 = arith.subf %sub3A_2561, %mul3A_2562 : vector<16xf32>
        %exp3A_2564 = math.exp %sub3A_2563 : vector<16xf32>
        %add3A_2565 = arith.addf %add3A_2475, %exp3A_2564 : vector<16xf32>
        %mul3A_2566 = arith.mulf %get3A_2549, %select_n3A_349 : vector<16xf32>
        %add3A_2567 = arith.addf %get3A_2547, %mul3A_2566 : vector<16xf32>
        %mul3A_2568 = arith.mulf %get3A_2551, %select_n3A_353 : vector<16xf32>
        %add3A_2569 = arith.addf %add3A_2567, %mul3A_2568 : vector<16xf32>
        %mul3A_2570 = arith.mulf %get3A_2553, %mul3A_354 : vector<16xf32>
        %sub3A_2571 = arith.subf %add3A_2569, %mul3A_2570 : vector<16xf32>
        %mul3A_2572 = arith.mulf %get3A_2555, %mul3A_355 : vector<16xf32>
        %sub3A_2573 = arith.subf %sub3A_2571, %mul3A_2572 : vector<16xf32>
        %exp3A_2574 = math.exp %sub3A_2573 : vector<16xf32>
        %add3A_2575 = arith.addf %add3A_2485, %exp3A_2574 : vector<16xf32>
        %mul3A_2576 = arith.mulf %get3A_2549, %select_n3A_518 : vector<16xf32>
        %add3A_2577 = arith.addf %get3A_2547, %mul3A_2576 : vector<16xf32>
        %mul3A_2578 = arith.mulf %get3A_2551, %select_n3A_522 : vector<16xf32>
        %add3A_2579 = arith.addf %add3A_2577, %mul3A_2578 : vector<16xf32>
        %mul3A_2580 = arith.mulf %get3A_2553, %mul3A_523 : vector<16xf32>
        %sub3A_2581 = arith.subf %add3A_2579, %mul3A_2580 : vector<16xf32>
        %mul3A_2582 = arith.mulf %get3A_2555, %mul3A_524 : vector<16xf32>
        %sub3A_2583 = arith.subf %sub3A_2581, %mul3A_2582 : vector<16xf32>
        %exp3A_2584 = math.exp %sub3A_2583 : vector<16xf32>
        %add3A_2585 = arith.addf %add3A_2495, %exp3A_2584 : vector<16xf32>
        %mul3A_2586 = arith.mulf %get3A_2549, %select_n3A_687 : vector<16xf32>
        %add3A_2587 = arith.addf %get3A_2547, %mul3A_2586 : vector<16xf32>
        %mul3A_2588 = arith.mulf %get3A_2551, %select_n3A_691 : vector<16xf32>
        %add3A_2589 = arith.addf %add3A_2587, %mul3A_2588 : vector<16xf32>
        %mul3A_2590 = arith.mulf %get3A_2553, %mul3A_692 : vector<16xf32>
        %sub3A_2591 = arith.subf %add3A_2589, %mul3A_2590 : vector<16xf32>
        %mul3A_2592 = arith.mulf %get3A_2555, %mul3A_693 : vector<16xf32>
        %sub3A_2593 = arith.subf %sub3A_2591, %mul3A_2592 : vector<16xf32>
        %exp3A_2594 = math.exp %sub3A_2593 : vector<16xf32>
        %add3A_2595 = arith.addf %add3A_2505, %exp3A_2594 : vector<16xf32>
        %mul3A_2596 = arith.mulf %get3A_2549, %select_n3A_856 : vector<16xf32>
        %add3A_2597 = arith.addf %get3A_2547, %mul3A_2596 : vector<16xf32>
        %mul3A_2598 = arith.mulf %get3A_2551, %select_n3A_860 : vector<16xf32>
        %add3A_2599 = arith.addf %add3A_2597, %mul3A_2598 : vector<16xf32>
        %mul3A_2600 = arith.mulf %get3A_2553, %mul3A_861 : vector<16xf32>
        %sub3A_2601 = arith.subf %add3A_2599, %mul3A_2600 : vector<16xf32>
        %mul3A_2602 = arith.mulf %get3A_2555, %mul3A_862 : vector<16xf32>
        %sub3A_2603 = arith.subf %sub3A_2601, %mul3A_2602 : vector<16xf32>
        %exp3A_2604 = math.exp %sub3A_2603 : vector<16xf32>
        %add3A_2605 = arith.addf %add3A_2515, %exp3A_2604 : vector<16xf32>
        %mul3A_2606 = arith.mulf %get3A_2549, %select_n3A_1025 : vector<16xf32>
        %add3A_2607 = arith.addf %get3A_2547, %mul3A_2606 : vector<16xf32>
        %mul3A_2608 = arith.mulf %get3A_2551, %select_n3A_1029 : vector<16xf32>
        %add3A_2609 = arith.addf %add3A_2607, %mul3A_2608 : vector<16xf32>
        %mul3A_2610 = arith.mulf %get3A_2553, %mul3A_1030 : vector<16xf32>
        %sub3A_2611 = arith.subf %add3A_2609, %mul3A_2610 : vector<16xf32>
        %mul3A_2612 = arith.mulf %get3A_2555, %mul3A_1031 : vector<16xf32>
        %sub3A_2613 = arith.subf %sub3A_2611, %mul3A_2612 : vector<16xf32>
        %exp3A_2614 = math.exp %sub3A_2613 : vector<16xf32>
        %add3A_2615 = arith.addf %add3A_2525, %exp3A_2614 : vector<16xf32>
        %mul3A_2616 = arith.mulf %get3A_2549, %select_n3A_1194 : vector<16xf32>
        %add3A_2617 = arith.addf %get3A_2547, %mul3A_2616 : vector<16xf32>
        %mul3A_2618 = arith.mulf %get3A_2551, %select_n3A_1198 : vector<16xf32>
        %add3A_2619 = arith.addf %add3A_2617, %mul3A_2618 : vector<16xf32>
        %mul3A_2620 = arith.mulf %get3A_2553, %mul3A_1199 : vector<16xf32>
        %sub3A_2621 = arith.subf %add3A_2619, %mul3A_2620 : vector<16xf32>
        %mul3A_2622 = arith.mulf %get3A_2555, %mul3A_1200 : vector<16xf32>
        %sub3A_2623 = arith.subf %sub3A_2621, %mul3A_2622 : vector<16xf32>
        %exp3A_2624 = math.exp %sub3A_2623 : vector<16xf32>
        %add3A_2625 = arith.addf %add3A_2535, %exp3A_2624 : vector<16xf32>
        %mul3A_2626 = arith.mulf %get3A_2549, %select_n3A_1363 : vector<16xf32>
        %add3A_2627 = arith.addf %get3A_2547, %mul3A_2626 : vector<16xf32>
        %mul3A_2628 = arith.mulf %get3A_2551, %select_n3A_1367 : vector<16xf32>
        %add3A_2629 = arith.addf %add3A_2627, %mul3A_2628 : vector<16xf32>
        %mul3A_2630 = arith.mulf %get3A_2553, %mul3A_1368 : vector<16xf32>
        %sub3A_2631 = arith.subf %add3A_2629, %mul3A_2630 : vector<16xf32>
        %mul3A_2632 = arith.mulf %get3A_2555, %mul3A_1369 : vector<16xf32>
        %sub3A_2633 = arith.subf %sub3A_2631, %mul3A_2632 : vector<16xf32>
        %exp3A_2634 = math.exp %sub3A_2633 : vector<16xf32>
        %add3A_2635 = arith.addf %add3A_2545, %exp3A_2634 : vector<16xf32>
        %get3A_2636 = arith.constant 352 : index
        %get3A_2637 = tpu.vector_load %arg9[%get3A_2636] {strides = array<i32>} : memref<1408xf32, #tpu.memory_space<vmem>>, vector<16xf32>,
        %get3A_2638 = arith.constant 608 : index
        %get3A_2639 = tpu.vector_load %arg9[%get3A_2638] {strides = array<i32>} : memref<1408xf32, #tpu.memory_space<vmem>>, vector<16xf32>,
        %get3A_2640 = arith.constant 864 : index
        %get3A_2641 = tpu.vector_load %arg9[%get3A_2640] {strides = array<i32>} : memref<1408xf32, #tpu.memory_space<vmem>>, vector<16xf32>,
        %get3A_2642 = arith.constant 1120 : index
        %get3A_2643 = tpu.vector_load %arg9[%get3A_2642] {strides = array<i32>} : memref<1408xf32, #tpu.memory_space<vmem>>, vector<16xf32>,
        %get3A_2644 = arith.constant 1376 : index
        %get3A_2645 = tpu.vector_load %arg9[%get3A_2644] {strides = array<i32>} : memref<1408xf32, #tpu.memory_space<vmem>>, vector<16xf32>,
        %mul3A_2646 = arith.mulf %get3A_2639, %select_n3A_182 : vector<16xf32>
        %add3A_2647 = arith.addf %get3A_2637, %mul3A_2646 : vector<16xf32>
        %mul3A_2648 = arith.mulf %get3A_2641, %select_n3A_186 : vector<16xf32>
        %add3A_2649 = arith.addf %add3A_2647, %mul3A_2648 : vector<16xf32>
        %mul3A_2650 = arith.mulf %get3A_2643, %mul3A_187 : vector<16xf32>
        %sub3A_2651 = arith.subf %add3A_2649, %mul3A_2650 : vector<16xf32>
        %mul3A_2652 = arith.mulf %get3A_2645, %mul3A_188 : vector<16xf32>
        %sub3A_2653 = arith.subf %sub3A_2651, %mul3A_2652 : vector<16xf32>
        %exp3A_2654 = math.exp %sub3A_2653 : vector<16xf32>
        %add3A_2655 = arith.addf %add3A_2565, %exp3A_2654 : vector<16xf32>
        %mul3A_2656 = arith.mulf %get3A_2639, %select_n3A_349 : vector<16xf32>
        %add3A_2657 = arith.addf %get3A_2637, %mul3A_2656 : vector<16xf32>
        %mul3A_2658 = arith.mulf %get3A_2641, %select_n3A_353 : vector<16xf32>
        %add3A_2659 = arith.addf %add3A_2657, %mul3A_2658 : vector<16xf32>
        %mul3A_2660 = arith.mulf %get3A_2643, %mul3A_354 : vector<16xf32>
        %sub3A_2661 = arith.subf %add3A_2659, %mul3A_2660 : vector<16xf32>
        %mul3A_2662 = arith.mulf %get3A_2645, %mul3A_355 : vector<16xf32>
        %sub3A_2663 = arith.subf %sub3A_2661, %mul3A_2662 : vector<16xf32>
        %exp3A_2664 = math.exp %sub3A_2663 : vector<16xf32>
        %add3A_2665 = arith.addf %add3A_2575, %exp3A_2664 : vector<16xf32>
        %mul3A_2666 = arith.mulf %get3A_2639, %select_n3A_518 : vector<16xf32>
        %add3A_2667 = arith.addf %get3A_2637, %mul3A_2666 : vector<16xf32>
        %mul3A_2668 = arith.mulf %get3A_2641, %select_n3A_522 : vector<16xf32>
        %add3A_2669 = arith.addf %add3A_2667, %mul3A_2668 : vector<16xf32>
        %mul3A_2670 = arith.mulf %get3A_2643, %mul3A_523 : vector<16xf32>
        %sub3A_2671 = arith.subf %add3A_2669, %mul3A_2670 : vector<16xf32>
        %mul3A_2672 = arith.mulf %get3A_2645, %mul3A_524 : vector<16xf32>
        %sub3A_2673 = arith.subf %sub3A_2671, %mul3A_2672 : vector<16xf32>
        %exp3A_2674 = math.exp %sub3A_2673 : vector<16xf32>
        %add3A_2675 = arith.addf %add3A_2585, %exp3A_2674 : vector<16xf32>
        %mul3A_2676 = arith.mulf %get3A_2639, %select_n3A_687 : vector<16xf32>
        %add3A_2677 = arith.addf %get3A_2637, %mul3A_2676 : vector<16xf32>
        %mul3A_2678 = arith.mulf %get3A_2641, %select_n3A_691 : vector<16xf32>
        %add3A_2679 = arith.addf %add3A_2677, %mul3A_2678 : vector<16xf32>
        %mul3A_2680 = arith.mulf %get3A_2643, %mul3A_692 : vector<16xf32>
        %sub3A_2681 = arith.subf %add3A_2679, %mul3A_2680 : vector<16xf32>
        %mul3A_2682 = arith.mulf %get3A_2645, %mul3A_693 : vector<16xf32>
        %sub3A_2683 = arith.subf %sub3A_2681, %mul3A_2682 : vector<16xf32>
        %exp3A_2684 = math.exp %sub3A_2683 : vector<16xf32>
        %add3A_2685 = arith.addf %add3A_2595, %exp3A_2684 : vector<16xf32>
        %mul3A_2686 = arith.mulf %get3A_2639, %select_n3A_856 : vector<16xf32>
        %add3A_2687 = arith.addf %get3A_2637, %mul3A_2686 : vector<16xf32>
        %mul3A_2688 = arith.mulf %get3A_2641, %select_n3A_860 : vector<16xf32>
        %add3A_2689 = arith.addf %add3A_2687, %mul3A_2688 : vector<16xf32>
        %mul3A_2690 = arith.mulf %get3A_2643, %mul3A_861 : vector<16xf32>
        %sub3A_2691 = arith.subf %add3A_2689, %mul3A_2690 : vector<16xf32>
        %mul3A_2692 = arith.mulf %get3A_2645, %mul3A_862 : vector<16xf32>
        %sub3A_2693 = arith.subf %sub3A_2691, %mul3A_2692 : vector<16xf32>
        %exp3A_2694 = math.exp %sub3A_2693 : vector<16xf32>
        %add3A_2695 = arith.addf %add3A_2605, %exp3A_2694 : vector<16xf32>
        %mul3A_2696 = arith.mulf %get3A_2639, %select_n3A_1025 : vector<16xf32>
        %add3A_2697 = arith.addf %get3A_2637, %mul3A_2696 : vector<16xf32>
        %mul3A_2698 = arith.mulf %get3A_2641, %select_n3A_1029 : vector<16xf32>
        %add3A_2699 = arith.addf %add3A_2697, %mul3A_2698 : vector<16xf32>
        %mul3A_2700 = arith.mulf %get3A_2643, %mul3A_1030 : vector<16xf32>
        %sub3A_2701 = arith.subf %add3A_2699, %mul3A_2700 : vector<16xf32>
        %mul3A_2702 = arith.mulf %get3A_2645, %mul3A_1031 : vector<16xf32>
        %sub3A_2703 = arith.subf %sub3A_2701, %mul3A_2702 : vector<16xf32>
        %exp3A_2704 = math.exp %sub3A_2703 : vector<16xf32>
        %add3A_2705 = arith.addf %add3A_2615, %exp3A_2704 : vector<16xf32>
        %mul3A_2706 = arith.mulf %get3A_2639, %select_n3A_1194 : vector<16xf32>
        %add3A_2707 = arith.addf %get3A_2637, %mul3A_2706 : vector<16xf32>
        %mul3A_2708 = arith.mulf %get3A_2641, %select_n3A_1198 : vector<16xf32>
        %add3A_2709 = arith.addf %add3A_2707, %mul3A_2708 : vector<16xf32>
        %mul3A_2710 = arith.mulf %get3A_2643, %mul3A_1199 : vector<16xf32>
        %sub3A_2711 = arith.subf %add3A_2709, %mul3A_2710 : vector<16xf32>
        %mul3A_2712 = arith.mulf %get3A_2645, %mul3A_1200 : vector<16xf32>
        %sub3A_2713 = arith.subf %sub3A_2711, %mul3A_2712 : vector<16xf32>
        %exp3A_2714 = math.exp %sub3A_2713 : vector<16xf32>
        %add3A_2715 = arith.addf %add3A_2625, %exp3A_2714 : vector<16xf32>
        %mul3A_2716 = arith.mulf %get3A_2639, %select_n3A_1363 : vector<16xf32>
        %add3A_2717 = arith.addf %get3A_2637, %mul3A_2716 : vector<16xf32>
        %mul3A_2718 = arith.mulf %get3A_2641, %select_n3A_1367 : vector<16xf32>
        %add3A_2719 = arith.addf %add3A_2717, %mul3A_2718 : vector<16xf32>
        %mul3A_2720 = arith.mulf %get3A_2643, %mul3A_1368 : vector<16xf32>
        %sub3A_2721 = arith.subf %add3A_2719, %mul3A_2720 : vector<16xf32>
        %mul3A_2722 = arith.mulf %get3A_2645, %mul3A_1369 : vector<16xf32>
        %sub3A_2723 = arith.subf %sub3A_2721, %mul3A_2722 : vector<16xf32>
        %exp3A_2724 = math.exp %sub3A_2723 : vector<16xf32>
        %add3A_2725 = arith.addf %add3A_2635, %exp3A_2724 : vector<16xf32>
        %get3A_2726 = arith.constant 368 : index
        %get3A_2727 = tpu.vector_load %arg9[%get3A_2726] {strides = array<i32>} : memref<1408xf32, #tpu.memory_space<vmem>>, vector<16xf32>,
        %get3A_2728 = arith.constant 624 : index
        %get3A_2729 = tpu.vector_load %arg9[%get3A_2728] {strides = array<i32>} : memref<1408xf32, #tpu.memory_space<vmem>>, vector<16xf32>,
        %get3A_2730 = arith.constant 880 : index
        %get3A_2731 = tpu.vector_load %arg9[%get3A_2730] {strides = array<i32>} : memref<1408xf32, #tpu.memory_space<vmem>>, vector<16xf32>,
        %get3A_2732 = arith.constant 1136 : index
        %get3A_2733 = tpu.vector_load %arg9[%get3A_2732] {strides = array<i32>} : memref<1408xf32, #tpu.memory_space<vmem>>, vector<16xf32>,
        %get3A_2734 = arith.constant 1392 : index
        %get3A_2735 = tpu.vector_load %arg9[%get3A_2734] {strides = array<i32>} : memref<1408xf32, #tpu.memory_space<vmem>>, vector<16xf32>,
        %mul3A_2736 = arith.mulf %get3A_2729, %select_n3A_182 : vector<16xf32>
        %add3A_2737 = arith.addf %get3A_2727, %mul3A_2736 : vector<16xf32>
        %mul3A_2738 = arith.mulf %get3A_2731, %select_n3A_186 : vector<16xf32>
        %add3A_2739 = arith.addf %add3A_2737, %mul3A_2738 : vector<16xf32>
        %mul3A_2740 = arith.mulf %get3A_2733, %mul3A_187 : vector<16xf32>
        %sub3A_2741 = arith.subf %add3A_2739, %mul3A_2740 : vector<16xf32>
        %mul3A_2742 = arith.mulf %get3A_2735, %mul3A_188 : vector<16xf32>
        %sub3A_2743 = arith.subf %sub3A_2741, %mul3A_2742 : vector<16xf32>
        %exp3A_2744 = math.exp %sub3A_2743 : vector<16xf32>
        %add3A_2745 = arith.addf %add3A_2655, %exp3A_2744 : vector<16xf32>
        %mul3A_2746 = arith.mulf %get3A_2729, %select_n3A_349 : vector<16xf32>
        %add3A_2747 = arith.addf %get3A_2727, %mul3A_2746 : vector<16xf32>
        %mul3A_2748 = arith.mulf %get3A_2731, %select_n3A_353 : vector<16xf32>
        %add3A_2749 = arith.addf %add3A_2747, %mul3A_2748 : vector<16xf32>
        %mul3A_2750 = arith.mulf %get3A_2733, %mul3A_354 : vector<16xf32>
        %sub3A_2751 = arith.subf %add3A_2749, %mul3A_2750 : vector<16xf32>
        %mul3A_2752 = arith.mulf %get3A_2735, %mul3A_355 : vector<16xf32>
        %sub3A_2753 = arith.subf %sub3A_2751, %mul3A_2752 : vector<16xf32>
        %exp3A_2754 = math.exp %sub3A_2753 : vector<16xf32>
        %add3A_2755 = arith.addf %add3A_2665, %exp3A_2754 : vector<16xf32>
        %mul3A_2756 = arith.mulf %get3A_2729, %select_n3A_518 : vector<16xf32>
        %add3A_2757 = arith.addf %get3A_2727, %mul3A_2756 : vector<16xf32>
        %mul3A_2758 = arith.mulf %get3A_2731, %select_n3A_522 : vector<16xf32>
        %add3A_2759 = arith.addf %add3A_2757, %mul3A_2758 : vector<16xf32>
        %mul3A_2760 = arith.mulf %get3A_2733, %mul3A_523 : vector<16xf32>
        %sub3A_2761 = arith.subf %add3A_2759, %mul3A_2760 : vector<16xf32>
        %mul3A_2762 = arith.mulf %get3A_2735, %mul3A_524 : vector<16xf32>
        %sub3A_2763 = arith.subf %sub3A_2761, %mul3A_2762 : vector<16xf32>
        %exp3A_2764 = math.exp %sub3A_2763 : vector<16xf32>
        %add3A_2765 = arith.addf %add3A_2675, %exp3A_2764 : vector<16xf32>
        %mul3A_2766 = arith.mulf %get3A_2729, %select_n3A_687 : vector<16xf32>
        %add3A_2767 = arith.addf %get3A_2727, %mul3A_2766 : vector<16xf32>
        %mul3A_2768 = arith.mulf %get3A_2731, %select_n3A_691 : vector<16xf32>
        %add3A_2769 = arith.addf %add3A_2767, %mul3A_2768 : vector<16xf32>
        %mul3A_2770 = arith.mulf %get3A_2733, %mul3A_692 : vector<16xf32>
        %sub3A_2771 = arith.subf %add3A_2769, %mul3A_2770 : vector<16xf32>
        %mul3A_2772 = arith.mulf %get3A_2735, %mul3A_693 : vector<16xf32>
        %sub3A_2773 = arith.subf %sub3A_2771, %mul3A_2772 : vector<16xf32>
        %exp3A_2774 = math.exp %sub3A_2773 : vector<16xf32>
        %add3A_2775 = arith.addf %add3A_2685, %exp3A_2774 : vector<16xf32>
        %mul3A_2776 = arith.mulf %get3A_2729, %select_n3A_856 : vector<16xf32>
        %add3A_2777 = arith.addf %get3A_2727, %mul3A_2776 : vector<16xf32>
        %mul3A_2778 = arith.mulf %get3A_2731, %select_n3A_860 : vector<16xf32>
        %add3A_2779 = arith.addf %add3A_2777, %mul3A_2778 : vector<16xf32>
        %mul3A_2780 = arith.mulf %get3A_2733, %mul3A_861 : vector<16xf32>
        %sub3A_2781 = arith.subf %add3A_2779, %mul3A_2780 : vector<16xf32>
        %mul3A_2782 = arith.mulf %get3A_2735, %mul3A_862 : vector<16xf32>
        %sub3A_2783 = arith.subf %sub3A_2781, %mul3A_2782 : vector<16xf32>
        %exp3A_2784 = math.exp %sub3A_2783 : vector<16xf32>
        %add3A_2785 = arith.addf %add3A_2695, %exp3A_2784 : vector<16xf32>
        %mul3A_2786 = arith.mulf %get3A_2729, %select_n3A_1025 : vector<16xf32>
        %add3A_2787 = arith.addf %get3A_2727, %mul3A_2786 : vector<16xf32>
        %mul3A_2788 = arith.mulf %get3A_2731, %select_n3A_1029 : vector<16xf32>
        %add3A_2789 = arith.addf %add3A_2787, %mul3A_2788 : vector<16xf32>
        %mul3A_2790 = arith.mulf %get3A_2733, %mul3A_1030 : vector<16xf32>
        %sub3A_2791 = arith.subf %add3A_2789, %mul3A_2790 : vector<16xf32>
        %mul3A_2792 = arith.mulf %get3A_2735, %mul3A_1031 : vector<16xf32>
        %sub3A_2793 = arith.subf %sub3A_2791, %mul3A_2792 : vector<16xf32>
        %exp3A_2794 = math.exp %sub3A_2793 : vector<16xf32>
        %add3A_2795 = arith.addf %add3A_2705, %exp3A_2794 : vector<16xf32>
        %mul3A_2796 = arith.mulf %get3A_2729, %select_n3A_1194 : vector<16xf32>
        %add3A_2797 = arith.addf %get3A_2727, %mul3A_2796 : vector<16xf32>
        %mul3A_2798 = arith.mulf %get3A_2731, %select_n3A_1198 : vector<16xf32>
        %add3A_2799 = arith.addf %add3A_2797, %mul3A_2798 : vector<16xf32>
        %mul3A_2800 = arith.mulf %get3A_2733, %mul3A_1199 : vector<16xf32>
        %sub3A_2801 = arith.subf %add3A_2799, %mul3A_2800 : vector<16xf32>
        %mul3A_2802 = arith.mulf %get3A_2735, %mul3A_1200 : vector<16xf32>
        %sub3A_2803 = arith.subf %sub3A_2801, %mul3A_2802 : vector<16xf32>
        %exp3A_2804 = math.exp %sub3A_2803 : vector<16xf32>
        %add3A_2805 = arith.addf %add3A_2715, %exp3A_2804 : vector<16xf32>
        %mul3A_2806 = arith.mulf %get3A_2729, %select_n3A_1363 : vector<16xf32>
        %add3A_2807 = arith.addf %get3A_2727, %mul3A_2806 : vector<16xf32>
        %mul3A_2808 = arith.mulf %get3A_2731, %select_n3A_1367 : vector<16xf32>
        %add3A_2809 = arith.addf %add3A_2807, %mul3A_2808 : vector<16xf32>
        %mul3A_2810 = arith.mulf %get3A_2733, %mul3A_1368 : vector<16xf32>
        %sub3A_2811 = arith.subf %add3A_2809, %mul3A_2810 : vector<16xf32>
        %mul3A_2812 = arith.mulf %get3A_2735, %mul3A_1369 : vector<16xf32>
        %sub3A_2813 = arith.subf %sub3A_2811, %mul3A_2812 : vector<16xf32>
        %exp3A_2814 = math.exp %sub3A_2813 : vector<16xf32>
        %add3A_2815 = arith.addf %add3A_2725, %exp3A_2814 : vector<16xf32>
        %mul3A_2816 = arith.constant 128 : i32
        %mul3A_2817 = arith.muli %mul3A_2816, %scan3A_37 : i32
        %add3A_2818 = arith.constant 0 : i32
        %add3A_2819 = arith.addi %mul3A_2817, %add3A_2818 : i32
        %swap3A = arith.index_cast %add3A_2819 : i32 to index
        %swap3A_2820 = tpu.vector_load %arg13[%swap3A] {strides = array<i32>} : memref<2048xf32, #tpu.memory_space<vmem>>, vector<16xf32>,
        tpu.vector_store %arg13[%swap3A], %select_n3A_182 {strides = array<i32>} : memref<2048xf32, #tpu.memory_space<vmem>>, vector<16xf32>,
        %swap3A_2821 = arith.index_cast %add3A_2819 : i32 to index
        %swap3A_2822 = tpu.vector_load %arg14[%swap3A_2821] {strides = array<i32>} : memref<2048xf32, #tpu.memory_space<vmem>>, vector<16xf32>,
        tpu.vector_store %arg14[%swap3A_2821], %select_n3A_186 {strides = array<i32>} : memref<2048xf32, #tpu.memory_space<vmem>>, vector<16xf32>,
        %bitcast_convert_type3A = tpu.bitcast %add3A_2745 : vector<16xf32> -> vector<16xi32>
        %shift_right_arithmetic3A = arith.constant 23 : i32
        %shift_right_arithmetic3A_2823 = vector.broadcast %shift_right_arithmetic3A : i32 to vector<16xi32>
        %shift_right_arithmetic3A_2824 = arith.shrsi %bitcast_convert_type3A, %shift_right_arithmetic3A_2823 : vector<16xi32>
        %sub3A_2825 = arith.constant 127 : i32
        %sub3A_2826 = vector.broadcast %sub3A_2825 : i32 to vector<16xi32>
        %sub3A_2827 = arith.subi %shift_right_arithmetic3A_2824, %sub3A_2826 : vector<16xi32>
        %and3A_2828 = arith.constant 8388607 : i32
        %and3A_2829 = vector.broadcast %and3A_2828 : i32 to vector<16xi32>
        %and3A_2830 = arith.andi %bitcast_convert_type3A, %and3A_2829 : vector<16xi32>
        %or3A = arith.constant 1065353216 : i32
        %or3A_2831 = vector.broadcast %or3A : i32 to vector<16xi32>
        %or3A_2832 = arith.ori %and3A_2830, %or3A_2831 : vector<16xi32>
        %bitcast_convert_type3A_2833 = tpu.bitcast %or3A_2832 : vector<16xi32> -> vector<16xf32>
        %gt3A_2834 = arith.constant 1.41421354 : f32
        %gt3A_2835 = vector.broadcast %gt3A_2834 : f32 to vector<16xf32>
        %gt3A_2836 = arith.cmpf ogt, %bitcast_convert_type3A_2833, %gt3A_2835 : vector<16xf32>
        %mul3A_2837 = arith.constant 5.000000e-01 : f32
        %mul3A_2838 = vector.broadcast %mul3A_2837 : f32 to vector<16xf32>
        %mul3A_2839 = arith.mulf %bitcast_convert_type3A_2833, %mul3A_2838 : vector<16xf32>
        %select_n3A_2840 = arith.select %gt3A_2836, %mul3A_2839, %bitcast_convert_type3A_2833 : vector<16xi1>, vector<16xf32>
        %convert_element_type3A_2841 = arith.sitofp %sub3A_2827 : vector<16xi32> to vector<16xf32>
        %jit3A_2842 = arith.constant 1.000000e+00 : f32
        %jit3A_2843 = arith.constant 0.000000e+00 : f32
        %broadcast_in_dim3A_2844 = vector.broadcast %jit3A_2842 : f32 to vector<16xf32>
        %broadcast_in_dim3A_2845 = vector.broadcast %jit3A_2843 : f32 to vector<16xf32>
        %select_n3A_2846 = arith.select %gt3A_2836, %broadcast_in_dim3A_2844, %broadcast_in_dim3A_2845 : vector<16xi1>, vector<16xf32>
        %add3A_2847 = arith.addf %convert_element_type3A_2841, %select_n3A_2846 : vector<16xf32>
        %sub3A_2848 = arith.constant 1.000000e+00 : f32
        %sub3A_2849 = vector.broadcast %sub3A_2848 : f32 to vector<16xf32>
        %sub3A_2850 = arith.subf %select_n3A_2840, %sub3A_2849 : vector<16xf32>
        %add3A_2851 = arith.constant 2.000000e+00 : f32
        %add3A_2852 = vector.broadcast %add3A_2851 : f32 to vector<16xf32>
        %add3A_2853 = arith.addf %sub3A_2850, %add3A_2852 : vector<16xf32>
        %div3A_2854 = arith.divf %sub3A_2850, %add3A_2853 : vector<16xf32>
        %mul3A_2855 = arith.mulf %div3A_2854, %div3A_2854 : vector<16xf32>
        %mul3A_2856 = arith.constant 0.142857149 : f32
        %mul3A_2857 = vector.broadcast %mul3A_2856 : f32 to vector<16xf32>
        %mul3A_2858 = arith.mulf %mul3A_2857, %mul3A_2855 : vector<16xf32>
        %add3A_2859 = arith.constant 2.000000e-01 : f32
        %add3A_2860 = vector.broadcast %add3A_2859 : f32 to vector<16xf32>
        %add3A_2861 = arith.addf %mul3A_2858, %add3A_2860 : vector<16xf32>
        %mul3A_2862 = arith.mulf %add3A_2861, %mul3A_2855 : vector<16xf32>
        %add3A_2863 = arith.constant 0.333333343 : f32
        %add3A_2864 = vector.broadcast %add3A_2863 : f32 to vector<16xf32>
        %add3A_2865 = arith.addf %mul3A_2862, %add3A_2864 : vector<16xf32>
        %mul3A_2866 = arith.mulf %add3A_2865, %mul3A_2855 : vector<16xf32>
        %add3A_2867 = arith.constant 1.000000e+00 : f32
        %add3A_2868 = vector.broadcast %add3A_2867 : f32 to vector<16xf32>
        %add3A_2869 = arith.addf %mul3A_2866, %add3A_2868 : vector<16xf32>
        %mul3A_2870 = arith.constant 0.693147182 : f32
        %mul3A_2871 = vector.broadcast %mul3A_2870 : f32 to vector<16xf32>
        %mul3A_2872 = arith.mulf %add3A_2847, %mul3A_2871 : vector<16xf32>
        %mul3A_2873 = arith.constant 2.000000e+00 : f32
        %mul3A_2874 = vector.broadcast %mul3A_2873 : f32 to vector<16xf32>
        %mul3A_2875 = arith.mulf %mul3A_2874, %div3A_2854 : vector<16xf32>
        %mul3A_2876 = arith.mulf %mul3A_2875, %add3A_2869 : vector<16xf32>
        %add3A_2877 = arith.addf %mul3A_2872, %mul3A_2876 : vector<16xf32>
        %add3A_2878 = arith.addf %get3A_15, %add3A_2877 : vector<16xf32>
        %swap3A_2879 = arith.index_cast %add3A_2819 : i32 to index
        %swap3A_2880 = tpu.vector_load %arg15[%swap3A_2879] {strides = array<i32>} : memref<2048xf32, #tpu.memory_space<vmem>>, vector<16xf32>,
        tpu.vector_store %arg15[%swap3A_2879], %add3A_2878 {strides = array<i32>} : memref<2048xf32, #tpu.memory_space<vmem>>, vector<16xf32>,
        %mul3A_2881 = arith.constant 128 : i32
        %mul3A_2882 = arith.muli %mul3A_2881, %scan3A_37 : i32
        %add3A_2883 = arith.constant 16 : i32
        %add3A_2884 = arith.addi %mul3A_2882, %add3A_2883 : i32
        %swap3A_2885 = arith.index_cast %add3A_2884 : i32 to index
        %swap3A_2886 = tpu.vector_load %arg13[%swap3A_2885] {strides = array<i32>} : memref<2048xf32, #tpu.memory_space<vmem>>, vector<16xf32>,
        tpu.vector_store %arg13[%swap3A_2885], %select_n3A_349 {strides = array<i32>} : memref<2048xf32, #tpu.memory_space<vmem>>, vector<16xf32>,
        %swap3A_2887 = arith.index_cast %add3A_2884 : i32 to index
        %swap3A_2888 = tpu.vector_load %arg14[%swap3A_2887] {strides = array<i32>} : memref<2048xf32, #tpu.memory_space<vmem>>, vector<16xf32>,
        tpu.vector_store %arg14[%swap3A_2887], %select_n3A_353 {strides = array<i32>} : memref<2048xf32, #tpu.memory_space<vmem>>, vector<16xf32>,
        %bitcast_convert_type3A_2889 = tpu.bitcast %add3A_2755 : vector<16xf32> -> vector<16xi32>
        %shift_right_arithmetic3A_2890 = arith.constant 23 : i32
        %shift_right_arithmetic3A_2891 = vector.broadcast %shift_right_arithmetic3A_2890 : i32 to vector<16xi32>
        %shift_right_arithmetic3A_2892 = arith.shrsi %bitcast_convert_type3A_2889, %shift_right_arithmetic3A_2891 : vector<16xi32>
        %sub3A_2893 = arith.constant 127 : i32
        %sub3A_2894 = vector.broadcast %sub3A_2893 : i32 to vector<16xi32>
        %sub3A_2895 = arith.subi %shift_right_arithmetic3A_2892, %sub3A_2894 : vector<16xi32>
        %and3A_2896 = arith.constant 8388607 : i32
        %and3A_2897 = vector.broadcast %and3A_2896 : i32 to vector<16xi32>
        %and3A_2898 = arith.andi %bitcast_convert_type3A_2889, %and3A_2897 : vector<16xi32>
        %or3A_2899 = arith.constant 1065353216 : i32
        %or3A_2900 = vector.broadcast %or3A_2899 : i32 to vector<16xi32>
        %or3A_2901 = arith.ori %and3A_2898, %or3A_2900 : vector<16xi32>
        %bitcast_convert_type3A_2902 = tpu.bitcast %or3A_2901 : vector<16xi32> -> vector<16xf32>
        %gt3A_2903 = arith.constant 1.41421354 : f32
        %gt3A_2904 = vector.broadcast %gt3A_2903 : f32 to vector<16xf32>
        %gt3A_2905 = arith.cmpf ogt, %bitcast_convert_type3A_2902, %gt3A_2904 : vector<16xf32>
        %mul3A_2906 = arith.constant 5.000000e-01 : f32
        %mul3A_2907 = vector.broadcast %mul3A_2906 : f32 to vector<16xf32>
        %mul3A_2908 = arith.mulf %bitcast_convert_type3A_2902, %mul3A_2907 : vector<16xf32>
        %select_n3A_2909 = arith.select %gt3A_2905, %mul3A_2908, %bitcast_convert_type3A_2902 : vector<16xi1>, vector<16xf32>
        %convert_element_type3A_2910 = arith.sitofp %sub3A_2895 : vector<16xi32> to vector<16xf32>
        %jit3A_2911 = arith.constant 1.000000e+00 : f32
        %jit3A_2912 = arith.constant 0.000000e+00 : f32
        %broadcast_in_dim3A_2913 = vector.broadcast %jit3A_2911 : f32 to vector<16xf32>
        %broadcast_in_dim3A_2914 = vector.broadcast %jit3A_2912 : f32 to vector<16xf32>
        %select_n3A_2915 = arith.select %gt3A_2905, %broadcast_in_dim3A_2913, %broadcast_in_dim3A_2914 : vector<16xi1>, vector<16xf32>
        %add3A_2916 = arith.addf %convert_element_type3A_2910, %select_n3A_2915 : vector<16xf32>
        %sub3A_2917 = arith.constant 1.000000e+00 : f32
        %sub3A_2918 = vector.broadcast %sub3A_2917 : f32 to vector<16xf32>
        %sub3A_2919 = arith.subf %select_n3A_2909, %sub3A_2918 : vector<16xf32>
        %add3A_2920 = arith.constant 2.000000e+00 : f32
        %add3A_2921 = vector.broadcast %add3A_2920 : f32 to vector<16xf32>
        %add3A_2922 = arith.addf %sub3A_2919, %add3A_2921 : vector<16xf32>
        %div3A_2923 = arith.divf %sub3A_2919, %add3A_2922 : vector<16xf32>
        %mul3A_2924 = arith.mulf %div3A_2923, %div3A_2923 : vector<16xf32>
        %mul3A_2925 = arith.constant 0.142857149 : f32
        %mul3A_2926 = vector.broadcast %mul3A_2925 : f32 to vector<16xf32>
        %mul3A_2927 = arith.mulf %mul3A_2926, %mul3A_2924 : vector<16xf32>
        %add3A_2928 = arith.constant 2.000000e-01 : f32
        %add3A_2929 = vector.broadcast %add3A_2928 : f32 to vector<16xf32>
        %add3A_2930 = arith.addf %mul3A_2927, %add3A_2929 : vector<16xf32>
        %mul3A_2931 = arith.mulf %add3A_2930, %mul3A_2924 : vector<16xf32>
        %add3A_2932 = arith.constant 0.333333343 : f32
        %add3A_2933 = vector.broadcast %add3A_2932 : f32 to vector<16xf32>
        %add3A_2934 = arith.addf %mul3A_2931, %add3A_2933 : vector<16xf32>
        %mul3A_2935 = arith.mulf %add3A_2934, %mul3A_2924 : vector<16xf32>
        %add3A_2936 = arith.constant 1.000000e+00 : f32
        %add3A_2937 = vector.broadcast %add3A_2936 : f32 to vector<16xf32>
        %add3A_2938 = arith.addf %mul3A_2935, %add3A_2937 : vector<16xf32>
        %mul3A_2939 = arith.constant 0.693147182 : f32
        %mul3A_2940 = vector.broadcast %mul3A_2939 : f32 to vector<16xf32>
        %mul3A_2941 = arith.mulf %add3A_2916, %mul3A_2940 : vector<16xf32>
        %mul3A_2942 = arith.constant 2.000000e+00 : f32
        %mul3A_2943 = vector.broadcast %mul3A_2942 : f32 to vector<16xf32>
        %mul3A_2944 = arith.mulf %mul3A_2943, %div3A_2923 : vector<16xf32>
        %mul3A_2945 = arith.mulf %mul3A_2944, %add3A_2938 : vector<16xf32>
        %add3A_2946 = arith.addf %mul3A_2941, %mul3A_2945 : vector<16xf32>
        %add3A_2947 = arith.addf %get3A_15, %add3A_2946 : vector<16xf32>
        %swap3A_2948 = arith.index_cast %add3A_2884 : i32 to index
        %swap3A_2949 = tpu.vector_load %arg15[%swap3A_2948] {strides = array<i32>} : memref<2048xf32, #tpu.memory_space<vmem>>, vector<16xf32>,
        tpu.vector_store %arg15[%swap3A_2948], %add3A_2947 {strides = array<i32>} : memref<2048xf32, #tpu.memory_space<vmem>>, vector<16xf32>,
        %mul3A_2950 = arith.constant 128 : i32
        %mul3A_2951 = arith.muli %mul3A_2950, %scan3A_37 : i32
        %add3A_2952 = arith.constant 32 : i32
        %add3A_2953 = arith.addi %mul3A_2951, %add3A_2952 : i32
        %swap3A_2954 = arith.index_cast %add3A_2953 : i32 to index
        %swap3A_2955 = tpu.vector_load %arg13[%swap3A_2954] {strides = array<i32>} : memref<2048xf32, #tpu.memory_space<vmem>>, vector<16xf32>,
        tpu.vector_store %arg13[%swap3A_2954], %select_n3A_518 {strides = array<i32>} : memref<2048xf32, #tpu.memory_space<vmem>>, vector<16xf32>,
        %swap3A_2956 = arith.index_cast %add3A_2953 : i32 to index
        %swap3A_2957 = tpu.vector_load %arg14[%swap3A_2956] {strides = array<i32>} : memref<2048xf32, #tpu.memory_space<vmem>>, vector<16xf32>,
        tpu.vector_store %arg14[%swap3A_2956], %select_n3A_522 {strides = array<i32>} : memref<2048xf32, #tpu.memory_space<vmem>>, vector<16xf32>,
        %bitcast_convert_type3A_2958 = tpu.bitcast %add3A_2765 : vector<16xf32> -> vector<16xi32>
        %shift_right_arithmetic3A_2959 = arith.constant 23 : i32
        %shift_right_arithmetic3A_2960 = vector.broadcast %shift_right_arithmetic3A_2959 : i32 to vector<16xi32>
        %shift_right_arithmetic3A_2961 = arith.shrsi %bitcast_convert_type3A_2958, %shift_right_arithmetic3A_2960 : vector<16xi32>
        %sub3A_2962 = arith.constant 127 : i32
        %sub3A_2963 = vector.broadcast %sub3A_2962 : i32 to vector<16xi32>
        %sub3A_2964 = arith.subi %shift_right_arithmetic3A_2961, %sub3A_2963 : vector<16xi32>
        %and3A_2965 = arith.constant 8388607 : i32
        %and3A_2966 = vector.broadcast %and3A_2965 : i32 to vector<16xi32>
        %and3A_2967 = arith.andi %bitcast_convert_type3A_2958, %and3A_2966 : vector<16xi32>
        %or3A_2968 = arith.constant 1065353216 : i32
        %or3A_2969 = vector.broadcast %or3A_2968 : i32 to vector<16xi32>
        %or3A_2970 = arith.ori %and3A_2967, %or3A_2969 : vector<16xi32>
        %bitcast_convert_type3A_2971 = tpu.bitcast %or3A_2970 : vector<16xi32> -> vector<16xf32>
        %gt3A_2972 = arith.constant 1.41421354 : f32
        %gt3A_2973 = vector.broadcast %gt3A_2972 : f32 to vector<16xf32>
        %gt3A_2974 = arith.cmpf ogt, %bitcast_convert_type3A_2971, %gt3A_2973 : vector<16xf32>
        %mul3A_2975 = arith.constant 5.000000e-01 : f32
        %mul3A_2976 = vector.broadcast %mul3A_2975 : f32 to vector<16xf32>
        %mul3A_2977 = arith.mulf %bitcast_convert_type3A_2971, %mul3A_2976 : vector<16xf32>
        %select_n3A_2978 = arith.select %gt3A_2974, %mul3A_2977, %bitcast_convert_type3A_2971 : vector<16xi1>, vector<16xf32>
        %convert_element_type3A_2979 = arith.sitofp %sub3A_2964 : vector<16xi32> to vector<16xf32>
        %jit3A_2980 = arith.constant 1.000000e+00 : f32
        %jit3A_2981 = arith.constant 0.000000e+00 : f32
        %broadcast_in_dim3A_2982 = vector.broadcast %jit3A_2980 : f32 to vector<16xf32>
        %broadcast_in_dim3A_2983 = vector.broadcast %jit3A_2981 : f32 to vector<16xf32>
        %select_n3A_2984 = arith.select %gt3A_2974, %broadcast_in_dim3A_2982, %broadcast_in_dim3A_2983 : vector<16xi1>, vector<16xf32>
        %add3A_2985 = arith.addf %convert_element_type3A_2979, %select_n3A_2984 : vector<16xf32>
        %sub3A_2986 = arith.constant 1.000000e+00 : f32
        %sub3A_2987 = vector.broadcast %sub3A_2986 : f32 to vector<16xf32>
        %sub3A_2988 = arith.subf %select_n3A_2978, %sub3A_2987 : vector<16xf32>
        %add3A_2989 = arith.constant 2.000000e+00 : f32
        %add3A_2990 = vector.broadcast %add3A_2989 : f32 to vector<16xf32>
        %add3A_2991 = arith.addf %sub3A_2988, %add3A_2990 : vector<16xf32>
        %div3A_2992 = arith.divf %sub3A_2988, %add3A_2991 : vector<16xf32>
        %mul3A_2993 = arith.mulf %div3A_2992, %div3A_2992 : vector<16xf32>
        %mul3A_2994 = arith.constant 0.142857149 : f32
        %mul3A_2995 = vector.broadcast %mul3A_2994 : f32 to vector<16xf32>
        %mul3A_2996 = arith.mulf %mul3A_2995, %mul3A_2993 : vector<16xf32>
        %add3A_2997 = arith.constant 2.000000e-01 : f32
        %add3A_2998 = vector.broadcast %add3A_2997 : f32 to vector<16xf32>
        %add3A_2999 = arith.addf %mul3A_2996, %add3A_2998 : vector<16xf32>
        %mul3A_3000 = arith.mulf %add3A_2999, %mul3A_2993 : vector<16xf32>
        %add3A_3001 = arith.constant 0.333333343 : f32
        %add3A_3002 = vector.broadcast %add3A_3001 : f32 to vector<16xf32>
        %add3A_3003 = arith.addf %mul3A_3000, %add3A_3002 : vector<16xf32>
        %mul3A_3004 = arith.mulf %add3A_3003, %mul3A_2993 : vector<16xf32>
        %add3A_3005 = arith.constant 1.000000e+00 : f32
        %add3A_3006 = vector.broadcast %add3A_3005 : f32 to vector<16xf32>
        %add3A_3007 = arith.addf %mul3A_3004, %add3A_3006 : vector<16xf32>
        %mul3A_3008 = arith.constant 0.693147182 : f32
        %mul3A_3009 = vector.broadcast %mul3A_3008 : f32 to vector<16xf32>
        %mul3A_3010 = arith.mulf %add3A_2985, %mul3A_3009 : vector<16xf32>
        %mul3A_3011 = arith.constant 2.000000e+00 : f32
        %mul3A_3012 = vector.broadcast %mul3A_3011 : f32 to vector<16xf32>
        %mul3A_3013 = arith.mulf %mul3A_3012, %div3A_2992 : vector<16xf32>
        %mul3A_3014 = arith.mulf %mul3A_3013, %add3A_3007 : vector<16xf32>
        %add3A_3015 = arith.addf %mul3A_3010, %mul3A_3014 : vector<16xf32>
        %add3A_3016 = arith.addf %get3A_15, %add3A_3015 : vector<16xf32>
        %swap3A_3017 = arith.index_cast %add3A_2953 : i32 to index
        %swap3A_3018 = tpu.vector_load %arg15[%swap3A_3017] {strides = array<i32>} : memref<2048xf32, #tpu.memory_space<vmem>>, vector<16xf32>,
        tpu.vector_store %arg15[%swap3A_3017], %add3A_3016 {strides = array<i32>} : memref<2048xf32, #tpu.memory_space<vmem>>, vector<16xf32>,
        %mul3A_3019 = arith.constant 128 : i32
        %mul3A_3020 = arith.muli %mul3A_3019, %scan3A_37 : i32
        %add3A_3021 = arith.constant 48 : i32
        %add3A_3022 = arith.addi %mul3A_3020, %add3A_3021 : i32
        %swap3A_3023 = arith.index_cast %add3A_3022 : i32 to index
        %swap3A_3024 = tpu.vector_load %arg13[%swap3A_3023] {strides = array<i32>} : memref<2048xf32, #tpu.memory_space<vmem>>, vector<16xf32>,
        tpu.vector_store %arg13[%swap3A_3023], %select_n3A_687 {strides = array<i32>} : memref<2048xf32, #tpu.memory_space<vmem>>, vector<16xf32>,
        %swap3A_3025 = arith.index_cast %add3A_3022 : i32 to index
        %swap3A_3026 = tpu.vector_load %arg14[%swap3A_3025] {strides = array<i32>} : memref<2048xf32, #tpu.memory_space<vmem>>, vector<16xf32>,
        tpu.vector_store %arg14[%swap3A_3025], %select_n3A_691 {strides = array<i32>} : memref<2048xf32, #tpu.memory_space<vmem>>, vector<16xf32>,
        %bitcast_convert_type3A_3027 = tpu.bitcast %add3A_2775 : vector<16xf32> -> vector<16xi32>
        %shift_right_arithmetic3A_3028 = arith.constant 23 : i32
        %shift_right_arithmetic3A_3029 = vector.broadcast %shift_right_arithmetic3A_3028 : i32 to vector<16xi32>
        %shift_right_arithmetic3A_3030 = arith.shrsi %bitcast_convert_type3A_3027, %shift_right_arithmetic3A_3029 : vector<16xi32>
        %sub3A_3031 = arith.constant 127 : i32
        %sub3A_3032 = vector.broadcast %sub3A_3031 : i32 to vector<16xi32>
        %sub3A_3033 = arith.subi %shift_right_arithmetic3A_3030, %sub3A_3032 : vector<16xi32>
        %and3A_3034 = arith.constant 8388607 : i32
        %and3A_3035 = vector.broadcast %and3A_3034 : i32 to vector<16xi32>
        %and3A_3036 = arith.andi %bitcast_convert_type3A_3027, %and3A_3035 : vector<16xi32>
        %or3A_3037 = arith.constant 1065353216 : i32
        %or3A_3038 = vector.broadcast %or3A_3037 : i32 to vector<16xi32>
        %or3A_3039 = arith.ori %and3A_3036, %or3A_3038 : vector<16xi32>
        %bitcast_convert_type3A_3040 = tpu.bitcast %or3A_3039 : vector<16xi32> -> vector<16xf32>
        %gt3A_3041 = arith.constant 1.41421354 : f32
        %gt3A_3042 = vector.broadcast %gt3A_3041 : f32 to vector<16xf32>
        %gt3A_3043 = arith.cmpf ogt, %bitcast_convert_type3A_3040, %gt3A_3042 : vector<16xf32>
        %mul3A_3044 = arith.constant 5.000000e-01 : f32
        %mul3A_3045 = vector.broadcast %mul3A_3044 : f32 to vector<16xf32>
        %mul3A_3046 = arith.mulf %bitcast_convert_type3A_3040, %mul3A_3045 : vector<16xf32>
        %select_n3A_3047 = arith.select %gt3A_3043, %mul3A_3046, %bitcast_convert_type3A_3040 : vector<16xi1>, vector<16xf32>
        %convert_element_type3A_3048 = arith.sitofp %sub3A_3033 : vector<16xi32> to vector<16xf32>
        %jit3A_3049 = arith.constant 1.000000e+00 : f32
        %jit3A_3050 = arith.constant 0.000000e+00 : f32
        %broadcast_in_dim3A_3051 = vector.broadcast %jit3A_3049 : f32 to vector<16xf32>
        %broadcast_in_dim3A_3052 = vector.broadcast %jit3A_3050 : f32 to vector<16xf32>
        %select_n3A_3053 = arith.select %gt3A_3043, %broadcast_in_dim3A_3051, %broadcast_in_dim3A_3052 : vector<16xi1>, vector<16xf32>
        %add3A_3054 = arith.addf %convert_element_type3A_3048, %select_n3A_3053 : vector<16xf32>
        %sub3A_3055 = arith.constant 1.000000e+00 : f32
        %sub3A_3056 = vector.broadcast %sub3A_3055 : f32 to vector<16xf32>
        %sub3A_3057 = arith.subf %select_n3A_3047, %sub3A_3056 : vector<16xf32>
        %add3A_3058 = arith.constant 2.000000e+00 : f32
        %add3A_3059 = vector.broadcast %add3A_3058 : f32 to vector<16xf32>
        %add3A_3060 = arith.addf %sub3A_3057, %add3A_3059 : vector<16xf32>
        %div3A_3061 = arith.divf %sub3A_3057, %add3A_3060 : vector<16xf32>
        %mul3A_3062 = arith.mulf %div3A_3061, %div3A_3061 : vector<16xf32>
        %mul3A_3063 = arith.constant 0.142857149 : f32
        %mul3A_3064 = vector.broadcast %mul3A_3063 : f32 to vector<16xf32>
        %mul3A_3065 = arith.mulf %mul3A_3064, %mul3A_3062 : vector<16xf32>
        %add3A_3066 = arith.constant 2.000000e-01 : f32
        %add3A_3067 = vector.broadcast %add3A_3066 : f32 to vector<16xf32>
        %add3A_3068 = arith.addf %mul3A_3065, %add3A_3067 : vector<16xf32>
        %mul3A_3069 = arith.mulf %add3A_3068, %mul3A_3062 : vector<16xf32>
        %add3A_3070 = arith.constant 0.333333343 : f32
        %add3A_3071 = vector.broadcast %add3A_3070 : f32 to vector<16xf32>
        %add3A_3072 = arith.addf %mul3A_3069, %add3A_3071 : vector<16xf32>
        %mul3A_3073 = arith.mulf %add3A_3072, %mul3A_3062 : vector<16xf32>
        %add3A_3074 = arith.constant 1.000000e+00 : f32
        %add3A_3075 = vector.broadcast %add3A_3074 : f32 to vector<16xf32>
        %add3A_3076 = arith.addf %mul3A_3073, %add3A_3075 : vector<16xf32>
        %mul3A_3077 = arith.constant 0.693147182 : f32
        %mul3A_3078 = vector.broadcast %mul3A_3077 : f32 to vector<16xf32>
        %mul3A_3079 = arith.mulf %add3A_3054, %mul3A_3078 : vector<16xf32>
        %mul3A_3080 = arith.constant 2.000000e+00 : f32
        %mul3A_3081 = vector.broadcast %mul3A_3080 : f32 to vector<16xf32>
        %mul3A_3082 = arith.mulf %mul3A_3081, %div3A_3061 : vector<16xf32>
        %mul3A_3083 = arith.mulf %mul3A_3082, %add3A_3076 : vector<16xf32>
        %add3A_3084 = arith.addf %mul3A_3079, %mul3A_3083 : vector<16xf32>
        %add3A_3085 = arith.addf %get3A_15, %add3A_3084 : vector<16xf32>
        %swap3A_3086 = arith.index_cast %add3A_3022 : i32 to index
        %swap3A_3087 = tpu.vector_load %arg15[%swap3A_3086] {strides = array<i32>} : memref<2048xf32, #tpu.memory_space<vmem>>, vector<16xf32>,
        tpu.vector_store %arg15[%swap3A_3086], %add3A_3085 {strides = array<i32>} : memref<2048xf32, #tpu.memory_space<vmem>>, vector<16xf32>,
        %mul3A_3088 = arith.constant 128 : i32
        %mul3A_3089 = arith.muli %mul3A_3088, %scan3A_37 : i32
        %add3A_3090 = arith.constant 64 : i32
        %add3A_3091 = arith.addi %mul3A_3089, %add3A_3090 : i32
        %swap3A_3092 = arith.index_cast %add3A_3091 : i32 to index
        %swap3A_3093 = tpu.vector_load %arg13[%swap3A_3092] {strides = array<i32>} : memref<2048xf32, #tpu.memory_space<vmem>>, vector<16xf32>,
        tpu.vector_store %arg13[%swap3A_3092], %select_n3A_856 {strides = array<i32>} : memref<2048xf32, #tpu.memory_space<vmem>>, vector<16xf32>,
        %swap3A_3094 = arith.index_cast %add3A_3091 : i32 to index
        %swap3A_3095 = tpu.vector_load %arg14[%swap3A_3094] {strides = array<i32>} : memref<2048xf32, #tpu.memory_space<vmem>>, vector<16xf32>,
        tpu.vector_store %arg14[%swap3A_3094], %select_n3A_860 {strides = array<i32>} : memref<2048xf32, #tpu.memory_space<vmem>>, vector<16xf32>,
        %bitcast_convert_type3A_3096 = tpu.bitcast %add3A_2785 : vector<16xf32> -> vector<16xi32>
        %shift_right_arithmetic3A_3097 = arith.constant 23 : i32
        %shift_right_arithmetic3A_3098 = vector.broadcast %shift_right_arithmetic3A_3097 : i32 to vector<16xi32>
        %shift_right_arithmetic3A_3099 = arith.shrsi %bitcast_convert_type3A_3096, %shift_right_arithmetic3A_3098 : vector<16xi32>
        %sub3A_3100 = arith.constant 127 : i32
        %sub3A_3101 = vector.broadcast %sub3A_3100 : i32 to vector<16xi32>
        %sub3A_3102 = arith.subi %shift_right_arithmetic3A_3099, %sub3A_3101 : vector<16xi32>
        %and3A_3103 = arith.constant 8388607 : i32
        %and3A_3104 = vector.broadcast %and3A_3103 : i32 to vector<16xi32>
        %and3A_3105 = arith.andi %bitcast_convert_type3A_3096, %and3A_3104 : vector<16xi32>
        %or3A_3106 = arith.constant 1065353216 : i32
        %or3A_3107 = vector.broadcast %or3A_3106 : i32 to vector<16xi32>
        %or3A_3108 = arith.ori %and3A_3105, %or3A_3107 : vector<16xi32>
        %bitcast_convert_type3A_3109 = tpu.bitcast %or3A_3108 : vector<16xi32> -> vector<16xf32>
        %gt3A_3110 = arith.constant 1.41421354 : f32
        %gt3A_3111 = vector.broadcast %gt3A_3110 : f32 to vector<16xf32>
        %gt3A_3112 = arith.cmpf ogt, %bitcast_convert_type3A_3109, %gt3A_3111 : vector<16xf32>
        %mul3A_3113 = arith.constant 5.000000e-01 : f32
        %mul3A_3114 = vector.broadcast %mul3A_3113 : f32 to vector<16xf32>
        %mul3A_3115 = arith.mulf %bitcast_convert_type3A_3109, %mul3A_3114 : vector<16xf32>
        %select_n3A_3116 = arith.select %gt3A_3112, %mul3A_3115, %bitcast_convert_type3A_3109 : vector<16xi1>, vector<16xf32>
        %convert_element_type3A_3117 = arith.sitofp %sub3A_3102 : vector<16xi32> to vector<16xf32>
        %jit3A_3118 = arith.constant 1.000000e+00 : f32
        %jit3A_3119 = arith.constant 0.000000e+00 : f32
        %broadcast_in_dim3A_3120 = vector.broadcast %jit3A_3118 : f32 to vector<16xf32>
        %broadcast_in_dim3A_3121 = vector.broadcast %jit3A_3119 : f32 to vector<16xf32>
        %select_n3A_3122 = arith.select %gt3A_3112, %broadcast_in_dim3A_3120, %broadcast_in_dim3A_3121 : vector<16xi1>, vector<16xf32>
        %add3A_3123 = arith.addf %convert_element_type3A_3117, %select_n3A_3122 : vector<16xf32>
        %sub3A_3124 = arith.constant 1.000000e+00 : f32
        %sub3A_3125 = vector.broadcast %sub3A_3124 : f32 to vector<16xf32>
        %sub3A_3126 = arith.subf %select_n3A_3116, %sub3A_3125 : vector<16xf32>
        %add3A_3127 = arith.constant 2.000000e+00 : f32
        %add3A_3128 = vector.broadcast %add3A_3127 : f32 to vector<16xf32>
        %add3A_3129 = arith.addf %sub3A_3126, %add3A_3128 : vector<16xf32>
        %div3A_3130 = arith.divf %sub3A_3126, %add3A_3129 : vector<16xf32>
        %mul3A_3131 = arith.mulf %div3A_3130, %div3A_3130 : vector<16xf32>
        %mul3A_3132 = arith.constant 0.142857149 : f32
        %mul3A_3133 = vector.broadcast %mul3A_3132 : f32 to vector<16xf32>
        %mul3A_3134 = arith.mulf %mul3A_3133, %mul3A_3131 : vector<16xf32>
        %add3A_3135 = arith.constant 2.000000e-01 : f32
        %add3A_3136 = vector.broadcast %add3A_3135 : f32 to vector<16xf32>
        %add3A_3137 = arith.addf %mul3A_3134, %add3A_3136 : vector<16xf32>
        %mul3A_3138 = arith.mulf %add3A_3137, %mul3A_3131 : vector<16xf32>
        %add3A_3139 = arith.constant 0.333333343 : f32
        %add3A_3140 = vector.broadcast %add3A_3139 : f32 to vector<16xf32>
        %add3A_3141 = arith.addf %mul3A_3138, %add3A_3140 : vector<16xf32>
        %mul3A_3142 = arith.mulf %add3A_3141, %mul3A_3131 : vector<16xf32>
        %add3A_3143 = arith.constant 1.000000e+00 : f32
        %add3A_3144 = vector.broadcast %add3A_3143 : f32 to vector<16xf32>
        %add3A_3145 = arith.addf %mul3A_3142, %add3A_3144 : vector<16xf32>
        %mul3A_3146 = arith.constant 0.693147182 : f32
        %mul3A_3147 = vector.broadcast %mul3A_3146 : f32 to vector<16xf32>
        %mul3A_3148 = arith.mulf %add3A_3123, %mul3A_3147 : vector<16xf32>
        %mul3A_3149 = arith.constant 2.000000e+00 : f32
        %mul3A_3150 = vector.broadcast %mul3A_3149 : f32 to vector<16xf32>
        %mul3A_3151 = arith.mulf %mul3A_3150, %div3A_3130 : vector<16xf32>
        %mul3A_3152 = arith.mulf %mul3A_3151, %add3A_3145 : vector<16xf32>
        %add3A_3153 = arith.addf %mul3A_3148, %mul3A_3152 : vector<16xf32>
        %add3A_3154 = arith.addf %get3A_15, %add3A_3153 : vector<16xf32>
        %swap3A_3155 = arith.index_cast %add3A_3091 : i32 to index
        %swap3A_3156 = tpu.vector_load %arg15[%swap3A_3155] {strides = array<i32>} : memref<2048xf32, #tpu.memory_space<vmem>>, vector<16xf32>,
        tpu.vector_store %arg15[%swap3A_3155], %add3A_3154 {strides = array<i32>} : memref<2048xf32, #tpu.memory_space<vmem>>, vector<16xf32>,
        %mul3A_3157 = arith.constant 128 : i32
        %mul3A_3158 = arith.muli %mul3A_3157, %scan3A_37 : i32
        %add3A_3159 = arith.constant 80 : i32
        %add3A_3160 = arith.addi %mul3A_3158, %add3A_3159 : i32
        %swap3A_3161 = arith.index_cast %add3A_3160 : i32 to index
        %swap3A_3162 = tpu.vector_load %arg13[%swap3A_3161] {strides = array<i32>} : memref<2048xf32, #tpu.memory_space<vmem>>, vector<16xf32>,
        tpu.vector_store %arg13[%swap3A_3161], %select_n3A_1025 {strides = array<i32>} : memref<2048xf32, #tpu.memory_space<vmem>>, vector<16xf32>,
        %swap3A_3163 = arith.index_cast %add3A_3160 : i32 to index
        %swap3A_3164 = tpu.vector_load %arg14[%swap3A_3163] {strides = array<i32>} : memref<2048xf32, #tpu.memory_space<vmem>>, vector<16xf32>,
        tpu.vector_store %arg14[%swap3A_3163], %select_n3A_1029 {strides = array<i32>} : memref<2048xf32, #tpu.memory_space<vmem>>, vector<16xf32>,
        %bitcast_convert_type3A_3165 = tpu.bitcast %add3A_2795 : vector<16xf32> -> vector<16xi32>
        %shift_right_arithmetic3A_3166 = arith.constant 23 : i32
        %shift_right_arithmetic3A_3167 = vector.broadcast %shift_right_arithmetic3A_3166 : i32 to vector<16xi32>
        %shift_right_arithmetic3A_3168 = arith.shrsi %bitcast_convert_type3A_3165, %shift_right_arithmetic3A_3167 : vector<16xi32>
        %sub3A_3169 = arith.constant 127 : i32
        %sub3A_3170 = vector.broadcast %sub3A_3169 : i32 to vector<16xi32>
        %sub3A_3171 = arith.subi %shift_right_arithmetic3A_3168, %sub3A_3170 : vector<16xi32>
        %and3A_3172 = arith.constant 8388607 : i32
        %and3A_3173 = vector.broadcast %and3A_3172 : i32 to vector<16xi32>
        %and3A_3174 = arith.andi %bitcast_convert_type3A_3165, %and3A_3173 : vector<16xi32>
        %or3A_3175 = arith.constant 1065353216 : i32
        %or3A_3176 = vector.broadcast %or3A_3175 : i32 to vector<16xi32>
        %or3A_3177 = arith.ori %and3A_3174, %or3A_3176 : vector<16xi32>
        %bitcast_convert_type3A_3178 = tpu.bitcast %or3A_3177 : vector<16xi32> -> vector<16xf32>
        %gt3A_3179 = arith.constant 1.41421354 : f32
        %gt3A_3180 = vector.broadcast %gt3A_3179 : f32 to vector<16xf32>
        %gt3A_3181 = arith.cmpf ogt, %bitcast_convert_type3A_3178, %gt3A_3180 : vector<16xf32>
        %mul3A_3182 = arith.constant 5.000000e-01 : f32
        %mul3A_3183 = vector.broadcast %mul3A_3182 : f32 to vector<16xf32>
        %mul3A_3184 = arith.mulf %bitcast_convert_type3A_3178, %mul3A_3183 : vector<16xf32>
        %select_n3A_3185 = arith.select %gt3A_3181, %mul3A_3184, %bitcast_convert_type3A_3178 : vector<16xi1>, vector<16xf32>
        %convert_element_type3A_3186 = arith.sitofp %sub3A_3171 : vector<16xi32> to vector<16xf32>
        %jit3A_3187 = arith.constant 1.000000e+00 : f32
        %jit3A_3188 = arith.constant 0.000000e+00 : f32
        %broadcast_in_dim3A_3189 = vector.broadcast %jit3A_3187 : f32 to vector<16xf32>
        %broadcast_in_dim3A_3190 = vector.broadcast %jit3A_3188 : f32 to vector<16xf32>
        %select_n3A_3191 = arith.select %gt3A_3181, %broadcast_in_dim3A_3189, %broadcast_in_dim3A_3190 : vector<16xi1>, vector<16xf32>
        %add3A_3192 = arith.addf %convert_element_type3A_3186, %select_n3A_3191 : vector<16xf32>
        %sub3A_3193 = arith.constant 1.000000e+00 : f32
        %sub3A_3194 = vector.broadcast %sub3A_3193 : f32 to vector<16xf32>
        %sub3A_3195 = arith.subf %select_n3A_3185, %sub3A_3194 : vector<16xf32>
        %add3A_3196 = arith.constant 2.000000e+00 : f32
        %add3A_3197 = vector.broadcast %add3A_3196 : f32 to vector<16xf32>
        %add3A_3198 = arith.addf %sub3A_3195, %add3A_3197 : vector<16xf32>
        %div3A_3199 = arith.divf %sub3A_3195, %add3A_3198 : vector<16xf32>
        %mul3A_3200 = arith.mulf %div3A_3199, %div3A_3199 : vector<16xf32>
        %mul3A_3201 = arith.constant 0.142857149 : f32
        %mul3A_3202 = vector.broadcast %mul3A_3201 : f32 to vector<16xf32>
        %mul3A_3203 = arith.mulf %mul3A_3202, %mul3A_3200 : vector<16xf32>
        %add3A_3204 = arith.constant 2.000000e-01 : f32
        %add3A_3205 = vector.broadcast %add3A_3204 : f32 to vector<16xf32>
        %add3A_3206 = arith.addf %mul3A_3203, %add3A_3205 : vector<16xf32>
        %mul3A_3207 = arith.mulf %add3A_3206, %mul3A_3200 : vector<16xf32>
        %add3A_3208 = arith.constant 0.333333343 : f32
        %add3A_3209 = vector.broadcast %add3A_3208 : f32 to vector<16xf32>
        %add3A_3210 = arith.addf %mul3A_3207, %add3A_3209 : vector<16xf32>
        %mul3A_3211 = arith.mulf %add3A_3210, %mul3A_3200 : vector<16xf32>
        %add3A_3212 = arith.constant 1.000000e+00 : f32
        %add3A_3213 = vector.broadcast %add3A_3212 : f32 to vector<16xf32>
        %add3A_3214 = arith.addf %mul3A_3211, %add3A_3213 : vector<16xf32>
        %mul3A_3215 = arith.constant 0.693147182 : f32
        %mul3A_3216 = vector.broadcast %mul3A_3215 : f32 to vector<16xf32>
        %mul3A_3217 = arith.mulf %add3A_3192, %mul3A_3216 : vector<16xf32>
        %mul3A_3218 = arith.constant 2.000000e+00 : f32
        %mul3A_3219 = vector.broadcast %mul3A_3218 : f32 to vector<16xf32>
        %mul3A_3220 = arith.mulf %mul3A_3219, %div3A_3199 : vector<16xf32>
        %mul3A_3221 = arith.mulf %mul3A_3220, %add3A_3214 : vector<16xf32>
        %add3A_3222 = arith.addf %mul3A_3217, %mul3A_3221 : vector<16xf32>
        %add3A_3223 = arith.addf %get3A_15, %add3A_3222 : vector<16xf32>
        %swap3A_3224 = arith.index_cast %add3A_3160 : i32 to index
        %swap3A_3225 = tpu.vector_load %arg15[%swap3A_3224] {strides = array<i32>} : memref<2048xf32, #tpu.memory_space<vmem>>, vector<16xf32>,
        tpu.vector_store %arg15[%swap3A_3224], %add3A_3223 {strides = array<i32>} : memref<2048xf32, #tpu.memory_space<vmem>>, vector<16xf32>,
        %mul3A_3226 = arith.constant 128 : i32
        %mul3A_3227 = arith.muli %mul3A_3226, %scan3A_37 : i32
        %add3A_3228 = arith.constant 96 : i32
        %add3A_3229 = arith.addi %mul3A_3227, %add3A_3228 : i32
        %swap3A_3230 = arith.index_cast %add3A_3229 : i32 to index
        %swap3A_3231 = tpu.vector_load %arg13[%swap3A_3230] {strides = array<i32>} : memref<2048xf32, #tpu.memory_space<vmem>>, vector<16xf32>,
        tpu.vector_store %arg13[%swap3A_3230], %select_n3A_1194 {strides = array<i32>} : memref<2048xf32, #tpu.memory_space<vmem>>, vector<16xf32>,
        %swap3A_3232 = arith.index_cast %add3A_3229 : i32 to index
        %swap3A_3233 = tpu.vector_load %arg14[%swap3A_3232] {strides = array<i32>} : memref<2048xf32, #tpu.memory_space<vmem>>, vector<16xf32>,
        tpu.vector_store %arg14[%swap3A_3232], %select_n3A_1198 {strides = array<i32>} : memref<2048xf32, #tpu.memory_space<vmem>>, vector<16xf32>,
        %bitcast_convert_type3A_3234 = tpu.bitcast %add3A_2805 : vector<16xf32> -> vector<16xi32>
        %shift_right_arithmetic3A_3235 = arith.constant 23 : i32
        %shift_right_arithmetic3A_3236 = vector.broadcast %shift_right_arithmetic3A_3235 : i32 to vector<16xi32>
        %shift_right_arithmetic3A_3237 = arith.shrsi %bitcast_convert_type3A_3234, %shift_right_arithmetic3A_3236 : vector<16xi32>
        %sub3A_3238 = arith.constant 127 : i32
        %sub3A_3239 = vector.broadcast %sub3A_3238 : i32 to vector<16xi32>
        %sub3A_3240 = arith.subi %shift_right_arithmetic3A_3237, %sub3A_3239 : vector<16xi32>
        %and3A_3241 = arith.constant 8388607 : i32
        %and3A_3242 = vector.broadcast %and3A_3241 : i32 to vector<16xi32>
        %and3A_3243 = arith.andi %bitcast_convert_type3A_3234, %and3A_3242 : vector<16xi32>
        %or3A_3244 = arith.constant 1065353216 : i32
        %or3A_3245 = vector.broadcast %or3A_3244 : i32 to vector<16xi32>
        %or3A_3246 = arith.ori %and3A_3243, %or3A_3245 : vector<16xi32>
        %bitcast_convert_type3A_3247 = tpu.bitcast %or3A_3246 : vector<16xi32> -> vector<16xf32>
        %gt3A_3248 = arith.constant 1.41421354 : f32
        %gt3A_3249 = vector.broadcast %gt3A_3248 : f32 to vector<16xf32>
        %gt3A_3250 = arith.cmpf ogt, %bitcast_convert_type3A_3247, %gt3A_3249 : vector<16xf32>
        %mul3A_3251 = arith.constant 5.000000e-01 : f32
        %mul3A_3252 = vector.broadcast %mul3A_3251 : f32 to vector<16xf32>
        %mul3A_3253 = arith.mulf %bitcast_convert_type3A_3247, %mul3A_3252 : vector<16xf32>
        %select_n3A_3254 = arith.select %gt3A_3250, %mul3A_3253, %bitcast_convert_type3A_3247 : vector<16xi1>, vector<16xf32>
        %convert_element_type3A_3255 = arith.sitofp %sub3A_3240 : vector<16xi32> to vector<16xf32>
        %jit3A_3256 = arith.constant 1.000000e+00 : f32
        %jit3A_3257 = arith.constant 0.000000e+00 : f32
        %broadcast_in_dim3A_3258 = vector.broadcast %jit3A_3256 : f32 to vector<16xf32>
        %broadcast_in_dim3A_3259 = vector.broadcast %jit3A_3257 : f32 to vector<16xf32>
        %select_n3A_3260 = arith.select %gt3A_3250, %broadcast_in_dim3A_3258, %broadcast_in_dim3A_3259 : vector<16xi1>, vector<16xf32>
        %add3A_3261 = arith.addf %convert_element_type3A_3255, %select_n3A_3260 : vector<16xf32>
        %sub3A_3262 = arith.constant 1.000000e+00 : f32
        %sub3A_3263 = vector.broadcast %sub3A_3262 : f32 to vector<16xf32>
        %sub3A_3264 = arith.subf %select_n3A_3254, %sub3A_3263 : vector<16xf32>
        %add3A_3265 = arith.constant 2.000000e+00 : f32
        %add3A_3266 = vector.broadcast %add3A_3265 : f32 to vector<16xf32>
        %add3A_3267 = arith.addf %sub3A_3264, %add3A_3266 : vector<16xf32>
        %div3A_3268 = arith.divf %sub3A_3264, %add3A_3267 : vector<16xf32>
        %mul3A_3269 = arith.mulf %div3A_3268, %div3A_3268 : vector<16xf32>
        %mul3A_3270 = arith.constant 0.142857149 : f32
        %mul3A_3271 = vector.broadcast %mul3A_3270 : f32 to vector<16xf32>
        %mul3A_3272 = arith.mulf %mul3A_3271, %mul3A_3269 : vector<16xf32>
        %add3A_3273 = arith.constant 2.000000e-01 : f32
        %add3A_3274 = vector.broadcast %add3A_3273 : f32 to vector<16xf32>
        %add3A_3275 = arith.addf %mul3A_3272, %add3A_3274 : vector<16xf32>
        %mul3A_3276 = arith.mulf %add3A_3275, %mul3A_3269 : vector<16xf32>
        %add3A_3277 = arith.constant 0.333333343 : f32
        %add3A_3278 = vector.broadcast %add3A_3277 : f32 to vector<16xf32>
        %add3A_3279 = arith.addf %mul3A_3276, %add3A_3278 : vector<16xf32>
        %mul3A_3280 = arith.mulf %add3A_3279, %mul3A_3269 : vector<16xf32>
        %add3A_3281 = arith.constant 1.000000e+00 : f32
        %add3A_3282 = vector.broadcast %add3A_3281 : f32 to vector<16xf32>
        %add3A_3283 = arith.addf %mul3A_3280, %add3A_3282 : vector<16xf32>
        %mul3A_3284 = arith.constant 0.693147182 : f32
        %mul3A_3285 = vector.broadcast %mul3A_3284 : f32 to vector<16xf32>
        %mul3A_3286 = arith.mulf %add3A_3261, %mul3A_3285 : vector<16xf32>
        %mul3A_3287 = arith.constant 2.000000e+00 : f32
        %mul3A_3288 = vector.broadcast %mul3A_3287 : f32 to vector<16xf32>
        %mul3A_3289 = arith.mulf %mul3A_3288, %div3A_3268 : vector<16xf32>
        %mul3A_3290 = arith.mulf %mul3A_3289, %add3A_3283 : vector<16xf32>
        %add3A_3291 = arith.addf %mul3A_3286, %mul3A_3290 : vector<16xf32>
        %add3A_3292 = arith.addf %get3A_15, %add3A_3291 : vector<16xf32>
        %swap3A_3293 = arith.index_cast %add3A_3229 : i32 to index
        %swap3A_3294 = tpu.vector_load %arg15[%swap3A_3293] {strides = array<i32>} : memref<2048xf32, #tpu.memory_space<vmem>>, vector<16xf32>,
        tpu.vector_store %arg15[%swap3A_3293], %add3A_3292 {strides = array<i32>} : memref<2048xf32, #tpu.memory_space<vmem>>, vector<16xf32>,
        %mul3A_3295 = arith.constant 128 : i32
        %mul3A_3296 = arith.muli %mul3A_3295, %scan3A_37 : i32
        %add3A_3297 = arith.constant 112 : i32
        %add3A_3298 = arith.addi %mul3A_3296, %add3A_3297 : i32
        %swap3A_3299 = arith.index_cast %add3A_3298 : i32 to index
        %swap3A_3300 = tpu.vector_load %arg13[%swap3A_3299] {strides = array<i32>} : memref<2048xf32, #tpu.memory_space<vmem>>, vector<16xf32>,
        tpu.vector_store %arg13[%swap3A_3299], %select_n3A_1363 {strides = array<i32>} : memref<2048xf32, #tpu.memory_space<vmem>>, vector<16xf32>,
        %swap3A_3301 = arith.index_cast %add3A_3298 : i32 to index
        %swap3A_3302 = tpu.vector_load %arg14[%swap3A_3301] {strides = array<i32>} : memref<2048xf32, #tpu.memory_space<vmem>>, vector<16xf32>,
        tpu.vector_store %arg14[%swap3A_3301], %select_n3A_1367 {strides = array<i32>} : memref<2048xf32, #tpu.memory_space<vmem>>, vector<16xf32>,
        %bitcast_convert_type3A_3303 = tpu.bitcast %add3A_2815 : vector<16xf32> -> vector<16xi32>
        %shift_right_arithmetic3A_3304 = arith.constant 23 : i32
        %shift_right_arithmetic3A_3305 = vector.broadcast %shift_right_arithmetic3A_3304 : i32 to vector<16xi32>
        %shift_right_arithmetic3A_3306 = arith.shrsi %bitcast_convert_type3A_3303, %shift_right_arithmetic3A_3305 : vector<16xi32>
        %sub3A_3307 = arith.constant 127 : i32
        %sub3A_3308 = vector.broadcast %sub3A_3307 : i32 to vector<16xi32>
        %sub3A_3309 = arith.subi %shift_right_arithmetic3A_3306, %sub3A_3308 : vector<16xi32>
        %and3A_3310 = arith.constant 8388607 : i32
        %and3A_3311 = vector.broadcast %and3A_3310 : i32 to vector<16xi32>
        %and3A_3312 = arith.andi %bitcast_convert_type3A_3303, %and3A_3311 : vector<16xi32>
        %or3A_3313 = arith.constant 1065353216 : i32
        %or3A_3314 = vector.broadcast %or3A_3313 : i32 to vector<16xi32>
        %or3A_3315 = arith.ori %and3A_3312, %or3A_3314 : vector<16xi32>
        %bitcast_convert_type3A_3316 = tpu.bitcast %or3A_3315 : vector<16xi32> -> vector<16xf32>
        %gt3A_3317 = arith.constant 1.41421354 : f32
        %gt3A_3318 = vector.broadcast %gt3A_3317 : f32 to vector<16xf32>
        %gt3A_3319 = arith.cmpf ogt, %bitcast_convert_type3A_3316, %gt3A_3318 : vector<16xf32>
        %mul3A_3320 = arith.constant 5.000000e-01 : f32
        %mul3A_3321 = vector.broadcast %mul3A_3320 : f32 to vector<16xf32>
        %mul3A_3322 = arith.mulf %bitcast_convert_type3A_3316, %mul3A_3321 : vector<16xf32>
        %select_n3A_3323 = arith.select %gt3A_3319, %mul3A_3322, %bitcast_convert_type3A_3316 : vector<16xi1>, vector<16xf32>
        %convert_element_type3A_3324 = arith.sitofp %sub3A_3309 : vector<16xi32> to vector<16xf32>
        %jit3A_3325 = arith.constant 1.000000e+00 : f32
        %jit3A_3326 = arith.constant 0.000000e+00 : f32
        %broadcast_in_dim3A_3327 = vector.broadcast %jit3A_3325 : f32 to vector<16xf32>
        %broadcast_in_dim3A_3328 = vector.broadcast %jit3A_3326 : f32 to vector<16xf32>
        %select_n3A_3329 = arith.select %gt3A_3319, %broadcast_in_dim3A_3327, %broadcast_in_dim3A_3328 : vector<16xi1>, vector<16xf32>
        %add3A_3330 = arith.addf %convert_element_type3A_3324, %select_n3A_3329 : vector<16xf32>
        %sub3A_3331 = arith.constant 1.000000e+00 : f32
        %sub3A_3332 = vector.broadcast %sub3A_3331 : f32 to vector<16xf32>
        %sub3A_3333 = arith.subf %select_n3A_3323, %sub3A_3332 : vector<16xf32>
        %add3A_3334 = arith.constant 2.000000e+00 : f32
        %add3A_3335 = vector.broadcast %add3A_3334 : f32 to vector<16xf32>
        %add3A_3336 = arith.addf %sub3A_3333, %add3A_3335 : vector<16xf32>
        %div3A_3337 = arith.divf %sub3A_3333, %add3A_3336 : vector<16xf32>
        %mul3A_3338 = arith.mulf %div3A_3337, %div3A_3337 : vector<16xf32>
        %mul3A_3339 = arith.constant 0.142857149 : f32
        %mul3A_3340 = vector.broadcast %mul3A_3339 : f32 to vector<16xf32>
        %mul3A_3341 = arith.mulf %mul3A_3340, %mul3A_3338 : vector<16xf32>
        %add3A_3342 = arith.constant 2.000000e-01 : f32
        %add3A_3343 = vector.broadcast %add3A_3342 : f32 to vector<16xf32>
        %add3A_3344 = arith.addf %mul3A_3341, %add3A_3343 : vector<16xf32>
        %mul3A_3345 = arith.mulf %add3A_3344, %mul3A_3338 : vector<16xf32>
        %add3A_3346 = arith.constant 0.333333343 : f32
        %add3A_3347 = vector.broadcast %add3A_3346 : f32 to vector<16xf32>
        %add3A_3348 = arith.addf %mul3A_3345, %add3A_3347 : vector<16xf32>
        %mul3A_3349 = arith.mulf %add3A_3348, %mul3A_3338 : vector<16xf32>
        %add3A_3350 = arith.constant 1.000000e+00 : f32
        %add3A_3351 = vector.broadcast %add3A_3350 : f32 to vector<16xf32>
        %add3A_3352 = arith.addf %mul3A_3349, %add3A_3351 : vector<16xf32>
        %mul3A_3353 = arith.constant 0.693147182 : f32
        %mul3A_3354 = vector.broadcast %mul3A_3353 : f32 to vector<16xf32>
        %mul3A_3355 = arith.mulf %add3A_3330, %mul3A_3354 : vector<16xf32>
        %mul3A_3356 = arith.constant 2.000000e+00 : f32
        %mul3A_3357 = vector.broadcast %mul3A_3356 : f32 to vector<16xf32>
        %mul3A_3358 = arith.mulf %mul3A_3357, %div3A_3337 : vector<16xf32>
        %mul3A_3359 = arith.mulf %mul3A_3358, %add3A_3352 : vector<16xf32>
        %add3A_3360 = arith.addf %mul3A_3355, %mul3A_3359 : vector<16xf32>
        %add3A_3361 = arith.addf %get3A_15, %add3A_3360 : vector<16xf32>
        %swap3A_3362 = arith.index_cast %add3A_3298 : i32 to index
        %swap3A_3363 = tpu.vector_load %arg15[%swap3A_3362] {strides = array<i32>} : memref<2048xf32, #tpu.memory_space<vmem>>, vector<16xf32>,
        tpu.vector_store %arg15[%swap3A_3362], %add3A_3361 {strides = array<i32>} : memref<2048xf32, #tpu.memory_space<vmem>>, vector<16xf32>,
      }
      %scan3A_36 = arith.constant 16 : i32
      "tpu.region"() ({
        %run_scoped3A = tpu.sem_alloc : memref<!tpu.dma_semaphore, #tpu.memory_space<semaphore_mem>>
        %dma_start3A = tpu.memref_slice %arg6[%add3A_26] : memref<196608xf32, #tpu.memory_space<hbm>> -> memref<2048xf32, #tpu.memory_space<hbm>>
        %dma_start3A_37 = tpu.memref_slice %arg6[%add3A_26] : memref<196608xf32, #tpu.memory_space<hbm>> -> memref<2048xf32, #tpu.memory_space<hbm>>
        tpu.enqueue_dma source(%arg13 : memref<2048xf32, #tpu.memory_space<vmem>>) target(%dma_start3A_37 : memref<2048xf32, #tpu.memory_space<hbm>>) target_semaphore(%run_scoped3A : memref<!tpu.dma_semaphore, #tpu.memory_space<semaphore_mem>>)
        %dma_wait3A = tpu.memref_slice %arg6[%add3A_26] : memref<196608xf32, #tpu.memory_space<hbm>> -> memref<2048xf32, #tpu.memory_space<hbm>>
        %dma_wait3A_38 = tpu.memref_slice %arg6[%add3A_26] : memref<196608xf32, #tpu.memory_space<hbm>> -> memref<2048xf32, #tpu.memory_space<hbm>>
        tpu.wait_dma2 semaphore(%run_scoped3A : memref<!tpu.dma_semaphore, #tpu.memory_space<semaphore_mem>>) src(%arg13 : memref<2048xf32, #tpu.memory_space<vmem>>) dst(%dma_wait3A_38 : memref<2048xf32, #tpu.memory_space<hbm>>)
        tpu.yield
      }) : () -> ()
      "tpu.region"() ({
        %run_scoped3A = tpu.sem_alloc : memref<!tpu.dma_semaphore, #tpu.memory_space<semaphore_mem>>
        %dma_start3A = tpu.memref_slice %arg7[%add3A_26] : memref<196608xf32, #tpu.memory_space<hbm>> -> memref<2048xf32, #tpu.memory_space<hbm>>
        %dma_start3A_37 = tpu.memref_slice %arg7[%add3A_26] : memref<196608xf32, #tpu.memory_space<hbm>> -> memref<2048xf32, #tpu.memory_space<hbm>>
        tpu.enqueue_dma source(%arg14 : memref<2048xf32, #tpu.memory_space<vmem>>) target(%dma_start3A_37 : memref<2048xf32, #tpu.memory_space<hbm>>) target_semaphore(%run_scoped3A : memref<!tpu.dma_semaphore, #tpu.memory_space<semaphore_mem>>)
        %dma_wait3A = tpu.memref_slice %arg7[%add3A_26] : memref<196608xf32, #tpu.memory_space<hbm>> -> memref<2048xf32, #tpu.memory_space<hbm>>
        %dma_wait3A_38 = tpu.memref_slice %arg7[%add3A_26] : memref<196608xf32, #tpu.memory_space<hbm>> -> memref<2048xf32, #tpu.memory_space<hbm>>
        tpu.wait_dma2 semaphore(%run_scoped3A : memref<!tpu.dma_semaphore, #tpu.memory_space<semaphore_mem>>) src(%arg14 : memref<2048xf32, #tpu.memory_space<vmem>>) dst(%dma_wait3A_38 : memref<2048xf32, #tpu.memory_space<hbm>>)
        tpu.yield
      }) : () -> ()
      "tpu.region"() ({
        %run_scoped3A = tpu.sem_alloc : memref<!tpu.dma_semaphore, #tpu.memory_space<semaphore_mem>>
        %dma_start3A = tpu.memref_slice %arg8[%add3A_26] : memref<196608xf32, #tpu.memory_space<hbm>> -> memref<2048xf32, #tpu.memory_space<hbm>>
        %dma_start3A_37 = tpu.memref_slice %arg8[%add3A_26] : memref<196608xf32, #tpu.memory_space<hbm>> -> memref<2048xf32, #tpu.memory_space<hbm>>
        tpu.enqueue_dma source(%arg15 : memref<2048xf32, #tpu.memory_space<vmem>>) target(%dma_start3A_37 : memref<2048xf32, #tpu.memory_space<hbm>>) target_semaphore(%run_scoped3A : memref<!tpu.dma_semaphore, #tpu.memory_space<semaphore_mem>>)
        %dma_wait3A = tpu.memref_slice %arg8[%add3A_26] : memref<196608xf32, #tpu.memory_space<hbm>> -> memref<2048xf32, #tpu.memory_space<hbm>>
        %dma_wait3A_38 = tpu.memref_slice %arg8[%add3A_26] : memref<196608xf32, #tpu.memory_space<hbm>> -> memref<2048xf32, #tpu.memory_space<hbm>>
        tpu.wait_dma2 semaphore(%run_scoped3A : memref<!tpu.dma_semaphore, #tpu.memory_space<semaphore_mem>>) src(%arg15 : memref<2048xf32, #tpu.memory_space<vmem>>) dst(%dma_wait3A_38 : memref<2048xf32, #tpu.memory_space<hbm>>)
        tpu.yield
      }) : () -> ()
    }
    %scan3A_20 = arith.constant 3 : i32
    return
  }
}

module attributes {stable_mosaic.version = 14 : i64} {
  func.func @_tc_body(%arg0: i32, %arg1: memref<88xf32, #tpu.memory_space<smem>>, %arg2: memref<65536xf32, #tpu.memory_space<vmem>>, %arg3: memref<65536xf32, #tpu.memory_space<vmem>>, %arg4: memref<65536xf32, #tpu.memory_space<vmem>>, %arg5: memref<65536xf32, #tpu.memory_space<vmem>>, %arg6: memref<65536xf32, #tpu.memory_space<vmem>>, %arg7: memref<65536xf32, #tpu.memory_space<vmem>>, %arg8: memref<65536xf32, #tpu.memory_space<vmem>>, %arg9: memref<65536xf32, #tpu.memory_space<vmem>>) attributes {dimension_semantics = [#tpu.dimension_semantics<arbitrary>], iteration_bounds = array<i64: 13>, scalar_prefetch = 0 : i64, scratch_operands = 0 : i64, tpu.core_type = #tpu.core_type<tc>, window_params = [{transform_indices = @transform_0, window_bounds = array<i64: 88>}, {transform_indices = @transform_1, window_bounds = array<i64: 65536>}, {transform_indices = @transform_2, window_bounds = array<i64: 65536>}, {transform_indices = @transform_3, window_bounds = array<i64: 65536>}, {transform_indices = @transform_4, window_bounds = array<i64: 65536>}, {transform_indices = @transform_5, window_bounds = array<i64: 65536>}, {transform_indices = @transform_6, window_bounds = array<i64: 65536>}, {transform_indices = @transform_7, window_bounds = array<i64: 65536>}, {transform_indices = @transform_8, window_bounds = array<i64: 65536>}]} {
    %get3A = arith.constant 0 : index
    %get3A_0 = vector.load %arg2[%get3A] : memref<65536xf32, #tpu.memory_space<vmem>>, vector<65536xf32>
    %get3A_1 = arith.constant 0 : index
    %get3A_2 = vector.load %arg3[%get3A_1] : memref<65536xf32, #tpu.memory_space<vmem>>, vector<65536xf32>
    %get3A_3 = arith.constant 0 : index
    %get3A_4 = vector.load %arg4[%get3A_3] : memref<65536xf32, #tpu.memory_space<vmem>>, vector<65536xf32>
    %get3A_5 = arith.constant 0 : index
    %get3A_6 = vector.load %arg5[%get3A_5] : memref<65536xf32, #tpu.memory_space<vmem>>, vector<65536xf32>
    %get3A_7 = arith.constant 0 : index
    %get3A_8 = vector.load %arg6[%get3A_7] : memref<65536xf32, #tpu.memory_space<vmem>>, vector<65536xf32>
    %get3A_9 = arith.constant 0 : index
    %get3A_10 = memref.load %arg1[%get3A_9] : memref<88xf32, #tpu.memory_space<smem>>
    %get3A_11 = arith.constant 1 : index
    %get3A_12 = memref.load %arg1[%get3A_11] : memref<88xf32, #tpu.memory_space<smem>>
    %get3A_13 = arith.constant 2 : index
    %get3A_14 = memref.load %arg1[%get3A_13] : memref<88xf32, #tpu.memory_space<smem>>
    %get3A_15 = arith.constant 3 : index
    %get3A_16 = memref.load %arg1[%get3A_15] : memref<88xf32, #tpu.memory_space<smem>>
    %get3A_17 = arith.constant 4 : index
    %get3A_18 = memref.load %arg1[%get3A_17] : memref<88xf32, #tpu.memory_space<smem>>
    %get3A_19 = arith.constant 5 : index
    %get3A_20 = memref.load %arg1[%get3A_19] : memref<88xf32, #tpu.memory_space<smem>>
    %get3A_21 = arith.constant 6 : index
    %get3A_22 = memref.load %arg1[%get3A_21] : memref<88xf32, #tpu.memory_space<smem>>
    %lt3A = vector.broadcast %get3A_10 : f32 to vector<65536xf32>
    %lt3A_23 = arith.cmpf olt, %get3A_0, %lt3A : vector<65536xf32>
    %abs3A = math.absf %get3A_6 : vector<65536xf32>
    %abs3A_24 = math.absf %get3A_8 : vector<65536xf32>
    %gt3A = arith.cmpf ogt, %abs3A, %abs3A_24 : vector<65536xf32>
    %eq3A = arith.constant 0.000000e+00 : f32
    %eq3A_25 = vector.broadcast %eq3A : f32 to vector<65536xf32>
    %eq3A_26 = arith.cmpf oeq, %get3A_6, %eq3A_25 : vector<65536xf32>
    %eq3A_27 = arith.constant 0.000000e+00 : f32
    %eq3A_28 = vector.broadcast %eq3A_27 : f32 to vector<65536xf32>
    %eq3A_29 = arith.cmpf oeq, %get3A_8, %eq3A_28 : vector<65536xf32>
    %and3A = arith.andi %eq3A_26, %eq3A_29 : vector<65536xi1>
    %not3A = arith.constant dense<true> : vector<65536xi1>
    %not3A_30 = arith.xori %gt3A, %not3A : vector<65536xi1>
    %not3A_31 = arith.constant dense<true> : vector<65536xi1>
    %not3A_32 = arith.xori %and3A, %not3A_31 : vector<65536xi1>
    %and3A_33 = arith.andi %not3A_30, %not3A_32 : vector<65536xi1>
    %eq3A_34 = arith.constant 0.000000e+00 : f32
    %eq3A_35 = vector.broadcast %eq3A_34 : f32 to vector<65536xf32>
    %eq3A_36 = arith.cmpf oeq, %get3A_6, %eq3A_35 : vector<65536xf32>
    %jit3A = arith.constant 1.000000e+00 : f32
    %broadcast_in_dim3A = vector.broadcast %jit3A : f32 to vector<65536xf32>
    %select_n3A = arith.select %eq3A_36, %broadcast_in_dim3A, %get3A_6 : vector<65536xi1>, vector<65536xf32>
    %eq3A_37 = arith.constant 0.000000e+00 : f32
    %eq3A_38 = vector.broadcast %eq3A_37 : f32 to vector<65536xf32>
    %eq3A_39 = arith.cmpf oeq, %get3A_8, %eq3A_38 : vector<65536xf32>
    %jit3A_40 = arith.constant 1.000000e+00 : f32
    %broadcast_in_dim3A_41 = vector.broadcast %jit3A_40 : f32 to vector<65536xf32>
    %select_n3A_42 = arith.select %eq3A_39, %broadcast_in_dim3A_41, %get3A_8 : vector<65536xi1>, vector<65536xf32>
    %select_n3A_43 = arith.select %gt3A, %get3A_8, %get3A_6 : vector<65536xi1>, vector<65536xf32>
    %select_n3A_44 = arith.select %gt3A, %select_n3A, %select_n3A_42 : vector<65536xi1>, vector<65536xf32>
    %mul3A = arith.constant 12.566371 : f32
    %mul3A_45 = vector.broadcast %mul3A : f32 to vector<65536xf32>
    %mul3A_46 = arith.mulf %mul3A_45, %select_n3A_43 : vector<65536xf32>
    %div3A = arith.divf %mul3A_46, %select_n3A_44 : vector<65536xf32>
    %sub3A = arith.constant 6.28318548 : f32
    %sub3A_47 = vector.broadcast %sub3A : f32 to vector<65536xf32>
    %sub3A_48 = arith.subf %sub3A_47, %div3A : vector<65536xf32>
    %select_n3A_49 = arith.select %gt3A, %div3A, %sub3A_48 : vector<65536xi1>, vector<65536xf32>
    %jit3A_50 = arith.constant 0.000000e+00 : f32
    %broadcast_in_dim3A_51 = vector.broadcast %jit3A_50 : f32 to vector<65536xf32>
    %select_n3A_52 = arith.select %and3A_33, %get3A_8, %broadcast_in_dim3A_51 : vector<65536xi1>, vector<65536xf32>
    %select_n3A_53 = arith.select %gt3A, %get3A_6, %select_n3A_52 : vector<65536xi1>, vector<65536xf32>
    %mul3A_54 = arith.constant 0.318309873 : f32
    %mul3A_55 = vector.broadcast %mul3A_54 : f32 to vector<65536xf32>
    %mul3A_56 = arith.mulf %select_n3A_49, %mul3A_55 : vector<65536xf32>
    %add3A = arith.constant 5.000000e-01 : f32
    %add3A_57 = vector.broadcast %add3A : f32 to vector<65536xf32>
    %add3A_58 = arith.addf %mul3A_56, %add3A_57 : vector<65536xf32>
    %convert_element_type3A = arith.fptosi %add3A_58 : vector<65536xf32> to vector<65536xi32>
    %convert_element_type3A_59 = arith.sitofp %convert_element_type3A : vector<65536xi32> to vector<65536xf32>
    %gt3A_60 = arith.cmpf ogt, %convert_element_type3A_59, %add3A_58 : vector<65536xf32>
    %jit3A_61 = arith.constant 1 : i32
    %jit3A_62 = arith.constant 0 : i32
    %broadcast_in_dim3A_63 = vector.broadcast %jit3A_61 : i32 to vector<65536xi32>
    %broadcast_in_dim3A_64 = vector.broadcast %jit3A_62 : i32 to vector<65536xi32>
    %select_n3A_65 = arith.select %gt3A_60, %broadcast_in_dim3A_63, %broadcast_in_dim3A_64 : vector<65536xi1>, vector<65536xi32>
    %sub3A_66 = arith.subi %convert_element_type3A, %select_n3A_65 : vector<65536xi32>
    %convert_element_type3A_67 = arith.sitofp %sub3A_66 : vector<65536xi32> to vector<65536xf32>
    %mul3A_68 = arith.constant 3.14159274 : f32
    %mul3A_69 = vector.broadcast %mul3A_68 : f32 to vector<65536xf32>
    %mul3A_70 = arith.mulf %convert_element_type3A_67, %mul3A_69 : vector<65536xf32>
    %sub3A_71 = arith.subf %select_n3A_49, %mul3A_70 : vector<65536xf32>
    %mul3A_72 = arith.constant -8.74227765E-8 : f32
    %mul3A_73 = vector.broadcast %mul3A_72 : f32 to vector<65536xf32>
    %mul3A_74 = arith.mulf %convert_element_type3A_67, %mul3A_73 : vector<65536xf32>
    %sub3A_75 = arith.subf %sub3A_71, %mul3A_74 : vector<65536xf32>
    %mul3A_76 = arith.mulf %sub3A_75, %sub3A_75 : vector<65536xf32>
    %mul3A_77 = arith.constant 2.08767559E-9 : f32
    %mul3A_78 = vector.broadcast %mul3A_77 : f32 to vector<65536xf32>
    %mul3A_79 = arith.mulf %mul3A_78, %mul3A_76 : vector<65536xf32>
    %add3A_80 = arith.constant -2.755732E-7 : f32
    %add3A_81 = vector.broadcast %add3A_80 : f32 to vector<65536xf32>
    %add3A_82 = arith.addf %mul3A_79, %add3A_81 : vector<65536xf32>
    %mul3A_83 = arith.mulf %add3A_82, %mul3A_76 : vector<65536xf32>
    %add3A_84 = arith.constant 2.48015876E-5 : f32
    %add3A_85 = vector.broadcast %add3A_84 : f32 to vector<65536xf32>
    %add3A_86 = arith.addf %mul3A_83, %add3A_85 : vector<65536xf32>
    %mul3A_87 = arith.mulf %add3A_86, %mul3A_76 : vector<65536xf32>
    %add3A_88 = arith.constant -0.00138888892 : f32
    %add3A_89 = vector.broadcast %add3A_88 : f32 to vector<65536xf32>
    %add3A_90 = arith.addf %mul3A_87, %add3A_89 : vector<65536xf32>
    %mul3A_91 = arith.mulf %add3A_90, %mul3A_76 : vector<65536xf32>
    %add3A_92 = arith.constant 0.0416666679 : f32
    %add3A_93 = vector.broadcast %add3A_92 : f32 to vector<65536xf32>
    %add3A_94 = arith.addf %mul3A_91, %add3A_93 : vector<65536xf32>
    %mul3A_95 = arith.mulf %add3A_94, %mul3A_76 : vector<65536xf32>
    %add3A_96 = arith.constant -5.000000e-01 : f32
    %add3A_97 = vector.broadcast %add3A_96 : f32 to vector<65536xf32>
    %add3A_98 = arith.addf %mul3A_95, %add3A_97 : vector<65536xf32>
    %mul3A_99 = arith.mulf %add3A_98, %mul3A_76 : vector<65536xf32>
    %add3A_100 = arith.constant 1.000000e+00 : f32
    %add3A_101 = vector.broadcast %add3A_100 : f32 to vector<65536xf32>
    %add3A_102 = arith.addf %mul3A_99, %add3A_101 : vector<65536xf32>
    %mul3A_103 = arith.constant -2.50521079E-8 : f32
    %mul3A_104 = vector.broadcast %mul3A_103 : f32 to vector<65536xf32>
    %mul3A_105 = arith.mulf %mul3A_104, %mul3A_76 : vector<65536xf32>
    %add3A_106 = arith.constant 2.75573188E-6 : f32
    %add3A_107 = vector.broadcast %add3A_106 : f32 to vector<65536xf32>
    %add3A_108 = arith.addf %mul3A_105, %add3A_107 : vector<65536xf32>
    %mul3A_109 = arith.mulf %add3A_108, %mul3A_76 : vector<65536xf32>
    %add3A_110 = arith.constant -1.98412701E-4 : f32
    %add3A_111 = vector.broadcast %add3A_110 : f32 to vector<65536xf32>
    %add3A_112 = arith.addf %mul3A_109, %add3A_111 : vector<65536xf32>
    %mul3A_113 = arith.mulf %add3A_112, %mul3A_76 : vector<65536xf32>
    %add3A_114 = arith.constant 0.00833333377 : f32
    %add3A_115 = vector.broadcast %add3A_114 : f32 to vector<65536xf32>
    %add3A_116 = arith.addf %mul3A_113, %add3A_115 : vector<65536xf32>
    %mul3A_117 = arith.mulf %add3A_116, %mul3A_76 : vector<65536xf32>
    %add3A_118 = arith.constant -0.166666672 : f32
    %add3A_119 = vector.broadcast %add3A_118 : f32 to vector<65536xf32>
    %add3A_120 = arith.addf %mul3A_117, %add3A_119 : vector<65536xf32>
    %mul3A_121 = arith.mulf %add3A_120, %mul3A_76 : vector<65536xf32>
    %add3A_122 = arith.constant 1.000000e+00 : f32
    %add3A_123 = vector.broadcast %add3A_122 : f32 to vector<65536xf32>
    %add3A_124 = arith.addf %mul3A_121, %add3A_123 : vector<65536xf32>
    %mul3A_125 = arith.mulf %add3A_124, %sub3A_75 : vector<65536xf32>
    %and3A_126 = arith.constant 1 : i32
    %and3A_127 = vector.broadcast %and3A_126 : i32 to vector<65536xi32>
    %and3A_128 = arith.andi %sub3A_66, %and3A_127 : vector<65536xi32>
    %eq3A_129 = arith.constant 1 : i32
    %eq3A_130 = vector.broadcast %eq3A_129 : i32 to vector<65536xi32>
    %eq3A_131 = arith.cmpi eq, %and3A_128, %eq3A_130 : vector<65536xi32>
    %jit3A_132 = arith.constant -1.000000e+00 : f32
    %jit3A_133 = arith.constant 1.000000e+00 : f32
    %broadcast_in_dim3A_134 = vector.broadcast %jit3A_132 : f32 to vector<65536xf32>
    %broadcast_in_dim3A_135 = vector.broadcast %jit3A_133 : f32 to vector<65536xf32>
    %select_n3A_136 = arith.select %eq3A_131, %broadcast_in_dim3A_134, %broadcast_in_dim3A_135 : vector<65536xi1>, vector<65536xf32>
    %mul3A_137 = arith.mulf %mul3A_125, %select_n3A_136 : vector<65536xf32>
    %mul3A_138 = arith.mulf %add3A_102, %select_n3A_136 : vector<65536xf32>
    %mul3A_139 = arith.mulf %select_n3A_53, %mul3A_138 : vector<65536xf32>
    %mul3A_140 = vector.broadcast %get3A_12 : f32 to vector<65536xf32>
    %mul3A_141 = arith.mulf %get3A_2, %mul3A_140 : vector<65536xf32>
    %add3A_142 = vector.broadcast %get3A_16 : f32 to vector<65536xf32>
    %add3A_143 = arith.addf %mul3A_141, %add3A_142 : vector<65536xf32>
    %select_n3A_144 = arith.select %lt3A_23, %mul3A_139, %add3A_143 : vector<65536xi1>, vector<65536xf32>
    %mul3A_145 = arith.mulf %select_n3A_53, %mul3A_137 : vector<65536xf32>
    %mul3A_146 = vector.broadcast %get3A_14 : f32 to vector<65536xf32>
    %mul3A_147 = arith.mulf %get3A_4, %mul3A_146 : vector<65536xf32>
    %add3A_148 = vector.broadcast %get3A_18 : f32 to vector<65536xf32>
    %add3A_149 = arith.addf %mul3A_147, %add3A_148 : vector<65536xf32>
    %select_n3A_150 = arith.select %lt3A_23, %mul3A_145, %add3A_149 : vector<65536xi1>, vector<65536xf32>
    %mul3A_151 = arith.mulf %select_n3A_144, %select_n3A_144 : vector<65536xf32>
    %mul3A_152 = arith.mulf %select_n3A_150, %select_n3A_150 : vector<65536xf32>
    %add3A_153 = arith.addf %mul3A_151, %mul3A_152 : vector<65536xf32>
    %ge3A = arith.constant 1.000000e+00 : f32
    %ge3A_154 = vector.broadcast %ge3A : f32 to vector<65536xf32>
    %ge3A_155 = arith.cmpf oge, %add3A_153, %ge3A_154 : vector<65536xf32>
    %broadcast_in_dim3A_156 = vector.broadcast %get3A_22 : f32 to vector<65536xf32>
    %broadcast_in_dim3A_157 = vector.broadcast %get3A_20 : f32 to vector<65536xf32>
    %select_n3A_158 = arith.select %ge3A_155, %broadcast_in_dim3A_156, %broadcast_in_dim3A_157 : vector<65536xi1>, vector<65536xf32>
    %exp3A = math.exp %select_n3A_158 : vector<65536xf32>
    %get3A_159 = arith.constant 8 : index
    %get3A_160 = memref.load %arg1[%get3A_159] : memref<88xf32, #tpu.memory_space<smem>>
    %get3A_161 = arith.constant 24 : index
    %get3A_162 = memref.load %arg1[%get3A_161] : memref<88xf32, #tpu.memory_space<smem>>
    %mul3A_163 = vector.broadcast %get3A_162 : f32 to vector<65536xf32>
    %mul3A_164 = arith.mulf %mul3A_163, %select_n3A_144 : vector<65536xf32>
    %add3A_165 = vector.broadcast %get3A_160 : f32 to vector<65536xf32>
    %add3A_166 = arith.addf %add3A_165, %mul3A_164 : vector<65536xf32>
    %get3A_167 = arith.constant 40 : index
    %get3A_168 = memref.load %arg1[%get3A_167] : memref<88xf32, #tpu.memory_space<smem>>
    %mul3A_169 = vector.broadcast %get3A_168 : f32 to vector<65536xf32>
    %mul3A_170 = arith.mulf %mul3A_169, %select_n3A_150 : vector<65536xf32>
    %add3A_171 = arith.addf %add3A_166, %mul3A_170 : vector<65536xf32>
    %get3A_172 = arith.constant 56 : index
    %get3A_173 = memref.load %arg1[%get3A_172] : memref<88xf32, #tpu.memory_space<smem>>
    %mul3A_174 = vector.broadcast %get3A_173 : f32 to vector<65536xf32>
    %mul3A_175 = arith.mulf %mul3A_174, %mul3A_151 : vector<65536xf32>
    %sub3A_176 = arith.subf %add3A_171, %mul3A_175 : vector<65536xf32>
    %get3A_177 = arith.constant 72 : index
    %get3A_178 = memref.load %arg1[%get3A_177] : memref<88xf32, #tpu.memory_space<smem>>
    %mul3A_179 = vector.broadcast %get3A_178 : f32 to vector<65536xf32>
    %mul3A_180 = arith.mulf %mul3A_179, %mul3A_152 : vector<65536xf32>
    %sub3A_181 = arith.subf %sub3A_176, %mul3A_180 : vector<65536xf32>
    %exp3A_182 = math.exp %sub3A_181 : vector<65536xf32>
    %add3A_183 = arith.addf %exp3A, %exp3A_182 : vector<65536xf32>
    %get3A_184 = arith.constant 9 : index
    %get3A_185 = memref.load %arg1[%get3A_184] : memref<88xf32, #tpu.memory_space<smem>>
    %get3A_186 = arith.constant 25 : index
    %get3A_187 = memref.load %arg1[%get3A_186] : memref<88xf32, #tpu.memory_space<smem>>
    %mul3A_188 = vector.broadcast %get3A_187 : f32 to vector<65536xf32>
    %mul3A_189 = arith.mulf %mul3A_188, %select_n3A_144 : vector<65536xf32>
    %add3A_190 = vector.broadcast %get3A_185 : f32 to vector<65536xf32>
    %add3A_191 = arith.addf %add3A_190, %mul3A_189 : vector<65536xf32>
    %get3A_192 = arith.constant 41 : index
    %get3A_193 = memref.load %arg1[%get3A_192] : memref<88xf32, #tpu.memory_space<smem>>
    %mul3A_194 = vector.broadcast %get3A_193 : f32 to vector<65536xf32>
    %mul3A_195 = arith.mulf %mul3A_194, %select_n3A_150 : vector<65536xf32>
    %add3A_196 = arith.addf %add3A_191, %mul3A_195 : vector<65536xf32>
    %get3A_197 = arith.constant 57 : index
    %get3A_198 = memref.load %arg1[%get3A_197] : memref<88xf32, #tpu.memory_space<smem>>
    %mul3A_199 = vector.broadcast %get3A_198 : f32 to vector<65536xf32>
    %mul3A_200 = arith.mulf %mul3A_199, %mul3A_151 : vector<65536xf32>
    %sub3A_201 = arith.subf %add3A_196, %mul3A_200 : vector<65536xf32>
    %get3A_202 = arith.constant 73 : index
    %get3A_203 = memref.load %arg1[%get3A_202] : memref<88xf32, #tpu.memory_space<smem>>
    %mul3A_204 = vector.broadcast %get3A_203 : f32 to vector<65536xf32>
    %mul3A_205 = arith.mulf %mul3A_204, %mul3A_152 : vector<65536xf32>
    %sub3A_206 = arith.subf %sub3A_201, %mul3A_205 : vector<65536xf32>
    %exp3A_207 = math.exp %sub3A_206 : vector<65536xf32>
    %add3A_208 = arith.addf %add3A_183, %exp3A_207 : vector<65536xf32>
    %get3A_209 = arith.constant 10 : index
    %get3A_210 = memref.load %arg1[%get3A_209] : memref<88xf32, #tpu.memory_space<smem>>
    %get3A_211 = arith.constant 26 : index
    %get3A_212 = memref.load %arg1[%get3A_211] : memref<88xf32, #tpu.memory_space<smem>>
    %mul3A_213 = vector.broadcast %get3A_212 : f32 to vector<65536xf32>
    %mul3A_214 = arith.mulf %mul3A_213, %select_n3A_144 : vector<65536xf32>
    %add3A_215 = vector.broadcast %get3A_210 : f32 to vector<65536xf32>
    %add3A_216 = arith.addf %add3A_215, %mul3A_214 : vector<65536xf32>
    %get3A_217 = arith.constant 42 : index
    %get3A_218 = memref.load %arg1[%get3A_217] : memref<88xf32, #tpu.memory_space<smem>>
    %mul3A_219 = vector.broadcast %get3A_218 : f32 to vector<65536xf32>
    %mul3A_220 = arith.mulf %mul3A_219, %select_n3A_150 : vector<65536xf32>
    %add3A_221 = arith.addf %add3A_216, %mul3A_220 : vector<65536xf32>
    %get3A_222 = arith.constant 58 : index
    %get3A_223 = memref.load %arg1[%get3A_222] : memref<88xf32, #tpu.memory_space<smem>>
    %mul3A_224 = vector.broadcast %get3A_223 : f32 to vector<65536xf32>
    %mul3A_225 = arith.mulf %mul3A_224, %mul3A_151 : vector<65536xf32>
    %sub3A_226 = arith.subf %add3A_221, %mul3A_225 : vector<65536xf32>
    %get3A_227 = arith.constant 74 : index
    %get3A_228 = memref.load %arg1[%get3A_227] : memref<88xf32, #tpu.memory_space<smem>>
    %mul3A_229 = vector.broadcast %get3A_228 : f32 to vector<65536xf32>
    %mul3A_230 = arith.mulf %mul3A_229, %mul3A_152 : vector<65536xf32>
    %sub3A_231 = arith.subf %sub3A_226, %mul3A_230 : vector<65536xf32>
    %exp3A_232 = math.exp %sub3A_231 : vector<65536xf32>
    %add3A_233 = arith.addf %add3A_208, %exp3A_232 : vector<65536xf32>
    %get3A_234 = arith.constant 11 : index
    %get3A_235 = memref.load %arg1[%get3A_234] : memref<88xf32, #tpu.memory_space<smem>>
    %get3A_236 = arith.constant 27 : index
    %get3A_237 = memref.load %arg1[%get3A_236] : memref<88xf32, #tpu.memory_space<smem>>
    %mul3A_238 = vector.broadcast %get3A_237 : f32 to vector<65536xf32>
    %mul3A_239 = arith.mulf %mul3A_238, %select_n3A_144 : vector<65536xf32>
    %add3A_240 = vector.broadcast %get3A_235 : f32 to vector<65536xf32>
    %add3A_241 = arith.addf %add3A_240, %mul3A_239 : vector<65536xf32>
    %get3A_242 = arith.constant 43 : index
    %get3A_243 = memref.load %arg1[%get3A_242] : memref<88xf32, #tpu.memory_space<smem>>
    %mul3A_244 = vector.broadcast %get3A_243 : f32 to vector<65536xf32>
    %mul3A_245 = arith.mulf %mul3A_244, %select_n3A_150 : vector<65536xf32>
    %add3A_246 = arith.addf %add3A_241, %mul3A_245 : vector<65536xf32>
    %get3A_247 = arith.constant 59 : index
    %get3A_248 = memref.load %arg1[%get3A_247] : memref<88xf32, #tpu.memory_space<smem>>
    %mul3A_249 = vector.broadcast %get3A_248 : f32 to vector<65536xf32>
    %mul3A_250 = arith.mulf %mul3A_249, %mul3A_151 : vector<65536xf32>
    %sub3A_251 = arith.subf %add3A_246, %mul3A_250 : vector<65536xf32>
    %get3A_252 = arith.constant 75 : index
    %get3A_253 = memref.load %arg1[%get3A_252] : memref<88xf32, #tpu.memory_space<smem>>
    %mul3A_254 = vector.broadcast %get3A_253 : f32 to vector<65536xf32>
    %mul3A_255 = arith.mulf %mul3A_254, %mul3A_152 : vector<65536xf32>
    %sub3A_256 = arith.subf %sub3A_251, %mul3A_255 : vector<65536xf32>
    %exp3A_257 = math.exp %sub3A_256 : vector<65536xf32>
    %add3A_258 = arith.addf %add3A_233, %exp3A_257 : vector<65536xf32>
    %get3A_259 = arith.constant 12 : index
    %get3A_260 = memref.load %arg1[%get3A_259] : memref<88xf32, #tpu.memory_space<smem>>
    %get3A_261 = arith.constant 28 : index
    %get3A_262 = memref.load %arg1[%get3A_261] : memref<88xf32, #tpu.memory_space<smem>>
    %mul3A_263 = vector.broadcast %get3A_262 : f32 to vector<65536xf32>
    %mul3A_264 = arith.mulf %mul3A_263, %select_n3A_144 : vector<65536xf32>
    %add3A_265 = vector.broadcast %get3A_260 : f32 to vector<65536xf32>
    %add3A_266 = arith.addf %add3A_265, %mul3A_264 : vector<65536xf32>
    %get3A_267 = arith.constant 44 : index
    %get3A_268 = memref.load %arg1[%get3A_267] : memref<88xf32, #tpu.memory_space<smem>>
    %mul3A_269 = vector.broadcast %get3A_268 : f32 to vector<65536xf32>
    %mul3A_270 = arith.mulf %mul3A_269, %select_n3A_150 : vector<65536xf32>
    %add3A_271 = arith.addf %add3A_266, %mul3A_270 : vector<65536xf32>
    %get3A_272 = arith.constant 60 : index
    %get3A_273 = memref.load %arg1[%get3A_272] : memref<88xf32, #tpu.memory_space<smem>>
    %mul3A_274 = vector.broadcast %get3A_273 : f32 to vector<65536xf32>
    %mul3A_275 = arith.mulf %mul3A_274, %mul3A_151 : vector<65536xf32>
    %sub3A_276 = arith.subf %add3A_271, %mul3A_275 : vector<65536xf32>
    %get3A_277 = arith.constant 76 : index
    %get3A_278 = memref.load %arg1[%get3A_277] : memref<88xf32, #tpu.memory_space<smem>>
    %mul3A_279 = vector.broadcast %get3A_278 : f32 to vector<65536xf32>
    %mul3A_280 = arith.mulf %mul3A_279, %mul3A_152 : vector<65536xf32>
    %sub3A_281 = arith.subf %sub3A_276, %mul3A_280 : vector<65536xf32>
    %exp3A_282 = math.exp %sub3A_281 : vector<65536xf32>
    %add3A_283 = arith.addf %add3A_258, %exp3A_282 : vector<65536xf32>
    %get3A_284 = arith.constant 13 : index
    %get3A_285 = memref.load %arg1[%get3A_284] : memref<88xf32, #tpu.memory_space<smem>>
    %get3A_286 = arith.constant 29 : index
    %get3A_287 = memref.load %arg1[%get3A_286] : memref<88xf32, #tpu.memory_space<smem>>
    %mul3A_288 = vector.broadcast %get3A_287 : f32 to vector<65536xf32>
    %mul3A_289 = arith.mulf %mul3A_288, %select_n3A_144 : vector<65536xf32>
    %add3A_290 = vector.broadcast %get3A_285 : f32 to vector<65536xf32>
    %add3A_291 = arith.addf %add3A_290, %mul3A_289 : vector<65536xf32>
    %get3A_292 = arith.constant 45 : index
    %get3A_293 = memref.load %arg1[%get3A_292] : memref<88xf32, #tpu.memory_space<smem>>
    %mul3A_294 = vector.broadcast %get3A_293 : f32 to vector<65536xf32>
    %mul3A_295 = arith.mulf %mul3A_294, %select_n3A_150 : vector<65536xf32>
    %add3A_296 = arith.addf %add3A_291, %mul3A_295 : vector<65536xf32>
    %get3A_297 = arith.constant 61 : index
    %get3A_298 = memref.load %arg1[%get3A_297] : memref<88xf32, #tpu.memory_space<smem>>
    %mul3A_299 = vector.broadcast %get3A_298 : f32 to vector<65536xf32>
    %mul3A_300 = arith.mulf %mul3A_299, %mul3A_151 : vector<65536xf32>
    %sub3A_301 = arith.subf %add3A_296, %mul3A_300 : vector<65536xf32>
    %get3A_302 = arith.constant 77 : index
    %get3A_303 = memref.load %arg1[%get3A_302] : memref<88xf32, #tpu.memory_space<smem>>
    %mul3A_304 = vector.broadcast %get3A_303 : f32 to vector<65536xf32>
    %mul3A_305 = arith.mulf %mul3A_304, %mul3A_152 : vector<65536xf32>
    %sub3A_306 = arith.subf %sub3A_301, %mul3A_305 : vector<65536xf32>
    %exp3A_307 = math.exp %sub3A_306 : vector<65536xf32>
    %add3A_308 = arith.addf %add3A_283, %exp3A_307 : vector<65536xf32>
    %get3A_309 = arith.constant 14 : index
    %get3A_310 = memref.load %arg1[%get3A_309] : memref<88xf32, #tpu.memory_space<smem>>
    %get3A_311 = arith.constant 30 : index
    %get3A_312 = memref.load %arg1[%get3A_311] : memref<88xf32, #tpu.memory_space<smem>>
    %mul3A_313 = vector.broadcast %get3A_312 : f32 to vector<65536xf32>
    %mul3A_314 = arith.mulf %mul3A_313, %select_n3A_144 : vector<65536xf32>
    %add3A_315 = vector.broadcast %get3A_310 : f32 to vector<65536xf32>
    %add3A_316 = arith.addf %add3A_315, %mul3A_314 : vector<65536xf32>
    %get3A_317 = arith.constant 46 : index
    %get3A_318 = memref.load %arg1[%get3A_317] : memref<88xf32, #tpu.memory_space<smem>>
    %mul3A_319 = vector.broadcast %get3A_318 : f32 to vector<65536xf32>
    %mul3A_320 = arith.mulf %mul3A_319, %select_n3A_150 : vector<65536xf32>
    %add3A_321 = arith.addf %add3A_316, %mul3A_320 : vector<65536xf32>
    %get3A_322 = arith.constant 62 : index
    %get3A_323 = memref.load %arg1[%get3A_322] : memref<88xf32, #tpu.memory_space<smem>>
    %mul3A_324 = vector.broadcast %get3A_323 : f32 to vector<65536xf32>
    %mul3A_325 = arith.mulf %mul3A_324, %mul3A_151 : vector<65536xf32>
    %sub3A_326 = arith.subf %add3A_321, %mul3A_325 : vector<65536xf32>
    %get3A_327 = arith.constant 78 : index
    %get3A_328 = memref.load %arg1[%get3A_327] : memref<88xf32, #tpu.memory_space<smem>>
    %mul3A_329 = vector.broadcast %get3A_328 : f32 to vector<65536xf32>
    %mul3A_330 = arith.mulf %mul3A_329, %mul3A_152 : vector<65536xf32>
    %sub3A_331 = arith.subf %sub3A_326, %mul3A_330 : vector<65536xf32>
    %exp3A_332 = math.exp %sub3A_331 : vector<65536xf32>
    %add3A_333 = arith.addf %add3A_308, %exp3A_332 : vector<65536xf32>
    %get3A_334 = arith.constant 15 : index
    %get3A_335 = memref.load %arg1[%get3A_334] : memref<88xf32, #tpu.memory_space<smem>>
    %get3A_336 = arith.constant 31 : index
    %get3A_337 = memref.load %arg1[%get3A_336] : memref<88xf32, #tpu.memory_space<smem>>
    %mul3A_338 = vector.broadcast %get3A_337 : f32 to vector<65536xf32>
    %mul3A_339 = arith.mulf %mul3A_338, %select_n3A_144 : vector<65536xf32>
    %add3A_340 = vector.broadcast %get3A_335 : f32 to vector<65536xf32>
    %add3A_341 = arith.addf %add3A_340, %mul3A_339 : vector<65536xf32>
    %get3A_342 = arith.constant 47 : index
    %get3A_343 = memref.load %arg1[%get3A_342] : memref<88xf32, #tpu.memory_space<smem>>
    %mul3A_344 = vector.broadcast %get3A_343 : f32 to vector<65536xf32>
    %mul3A_345 = arith.mulf %mul3A_344, %select_n3A_150 : vector<65536xf32>
    %add3A_346 = arith.addf %add3A_341, %mul3A_345 : vector<65536xf32>
    %get3A_347 = arith.constant 63 : index
    %get3A_348 = memref.load %arg1[%get3A_347] : memref<88xf32, #tpu.memory_space<smem>>
    %mul3A_349 = vector.broadcast %get3A_348 : f32 to vector<65536xf32>
    %mul3A_350 = arith.mulf %mul3A_349, %mul3A_151 : vector<65536xf32>
    %sub3A_351 = arith.subf %add3A_346, %mul3A_350 : vector<65536xf32>
    %get3A_352 = arith.constant 79 : index
    %get3A_353 = memref.load %arg1[%get3A_352] : memref<88xf32, #tpu.memory_space<smem>>
    %mul3A_354 = vector.broadcast %get3A_353 : f32 to vector<65536xf32>
    %mul3A_355 = arith.mulf %mul3A_354, %mul3A_152 : vector<65536xf32>
    %sub3A_356 = arith.subf %sub3A_351, %mul3A_355 : vector<65536xf32>
    %exp3A_357 = math.exp %sub3A_356 : vector<65536xf32>
    %add3A_358 = arith.addf %add3A_333, %exp3A_357 : vector<65536xf32>
    %get3A_359 = arith.constant 16 : index
    %get3A_360 = memref.load %arg1[%get3A_359] : memref<88xf32, #tpu.memory_space<smem>>
    %get3A_361 = arith.constant 32 : index
    %get3A_362 = memref.load %arg1[%get3A_361] : memref<88xf32, #tpu.memory_space<smem>>
    %mul3A_363 = vector.broadcast %get3A_362 : f32 to vector<65536xf32>
    %mul3A_364 = arith.mulf %mul3A_363, %select_n3A_144 : vector<65536xf32>
    %add3A_365 = vector.broadcast %get3A_360 : f32 to vector<65536xf32>
    %add3A_366 = arith.addf %add3A_365, %mul3A_364 : vector<65536xf32>
    %get3A_367 = arith.constant 48 : index
    %get3A_368 = memref.load %arg1[%get3A_367] : memref<88xf32, #tpu.memory_space<smem>>
    %mul3A_369 = vector.broadcast %get3A_368 : f32 to vector<65536xf32>
    %mul3A_370 = arith.mulf %mul3A_369, %select_n3A_150 : vector<65536xf32>
    %add3A_371 = arith.addf %add3A_366, %mul3A_370 : vector<65536xf32>
    %get3A_372 = arith.constant 64 : index
    %get3A_373 = memref.load %arg1[%get3A_372] : memref<88xf32, #tpu.memory_space<smem>>
    %mul3A_374 = vector.broadcast %get3A_373 : f32 to vector<65536xf32>
    %mul3A_375 = arith.mulf %mul3A_374, %mul3A_151 : vector<65536xf32>
    %sub3A_376 = arith.subf %add3A_371, %mul3A_375 : vector<65536xf32>
    %get3A_377 = arith.constant 80 : index
    %get3A_378 = memref.load %arg1[%get3A_377] : memref<88xf32, #tpu.memory_space<smem>>
    %mul3A_379 = vector.broadcast %get3A_378 : f32 to vector<65536xf32>
    %mul3A_380 = arith.mulf %mul3A_379, %mul3A_152 : vector<65536xf32>
    %sub3A_381 = arith.subf %sub3A_376, %mul3A_380 : vector<65536xf32>
    %exp3A_382 = math.exp %sub3A_381 : vector<65536xf32>
    %add3A_383 = arith.addf %add3A_358, %exp3A_382 : vector<65536xf32>
    %get3A_384 = arith.constant 17 : index
    %get3A_385 = memref.load %arg1[%get3A_384] : memref<88xf32, #tpu.memory_space<smem>>
    %get3A_386 = arith.constant 33 : index
    %get3A_387 = memref.load %arg1[%get3A_386] : memref<88xf32, #tpu.memory_space<smem>>
    %mul3A_388 = vector.broadcast %get3A_387 : f32 to vector<65536xf32>
    %mul3A_389 = arith.mulf %mul3A_388, %select_n3A_144 : vector<65536xf32>
    %add3A_390 = vector.broadcast %get3A_385 : f32 to vector<65536xf32>
    %add3A_391 = arith.addf %add3A_390, %mul3A_389 : vector<65536xf32>
    %get3A_392 = arith.constant 49 : index
    %get3A_393 = memref.load %arg1[%get3A_392] : memref<88xf32, #tpu.memory_space<smem>>
    %mul3A_394 = vector.broadcast %get3A_393 : f32 to vector<65536xf32>
    %mul3A_395 = arith.mulf %mul3A_394, %select_n3A_150 : vector<65536xf32>
    %add3A_396 = arith.addf %add3A_391, %mul3A_395 : vector<65536xf32>
    %get3A_397 = arith.constant 65 : index
    %get3A_398 = memref.load %arg1[%get3A_397] : memref<88xf32, #tpu.memory_space<smem>>
    %mul3A_399 = vector.broadcast %get3A_398 : f32 to vector<65536xf32>
    %mul3A_400 = arith.mulf %mul3A_399, %mul3A_151 : vector<65536xf32>
    %sub3A_401 = arith.subf %add3A_396, %mul3A_400 : vector<65536xf32>
    %get3A_402 = arith.constant 81 : index
    %get3A_403 = memref.load %arg1[%get3A_402] : memref<88xf32, #tpu.memory_space<smem>>
    %mul3A_404 = vector.broadcast %get3A_403 : f32 to vector<65536xf32>
    %mul3A_405 = arith.mulf %mul3A_404, %mul3A_152 : vector<65536xf32>
    %sub3A_406 = arith.subf %sub3A_401, %mul3A_405 : vector<65536xf32>
    %exp3A_407 = math.exp %sub3A_406 : vector<65536xf32>
    %add3A_408 = arith.addf %add3A_383, %exp3A_407 : vector<65536xf32>
    %get3A_409 = arith.constant 18 : index
    %get3A_410 = memref.load %arg1[%get3A_409] : memref<88xf32, #tpu.memory_space<smem>>
    %get3A_411 = arith.constant 34 : index
    %get3A_412 = memref.load %arg1[%get3A_411] : memref<88xf32, #tpu.memory_space<smem>>
    %mul3A_413 = vector.broadcast %get3A_412 : f32 to vector<65536xf32>
    %mul3A_414 = arith.mulf %mul3A_413, %select_n3A_144 : vector<65536xf32>
    %add3A_415 = vector.broadcast %get3A_410 : f32 to vector<65536xf32>
    %add3A_416 = arith.addf %add3A_415, %mul3A_414 : vector<65536xf32>
    %get3A_417 = arith.constant 50 : index
    %get3A_418 = memref.load %arg1[%get3A_417] : memref<88xf32, #tpu.memory_space<smem>>
    %mul3A_419 = vector.broadcast %get3A_418 : f32 to vector<65536xf32>
    %mul3A_420 = arith.mulf %mul3A_419, %select_n3A_150 : vector<65536xf32>
    %add3A_421 = arith.addf %add3A_416, %mul3A_420 : vector<65536xf32>
    %get3A_422 = arith.constant 66 : index
    %get3A_423 = memref.load %arg1[%get3A_422] : memref<88xf32, #tpu.memory_space<smem>>
    %mul3A_424 = vector.broadcast %get3A_423 : f32 to vector<65536xf32>
    %mul3A_425 = arith.mulf %mul3A_424, %mul3A_151 : vector<65536xf32>
    %sub3A_426 = arith.subf %add3A_421, %mul3A_425 : vector<65536xf32>
    %get3A_427 = arith.constant 82 : index
    %get3A_428 = memref.load %arg1[%get3A_427] : memref<88xf32, #tpu.memory_space<smem>>
    %mul3A_429 = vector.broadcast %get3A_428 : f32 to vector<65536xf32>
    %mul3A_430 = arith.mulf %mul3A_429, %mul3A_152 : vector<65536xf32>
    %sub3A_431 = arith.subf %sub3A_426, %mul3A_430 : vector<65536xf32>
    %exp3A_432 = math.exp %sub3A_431 : vector<65536xf32>
    %add3A_433 = arith.addf %add3A_408, %exp3A_432 : vector<65536xf32>
    %get3A_434 = arith.constant 19 : index
    %get3A_435 = memref.load %arg1[%get3A_434] : memref<88xf32, #tpu.memory_space<smem>>
    %get3A_436 = arith.constant 35 : index
    %get3A_437 = memref.load %arg1[%get3A_436] : memref<88xf32, #tpu.memory_space<smem>>
    %mul3A_438 = vector.broadcast %get3A_437 : f32 to vector<65536xf32>
    %mul3A_439 = arith.mulf %mul3A_438, %select_n3A_144 : vector<65536xf32>
    %add3A_440 = vector.broadcast %get3A_435 : f32 to vector<65536xf32>
    %add3A_441 = arith.addf %add3A_440, %mul3A_439 : vector<65536xf32>
    %get3A_442 = arith.constant 51 : index
    %get3A_443 = memref.load %arg1[%get3A_442] : memref<88xf32, #tpu.memory_space<smem>>
    %mul3A_444 = vector.broadcast %get3A_443 : f32 to vector<65536xf32>
    %mul3A_445 = arith.mulf %mul3A_444, %select_n3A_150 : vector<65536xf32>
    %add3A_446 = arith.addf %add3A_441, %mul3A_445 : vector<65536xf32>
    %get3A_447 = arith.constant 67 : index
    %get3A_448 = memref.load %arg1[%get3A_447] : memref<88xf32, #tpu.memory_space<smem>>
    %mul3A_449 = vector.broadcast %get3A_448 : f32 to vector<65536xf32>
    %mul3A_450 = arith.mulf %mul3A_449, %mul3A_151 : vector<65536xf32>
    %sub3A_451 = arith.subf %add3A_446, %mul3A_450 : vector<65536xf32>
    %get3A_452 = arith.constant 83 : index
    %get3A_453 = memref.load %arg1[%get3A_452] : memref<88xf32, #tpu.memory_space<smem>>
    %mul3A_454 = vector.broadcast %get3A_453 : f32 to vector<65536xf32>
    %mul3A_455 = arith.mulf %mul3A_454, %mul3A_152 : vector<65536xf32>
    %sub3A_456 = arith.subf %sub3A_451, %mul3A_455 : vector<65536xf32>
    %exp3A_457 = math.exp %sub3A_456 : vector<65536xf32>
    %add3A_458 = arith.addf %add3A_433, %exp3A_457 : vector<65536xf32>
    %get3A_459 = arith.constant 20 : index
    %get3A_460 = memref.load %arg1[%get3A_459] : memref<88xf32, #tpu.memory_space<smem>>
    %get3A_461 = arith.constant 36 : index
    %get3A_462 = memref.load %arg1[%get3A_461] : memref<88xf32, #tpu.memory_space<smem>>
    %mul3A_463 = vector.broadcast %get3A_462 : f32 to vector<65536xf32>
    %mul3A_464 = arith.mulf %mul3A_463, %select_n3A_144 : vector<65536xf32>
    %add3A_465 = vector.broadcast %get3A_460 : f32 to vector<65536xf32>
    %add3A_466 = arith.addf %add3A_465, %mul3A_464 : vector<65536xf32>
    %get3A_467 = arith.constant 52 : index
    %get3A_468 = memref.load %arg1[%get3A_467] : memref<88xf32, #tpu.memory_space<smem>>
    %mul3A_469 = vector.broadcast %get3A_468 : f32 to vector<65536xf32>
    %mul3A_470 = arith.mulf %mul3A_469, %select_n3A_150 : vector<65536xf32>
    %add3A_471 = arith.addf %add3A_466, %mul3A_470 : vector<65536xf32>
    %get3A_472 = arith.constant 68 : index
    %get3A_473 = memref.load %arg1[%get3A_472] : memref<88xf32, #tpu.memory_space<smem>>
    %mul3A_474 = vector.broadcast %get3A_473 : f32 to vector<65536xf32>
    %mul3A_475 = arith.mulf %mul3A_474, %mul3A_151 : vector<65536xf32>
    %sub3A_476 = arith.subf %add3A_471, %mul3A_475 : vector<65536xf32>
    %get3A_477 = arith.constant 84 : index
    %get3A_478 = memref.load %arg1[%get3A_477] : memref<88xf32, #tpu.memory_space<smem>>
    %mul3A_479 = vector.broadcast %get3A_478 : f32 to vector<65536xf32>
    %mul3A_480 = arith.mulf %mul3A_479, %mul3A_152 : vector<65536xf32>
    %sub3A_481 = arith.subf %sub3A_476, %mul3A_480 : vector<65536xf32>
    %exp3A_482 = math.exp %sub3A_481 : vector<65536xf32>
    %add3A_483 = arith.addf %add3A_458, %exp3A_482 : vector<65536xf32>
    %get3A_484 = arith.constant 21 : index
    %get3A_485 = memref.load %arg1[%get3A_484] : memref<88xf32, #tpu.memory_space<smem>>
    %get3A_486 = arith.constant 37 : index
    %get3A_487 = memref.load %arg1[%get3A_486] : memref<88xf32, #tpu.memory_space<smem>>
    %mul3A_488 = vector.broadcast %get3A_487 : f32 to vector<65536xf32>
    %mul3A_489 = arith.mulf %mul3A_488, %select_n3A_144 : vector<65536xf32>
    %add3A_490 = vector.broadcast %get3A_485 : f32 to vector<65536xf32>
    %add3A_491 = arith.addf %add3A_490, %mul3A_489 : vector<65536xf32>
    %get3A_492 = arith.constant 53 : index
    %get3A_493 = memref.load %arg1[%get3A_492] : memref<88xf32, #tpu.memory_space<smem>>
    %mul3A_494 = vector.broadcast %get3A_493 : f32 to vector<65536xf32>
    %mul3A_495 = arith.mulf %mul3A_494, %select_n3A_150 : vector<65536xf32>
    %add3A_496 = arith.addf %add3A_491, %mul3A_495 : vector<65536xf32>
    %get3A_497 = arith.constant 69 : index
    %get3A_498 = memref.load %arg1[%get3A_497] : memref<88xf32, #tpu.memory_space<smem>>
    %mul3A_499 = vector.broadcast %get3A_498 : f32 to vector<65536xf32>
    %mul3A_500 = arith.mulf %mul3A_499, %mul3A_151 : vector<65536xf32>
    %sub3A_501 = arith.subf %add3A_496, %mul3A_500 : vector<65536xf32>
    %get3A_502 = arith.constant 85 : index
    %get3A_503 = memref.load %arg1[%get3A_502] : memref<88xf32, #tpu.memory_space<smem>>
    %mul3A_504 = vector.broadcast %get3A_503 : f32 to vector<65536xf32>
    %mul3A_505 = arith.mulf %mul3A_504, %mul3A_152 : vector<65536xf32>
    %sub3A_506 = arith.subf %sub3A_501, %mul3A_505 : vector<65536xf32>
    %exp3A_507 = math.exp %sub3A_506 : vector<65536xf32>
    %add3A_508 = arith.addf %add3A_483, %exp3A_507 : vector<65536xf32>
    %get3A_509 = arith.constant 22 : index
    %get3A_510 = memref.load %arg1[%get3A_509] : memref<88xf32, #tpu.memory_space<smem>>
    %get3A_511 = arith.constant 38 : index
    %get3A_512 = memref.load %arg1[%get3A_511] : memref<88xf32, #tpu.memory_space<smem>>
    %mul3A_513 = vector.broadcast %get3A_512 : f32 to vector<65536xf32>
    %mul3A_514 = arith.mulf %mul3A_513, %select_n3A_144 : vector<65536xf32>
    %add3A_515 = vector.broadcast %get3A_510 : f32 to vector<65536xf32>
    %add3A_516 = arith.addf %add3A_515, %mul3A_514 : vector<65536xf32>
    %get3A_517 = arith.constant 54 : index
    %get3A_518 = memref.load %arg1[%get3A_517] : memref<88xf32, #tpu.memory_space<smem>>
    %mul3A_519 = vector.broadcast %get3A_518 : f32 to vector<65536xf32>
    %mul3A_520 = arith.mulf %mul3A_519, %select_n3A_150 : vector<65536xf32>
    %add3A_521 = arith.addf %add3A_516, %mul3A_520 : vector<65536xf32>
    %get3A_522 = arith.constant 70 : index
    %get3A_523 = memref.load %arg1[%get3A_522] : memref<88xf32, #tpu.memory_space<smem>>
    %mul3A_524 = vector.broadcast %get3A_523 : f32 to vector<65536xf32>
    %mul3A_525 = arith.mulf %mul3A_524, %mul3A_151 : vector<65536xf32>
    %sub3A_526 = arith.subf %add3A_521, %mul3A_525 : vector<65536xf32>
    %get3A_527 = arith.constant 86 : index
    %get3A_528 = memref.load %arg1[%get3A_527] : memref<88xf32, #tpu.memory_space<smem>>
    %mul3A_529 = vector.broadcast %get3A_528 : f32 to vector<65536xf32>
    %mul3A_530 = arith.mulf %mul3A_529, %mul3A_152 : vector<65536xf32>
    %sub3A_531 = arith.subf %sub3A_526, %mul3A_530 : vector<65536xf32>
    %exp3A_532 = math.exp %sub3A_531 : vector<65536xf32>
    %add3A_533 = arith.addf %add3A_508, %exp3A_532 : vector<65536xf32>
    %get3A_534 = arith.constant 23 : index
    %get3A_535 = memref.load %arg1[%get3A_534] : memref<88xf32, #tpu.memory_space<smem>>
    %get3A_536 = arith.constant 39 : index
    %get3A_537 = memref.load %arg1[%get3A_536] : memref<88xf32, #tpu.memory_space<smem>>
    %mul3A_538 = vector.broadcast %get3A_537 : f32 to vector<65536xf32>
    %mul3A_539 = arith.mulf %mul3A_538, %select_n3A_144 : vector<65536xf32>
    %add3A_540 = vector.broadcast %get3A_535 : f32 to vector<65536xf32>
    %add3A_541 = arith.addf %add3A_540, %mul3A_539 : vector<65536xf32>
    %get3A_542 = arith.constant 55 : index
    %get3A_543 = memref.load %arg1[%get3A_542] : memref<88xf32, #tpu.memory_space<smem>>
    %mul3A_544 = vector.broadcast %get3A_543 : f32 to vector<65536xf32>
    %mul3A_545 = arith.mulf %mul3A_544, %select_n3A_150 : vector<65536xf32>
    %add3A_546 = arith.addf %add3A_541, %mul3A_545 : vector<65536xf32>
    %get3A_547 = arith.constant 71 : index
    %get3A_548 = memref.load %arg1[%get3A_547] : memref<88xf32, #tpu.memory_space<smem>>
    %mul3A_549 = vector.broadcast %get3A_548 : f32 to vector<65536xf32>
    %mul3A_550 = arith.mulf %mul3A_549, %mul3A_151 : vector<65536xf32>
    %sub3A_551 = arith.subf %add3A_546, %mul3A_550 : vector<65536xf32>
    %get3A_552 = arith.constant 87 : index
    %get3A_553 = memref.load %arg1[%get3A_552] : memref<88xf32, #tpu.memory_space<smem>>
    %mul3A_554 = vector.broadcast %get3A_553 : f32 to vector<65536xf32>
    %mul3A_555 = arith.mulf %mul3A_554, %mul3A_152 : vector<65536xf32>
    %sub3A_556 = arith.subf %sub3A_551, %mul3A_555 : vector<65536xf32>
    %exp3A_557 = math.exp %sub3A_556 : vector<65536xf32>
    %add3A_558 = arith.addf %add3A_533, %exp3A_557 : vector<65536xf32>
    %swap3A = arith.constant 0 : index
    %swap3A_559 = vector.load %arg7[%swap3A] : memref<65536xf32, #tpu.memory_space<vmem>>, vector<65536xf32>
    tpu.vector_store %arg7[%swap3A], %select_n3A_144 {strides = array<i32>} : memref<65536xf32, #tpu.memory_space<vmem>>, vector<65536xf32>,
    %swap3A_560 = arith.constant 0 : index
    %swap3A_561 = vector.load %arg8[%swap3A_560] : memref<65536xf32, #tpu.memory_space<vmem>>, vector<65536xf32>
    tpu.vector_store %arg8[%swap3A_560], %select_n3A_150 {strides = array<i32>} : memref<65536xf32, #tpu.memory_space<vmem>>, vector<65536xf32>,
    %get3A_562 = arith.constant 7 : index
    %get3A_563 = memref.load %arg1[%get3A_562] : memref<88xf32, #tpu.memory_space<smem>>
    %log3A = math.log %add3A_558 : vector<65536xf32>
    %add3A_564 = vector.broadcast %get3A_563 : f32 to vector<65536xf32>
    %add3A_565 = arith.addf %add3A_564, %log3A : vector<65536xf32>
    %swap3A_566 = arith.constant 0 : index
    %swap3A_567 = vector.load %arg9[%swap3A_566] : memref<65536xf32, #tpu.memory_space<vmem>>, vector<65536xf32>
    tpu.vector_store %arg9[%swap3A_566], %add3A_565 {strides = array<i32>} : memref<65536xf32, #tpu.memory_space<vmem>>, vector<65536xf32>,
    return
  }
  func.func @transform_0(%arg0: i32) -> i32 {
    %c0_i32 = arith.constant 0 : i32
    %c0_i32_0 = arith.constant 0 : i32
    return %c0_i32 : i32
  }
  func.func @transform_1(%arg0: i32) -> i32 {
    %add3A = arith.constant 3 : i32
    %add3A_0 = arith.addi %arg0, %add3A : i32
    %c0_i32 = arith.constant 0 : i32
    return %add3A_0 : i32
  }
  func.func @transform_2(%arg0: i32) -> i32 {
    %add3A = arith.constant 3 : i32
    %add3A_0 = arith.addi %arg0, %add3A : i32
    %c0_i32 = arith.constant 0 : i32
    return %add3A_0 : i32
  }
  func.func @transform_3(%arg0: i32) -> i32 {
    %add3A = arith.constant 3 : i32
    %add3A_0 = arith.addi %arg0, %add3A : i32
    %c0_i32 = arith.constant 0 : i32
    return %add3A_0 : i32
  }
  func.func @transform_4(%arg0: i32) -> i32 {
    %add3A = arith.constant 3 : i32
    %add3A_0 = arith.addi %arg0, %add3A : i32
    %c0_i32 = arith.constant 0 : i32
    return %add3A_0 : i32
  }
  func.func @transform_5(%arg0: i32) -> i32 {
    %add3A = arith.constant 3 : i32
    %add3A_0 = arith.addi %arg0, %add3A : i32
    %c0_i32 = arith.constant 0 : i32
    return %add3A_0 : i32
  }
  func.func @transform_6(%arg0: i32) -> i32 {
    %c0_i32 = arith.constant 0 : i32
    return %arg0 : i32
  }
  func.func @transform_7(%arg0: i32) -> i32 {
    %c0_i32 = arith.constant 0 : i32
    return %arg0 : i32
  }
  func.func @transform_8(%arg0: i32) -> i32 {
    %c0_i32 = arith.constant 0 : i32
    return %arg0 : i32
  }
}

</mosaic_0001>

<sc_bundles>
// kernel: kernel.4.cloned.1.call-start
scs
__scs_entry_jumppad:
0x0: {  	(pc) =	sbr.rel $0x88, $3  }
0x1: {  	(tag) =	ssettag $0x0;
	lr =	simm.s32 $0x1  }
0x2: {  	[smem:$0x3F9B] =	sst lr;
	_ =	strace $0xD0000000  }
0x3: {  	_ = 	snop  }
0x4: {  	_ = 	snop  }
0x5: {  	_ = 	snop  }
0x6: {  	_ = 	snop  }
0x7: {  	_ = 	snop  }
__scs_overlays_trampoline_lowered:
0x8: {  	[smem:$0x3FAA] =	sst s0  }
0x9: {  	[smem:$0x3FAB] =	sst s1  }
0xa: {  	[smem:$0x3FAC] =	sst s2  }
0xb: {  	[smem:$0x3FAD] =	sst s3  }
0xc: {  	[smem:$0x3FAE] =	sst s4  }
0xd: {  	[smem:$0x3FAF] =	sst s5  }
0xe: {  	[smem:$0x3FB0] =	sst s6  }
0xf: {  	[smem:$0x3FB1] =	sst s7  }
0x10: {  	[smem:$0x3FB2] =	sst s8  }
0x11: {  	[smem:$0x3FB3] =	sst s9;
	s0 =	simm.s32 @!p0 $0x0  }
0x12: {  	s1 =	sld [smem:$0x3F99];
	s0 =	simm.s32 @p0 $0x1  }
0x13: {  	[smem:$0x3FB4] =	sst s0;
	s0 =	simm.s32 @!p1 $0x0  }
0x14: {  	s2 =	sld [smem:$0x3F98];
	s0 =	simm.s32 @p1 $0x1  }
0x15: {  	[smem:$0x3FB5] =	sst s0;
	s0 =	simm.s32 @!p2 $0x0  }
0x16: {  	s3 =	sld [smem:$0x3FDB];
	s0 =	simm.s32 @p2 $0x1  }
0x17: {  	s4 =	simm.s32 $0x1BF5;
	[smem:$0x3FB7] =	sst s0  }
0x18: {  	s0 =	sld [smem:$0x3F9A];
	_ =	swait.ge [sflag:s4], $0x0  }
0x19: {  	s7 =	sld [smem:$0x3F9B]  }
0x1a: {  	s8 =	sadd.s32 $0xFFFFE003, lr  }
0x1b: {  	s9 =	sadd.s32 $0xFFFFFEF7, lr;
	s5 =	simm.s32 $0xFFFFFFFF;
	p2 =	slt.u32 s8, $0xFFFFF086  }
0x1c: {  	p1 =	slt.u32 s9, $0xF7A;
	s5 =	simm.s32 @!p2 $0x0  }
0x1d: {  	s5 =	simm.s32 @p1 $0x1;
	p0 =	seq.s32 s7, s2  }
0x1e: {  	s7 =	smul.u32 @!p0 $0xF7A, s2;
	p2 =	seq.s32 @!p0 s5, $0x0  }
0x1f: {  	s9 =	smul.u32 $0xF7A, s1;
	s8 =	simm.s32 @!p0 $0x1BF5;
	p2 =	por !p2, p0  }
0x20: {  	[sflag:s8] =	ssyncset.s32 @!p0 $0xFFFFF086;
	s6 =	sadd.s32 @!p0 s3, s7;
	s7 =	simm.s32 @!p0 $0x108  }
0x21: {  	s3 =	sadd.s32 s3, s9;
	s6 =	sadd.s32 @!p0 $0x88, s6;
	s7 =	simm.s32 @p2 $0x1082  }
0x22: {  	[simem:s7], [sflag:s8] =	dma.local @!p0 [hbm:s6], $0xF7A  }
0x23: {  	s9 =	sor.u32 $0xD0000000, s2;
	s6 =	simm.s32 $0x108;
	_ =	swait.ge @!p0 [sflag:s8], $0x0  }
0x24: {  	s3 =	sadd.s32 $0x88, s3;
	s6 =	simm.s32 @!p1 $0x1082;
	[sflag:s4] =	ssyncset.s32 $0xFFFFF086  }
0x25: {  	[simem:s6], [sflag:s4] =	dma.local [hbm:s3], $0xF7A  }
0x26: {  	[smem:$0x3F9B] =	sst s1;
	(tag) =	ssettag s2;
	_ =	strace s9  }
0x27: {  	s1 =	sld [smem:$0x3FAB]  }
0x28: {  	s2 =	sld [smem:$0x3FAC]  }
0x29: {  	s4 =	sld [smem:$0x3FAE]  }
0x2a: {  	p0 =	seq.s32 s5, $0x0;
	s5 =	sld [smem:$0x3FAF]  }
0x2b: {  	s6 =	sld [smem:$0x3FB0]  }
0x2c: {  	s7 =	sld [smem:$0x3FB1]  }
0x2d: {  	s3 =	simm.s32 $0x108;
	s8 =	sld [smem:$0x3FB2]  }
0x2e: {  	s3 =	simm.s32 @!p0 $0x1082;
	s9 =	sld [smem:$0x3FB3]  }
0x2f: {  	lr =	sadd.s32 s0, s3;
	s0 =	sld [smem:$0x3FAA]  }
0x30: {  	s3 =	sld [smem:$0x3FAD]  }
0x31: {  	[smem:$0x3FB6] =	sst s10  }
0x32: {  	s10 =	sld [smem:$0x3FB4];
	_ =	sdelay $0x3  }
0x33: {  	p0 =	seq.s32 s10, $0x1;
	s10 =	sld [smem:$0x3FB6];
	_ =	sdelay $0x3  }
0x34: {  	[smem:$0x3FB6] =	sst s10  }
0x35: {  	s10 =	sld [smem:$0x3FB5];
	_ =	sdelay $0x3  }
0x36: {  	p1 =	seq.s32 s10, $0x1;
	s10 =	sld [smem:$0x3FB6];
	_ =	sdelay $0x3  }
0x37: {  	[smem:$0x3FB6] =	sst s10  }
0x38: {  	s10 =	sld [smem:$0x3FB7]  }
0x39: {  	_ = 	snop;
	(pc) =	sbr.ind lr, $3  }
0x3a: {  	_ = 	snop  }
0x3b: {  	_ = 	snop  }
0x3c: {  	p2 =	seq.s32 s10, $0x1;
	s10 =	sld [smem:$0x3FB6]  }
0x3d: {  	_ =	shalt  }
0x3e: {  	_ =	shalt  }
0x3f: {  	_ =	shalt  }
0x40: {  	_ =	shalt  }
0x41: {  	_ =	shalt  }
0x42: {  	_ =	shalt  }
0x43: {  	_ =	shalt  }
0x44: {  	_ =	shalt  }
0x45: {  	_ =	shalt  }
0x46: {  	_ =	shalt  }
0x47: {  	_ =	shalt  }
0x48: {  	_ =	shalt  }
0x49: {  	_ =	shalt  }
0x4a: {  	_ =	shalt  }
0x4b: {  	_ =	shalt  }
0x4c: {  	_ =	shalt  }
0x4d: {  	_ =	shalt  }
0x4e: {  	_ =	shalt  }
0x4f: {  	_ =	shalt  }
0x50: {  	_ =	shalt  }
0x51: {  	_ =	shalt  }
0x52: {  	_ =	shalt  }
0x53: {  	_ =	shalt  }
0x54: {  	_ =	shalt  }
0x55: {  	_ =	shalt  }
0x56: {  	_ =	shalt  }
0x57: {  	_ =	shalt  }
0x58: {  	_ =	shalt  }
0x59: {  	_ =	shalt  }
0x5a: {  	_ =	shalt  }
0x5b: {  	_ =	shalt  }
0x5c: {  	_ =	shalt  }
0x5d: {  	_ =	shalt  }
0x5e: {  	_ =	shalt  }
0x5f: {  	_ =	shalt  }
0x60: {  	_ =	shalt  }
0x61: {  	_ =	shalt  }
0x62: {  	_ =	shalt  }
0x63: {  	_ =	shalt  }
0x64: {  	_ =	shalt  }
0x65: {  	_ =	shalt  }
0x66: {  	_ =	shalt  }
0x67: {  	_ =	shalt  }
0x68: {  	_ =	shalt  }
0x69: {  	_ =	shalt  }
0x6a: {  	_ =	shalt  }
0x6b: {  	_ =	shalt  }
0x6c: {  	_ =	shalt  }
0x6d: {  	_ =	shalt  }
0x6e: {  	_ =	shalt  }
0x6f: {  	_ =	shalt  }
0x70: {  	_ =	shalt  }
0x71: {  	_ =	shalt  }
0x72: {  	_ =	shalt  }
0x73: {  	_ =	shalt  }
0x74: {  	_ =	shalt  }
0x75: {  	_ =	shalt  }
0x76: {  	_ =	shalt  }
0x77: {  	_ =	shalt  }
0x78: {  	_ =	shalt  }
0x79: {  	_ =	shalt  }
0x7a: {  	_ =	shalt  }
0x7b: {  	_ =	shalt  }
0x7c: {  	_ =	shalt  }
0x7d: {  	_ =	shalt  }
0x7e: {  	_ =	shalt  }
0x7f: {  	_ =	shalt  }
0x80: {  	_ =	shalt  }
0x81: {  	_ =	shalt  }
0x82: {  	_ =	shalt  }
0x83: {  	_ =	shalt  }
0x84: {  	_ =	shalt  }
0x85: {  	_ =	shalt  }
0x86: {  	_ =	shalt  }
0x87: {  	_ =	shalt  }
.Lfunc_end0:
.L_simem_size_0:
called_computation_lowered:
.L_overlay_start_0:
0x88: {  	s2 =	sld [smem:$0x3FD9]  }
0x89: {  	s3 =	sld [smem:$0x3FFE];
	_ =	sdelay $0x1  }
0x8a: {  	s1 =	srdreg.scid  }
0x8b: {  	s0 =	sand.u32 $0x1, s1  }
0x8c: {  	s17 =	sshll.u32 s0, $0xA;
	s2 =	sadd.s32 s3, s2  }
0x8d: {  	s2 =	sadd.s32 s2, s17  }
0x8e: {  	[smem:$0x3FC2] =	sst s2  }
0x8f: {  	_ = 	snop  }
0x90: {  	s2 =	sld [smem:$0x3FC6]  }
0x91: {  	s18 =	sld [smem:$0x3FC5]  }
0x92: {  	s4 =	sld [smem:$0x3FC4];
	(tm) =	ssettm $0x1  }
0x93: {  	s5 =	sld [smem:$0x3FFB];
	_ =	sdelay $0x3  }
0x94: {  	_ =	strace s5  }
0x95: {  	s5 =	sld [smem:$0x3FFC];
	_ =	sdelay $0x3  }
0x96: {  	_ =	strace s5  }
0x97: {  	s5 =	sld [smem:$0x3FFD];
	_ =	sdelay $0x3  }
0x98: {  	_ =	strace s5  }
0x99: {  	_ =	strace $0x8FFFFFFF  }
0x9a: {  	s19 =	sld [smem:$0x3FDB];
	_ =	sdelay $0x1  }
0x9b: {  	s6 =	simm.s32 $_scs_section_size  }
0x9c: {  	s7 =	simm.s32 $_size__tile_overlayer_lowered;
	s8 =	simm.s32 $_tile_overlayer_lowered  }
0x9d: {  	s22 =	simm.s32 $0x1BFF;
	s21 =	sshll.u32 s8, $0x1;
	s5 =	sadd.s32 s6, s19  }
0x9e: {  	s9 =	simm.s32 $0x0;
	s20 =	sshll.u32 s7, $0x1;
	s7 =	sadd.s32 s21, s5  }
0x9f: {  	[timem:s9], [sflag:s22] =	dma.local [hbm:s7], s20  }
0xa0: {  	_ =	swait.ge [sflag:s22], s20  }
0xa1: {  	s6 =	ssub.s32 $0x0, s20;
	[sflag:s22] =	ssyncset.done $0x0  }
0xa2: {  	[sflag:s22] =	ssyncadd.s32 s6;
	_ =	sdelay $0x1  }
0xa3: {  	s23 =	simm.s32 $0x1B8B  }
0xa4: {  	_ =	swait.ge [sflag:s23], $0x1  }
0xa5: {  	[sflag:s23] =	ssyncset.done $0x0  }
0xa6: {  	s25 =	simm.s32 $0x1B8E;
	s24 =	sld [smem:$0x3FFE];
	[sflag:s23] =	ssyncadd.s32 $0xFFFFFFFF  }
0xa7: {  	s26 =	simm.s32 $execute0_lowered;
	[smem:$0x3FD2] =	sst s25  }
0xa8: {  	s7 =	sshll.u32 s26, $0x1;
	_ =	strace $0x80000046;
	[dreg:$0x1] =	wrdreg $0xFFFFFFFF  }
0xa9: {  	s28 =	simm.s32 $_size_execute0_lowered;
	s5 =	sadd.s32 s5, s7;
	[dreg:$0x0] =	wrdreg $0x0  }
0xaa: {  	s7 =	sshll.u32 s28, $0x1;
	[dreg:$0x2] =	wrdreg s5  }
0xab: {  	[dreg:$0x3] =	wrdreg s7  }
0xac: {  	[dreg:$0x4] =	wrdreg $0xC0  }
0xad: {  	_ =	task [dreg:s9], $0x5FFFF  }
0xae: {  	[dreg:$0x1] =	wrdreg $0xFFFFFFFF  }
0xaf: {  	[dreg:$0x0] =	wrdreg $0x60  }
0xb0: {  	[dreg:$0x2] =	wrdreg s24  }
0xb1: {  	[dreg:$0x3] =	wrdreg s2  }
0xb2: {  	[dreg:$0x4] =	wrdreg s18  }
0xb3: {  	[dreg:$0x5] =	wrdreg s4  }
0xb4: {  	[dreg:$0x6] =	wrdreg $0x9  }
0xb5: {  	_ =	task.clear_ibuf [dreg:s9], $0x7FFFF;
	_ =	strace $0x90000046  }
0xb6: {  	s29 =	simm.s32 $0x9;
	_ =	strace $0x80000048  }
0xb7: {  	_ =	swait.ge [sflag:s29], $0x1  }
0xb8: {  	[sflag:s29] =	ssyncadd.s32 $0xFFFFFFFF  }
0xb9: {  	_ =	strace $0x90000048  }
0xba: {  	_ =	sfence  }
0xbb: {  	s30 =	sld [smem:$0x0];
	_ =	sdelay $0x2  }
0xbc: {  	s31 =	sshll.u32 s1, $0xD;
	s1 =	sshrl.u32 s1, $0x2  }
0xbd: {  	s3 =	sand.u32 $0x4000, s31;
	s1 =	sadd.s32 s1, s30  }
0xbe: {  	s0 =	sor.u32 s3, s0;
	s1 =	sshll.u32 s1, $0x11  }
0xbf: {  	s0 =	sor.u32 s1, s0  }
0xc0: {  	s0 =	sadd.s32 $0x8F2B, s0  }
0xc1: {  	[sflag:s0] =	ssyncadd.remote.s32 $0x1  }
0xc2: {  	_ =	sfence.sel $0xFFFF  }
0xc3: {  	[dreg:$0x0] =	wrdreg $0xFFFFFFFF;
	(pc) =	sbr.abs _section_cstart, $3  }
0xc4: {  	[dreg:$0x1] =	wrdreg $0xFFFFFFFF  }
0xc5: {  	_ =	task.clear_ibuf [dreg:s9], $0x2FFFF;
	_ =	strace $0x9FFFFFFF  }
0xc6: {  	(tm) =	ssettm $0x7FFFFFFF  }
0xc7: {  	_ =	shalt  }
tec
execute0_lowered:
.L_overlay_start_1:
0x0: {  	(tag) =	ssettag $0x1  }
0x1: {  	s1 =	rddreg [dreg:$0x0]  }
0x2: {  	s2 =	rddreg [dreg:$0x1]  }
0x3: {  	s3 =	rddreg [dreg:$0x2]  }
0x4: {  	s4 =	rddreg [dreg:$0x3]  }
0x5: {  	s0 =	rddreg [dreg:$0x4]  }
0x6: {  	s6 =	simm.s32 $0x0;
	s7 =	srdreg.scid;
	s5 =	stileid.u32  }
0x7: {  	s13 =	simm.s32 $0x580;
	s14 =	simm.s32 $0xD80;
	s15 =	simm.s32 $0x1D80  }
0x8: {  	s16 =	simm.s32 $0x2D80;
	s17 =	simm.s32 $0x3580;
	s18 =	simm.s32 $0x3D80  }
0x9: {  	s19 =	simm.s32 $0x0;
	[smem:$0x7FF] =	sst s6;
	s9 =	sand.u32 $0x1, s7  }
0xa: {  	s7 =	sadd.s32 $0x200, s1;
	s11 =	sshll.u32 s5, $0x1;
	s10 =	ssub.s32 $0x2, s9  }
0xb: {  	s8 =	sadd.s32 $0x6200, s1;
	_ =	strace $0x80000047;
	s12 =	sshrl.u32 s10, $0x1  }
0xc: {  	s11 =	sor.u32 s9, s11;
	s9 =	sadd.s32 $0xC200, s1;
	s12 =	ssub.s32 s10, s12  }
0xd: {  	v9 =	vimm.s32 $0x0;
	v10 =	vimm.f32 $-1.000000000e+00;
	s10 =	smul.u32 $0x1800, s11;
	s11 =	smax.u32 s12, $0x1;
	s12 =	simm.s32 $0x1  }
.LBB2_1:
0xe: {  	[tilespmem:s6], [sflag:$0x1] =	stream.linear.gather [hbm4b:s1+s6], $0x580, $0x38;
	[tilespmem:$0x4580] =	vst v63  }
0xf: {  	_ =	swait.ge [sflag:s12], $0x580  }
0x10: {  	[sflag:s12] =	ssyncset.done $0x0  }
0x11: {  	[sflag:s12] =	ssyncadd.s32 $0xFFFFFA80  }
0x12: {  	v11 =	vld [tilespmem:$0x0]  }
0x13: {  	v12 =	vld [tilespmem:$0x10]  }
0x14: {  	v13 =	vld [tilespmem:$0x20]  }
0x15: {  	v14 =	vld [tilespmem:$0x30]  }
0x16: {  	v15 =	vld [tilespmem:$0x40]  }
0x17: {  	v16 =	vld [tilespmem:$0x50];
	[tilespmem:$0x1FF80] =	vst v11  }
0x18: {  	v29 =	vld [tilespmem:$0x60];
	[tilespmem:$0x1FF90] =	vst v12  }
0x19: {  	v26 =	vld [tilespmem:$0x70];
	[tilespmem:$0x1FFA0] =	vst v13  }
0x1a: {  	[tilespmem:$0x1FFB0] =	vst v14  }
0x1b: {  	[tilespmem:$0x1FFC0] =	vst v15  }
0x1c: {  	[tilespmem:$0x1FFD0] =	vst v16  }
0x1d: {  	[tilespmem:$0x1FFE0] =	vst v29  }
0x1e: {  	s20 =	simm.s32 $0x0;
	[tilespmem:$0x1FFF0] =	vst v26  }
.LBB2_2:
0x1f: {  	s21 =	sshll.u32 s20, $0xB  }
0x20: {  	s23 =	sadd.s32 s10, s21  }
0x21: {  	s21 =	sshrl.u32 s23, $0x3  }
0x22: {  	s22 =	simm.s32 $0x0;
	s24 =	sadd.s32 s2, s21  }
0x23: {  	[tilespmem:s13], [sflag:$0x1] =	stream.linear.gather [hbm4b:s24+s22], $0x800, $0x38;
	[tilespmem:$0x4580] =	vst v63  }
0x24: {  	_ =	swait.ge [sflag:s12], $0x800  }
0x25: {  	s23 =	sshrl.u32 s23, $0x2;
	[sflag:s12] =	ssyncset.done $0x0  }
0x26: {  	s31 =	sadd.s32 s3, s23;
	[sflag:s12] =	ssyncadd.s32 $0xFFFFF800  }
0x27: {  	[tilespmem:s14], [sflag:$0x1] =	stream.linear.gather [hbm4b:s31+s22], $0x1000, $0x38;
	[tilespmem:$0x4580] =	vst v63  }
0x28: {  	_ =	swait.ge [sflag:s12], $0x1000  }
0x29: {  	[sflag:s12] =	ssyncset.done $0x0  }
0x2a: {  	s23 =	sadd.s32 s4, s23;
	[sflag:s12] =	ssyncadd.s32 $0xFFFFF000  }
0x2b: {  	[tilespmem:s15], [sflag:$0x1] =	stream.linear.gather [hbm4b:s23+s22], $0x1000, $0x38;
	[tilespmem:$0x4580] =	vst v63  }
0x2c: {  	_ =	swait.ge [sflag:s12], $0x1000  }
0x2d: {  	[sflag:s12] =	ssyncset.done $0x0  }
0x2e: {  	s24 =	simm.s32 $0x1E00;
	s23 =	simm.s32 $0xE00;
	[sflag:s12] =	ssyncadd.s32 $0xFFFFF000  }
.LBB2_3:
0x2f: {  	v0 =	vld [tilespmem:s24+$0xFFFFFF80]  }
0x30: {  	v1 =	vld [tilespmem:s24+$0x0];
	_ =	sdelay $0x4  }
0x31: {  	v2 =	vand.u32 $0x7FFFFFFF, v0;
	v3 =	vand.u32 $0x7FFFFFFF, v1  }
0x32: {  	vm1 =	vne.f32 v0, $0.0e+00;
	vm2 =	vne.f32 v1, $0.0e+00;
	vm0 =	vgt.f32 v2, v3  }
0x33: {  	v40 =	vnsel vm1, $0x3F800000, v0;
	v41 =	vnsel vm2, $0x3F800000, v1;
	vm0 =	vmneg vm0  }
0x34: {  	v2 =	vsel vm0, v41, v40  }
0x35: {  	(erf) = vrcp.f32 v2;
	_ =	sdelay $0x6  }
0x36: {  	v42 =	vsel vm0, v0, v1  }
0x37: {  	v2 =	vmul.f32 $1.256637100e+01, v42  }
0x38: {  	v43 =	vpop (erf)  }
0x39: {  	v2 =	vmul.f32 v43, v2;
	_ =	sdelay $0x1  }
0x3a: {  	v3 =	vsub.f32 $6.283185480e+00, v2;
	_ =	sdelay $0x1  }
0x3b: {  	v2 =	vsel vm0, v3, v2  }
0x3c: {  	v3 =	vmul.f32 $3.183098730e-01, v2;
	_ =	sdelay $0x1  }
0x3d: {  	v3 =	vadd.f32 $5.000000000e-01, v3;
	_ =	sdelay $0x1  }
0x3e: {  	v4 =	vtrunc.f32 v3  }
0x3f: {  	v5 =	vcvt.f32.s32 v4;
	vm3 =	vlt.f32 v3, v4  }
0x40: {  	v3 =	vsel vm3, $0xFFFFFFFF, v9  }
0x41: {  	v3 =	vadd.s32 v5, v3  }
0x42: {  	v44 =	vcvt.s32.f32 v3;
	_ =	sdelay $0x1  }
0x43: {  	v45 =	vmul.f32 $3.141592740e+00, v44;
	_ =	sdelay $0x1  }
0x44: {  	v4 =	vmul.f32 $8.742277650e-08, v44;
	v2 =	vsub.f32 v2, v45;
	_ =	sdelay $0x1  }
0x45: {  	v2 =	vadd.f32 v4, v2;
	_ =	sdelay $0x1  }
0x46: {  	v4 =	vmul.f32 v2, v2;
	_ =	sdelay $0x1  }
0x47: {  	v46 =	vmul.f32 $2.087675590e-09, v4;
	_ =	sdelay $0x1  }
0x48: {  	v6 =	vmul.f32 $2.505210790e-08, v4;
	v5 =	vadd.f32 $-2.755732000e-07, v46;
	_ =	sdelay $0x1  }
0x49: {  	v6 =	vsub.f32 $2.755731880e-06, v6;
	v5 =	vmul.f32 v5, v4;
	_ =	sdelay $0x1  }
0x4a: {  	v6 =	vmul.f32 v6, v4;
	v5 =	vadd.f32 $2.480158760e-05, v5;
	_ =	sdelay $0x1  }
0x4b: {  	v6 =	vadd.f32 $-1.984127010e-04, v6;
	v5 =	vmul.f32 v5, v4;
	_ =	sdelay $0x1  }
0x4c: {  	v6 =	vmul.f32 v6, v4;
	v5 =	vadd.f32 $-1.388888920e-03, v5;
	_ =	sdelay $0x1  }
0x4d: {  	v6 =	vadd.f32 $8.333333770e-03, v6;
	v5 =	vmul.f32 v5, v4;
	_ =	sdelay $0x1  }
0x4e: {  	v6 =	vmul.f32 v6, v4;
	v5 =	vadd.f32 $4.166666790e-02, v5;
	_ =	sdelay $0x1  }
0x4f: {  	v7 =	vld [tilespmem:s23+$0xFFFFFF80];
	v6 =	vadd.f32 $-1.666666720e-01, v6;
	v5 =	vmul.f32 v5, v4;
	_ =	sdelay $0x1  }
0x50: {  	v8 =	vld [tilespmem:s23+$0x0];
	v6 =	vmul.f32 v6, v4;
	v5 =	vadd.f32 $-5.000000000e-01, v5;
	_ =	sdelay $0x1  }
0x51: {  	v47 =	vadd.f32 $1.000000000e+00, v6;
	v4 =	vmul.f32 v5, v4  }
0x52: {  	s25 =	sshra.s32 s22, $0x2;
	v50 =	vmul.f32 v7, v12;
	vm1 =	vmor vm1, vm2;
	v3 =	vand.u32 $0x1, v3  }
0x53: {  	v48 =	vld [tilespmem:s25+$0x580];
	vm14 =	veq.s32 v3, $0x0;
	v2 =	vmul.f32 v47, v2;
	v4 =	vadd.f32 $1.000000000e+00, v4  }
0x54: {  	v51 =	vmul.f32 v8, v13;
	vm1 =	vmand vm0, vm1;
	v49 =	vsel vm14, $0x3F800000, v10  }
0x55: {  	v1 =	vnsel vm1, $0x0, v1;
	v2 =	vmul.f32 v2, v49;
	v4 =	vmul.f32 v4, v49  }
0x56: {  	v52 =	vadd.f32 v51, v15;
	v0 =	vsel vm0, v1, v0  }
0x57: {  	v1 =	vadd.f32 v50, v14;
	v4 =	vmul.f32 v4, v0;
	v0 =	vmul.f32 v2, v0  }
0x58: {  	vm15 =	vlt.f32 v48, v11  }
0x59: {  	v53 =	vld [tilespmem:s24+$0xFFFFFF90];
	v19 =	vsel vm15, v4, v1;
	v24 =	vsel vm15, v0, v52  }
0x5a: {  	v54 =	vld [tilespmem:s24+$0x10];
	v21 =	vmul.f32 v19, v19;
	v25 =	vmul.f32 v24, v24;
	_ =	sdelay $0x1  }
0x5b: {  	v55 =	vadd.f32 v21, v25;
	_ =	sdelay $0x1  }
0x5c: {  	v56 =	vand.u32 $0x7FFFFFFF, v53;
	vm4 =	vge.f32 v55, $1.000000000e+00  }
0x5d: {  	v57 =	vand.u32 $0x7FFFFFFF, v54;
	vm6 =	vne.f32 v53, $0.0e+00;
	v2 =	vsel vm4, v29, v16  }
0x5e: {  	vm7 =	vne.f32 v54, $0.0e+00;
	vm5 =	vgt.f32 v56, v57;
	v2 =	vmul.f32 $1.442695020e+00, v2  }
0x5f: {  	v58 =	vnsel vm6, $0x3F800000, v53;
	v59 =	vnsel vm7, $0x3F800000, v54;
	vm0 =	vmneg vm5  }
0x60: {  	v60 =	vsel vm0, v59, v58;
	(erf) = vpow2.f32 v2  }
0x61: {  	(erf) = vrcp.f32 v60;
	_ =	sdelay $0x6  }
0x62: {  	v61 =	vsel vm0, v53, v54  }
0x63: {  	v2 =	vmul.f32 $1.256637100e+01, v61;
	v43 =	vpop (erf)  }
0x64: {  	v62 =	vpop (erf)  }
0x65: {  	v2 =	vmul.f32 v62, v2;
	_ =	sdelay $0x1  }
0x66: {  	v3 =	vsub.f32 $6.283185480e+00, v2;
	_ =	sdelay $0x1  }
0x67: {  	v2 =	vsel vm0, v3, v2  }
0x68: {  	v3 =	vmul.f32 $3.183098730e-01, v2;
	_ =	sdelay $0x1  }
0x69: {  	v3 =	vadd.f32 $5.000000000e-01, v3;
	_ =	sdelay $0x1  }
0x6a: {  	v63 =	vtrunc.f32 v3  }
0x6b: {  	v20 =	vcvt.f32.s32 v63;
	vm8 =	vlt.f32 v3, v63  }
0x6c: {  	v3 =	vsel vm8, $0xFFFFFFFF, v9  }
0x6d: {  	v3 =	vadd.s32 v20, v3  }
0x6e: {  	v22 =	vcvt.s32.f32 v3;
	_ =	sdelay $0x1  }
0x6f: {  	v23 =	vmul.f32 $3.141592740e+00, v22;
	_ =	sdelay $0x1  }
0x70: {  	v4 =	vmul.f32 $8.742277650e-08, v22;
	v2 =	vsub.f32 v2, v23;
	_ =	sdelay $0x1  }
0x71: {  	v2 =	vadd.f32 v4, v2;
	_ =	sdelay $0x1  }
0x72: {  	v4 =	vmul.f32 v2, v2;
	_ =	sdelay $0x1  }
0x73: {  	v26 =	vmul.f32 $2.087675590e-09, v4;
	_ =	sdelay $0x1  }
0x74: {  	v32 =	vmul.f32 $2.505210790e-08, v4;
	v5 =	vadd.f32 $-2.755732000e-07, v26;
	_ =	sdelay $0x1  }
0x75: {  	v6 =	vsub.f32 $2.755731880e-06, v32;
	v5 =	vmul.f32 v5, v4;
	_ =	sdelay $0x1  }
0x76: {  	v6 =	vmul.f32 v6, v4;
	v5 =	vadd.f32 $2.480158760e-05, v5;
	_ =	sdelay $0x1  }
0x77: {  	v6 =	vadd.f32 $-1.984127010e-04, v6;
	v5 =	vmul.f32 v5, v4;
	_ =	sdelay $0x1  }
0x78: {  	v6 =	vmul.f32 v6, v4;
	v5 =	vadd.f32 $-1.388888920e-03, v5;
	_ =	sdelay $0x1  }
0x79: {  	v6 =	vadd.f32 $8.333333770e-03, v6;
	v5 =	vmul.f32 v5, v4;
	_ =	sdelay $0x1  }
0x7a: {  	v6 =	vmul.f32 v6, v4;
	v5 =	vadd.f32 $4.166666790e-02, v5;
	_ =	sdelay $0x1  }
0x7b: {  	v33 =	vld [tilespmem:s23+$0xFFFFFF90];
	v6 =	vadd.f32 $-1.666666720e-01, v6;
	v5 =	vmul.f32 v5, v4;
	_ =	sdelay $0x1  }
0x7c: {  	v8 =	vld [tilespmem:s23+$0x10];
	v6 =	vmul.f32 v6, v4;
	v5 =	vadd.f32 $-5.000000000e-01, v5;
	_ =	sdelay $0x1  }
0x7d: {  	v34 =	vadd.f32 $1.000000000e+00, v6;
	v4 =	vmul.f32 v5, v4  }
0x7e: {  	v37 =	vmul.f32 v33, v12;
	vm1 =	vmor vm6, vm7;
	v3 =	vand.u32 $0x1, v3  }
0x7f: {  	v35 =	vld [tilespmem:s25+$0x590];
	vm9 =	veq.s32 v3, $0x0;
	v2 =	vmul.f32 v34, v2;
	v4 =	vadd.f32 $1.000000000e+00, v4  }
0x80: {  	v38 =	vmul.f32 v8, v13;
	vm1 =	vmand vm0, vm1;
	v36 =	vsel vm9, $0x3F800000, v10  }
0x81: {  	v1 =	vnsel vm1, $0x0, v54;
	v2 =	vmul.f32 v2, v36;
	v4 =	vmul.f32 v4, v36  }
0x82: {  	v39 =	vadd.f32 v38, v15;
	v0 =	vsel vm0, v1, v53  }
0x83: {  	v1 =	vadd.f32 v37, v14;
	v4 =	vmul.f32 v4, v0;
	v0 =	vmul.f32 v2, v0  }
0x84: {  	vm10 =	vlt.f32 v35, v11  }
0x85: {  	v40 =	vld [tilespmem:s24+$0xFFFFFFA0];
	v22 =	vsel vm10, v4, v1;
	v34 =	vsel vm10, v0, v39  }
0x86: {  	v41 =	vld [tilespmem:s24+$0x20];
	v26 =	vmul.f32 v22, v22;
	v39 =	vmul.f32 v34, v34;
	_ =	sdelay $0x1  }
0x87: {  	v44 =	vadd.f32 v26, v39;
	_ =	sdelay $0x1  }
0x88: {  	vm13 =	vne.f32 v40, $0.0e+00;
	vm11 =	vge.f32 v44, $1.000000000e+00  }
0x89: {  	v45 =	vand.u32 $0x7FFFFFFF, v40;
	v46 =	vand.u32 $0x7FFFFFFF, v41;
	v2 =	vsel vm11, v29, v16  }
0x8a: {  	vm14 =	vne.f32 v41, $0.0e+00;
	vm12 =	vgt.f32 v45, v46;
	v2 =	vmul.f32 $1.442695020e+00, v2  }
0x8b: {  	v48 =	vnsel vm14, $0x3F800000, v41;
	v47 =	vnsel vm13, $0x3F800000, v40;
	vm0 =	vmneg vm12  }
0x8c: {  	v49 =	vsel vm0, v48, v47;
	(erf) = vpow2.f32 v2  }
0x8d: {  	(erf) = vrcp.f32 v49;
	_ =	sdelay $0x6  }
0x8e: {  	v50 =	vsel vm0, v40, v41  }
0x8f: {  	v2 =	vmul.f32 $1.256637100e+01, v50;
	v44 =	vpop (erf)  }
0x90: {  	v51 =	vpop (erf)  }
0x91: {  	v2 =	vmul.f32 v51, v2;
	_ =	sdelay $0x1  }
0x92: {  	v3 =	vsub.f32 $6.283185480e+00, v2;
	_ =	sdelay $0x1  }
0x93: {  	v2 =	vsel vm0, v3, v2  }
0x94: {  	v3 =	vmul.f32 $3.183098730e-01, v2;
	_ =	sdelay $0x1  }
0x95: {  	v3 =	vadd.f32 $5.000000000e-01, v3;
	_ =	sdelay $0x1  }
0x96: {  	v52 =	vtrunc.f32 v3  }
0x97: {  	v53 =	vcvt.f32.s32 v52;
	vm15 =	vlt.f32 v3, v52  }
0x98: {  	v3 =	vsel vm15, $0xFFFFFFFF, v9  }
0x99: {  	v3 =	vadd.s32 v53, v3  }
0x9a: {  	v54 =	vcvt.s32.f32 v3;
	_ =	sdelay $0x1  }
0x9b: {  	v55 =	vmul.f32 $3.141592740e+00, v54;
	_ =	sdelay $0x1  }
0x9c: {  	v4 =	vmul.f32 $8.742277650e-08, v54;
	v2 =	vsub.f32 v2, v55;
	_ =	sdelay $0x1  }
0x9d: {  	v2 =	vadd.f32 v4, v2;
	_ =	sdelay $0x1  }
0x9e: {  	v4 =	vmul.f32 v2, v2;
	_ =	sdelay $0x1  }
0x9f: {  	v56 =	vmul.f32 $2.087675590e-09, v4;
	_ =	sdelay $0x1  }
0xa0: {  	v57 =	vmul.f32 $2.505210790e-08, v4;
	v5 =	vadd.f32 $-2.755732000e-07, v56;
	_ =	sdelay $0x1  }
0xa1: {  	v6 =	vsub.f32 $2.755731880e-06, v57;
	v5 =	vmul.f32 v5, v4;
	_ =	sdelay $0x1  }
0xa2: {  	v6 =	vmul.f32 v6, v4;
	v5 =	vadd.f32 $2.480158760e-05, v5;
	_ =	sdelay $0x1  }
0xa3: {  	v6 =	vadd.f32 $-1.984127010e-04, v6;
	v5 =	vmul.f32 v5, v4;
	_ =	sdelay $0x1  }
0xa4: {  	v6 =	vmul.f32 v6, v4;
	v5 =	vadd.f32 $-1.388888920e-03, v5;
	_ =	sdelay $0x1  }
0xa5: {  	v6 =	vadd.f32 $8.333333770e-03, v6;
	v5 =	vmul.f32 v5, v4;
	_ =	sdelay $0x1  }
0xa6: {  	v6 =	vmul.f32 v6, v4;
	v5 =	vadd.f32 $4.166666790e-02, v5;
	_ =	sdelay $0x1  }
0xa7: {  	v58 =	vld [tilespmem:s23+$0xFFFFFFA0];
	v6 =	vadd.f32 $-1.666666720e-01, v6;
	v5 =	vmul.f32 v5, v4;
	_ =	sdelay $0x1  }
0xa8: {  	v8 =	vld [tilespmem:s23+$0x20];
	v6 =	vmul.f32 v6, v4;
	v5 =	vadd.f32 $-5.000000000e-01, v5;
	_ =	sdelay $0x1  }
0xa9: {  	v59 =	vadd.f32 $1.000000000e+00, v6;
	v4 =	vmul.f32 v5, v4  }
0xaa: {  	vm1 =	vmor vm13, vm14;
	v62 =	vmul.f32 v58, v12;
	v3 =	vand.u32 $0x1, v3  }
0xab: {  	v60 =	vld [tilespmem:s25+$0x5A0];
	vm4 =	veq.s32 v3, $0x0;
	v2 =	vmul.f32 v59, v2;
	v4 =	vadd.f32 $1.000000000e+00, v4  }
0xac: {  	vm1 =	vmand vm0, vm1;
	v63 =	vmul.f32 v8, v13;
	v61 =	vsel vm4, $0x3F800000, v10  }
0xad: {  	v1 =	vnsel vm1, $0x0, v41;
	v2 =	vmul.f32 v2, v61;
	v4 =	vmul.f32 v4, v61  }
0xae: {  	v20 =	vadd.f32 v63, v15;
	v0 =	vsel vm0, v1, v40  }
0xaf: {  	v1 =	vadd.f32 v62, v14;
	v4 =	vmul.f32 v4, v0;
	v0 =	vmul.f32 v2, v0  }
0xb0: {  	vm5 =	vlt.f32 v60, v11  }
0xb1: {  	v23 =	vld [tilespmem:s24+$0xFFFFFFB0];
	v54 =	vsel vm5, v4, v1;
	v53 =	vsel vm5, v0, v20  }
0xb2: {  	v32 =	vld [tilespmem:s24+$0x30];
	v30 =	vmul.f32 v54, v54;
	v33 =	vmul.f32 v53, v53;
	_ =	sdelay $0x1  }
0xb3: {  	v35 =	vadd.f32 v30, v33;
	_ =	sdelay $0x1  }
0xb4: {  	vm8 =	vne.f32 v23, $0.0e+00;
	vm6 =	vge.f32 v35, $1.000000000e+00  }
0xb5: {  	v37 =	vand.u32 $0x7FFFFFFF, v32;
	v36 =	vand.u32 $0x7FFFFFFF, v23;
	v2 =	vsel vm6, v29, v16  }
0xb6: {  	vm9 =	vne.f32 v32, $0.0e+00;
	vm7 =	vgt.f32 v36, v37;
	v2 =	vmul.f32 $1.442695020e+00, v2  }
0xb7: {  	v38 =	vnsel vm8, $0x3F800000, v23;
	v40 =	vnsel vm9, $0x3F800000, v32;
	vm0 =	vmneg vm7  }
0xb8: {  	v41 =	vsel vm0, v40, v38;
	(erf) = vpow2.f32 v2  }
0xb9: {  	(erf) = vrcp.f32 v41;
	_ =	sdelay $0x6  }
0xba: {  	v42 =	vsel vm0, v23, v32  }
0xbb: {  	v2 =	vmul.f32 $1.256637100e+01, v42;
	v45 =	vpop (erf)  }
0xbc: {  	v46 =	vpop (erf)  }
0xbd: {  	v2 =	vmul.f32 v46, v2;
	_ =	sdelay $0x1  }
0xbe: {  	v3 =	vsub.f32 $6.283185480e+00, v2;
	_ =	sdelay $0x1  }
0xbf: {  	v2 =	vsel vm0, v3, v2  }
0xc0: {  	v3 =	vmul.f32 $3.183098730e-01, v2;
	_ =	sdelay $0x1  }
0xc1: {  	v3 =	vadd.f32 $5.000000000e-01, v3;
	_ =	sdelay $0x1  }
0xc2: {  	v47 =	vtrunc.f32 v3  }
0xc3: {  	v48 =	vcvt.f32.s32 v47;
	vm10 =	vlt.f32 v3, v47  }
0xc4: {  	v3 =	vsel vm10, $0xFFFFFFFF, v9  }
0xc5: {  	v3 =	vadd.s32 v48, v3  }
0xc6: {  	v49 =	vcvt.s32.f32 v3;
	_ =	sdelay $0x1  }
0xc7: {  	v50 =	vmul.f32 $3.141592740e+00, v49;
	_ =	sdelay $0x1  }
0xc8: {  	v4 =	vmul.f32 $8.742277650e-08, v49;
	v2 =	vsub.f32 v2, v50;
	_ =	sdelay $0x1  }
0xc9: {  	v2 =	vadd.f32 v4, v2;
	_ =	sdelay $0x1  }
0xca: {  	v4 =	vmul.f32 v2, v2;
	_ =	sdelay $0x1  }
0xcb: {  	v51 =	vmul.f32 $2.087675590e-09, v4;
	_ =	sdelay $0x1  }
0xcc: {  	v52 =	vmul.f32 $2.505210790e-08, v4;
	v5 =	vadd.f32 $-2.755732000e-07, v51;
	_ =	sdelay $0x1  }
0xcd: {  	v6 =	vsub.f32 $2.755731880e-06, v52;
	v5 =	vmul.f32 v5, v4;
	_ =	sdelay $0x1  }
0xce: {  	v6 =	vmul.f32 v6, v4;
	v5 =	vadd.f32 $2.480158760e-05, v5;
	_ =	sdelay $0x1  }
0xcf: {  	v6 =	vadd.f32 $-1.984127010e-04, v6;
	v5 =	vmul.f32 v5, v4;
	_ =	sdelay $0x1  }
0xd0: {  	v6 =	vmul.f32 v6, v4;
	v5 =	vadd.f32 $-1.388888920e-03, v5;
	_ =	sdelay $0x1  }
0xd1: {  	v6 =	vadd.f32 $8.333333770e-03, v6;
	v5 =	vmul.f32 v5, v4;
	_ =	sdelay $0x1  }
0xd2: {  	v6 =	vmul.f32 v6, v4;
	v5 =	vadd.f32 $4.166666790e-02, v5;
	_ =	sdelay $0x1  }
0xd3: {  	v8 =	vld [tilespmem:s23+$0x30];
	v6 =	vadd.f32 $-1.666666720e-01, v6;
	v5 =	vmul.f32 v5, v4;
	_ =	sdelay $0x1  }
0xd4: {  	v55 =	vld [tilespmem:s23+$0xFFFFFFB0];
	v6 =	vmul.f32 v6, v4;
	v5 =	vadd.f32 $-5.000000000e-01, v5;
	_ =	sdelay $0x1  }
0xd5: {  	v56 =	vadd.f32 $1.000000000e+00, v6;
	v4 =	vmul.f32 v5, v4  }
0xd6: {  	v60 =	vmul.f32 v8, v13;
	vm1 =	vmor vm8, vm9;
	v3 =	vand.u32 $0x1, v3  }
0xd7: {  	v57 =	vld [tilespmem:s25+$0x5B0];
	vm11 =	veq.s32 v3, $0x0;
	v2 =	vmul.f32 v56, v2;
	v4 =	vadd.f32 $1.000000000e+00, v4  }
0xd8: {  	vm1 =	vmand vm0, vm1;
	v59 =	vmul.f32 v55, v12;
	v58 =	vsel vm11, $0x3F800000, v10  }
0xd9: {  	v1 =	vnsel vm1, $0x0, v32;
	v2 =	vmul.f32 v2, v58;
	v4 =	vmul.f32 v4, v58  }
0xda: {  	v61 =	vadd.f32 v60, v15;
	v0 =	vsel vm0, v1, v23  }
0xdb: {  	v1 =	vadd.f32 v59, v14;
	v4 =	vmul.f32 v4, v0;
	v0 =	vmul.f32 v2, v0  }
0xdc: {  	vm12 =	vlt.f32 v57, v11  }
0xdd: {  	v62 =	vld [tilespmem:s24+$0xFFFFFFC0];
	v57 =	vsel vm12, v4, v1;
	v56 =	vsel vm12, v0, v61  }
0xde: {  	v63 =	vld [tilespmem:s24+$0x40];
	v28 =	vmul.f32 v57, v57;
	v17 =	vmul.f32 v56, v56;
	_ =	sdelay $0x1  }
0xdf: {  	v20 =	vadd.f32 v28, v17;
	_ =	sdelay $0x1  }
0xe0: {  	vm15 =	vne.f32 v62, $0.0e+00;
	vm13 =	vge.f32 v20, $1.000000000e+00  }
0xe1: {  	v32 =	vand.u32 $0x7FFFFFFF, v63;
	v23 =	vand.u32 $0x7FFFFFFF, v62;
	v2 =	vsel vm13, v29, v16  }
0xe2: {  	vm14 =	vgt.f32 v23, v32;
	vm6 =	vne.f32 v63, $0.0e+00;
	v2 =	vmul.f32 $1.442695020e+00, v2  }
0xe3: {  	v35 =	vnsel vm15, $0x3F800000, v62;
	v36 =	vnsel vm6, $0x3F800000, v63;
	vm0 =	vmneg vm14  }
0xe4: {  	v37 =	vsel vm0, v36, v35;
	(erf) = vpow2.f32 v2  }
0xe5: {  	(erf) = vrcp.f32 v37;
	_ =	sdelay $0x6  }
0xe6: {  	v38 =	vsel vm0, v62, v63  }
0xe7: {  	v2 =	vmul.f32 $1.256637100e+01, v38;
	v46 =	vpop (erf)  }
0xe8: {  	v40 =	vpop (erf)  }
0xe9: {  	v2 =	vmul.f32 v40, v2;
	_ =	sdelay $0x1  }
0xea: {  	v3 =	vsub.f32 $6.283185480e+00, v2;
	_ =	sdelay $0x1  }
0xeb: {  	v2 =	vsel vm0, v3, v2  }
0xec: {  	v3 =	vmul.f32 $3.183098730e-01, v2;
	_ =	sdelay $0x1  }
0xed: {  	v3 =	vadd.f32 $5.000000000e-01, v3;
	_ =	sdelay $0x1  }
0xee: {  	v41 =	vtrunc.f32 v3  }
0xef: {  	v42 =	vcvt.f32.s32 v41;
	vm7 =	vlt.f32 v3, v41  }
0xf0: {  	v3 =	vsel vm7, $0xFFFFFFFF, v9  }
0xf1: {  	v3 =	vadd.s32 v42, v3  }
0xf2: {  	v47 =	vcvt.s32.f32 v3;
	_ =	sdelay $0x1  }
0xf3: {  	v48 =	vmul.f32 $3.141592740e+00, v47;
	_ =	sdelay $0x1  }
0xf4: {  	v4 =	vmul.f32 $8.742277650e-08, v47;
	v2 =	vsub.f32 v2, v48;
	_ =	sdelay $0x1  }
0xf5: {  	v2 =	vadd.f32 v4, v2;
	_ =	sdelay $0x1  }
0xf6: {  	v4 =	vmul.f32 v2, v2;
	_ =	sdelay $0x1  }
0xf7: {  	v49 =	vmul.f32 $2.087675590e-09, v4;
	_ =	sdelay $0x1  }
0xf8: {  	v50 =	vmul.f32 $2.505210790e-08, v4;
	v5 =	vadd.f32 $-2.755732000e-07, v49;
	_ =	sdelay $0x1  }
0xf9: {  	v6 =	vsub.f32 $2.755731880e-06, v50;
	v5 =	vmul.f32 v5, v4;
	_ =	sdelay $0x1  }
0xfa: {  	v6 =	vmul.f32 v6, v4;
	v5 =	vadd.f32 $2.480158760e-05, v5;
	_ =	sdelay $0x1  }
0xfb: {  	v6 =	vadd.f32 $-1.984127010e-04, v6;
	v5 =	vmul.f32 v5, v4;
	_ =	sdelay $0x1  }
0xfc: {  	v6 =	vmul.f32 v6, v4;
	v5 =	vadd.f32 $-1.388888920e-03, v5;
	_ =	sdelay $0x1  }
0xfd: {  	v6 =	vadd.f32 $8.333333770e-03, v6;
	v5 =	vmul.f32 v5, v4;
	_ =	sdelay $0x1  }
0xfe: {  	v6 =	vmul.f32 v6, v4;
	v5 =	vadd.f32 $4.166666790e-02, v5;
	_ =	sdelay $0x1  }
0xff: {  	v8 =	vld [tilespmem:s23+$0x40];
	v6 =	vadd.f32 $-1.666666720e-01, v6;
	v5 =	vmul.f32 v5, v4;
	_ =	sdelay $0x1  }
0x100: {  	v51 =	vld [tilespmem:s23+$0xFFFFFFC0];
	v6 =	vmul.f32 v6, v4;
	v5 =	vadd.f32 $-5.000000000e-01, v5;
	_ =	sdelay $0x1  }
0x101: {  	v52 =	vadd.f32 $1.000000000e+00, v6;
	v4 =	vmul.f32 v5, v4  }
0x102: {  	v60 =	vmul.f32 v8, v13;
	vm1 =	vmor vm15, vm6;
	v3 =	vand.u32 $0x1, v3  }
0x103: {  	v55 =	vld [tilespmem:s25+$0x5C0];
	vm8 =	veq.s32 v3, $0x0;
	v2 =	vmul.f32 v52, v2;
	v4 =	vadd.f32 $1.000000000e+00, v4  }
0x104: {  	vm1 =	vmand vm0, vm1;
	v59 =	vmul.f32 v51, v12;
	v58 =	vsel vm8, $0x3F800000, v10  }
0x105: {  	v1 =	vnsel vm1, $0x0, v63;
	v2 =	vmul.f32 v2, v58;
	v4 =	vmul.f32 v4, v58  }
0x106: {  	v61 =	vadd.f32 v60, v15;
	v0 =	vsel vm0, v1, v62  }
0x107: {  	v1 =	vadd.f32 v59, v14;
	v4 =	vmul.f32 v4, v0;
	v0 =	vmul.f32 v2, v0  }
0x108: {  	vm9 =	vlt.f32 v55, v11  }
0x109: {  	v42 =	vsel vm9, v4, v1;
	v55 =	vsel vm9, v0, v61;
	v0 =	vld [tilespmem:s24+$0xFFFFFFD0]  }
0x10a: {  	v1 =	vld [tilespmem:s24+$0x50];
	v36 =	vmul.f32 v42, v42;
	v35 =	vmul.f32 v55, v55;
	_ =	sdelay $0x1  }
0x10b: {  	v62 =	vadd.f32 v36, v35;
	_ =	sdelay $0x1  }
0x10c: {  	vm10 =	vge.f32 v62, $1.000000000e+00;
	v63 =	vand.u32 $0x7FFFFFFF, v0  }
0x10d: {  	v20 =	vand.u32 $0x7FFFFFFF, v1;
	vm12 =	vne.f32 v0, $0.0e+00;
	v2 =	vsel vm10, v29, v16  }
0x10e: {  	vm13 =	vne.f32 v1, $0.0e+00;
	vm11 =	vgt.f32 v63, v20;
	v2 =	vmul.f32 $1.442695020e+00, v2  }
0x10f: {  	v23 =	vnsel vm12, $0x3F800000, v0;
	v32 =	vnsel vm13, $0x3F800000, v1;
	vm0 =	vmneg vm11  }
0x110: {  	v37 =	vsel vm0, v32, v23;
	(erf) = vpow2.f32 v2  }
0x111: {  	(erf) = vrcp.f32 v37;
	_ =	sdelay $0x6  }
0x112: {  	v38 =	vsel vm0, v0, v1  }
0x113: {  	v2 =	vmul.f32 $1.256637100e+01, v38;
	v47 =	vpop (erf)  }
0x114: {  	v40 =	vpop (erf)  }
0x115: {  	v2 =	vmul.f32 v40, v2;
	_ =	sdelay $0x1  }
0x116: {  	v3 =	vsub.f32 $6.283185480e+00, v2;
	_ =	sdelay $0x1  }
0x117: {  	v2 =	vsel vm0, v3, v2  }
0x118: {  	v3 =	vmul.f32 $3.183098730e-01, v2;
	_ =	sdelay $0x1  }
0x119: {  	v3 =	vadd.f32 $5.000000000e-01, v3;
	_ =	sdelay $0x1  }
0x11a: {  	v41 =	vtrunc.f32 v3  }
0x11b: {  	v48 =	vcvt.f32.s32 v41;
	vm14 =	vlt.f32 v3, v41  }
0x11c: {  	v3 =	vsel vm14, $0xFFFFFFFF, v9  }
0x11d: {  	v3 =	vadd.s32 v48, v3  }
0x11e: {  	v49 =	vcvt.s32.f32 v3;
	_ =	sdelay $0x1  }
0x11f: {  	v50 =	vmul.f32 $3.141592740e+00, v49;
	_ =	sdelay $0x1  }
0x120: {  	v4 =	vmul.f32 $8.742277650e-08, v49;
	v2 =	vsub.f32 v2, v50;
	_ =	sdelay $0x1  }
0x121: {  	v2 =	vadd.f32 v4, v2;
	_ =	sdelay $0x1  }
0x122: {  	v4 =	vmul.f32 v2, v2;
	_ =	sdelay $0x1  }
0x123: {  	v51 =	vmul.f32 $2.087675590e-09, v4;
	_ =	sdelay $0x1  }
0x124: {  	v52 =	vmul.f32 $2.505210790e-08, v4;
	v5 =	vadd.f32 $-2.755732000e-07, v51;
	_ =	sdelay $0x1  }
0x125: {  	v6 =	vsub.f32 $2.755731880e-06, v52;
	v5 =	vmul.f32 v5, v4;
	_ =	sdelay $0x1  }
0x126: {  	v6 =	vmul.f32 v6, v4;
	v5 =	vadd.f32 $2.480158760e-05, v5;
	_ =	sdelay $0x1  }
0x127: {  	v6 =	vadd.f32 $-1.984127010e-04, v6;
	v5 =	vmul.f32 v5, v4;
	_ =	sdelay $0x1  }
0x128: {  	v6 =	vmul.f32 v6, v4;
	v5 =	vadd.f32 $-1.388888920e-03, v5;
	_ =	sdelay $0x1  }
0x129: {  	v6 =	vadd.f32 $8.333333770e-03, v6;
	v5 =	vmul.f32 v5, v4;
	_ =	sdelay $0x1  }
0x12a: {  	v6 =	vmul.f32 v6, v4;
	v5 =	vadd.f32 $4.166666790e-02, v5;
	_ =	sdelay $0x1  }
0x12b: {  	v58 =	vld [tilespmem:s23+$0xFFFFFFD0];
	v6 =	vadd.f32 $-1.666666720e-01, v6;
	v5 =	vmul.f32 v5, v4;
	_ =	sdelay $0x1  }
0x12c: {  	v8 =	vld [tilespmem:s23+$0x50];
	v6 =	vmul.f32 v6, v4;
	v5 =	vadd.f32 $-5.000000000e-01, v5;
	_ =	sdelay $0x1  }
0x12d: {  	v59 =	vadd.f32 $1.000000000e+00, v6;
	v4 =	vmul.f32 v5, v4  }
0x12e: {  	v62 =	vmul.f32 v58, v12;
	vm1 =	vmor vm12, vm13;
	v3 =	vand.u32 $0x1, v3  }
0x12f: {  	v60 =	vld [tilespmem:s25+$0x5D0];
	vm15 =	veq.s32 v3, $0x0;
	v2 =	vmul.f32 v59, v2;
	v4 =	vadd.f32 $1.000000000e+00, v4  }
0x130: {  	v63 =	vmul.f32 v8, v13;
	vm1 =	vmand vm0, vm1;
	v61 =	vsel vm15, $0x3F800000, v10  }
0x131: {  	v1 =	vnsel vm1, $0x0, v1;
	v2 =	vmul.f32 v2, v61;
	v4 =	vmul.f32 v4, v61  }
0x132: {  	v0 =	vsel vm0, v1, v0;
	v1 =	vadd.f32 v62, v14  }
0x133: {  	v6 =	vadd.f32 v63, v15;
	v4 =	vmul.f32 v4, v0;
	v0 =	vmul.f32 v2, v0  }
0x134: {  	vm4 =	vlt.f32 v60, v11  }
0x135: {  	v27 =	vsel vm4, v4, v1;
	v40 =	vsel vm4, v0, v6;
	v0 =	vld [tilespmem:s24+$0xFFFFFFE0]  }
0x136: {  	v1 =	vld [tilespmem:s24+$0x60];
	v49 =	vmul.f32 v27, v27;
	v62 =	vmul.f32 v40, v40;
	_ =	sdelay $0x1  }
0x137: {  	v7 =	vadd.f32 v49, v62;
	_ =	sdelay $0x1  }
0x138: {  	vm5 =	vge.f32 v7, $1.000000000e+00;
	v20 =	vand.u32 $0x7FFFFFFF, v0  }
0x139: {  	v23 =	vand.u32 $0x7FFFFFFF, v1;
	vm7 =	vne.f32 v0, $0.0e+00;
	v2 =	vsel vm5, v29, v16  }
0x13a: {  	vm8 =	vne.f32 v1, $0.0e+00;
	vm6 =	vgt.f32 v20, v23;
	v2 =	vmul.f32 $1.442695020e+00, v2  }
0x13b: {  	v32 =	vnsel vm7, $0x3F800000, v0;
	v37 =	vnsel vm8, $0x3F800000, v1;
	vm0 =	vmneg vm6  }
0x13c: {  	v38 =	vsel vm0, v37, v32;
	(erf) = vpow2.f32 v2  }
0x13d: {  	(erf) = vrcp.f32 v38;
	_ =	sdelay $0x6  }
0x13e: {  	v41 =	vsel vm0, v0, v1  }
0x13f: {  	v2 =	vmul.f32 $1.256637100e+01, v41;
	v48 =	vpop (erf)  }
0x140: {  	v51 =	vpop (erf)  }
0x141: {  	v2 =	vmul.f32 v51, v2;
	_ =	sdelay $0x1  }
0x142: {  	v3 =	vsub.f32 $6.283185480e+00, v2;
	_ =	sdelay $0x1  }
0x143: {  	v2 =	vsel vm0, v3, v2  }
0x144: {  	v3 =	vmul.f32 $3.183098730e-01, v2;
	_ =	sdelay $0x1  }
0x145: {  	v3 =	vadd.f32 $5.000000000e-01, v3;
	_ =	sdelay $0x1  }
0x146: {  	v52 =	vtrunc.f32 v3  }
0x147: {  	v58 =	vcvt.f32.s32 v52;
	vm9 =	vlt.f32 v3, v52  }
0x148: {  	v3 =	vsel vm9, $0xFFFFFFFF, v9  }
0x149: {  	v3 =	vadd.s32 v58, v3  }
0x14a: {  	v59 =	vcvt.s32.f32 v3;
	_ =	sdelay $0x1  }
0x14b: {  	v60 =	vmul.f32 $3.141592740e+00, v59;
	_ =	sdelay $0x1  }
0x14c: {  	v4 =	vmul.f32 $8.742277650e-08, v59;
	v2 =	vsub.f32 v2, v60;
	_ =	sdelay $0x1  }
0x14d: {  	v2 =	vadd.f32 v4, v2;
	_ =	sdelay $0x1  }
0x14e: {  	v4 =	vmul.f32 v2, v2;
	_ =	sdelay $0x1  }
0x14f: {  	v61 =	vmul.f32 $2.087675590e-09, v4;
	_ =	sdelay $0x1  }
0x150: {  	v63 =	vmul.f32 $2.505210790e-08, v4;
	v5 =	vadd.f32 $-2.755732000e-07, v61;
	_ =	sdelay $0x1  }
0x151: {  	v6 =	vsub.f32 $2.755731880e-06, v63;
	v5 =	vmul.f32 v5, v4;
	_ =	sdelay $0x1  }
0x152: {  	v6 =	vmul.f32 v6, v4;
	v5 =	vadd.f32 $2.480158760e-05, v5;
	_ =	sdelay $0x1  }
0x153: {  	v6 =	vadd.f32 $-1.984127010e-04, v6;
	v5 =	vmul.f32 v5, v4;
	_ =	sdelay $0x1  }
0x154: {  	v6 =	vmul.f32 v6, v4;
	v5 =	vadd.f32 $-1.388888920e-03, v5;
	_ =	sdelay $0x1  }
0x155: {  	v6 =	vadd.f32 $8.333333770e-03, v6;
	v5 =	vmul.f32 v5, v4;
	_ =	sdelay $0x1  }
0x156: {  	v6 =	vmul.f32 v6, v4;
	v5 =	vadd.f32 $4.166666790e-02, v5;
	_ =	sdelay $0x1  }
0x157: {  	v6 =	vadd.f32 $-1.666666720e-01, v6;
	v5 =	vmul.f32 v5, v4  }
0x158: {  	v8 =	vld [tilespmem:s23+$0x60]  }
0x159: {  	v20 =	vld [tilespmem:s23+$0xFFFFFFE0];
	v6 =	vmul.f32 v6, v4;
	v5 =	vadd.f32 $-5.000000000e-01, v5;
	_ =	sdelay $0x1  }
0x15a: {  	vm1 =	vmor vm7, vm8;
	v23 =	vadd.f32 $1.000000000e+00, v6;
	v4 =	vmul.f32 v5, v4  }
0x15b: {  	vm1 =	vmand vm0, vm1;
	v3 =	vand.u32 $0x1, v3  }
0x15c: {  	v32 =	vld [tilespmem:s25+$0x5E0];
	vm10 =	veq.s32 v3, $0x0;
	v2 =	vmul.f32 v23, v2;
	v4 =	vadd.f32 $1.000000000e+00, v4  }
0x15d: {  	v41 =	vmul.f32 v8, v13;
	v38 =	vmul.f32 v20, v12;
	v37 =	vsel vm10, $0x3F800000, v10  }
0x15e: {  	v1 =	vnsel vm1, $0x0, v1;
	v2 =	vmul.f32 v2, v37;
	v4 =	vmul.f32 v4, v37  }
0x15f: {  	v0 =	vsel vm0, v1, v0;
	v50 =	vadd.f32 v41, v15  }
0x160: {  	v1 =	vadd.f32 v38, v14;
	v4 =	vmul.f32 v4, v0;
	v0 =	vmul.f32 v2, v0  }
0x161: {  	vm11 =	vlt.f32 v32, v11  }
0x162: {  	v61 =	vsel vm11, v4, v1;
	v20 =	vsel vm11, v0, v50;
	v0 =	vld [tilespmem:s24+$0xFFFFFFF0]  }
0x163: {  	v1 =	vld [tilespmem:s24+$0x70];
	v63 =	vmul.f32 v61, v61;
	v32 =	vmul.f32 v20, v20;
	_ =	sdelay $0x1  }
0x164: {  	v51 =	vadd.f32 v63, v32;
	_ =	sdelay $0x1  }
0x165: {  	vm12 =	vge.f32 v51, $1.000000000e+00;
	v52 =	vand.u32 $0x7FFFFFFF, v0  }
0x166: {  	v58 =	vand.u32 $0x7FFFFFFF, v1;
	vm14 =	vne.f32 v0, $0.0e+00;
	v2 =	vsel vm12, v29, v16  }
0x167: {  	vm15 =	vne.f32 v1, $0.0e+00;
	vm13 =	vgt.f32 v52, v58;
	v2 =	vmul.f32 $1.442695020e+00, v2  }
0x168: {  	v59 =	vnsel vm14, $0x3F800000, v0;
	v60 =	vnsel vm15, $0x3F800000, v1;
	vm0 =	vmneg vm13  }
0x169: {  	v5 =	vsel vm0, v60, v59;
	(erf) = vpow2.f32 v2  }
0x16a: {  	(erf) = vrcp.f32 v5;
	_ =	sdelay $0x6  }
0x16b: {  	v6 =	vsel vm0, v0, v1  }
0x16c: {  	v2 =	vmul.f32 $1.256637100e+01, v6;
	v7 =	vpop (erf)  }
0x16d: {  	v23 =	vpop (erf)  }
0x16e: {  	v2 =	vmul.f32 v23, v2;
	_ =	sdelay $0x1  }
0x16f: {  	v3 =	vsub.f32 $6.283185480e+00, v2;
	_ =	sdelay $0x1  }
0x170: {  	v2 =	vsel vm0, v3, v2  }
0x171: {  	v3 =	vmul.f32 $3.183098730e-01, v2;
	_ =	sdelay $0x1  }
0x172: {  	v3 =	vadd.f32 $5.000000000e-01, v3;
	_ =	sdelay $0x1  }
0x173: {  	v37 =	vtrunc.f32 v3  }
0x174: {  	v38 =	vcvt.f32.s32 v37;
	vm6 =	vlt.f32 v3, v37  }
0x175: {  	v3 =	vsel vm6, $0xFFFFFFFF, v9  }
0x176: {  	v3 =	vadd.s32 v38, v3  }
0x177: {  	v41 =	vcvt.s32.f32 v3;
	_ =	sdelay $0x1  }
0x178: {  	v50 =	vmul.f32 $3.141592740e+00, v41;
	_ =	sdelay $0x1  }
0x179: {  	v4 =	vmul.f32 $8.742277650e-08, v41;
	v2 =	vsub.f32 v2, v50;
	_ =	sdelay $0x1  }
0x17a: {  	v2 =	vadd.f32 v4, v2;
	_ =	sdelay $0x1  }
0x17b: {  	v4 =	vmul.f32 v2, v2;
	_ =	sdelay $0x1  }
0x17c: {  	v51 =	vmul.f32 $2.087675590e-09, v4;
	_ =	sdelay $0x1  }
0x17d: {  	v52 =	vmul.f32 $2.505210790e-08, v4;
	v5 =	vadd.f32 $-2.755732000e-07, v51;
	_ =	sdelay $0x1  }
0x17e: {  	v6 =	vsub.f32 $2.755731880e-06, v52;
	v5 =	vmul.f32 v5, v4;
	_ =	sdelay $0x1  }
0x17f: {  	v6 =	vmul.f32 v6, v4;
	v5 =	vadd.f32 $2.480158760e-05, v5;
	_ =	sdelay $0x1  }
0x180: {  	v6 =	vadd.f32 $-1.984127010e-04, v6;
	v5 =	vmul.f32 v5, v4;
	_ =	sdelay $0x1  }
0x181: {  	v6 =	vmul.f32 v6, v4;
	v5 =	vadd.f32 $-1.388888920e-03, v5;
	_ =	sdelay $0x1  }
0x182: {  	v6 =	vadd.f32 $8.333333770e-03, v6;
	v5 =	vmul.f32 v5, v4;
	_ =	sdelay $0x1  }
0x183: {  	v6 =	vmul.f32 v6, v4;
	v5 =	vadd.f32 $4.166666790e-02, v5;
	_ =	sdelay $0x1  }
0x184: {  	v6 =	vadd.f32 $-1.666666720e-01, v6;
	v5 =	vmul.f32 v5, v4;
	_ =	sdelay $0x1  }
0x185: {  	v58 =	vld [tilespmem:s23+$0xFFFFFFF0];
	v6 =	vmul.f32 v6, v4;
	v5 =	vadd.f32 $-5.000000000e-01, v5;
	_ =	sdelay $0x1  }
0x186: {  	v8 =	vld [tilespmem:s23+$0x70];
	v59 =	vadd.f32 $1.000000000e+00, v6;
	v4 =	vmul.f32 v5, v4  }
0x187: {  	vm1 =	vmor vm14, vm15;
	v3 =	vand.u32 $0x1, v3  }
0x188: {  	v60 =	vld [tilespmem:s25+$0x5F0];
	vm7 =	veq.s32 v3, $0x0;
	v2 =	vmul.f32 v59, v2;
	v4 =	vadd.f32 $1.000000000e+00, v4  }
0x189: {  	vm1 =	vmand vm0, vm1;
	v23 =	vmul.f32 v58, v12;
	v3 =	vsel vm7, $0x3F800000, v10  }
0x18a: {  	v1 =	vnsel vm1, $0x0, v1;
	v37 =	vmul.f32 v2, v3;
	v2 =	vld [tilespmem:$0x280];
	v4 =	vmul.f32 v4, v3  }
0x18b: {  	v0 =	vsel vm0, v1, v0;
	v38 =	vmul.f32 v8, v13;
	v3 =	vld [tilespmem:$0x180]  }
0x18c: {  	v5 =	vadd.f32 v23, v14;
	v4 =	vmul.f32 v4, v0  }
0x18d: {  	vm8 =	vlt.f32 v60, v11;
	[tilespmem:$0x1FB60] =	vst v7;
	v7 =	vld [tilespmem:$0x80];
	v41 =	vadd.f32 v38, v15;
	v0 =	vmul.f32 v37, v0  }
0x18e: {  	v37 =	vsel vm8, v4, v5  }
0x18f: {  	v52 =	vmul.f32 v2, v24;
	v13 =	vsel vm8, v0, v41;
	v0 =	vld [tilespmem:$0x380];
	v31 =	vmul.f32 v37, v37  }
0x190: {  	v5 =	vld [tilespmem:$0x480];
	v38 =	vmul.f32 v13, v13;
	v50 =	vmul.f32 v3, v19  }
0x191: {  	v8 =	vmul.f32 v22, v3;
	v60 =	vmul.f32 v54, v3  }
0x192: {  	v10 =	vmul.f32 v34, v2;
	v51 =	vadd.f32 v31, v38;
	v1 =	vadd.f32 v50, v7  }
0x193: {  	v41 =	vmul.f32 v56, v2;
	v8 =	vadd.f32 v8, v7;
	v4 =	vadd.f32 v60, v7  }
0x194: {  	v50 =	vmul.f32 v53, v2;
	vm9 =	vge.f32 v51, $1.000000000e+00;
	v1 =	vadd.f32 v52, v1  }
0x195: {  	v58 =	vmul.f32 v0, v21;
	v9 =	vmul.f32 v5, v25;
	v59 =	vsel vm9, v29, v16  }
0x196: {  	v23 =	vadd.f32 v8, v10;
	v10 =	vmul.f32 v57, v3;
	v6 =	vmul.f32 $1.442695020e+00, v59  }
0x197: {  	v8 =	vmul.f32 v26, v0;
	v4 =	vadd.f32 v4, v50;
	v1 =	vsub.f32 v1, v58  }
0x198: {  	v10 =	vadd.f32 v10, v7;
	v58 =	vmul.f32 v55, v2;
	(erf) = vpow2.f32 v6  }
0x199: {  	v1 =	vsub.f32 v1, v9;
	v9 =	vmul.f32 v30, v0;
	v6 =	vsub.f32 v23, v8  }
0x19a: {  	v8 =	vmul.f32 v5, v39;
	v52 =	vadd.f32 v10, v41;
	v10 =	vmul.f32 v17, v5  }
0x19b: {  	v1 =	vmul.f32 $1.442695020e+00, v1;
	v4 =	vsub.f32 v4, v9;
	v9 =	vmul.f32 v33, v5  }
0x19c: {  	v41 =	vmul.f32 v62, v5;
	v51 =	vsub.f32 v6, v8;
	v8 =	vmul.f32 v28, v0  }
0x19d: {  	(erf) = vpow2.f32 v1;
	v4 =	vsub.f32 v4, v9;
	v9 =	vmul.f32 v42, v3  }
0x19e: {  	v1 =	vmul.f32 $1.442695020e+00, v51;
	v6 =	vsub.f32 v52, v8;
	v8 =	vmul.f32 v27, v3  }
0x19f: {  	v51 =	vmul.f32 v20, v2;
	v4 =	vmul.f32 $1.442695020e+00, v4;
	v9 =	vadd.f32 v9, v7  }
0x1a0: {  	(erf) = vpow2.f32 v1;
	v59 =	vadd.f32 v8, v7;
	v8 =	vmul.f32 v40, v2  }
0x1a1: {  	v60 =	vsub.f32 v6, v10;
	v10 =	vmul.f32 v61, v3;
	v3 =	vmul.f32 v37, v3  }
0x1a2: {  	v2 =	vmul.f32 v13, v2;
	v23 =	vadd.f32 v9, v58;
	v9 =	vmul.f32 v36, v0  }
0x1a3: {  	v50 =	vld [tilespmem:$0x390];
	(erf) = vpow2.f32 v4;
	v1 =	vadd.f32 v59, v8;
	v8 =	vmul.f32 v49, v0  }
0x1a4: {  	v4 =	vmul.f32 $1.442695020e+00, v60;
	v6 =	vsub.f32 v23, v9;
	v9 =	vmul.f32 v35, v5  }
0x1a5: {  	v10 =	vadd.f32 v10, v7;
	v59 =	vmul.f32 v32, v5;
	v1 =	vsub.f32 v1, v8  }
0x1a6: {  	v3 =	vadd.f32 v3, v7;
	v8 =	vld [tilespmem:$0x190];
	(erf) = vpow2.f32 v4;
	v58 =	vsub.f32 v6, v9  }
0x1a7: {  	v52 =	vld [tilespmem:$0x90];
	v1 =	vsub.f32 v1, v41;
	v9 =	vadd.f32 v10, v51;
	v10 =	vmul.f32 v63, v0  }
0x1a8: {  	v2 =	vadd.f32 v3, v2;
	v6 =	vld [tilespmem:$0x290];
	v0 =	vmul.f32 v31, v0;
	v51 =	vmul.f32 v50, v21  }
0x1a9: {  	v4 =	vmul.f32 $1.442695020e+00, v58;
	v1 =	vmul.f32 $1.442695020e+00, v1  }
0x1aa: {  	v9 =	vsub.f32 v9, v10;
	v0 =	vsub.f32 v2, v0;
	v58 =	vmul.f32 v38, v5  }
0x1ab: {  	v10 =	vmul.f32 v8, v19;
	(erf) = vpow2.f32 v4  }
0x1ac: {  	v4 =	vld [tilespmem:$0x490];
	v23 =	vsub.f32 v9, v59;
	v9 =	vmul.f32 v8, v22;
	v0 =	vsub.f32 v0, v58  }
0x1ad: {  	v60 =	vadd.f32 v10, v52;
	v10 =	vmul.f32 v6, v24;
	(erf) = vpow2.f32 v1  }
0x1ae: {  	v1 =	vmul.f32 $1.442695020e+00, v23;
	v0 =	vmul.f32 $1.442695020e+00, v0  }
0x1af: {  	v41 =	vadd.f32 v10, v60;
	v60 =	vadd.f32 v9, v52;
	v9 =	vmul.f32 v6, v34  }
0x1b0: {  	v10 =	vmul.f32 v40, v6;
	(erf) = vpow2.f32 v1  }
0x1b1: {  	v3 =	vsub.f32 v41, v51;
	v59 =	vmul.f32 v4, v25;
	v41 =	vmul.f32 v50, v26  }
0x1b2: {  	v12 =	vmov v54;
	v51 =	vmul.f32 v54, v8;
	v54 =	vmul.f32 v57, v8  }
0x1b3: {  	v23 =	vadd.f32 v9, v60;
	v58 =	vmul.f32 v4, v39;
	v9 =	vmul.f32 v53, v6  }
0x1b4: {  	v11 =	vmovc v53;
	v14 =	vmov v32;
	(erf) = vpow2.f32 v0;
	v60 =	vmul.f32 v56, v6  }
0x1b5: {  	v32 =	vmovc v21;
	v53 =	vmul.f32 v42, v8;
	v21 =	vsub.f32 v3, v59;
	v2 =	vsub.f32 v23, v41  }
0x1b6: {  	v5 =	vadd.f32 v51, v52;
	v41 =	vmul.f32 v30, v50;
	v51 =	vmul.f32 v28, v50  }
0x1b7: {  	v59 =	vadd.f32 v54, v52;
	v54 =	vmul.f32 v4, v33;
	v1 =	vmul.f32 $1.442695020e+00, v21  }
0x1b8: {  	v15 =	vmovc v13;
	v21 =	vsub.f32 v2, v58;
	v23 =	vadd.f32 v5, v9;
	v58 =	vmul.f32 v17, v4  }
0x1b9: {  	v13 =	vmovc v55;
	v0 =	vadd.f32 v59, v60;
	v9 =	vmul.f32 v55, v6;
	v55 =	vmul.f32 v20, v6  }
0x1ba: {  	v7 =	vadd.f32 v53, v52;
	v6 =	vmul.f32 v15, v6;
	(erf) = vpow2.f32 v1  }
0x1bb: {  	v1 =	vmul.f32 $1.442695020e+00, v21;
	v2 =	vsub.f32 v23, v41;
	v0 =	vsub.f32 v0, v51  }
0x1bc: {  	v60 =	vadd.f32 v7, v9;
	v21 =	vmul.f32 v36, v50;
	v23 =	vmul.f32 v27, v8  }
0x1bd: {  	v51 =	vmul.f32 v61, v8;
	v9 =	vmul.f32 v35, v4;
	v59 =	vsub.f32 v2, v54  }
0x1be: {  	v8 =	vmul.f32 v37, v8;
	v0 =	vsub.f32 v0, v58;
	v2 =	vsub.f32 v60, v21  }
0x1bf: {  	v53 =	vpop (erf);
	(erf) = vpow2.f32 v1;
	v5 =	vadd.f32 v23, v52;
	v54 =	vadd.f32 v51, v52  }
0x1c0: {  	[tilespmem:$0x1FB70] =	vst v53;
	v58 =	vmul.f32 v49, v50;
	v60 =	vmul.f32 v62, v4;
	v8 =	vadd.f32 v8, v52  }
0x1c1: {  	v1 =	vmul.f32 $1.442695020e+00, v59;
	v2 =	vsub.f32 v2, v9;
	v5 =	vadd.f32 v5, v10;
	v10 =	vpop (erf)  }
0x1c2: {  	v52 =	vld [tilespmem:$0x2A0];
	v41 =	vmul.f32 $1.442695020e+00, v0;
	v59 =	vmul.f32 v63, v50;
	v10 =	vadd.f32 v10, v43  }
0x1c3: {  	v9 =	vld [tilespmem:$0x1A0];
	(erf) = vpow2.f32 v1;
	v1 =	vadd.f32 v54, v55;
	v2 =	vmul.f32 $1.442695020e+00, v2  }
0x1c4: {  	v3 =	vld [tilespmem:$0xA0];
	v5 =	vsub.f32 v5, v58;
	v55 =	vmul.f32 v31, v50;
	(erf) = vpow2.f32 v41  }
0x1c5: {  	v7 =	vld [tilespmem:$0x3A0];
	v54 =	vadd.f32 v8, v6;
	v41 =	vmul.f32 v14, v4;
	v4 =	vmul.f32 v38, v4  }
0x1c6: {  	v1 =	vsub.f32 v1, v59;
	(erf) = vpow2.f32 v2;
	v53 =	vsub.f32 v5, v60  }
0x1c7: {  	v50 =	vpop (erf);
	v5 =	vsub.f32 v54, v55;
	v59 =	vmul.f32 v52, v24;
	v23 =	vmul.f32 v52, v34  }
0x1c8: {  	v51 =	vld [tilespmem:$0x4A0];
	v44 =	vadd.f32 v50, v44;
	v8 =	vmul.f32 v9, v19;
	v58 =	vmul.f32 v9, v22  }
0x1c9: {  	[tilespmem:$0x1FCA0] =	vst v38;
	v0 =	vmovc v38;
	v1 =	vsub.f32 v1, v41;
	v2 =	vmul.f32 $1.442695020e+00, v53;
	v38 =	vsub.f32 v5, v4  }
0x1ca: {  	v54 =	vpop (erf);
	v8 =	vadd.f32 v8, v3;
	v60 =	vadd.f32 v58, v3;
	v58 =	vmul.f32 v7, v32  }
0x1cb: {  	v45 =	vadd.f32 v54, v45;
	v1 =	vmul.f32 $1.442695020e+00, v1;
	(erf) = vpow2.f32 v2  }
0x1cc: {  	v55 =	vadd.f32 v59, v8;
	v59 =	vmul.f32 v7, v26;
	v8 =	vmul.f32 v9, v12  }
0x1cd: {  	v6 =	vpop (erf);
	v2 =	vadd.f32 v23, v60;
	v60 =	vmul.f32 v51, v25;
	v23 =	vmul.f32 v51, v39  }
0x1ce: {  	v41 =	vmovc v34;
	v6 =	vadd.f32 v6, v46;
	(erf) = vpow2.f32 v1;
	v1 =	vmul.f32 $1.442695020e+00, v38  }
0x1cf: {  	v34 =	vmovc v11;
	v38 =	vmul.f32 v52, v11;
	v4 =	vsub.f32 v55, v58;
	v2 =	vsub.f32 v2, v59  }
0x1d0: {  	v11 =	vmovc v56;
	v56 =	vmul.f32 v56, v52;
	v8 =	vadd.f32 v8, v3;
	v55 =	vmul.f32 v51, v33  }
0x1d1: {  	(erf) = vpow2.f32 v1;
	v58 =	vsub.f32 v4, v60;
	v2 =	vsub.f32 v2, v23  }
0x1d2: {  	v53 =	vpop (erf);
	v59 =	vadd.f32 v38, v8;
	v60 =	vmul.f32 v7, v30;
	v8 =	vmul.f32 v57, v9  }
0x1d3: {  	v47 =	vadd.f32 v53, v47;
	v23 =	vmul.f32 v42, v9;
	v1 =	vmul.f32 $1.442695020e+00, v58  }
0x1d4: {  	v18 =	vmovc v37;
	v37 =	vmovc v14;
	v2 =	vmul.f32 $1.442695020e+00, v2;
	v4 =	vsub.f32 v59, v60;
	v8 =	vadd.f32 v8, v3  }
0x1d5: {  	[tilespmem:$0x1FB80] =	vst v31;
	v14 =	vmovc v31;
	v60 =	vadd.f32 v23, v3;
	v23 =	vmul.f32 v13, v52;
	(erf) = vpow2.f32 v1  }
0x1d6: {  	v31 =	vmovc v12;
	v58 =	vsub.f32 v4, v55;
	v59 =	vadd.f32 v8, v56;
	v8 =	vmul.f32 v28, v7  }
0x1d7: {  	v12 =	vmovc v57;
	v1 =	vadd.f32 v60, v23;
	v60 =	vmul.f32 v36, v7;
	v23 =	vmul.f32 v27, v9  }
0x1d8: {  	v57 =	vpop (erf);
	(erf) = vpow2.f32 v2;
	v2 =	vmul.f32 $1.442695020e+00, v58;
	v4 =	vsub.f32 v59, v8  }
0x1d9: {  	v8 =	vmul.f32 v51, v17;
	v55 =	vadd.f32 v23, v3;
	v58 =	vmul.f32 v40, v52  }
0x1da: {  	v48 =	vadd.f32 v57, v48;
	v1 =	vsub.f32 v1, v60;
	v60 =	vmul.f32 v35, v51  }
0x1db: {  	v23 =	vsub.f32 v4, v8;
	v59 =	vadd.f32 v55, v58;
	v8 =	vmul.f32 v49, v7  }
0x1dc: {  	v5 =	vpop (erf);
	(erf) = vpow2.f32 v2;
	v1 =	vsub.f32 v1, v60;
	v60 =	vmul.f32 v61, v9  }
0x1dd: {  	v16 =	vmovc v13;
	v38 =	vmovc v30;
	v2 =	vmul.f32 $1.442695020e+00, v23;
	v4 =	vsub.f32 v59, v8;
	v8 =	vmul.f32 v18, v9  }
0x1de: {  	v56 =	vpop (erf);
	v58 =	vmul.f32 v62, v51;
	v1 =	vmul.f32 $1.442695020e+00, v1;
	v9 =	vld [tilespmem:$0x1B0];
	v55 =	vadd.f32 v60, v3  }
0x1df: {  	v13 =	vpop (erf);
	v59 =	vmul.f32 v20, v52;
	v60 =	vld [tilespmem:$0xB0];
	(erf) = vpow2.f32 v2;
	v2 =	vadd.f32 v8, v3  }
0x1e0: {  	v30 =	vpop (erf);
	v3 =	vmul.f32 v15, v52;
	v8 =	vld [tilespmem:$0x2B0];
	(erf) = vpow2.f32 v1;
	v1 =	vsub.f32 v4, v58  }
0x1e1: {  	v30 =	vadd.f32 v30, v44;
	v52 =	vmul.f32 v63, v7;
	v4 =	vadd.f32 v55, v59  }
0x1e2: {  	v58 =	vmul.f32 v14, v7;
	v7 =	vld [tilespmem:$0x3B0];
	v2 =	vadd.f32 v2, v3;
	v1 =	vmul.f32 $1.442695020e+00, v1  }
0x1e3: {  	v59 =	vmul.f32 v9, v19;
	v4 =	vsub.f32 v4, v52;
	v52 =	vmul.f32 v37, v51  }
0x1e4: {  	v55 =	vld [tilespmem:$0x4B0];
	v51 =	vmul.f32 v0, v51;
	v46 =	vmul.f32 v9, v12;
	v2 =	vsub.f32 v2, v58  }
0x1e5: {  	v43 =	vadd.f32 v59, v60;
	v58 =	vmul.f32 v8, v24;
	(erf) = vpow2.f32 v1  }
0x1e6: {  	v29 =	vmovc v19;
	v50 =	vsub.f32 v4, v52;
	v59 =	vmul.f32 v9, v22;
	v54 =	vmul.f32 v8, v41  }
0x1e7: {  	v19 =	vmovc v41;
	v41 =	vmul.f32 v8, v11;
	v52 =	vadd.f32 v58, v43;
	v58 =	vmul.f32 v7, v32  }
0x1e8: {  	v21 =	vmovc v15;
	v15 =	vmovc v22;
	v2 =	vsub.f32 v2, v51;
	v1 =	vmul.f32 $1.442695020e+00, v50;
	v50 =	vadd.f32 v59, v60  }
0x1e9: {  	v22 =	vmul.f32 v55, v25;
	v43 =	vmul.f32 v9, v31;
	v51 =	vpop (erf);
	v4 =	vsub.f32 v52, v58  }
0x1ea: {  	v3 =	vmovc v31;
	v59 =	vmul.f32 v8, v34;
	v31 =	vmovc v34;
	v2 =	vmul.f32 $1.442695020e+00, v2;
	v34 =	vadd.f32 v54, v50  }
0x1eb: {  	v58 =	vpop (erf);
	(erf) = vpow2.f32 v1;
	v1 =	vadd.f32 v43, v60;
	v22 =	vsub.f32 v4, v22  }
0x1ec: {  	v46 =	vadd.f32 v46, v60;
	v52 =	vmul.f32 v7, v26;
	v54 =	vmul.f32 v7, v38  }
0x1ed: {  	[tilespmem:$0x1FB90] =	vst v27;
	(erf) = vpow2.f32 v2;
	v1 =	vadd.f32 v59, v1;
	v2 =	vmul.f32 $1.442695020e+00, v22  }
0x1ee: {  	v4 =	vsub.f32 v34, v52;
	v59 =	vmul.f32 v55, v39;
	v22 =	vmul.f32 v55, v33;
	v34 =	vmovc v33  }
0x1ef: {  	v33 =	vmul.f32 v27, v9;
	v27 =	vmovc v61;
	v61 =	vmul.f32 v61, v9;
	v1 =	vsub.f32 v1, v54  }
0x1f0: {  	v53 =	vsub.f32 v4, v59;
	v54 =	vadd.f32 v41, v46;
	v59 =	vmul.f32 v7, v28  }
0x1f1: {  	v43 =	vpop (erf);
	(erf) = vpow2.f32 v2;
	v1 =	vsub.f32 v1, v22;
	v22 =	vmul.f32 v42, v9  }
0x1f2: {  	v14 =	vld [tilespmem:$0x1FB60];
	v41 =	vmul.f32 v55, v17;
	v2 =	vmul.f32 $1.442695020e+00, v53;
	v4 =	vsub.f32 v54, v59  }
0x1f3: {  	v54 =	vmul.f32 v16, v8;
	v1 =	vmul.f32 $1.442695020e+00, v1;
	v50 =	vadd.f32 v22, v60  }
0x1f4: {  	v22 =	vadd.f32 v33, v60;
	v33 =	vmul.f32 v40, v8;
	v41 =	vsub.f32 v4, v41  }
0x1f5: {  	v45 =	vadd.f32 v45, v51;
	v52 =	vpop (erf);
	v59 =	vmul.f32 v49, v7;
	(erf) = vpow2.f32 v2  }
0x1f6: {  	v57 =	vpop (erf);
	(erf) = vpow2.f32 v1;
	v2 =	vadd.f32 v22, v33;
	v1 =	vmul.f32 $1.442695020e+00, v41;
	v41 =	vld [tilespmem:$0x1FB70]  }
0x1f7: {  	v53 =	vadd.f32 v50, v54;
	v54 =	vmul.f32 v36, v7;
	v33 =	vadd.f32 v5, v14  }
0x1f8: {  	v22 =	vmovc v49;
	v2 =	vsub.f32 v2, v59;
	v49 =	vadd.f32 v61, v60;
	v59 =	vmul.f32 v20, v8  }
0x1f9: {  	[tilespmem:$0x1FBB0] =	vst v28;
	v46 =	vld [tilespmem:$0x1C0];
	v50 =	vmul.f32 v55, v35;
	v5 =	vadd.f32 v13, v10;
	v4 =	vsub.f32 v53, v54  }
0x1fa: {  	v14 =	vmovc v62;
	v54 =	vmul.f32 v62, v55;
	v62 =	vld [tilespmem:$0xC0];
	v61 =	vmul.f32 v63, v7;
	v49 =	vadd.f32 v49, v59  }
0x1fb: {  	v23 =	vmovc v18;
	v18 =	vmovc v28;
	v28 =	vmov v17;
	v17 =	vadd.f32 v56, v41;
	v56 =	vsub.f32 v4, v50;
	v4 =	vld [tilespmem:$0x2C0]  }
0x1fc: {  	v9 =	vmul.f32 v23, v9;
	v13 =	vld [tilespmem:$0x1FB80];
	[tilespmem:$0x1FBA0] =	vst v5;
	v5 =	vmul.f32 v37, v55;
	v49 =	vsub.f32 v49, v61  }
0x1fd: {  	v53 =	vpop (erf);
	(erf) = vpow2.f32 v1;
	v2 =	vsub.f32 v2, v54;
	v54 =	vld [tilespmem:$0x3C0];
	v1 =	vmul.f32 $1.442695020e+00, v56  }
0x1fe: {  	v0 =	vmovc v23;
	v43 =	vadd.f32 v47, v43;
	v23 =	vmul.f32 v46, v29;
	v59 =	vsub.f32 v49, v5;
	v5 =	vld [tilespmem:$0x1FCA0]  }
0x1ff: {  	v9 =	vadd.f32 v9, v60;
	v8 =	vmul.f32 v21, v8;
	v56 =	vpop (erf);
	(erf) = vpow2.f32 v1;
	v1 =	vld [tilespmem:$0x4C0]  }
0x200: {  	v2 =	vmul.f32 $1.442695020e+00, v2;
	v50 =	vadd.f32 v23, v62;
	v23 =	vmul.f32 v4, v24  }
0x201: {  	v48 =	vadd.f32 v48, v52;
	v8 =	vadd.f32 v9, v8;
	v41 =	vmovc v63;
	v7 =	vmul.f32 v13, v7  }
0x202: {  	[tilespmem:$0x1FC80] =	vst v63;
	v63 =	vmul.f32 v54, v32;
	v60 =	vpop (erf);
	(erf) = vpow2.f32 v2;
	v9 =	vadd.f32 v23, v50  }
0x203: {  	v7 =	vsub.f32 v8, v7;
	v2 =	vmul.f32 $1.442695020e+00, v59;
	v59 =	vmul.f32 v46, v15  }
0x204: {  	v8 =	vmul.f32 v5, v55;
	v9 =	vsub.f32 v9, v63;
	v61 =	vmul.f32 v1, v25  }
0x205: {  	v49 =	vpop (erf);
	v44 =	vadd.f32 v59, v62;
	(erf) = vpow2.f32 v2;
	v63 =	vmul.f32 v4, v19  }
0x206: {  	v55 =	vmul.f32 v54, v38;
	v59 =	vsub.f32 v7, v8;
	v51 =	vsub.f32 v9, v61  }
0x207: {  	v8 =	vadd.f32 v63, v44;
	v9 =	vmul.f32 v54, v26;
	v61 =	vmul.f32 v4, v31  }
0x208: {  	v63 =	vadd.f32 v6, v58;
	v2 =	vmul.f32 $1.442695020e+00, v59;
	v59 =	vmul.f32 v46, v3  }
0x209: {  	v50 =	vpop (erf);
	v7 =	vmul.f32 $1.442695020e+00, v51;
	v8 =	vsub.f32 v8, v9;
	v9 =	vmul.f32 v46, v12  }
0x20a: {  	[tilespmem:$0x1FBE0] =	vst v26;
	v23 =	vmovc v15;
	v51 =	vmul.f32 v1, v39;
	v44 =	vadd.f32 v59, v62;
	(erf) = vpow2.f32 v2  }
0x20b: {  	v15 =	vmovc v26;
	v59 =	vmul.f32 v46, v42;
	v26 =	vadd.f32 v9, v62;
	v9 =	vmul.f32 v4, v11  }
0x20c: {  	v51 =	vsub.f32 v8, v51;
	v8 =	vadd.f32 v61, v44;
	v61 =	vmul.f32 v1, v34  }
0x20d: {  	v10 =	vmovc v34;
	v34 =	vmul.f32 v4, v16;
	v2 =	vadd.f32 v9, v26;
	v9 =	vmul.f32 v54, v18  }
0x20e: {  	v18 =	vmovc v16;
	v16 =	vmov v36;
	v8 =	vsub.f32 v8, v55;
	v55 =	vmul.f32 v54, v36;
	v36 =	vld [tilespmem:$0x1FB90]  }
0x20f: {  	v58 =	vpop (erf);
	(erf) = vpow2.f32 v7;
	v47 =	vadd.f32 v59, v62;
	v7 =	vmul.f32 $1.442695020e+00, v51  }
0x210: {  	v6 =	vmovc v31;
	v26 =	vmul.f32 v1, v28;
	v2 =	vsub.f32 v2, v9;
	v52 =	vsub.f32 v8, v61  }
0x211: {  	v31 =	vmovc v35;
	v8 =	vadd.f32 v34, v47;
	v61 =	vmul.f32 v27, v46;
	v34 =	vmul.f32 v1, v35  }
0x212: {  	[tilespmem:$0x1FC00] =	vst v35;
	v35 =	vmul.f32 v40, v4;
	v9 =	vpop (erf);
	(erf) = vpow2.f32 v7;
	v2 =	vsub.f32 v2, v26  }
0x213: {  	v7 =	vmul.f32 $1.442695020e+00, v52;
	v8 =	vsub.f32 v8, v55;
	v59 =	vmul.f32 v36, v46  }
0x214: {  	v26 =	vadd.f32 v33, v57;
	v2 =	vmul.f32 $1.442695020e+00, v2;
	v46 =	vmul.f32 v0, v46  }
0x215: {  	v51 =	vpop (erf);
	(erf) = vpow2.f32 v7;
	v7 =	vadd.f32 v61, v62;
	v61 =	vsub.f32 v8, v34  }
0x216: {  	v52 =	vld [tilespmem:$0x1D0];
	v57 =	vpop (erf);
	v47 =	vadd.f32 v59, v62;
	v59 =	vmul.f32 v20, v4;
	(erf) = vpow2.f32 v2  }
0x217: {  	v33 =	vmovc v27;
	v27 =	vmovc v20;
	v55 =	vld [tilespmem:$0x4D0];
	v34 =	vmov v22;
	v20 =	vmul.f32 v22, v54;
	v22 =	vmul.f32 v41, v54  }
0x218: {  	v4 =	vmul.f32 v21, v4;
	v8 =	vadd.f32 v47, v35;
	v7 =	vadd.f32 v7, v59;
	v59 =	vld [tilespmem:$0x2D0]  }
0x219: {  	v46 =	vadd.f32 v46, v62;
	v2 =	vmul.f32 $1.442695020e+00, v61;
	v35 =	vmul.f32 v1, v14;
	v61 =	vmovc v14;
	v14 =	vld [tilespmem:$0x1FBA0]  }
0x21a: {  	v17 =	vadd.f32 v17, v53;
	v44 =	vld [tilespmem:$0xD0];
	v41 =	vmul.f32 v37, v1;
	v8 =	vsub.f32 v8, v20  }
0x21b: {  	v4 =	vadd.f32 v46, v4;
	v46 =	vld [tilespmem:$0x3D0];
	v1 =	vmul.f32 v5, v1;
	v7 =	vsub.f32 v7, v22  }
0x21c: {  	[tilespmem:$0x1FBF0] =	vst v39;
	v53 =	vpop (erf);
	v39 =	vmul.f32 v55, v39;
	(erf) = vpow2.f32 v2;
	v20 =	vsub.f32 v8, v35  }
0x21d: {  	v7 =	vsub.f32 v7, v41;
	v8 =	vmul.f32 v13, v54;
	v35 =	vmul.f32 v52, v29  }
0x21e: {  	[tilespmem:$0x1FBC0] =	vst v37;
	v37 =	vmul.f32 v59, v24;
	v22 =	vadd.f32 v56, v14;
	v2 =	vmul.f32 $1.442695020e+00, v20  }
0x21f: {  	v4 =	vsub.f32 v4, v8;
	v8 =	vmul.f32 v52, v23;
	v47 =	vadd.f32 v35, v44  }
0x220: {  	v14 =	vmovc v13;
	v13 =	vadd.f32 v60, v30;
	v7 =	vmul.f32 $1.442695020e+00, v7;
	v20 =	vmul.f32 v46, v32  }
0x221: {  	v54 =	vpop (erf);
	v41 =	vadd.f32 v8, v44;
	v8 =	vmul.f32 v59, v19;
	v56 =	vadd.f32 v37, v47  }
0x222: {  	v60 =	vpop (erf);
	(erf) = vpow2.f32 v2;
	v1 =	vsub.f32 v4, v1;
	v37 =	vmul.f32 v55, v25  }
0x223: {  	v2 =	vadd.f32 v8, v41;
	v8 =	vmul.f32 v46, v15;
	v4 =	vsub.f32 v56, v20  }
0x224: {  	v45 =	vadd.f32 v49, v45;
	v35 =	vmul.f32 v52, v3;
	(erf) = vpow2.f32 v7  }
0x225: {  	v1 =	vmul.f32 $1.442695020e+00, v1;
	v15 =	vmovc v3;
	v3 =	vadd.f32 v63, v50;
	v50 =	vsub.f32 v4, v37  }
0x226: {  	v47 =	vadd.f32 v35, v44;
	v41 =	vmul.f32 v59, v6;
	v37 =	vmul.f32 v52, v42  }
0x227: {  	v2 =	vsub.f32 v2, v8;
	v8 =	vpop (erf);
	(erf) = vpow2.f32 v1;
	v1 =	vmul.f32 $1.442695020e+00, v50  }
0x228: {  	v43 =	vadd.f32 v43, v58;
	v35 =	vmul.f32 v52, v12;
	v20 =	vmul.f32 v46, v38  }
0x229: {  	v63 =	vadd.f32 v41, v47;
	v49 =	vpop (erf);
	(erf) = vpow2.f32 v1;
	v1 =	vadd.f32 v37, v44;
	v37 =	vld [tilespmem:$0x1FBB0]  }
0x22a: {  	v47 =	vadd.f32 v35, v44;
	v2 =	vsub.f32 v2, v39  }
0x22b: {  	v4 =	vsub.f32 v63, v20;
	v41 =	vmovc v42;
	v39 =	vmul.f32 v55, v10;
	v42 =	vmul.f32 v59, v11  }
0x22c: {  	v9 =	vadd.f32 v48, v9;
	v20 =	vmul.f32 v59, v18;
	v2 =	vmul.f32 $1.442695020e+00, v2  }
0x22d: {  	v56 =	vmul.f32 v46, v16;
	v63 =	vsub.f32 v4, v39;
	v35 =	vadd.f32 v42, v47  }
0x22e: {  	v58 =	vpop (erf);
	(erf) = vpow2.f32 v2;
	v1 =	vadd.f32 v20, v1;
	v42 =	vmul.f32 v46, v37  }
0x22f: {  	v57 =	vadd.f32 v17, v57;
	v2 =	vmul.f32 $1.442695020e+00, v63;
	v63 =	vmul.f32 v52, v36  }
0x230: {  	v39 =	vmul.f32 v55, v28;
	v1 =	vsub.f32 v1, v56;
	v4 =	vsub.f32 v35, v42  }
0x231: {  	v48 =	vadd.f32 v63, v44;
	v63 =	vmul.f32 v59, v40;
	v42 =	vmul.f32 v55, v31  }
0x232: {  	v39 =	vsub.f32 v4, v39  }
0x233: {  	[tilespmem:$0x1FC10] =	vst v57;
	v1 =	vsub.f32 v1, v42;
	v42 =	vadd.f32 v63, v48;
	v63 =	vmul.f32 v33, v52  }
0x234: {  	v57 =	vld [tilespmem:$0xE0];
	[tilespmem:$0x1FBD0] =	vst v13;
	v13 =	vmov v6;
	v6 =	vmul.f32 v0, v52;
	v56 =	vmul.f32 v46, v34  }
0x235: {  	v35 =	vpop (erf);
	(erf) = vpow2.f32 v2;
	v2 =	vmul.f32 $1.442695020e+00, v39;
	v48 =	vadd.f32 v63, v44;
	v63 =	vld [tilespmem:$0x1FC80]  }
0x236: {  	v7 =	vadd.f32 v26, v51;
	v26 =	vmul.f32 v55, v61;
	v50 =	vld [tilespmem:$0x1E0];
	v51 =	vpop (erf);
	v4 =	vsub.f32 v42, v56  }
0x237: {  	v42 =	vmovc v0;
	(erf) = vpow2.f32 v2;
	v2 =	vadd.f32 v6, v44;
	v44 =	vmul.f32 v21, v59;
	v0 =	vld [tilespmem:$0x1FBC0]  }
0x238: {  	v17 =	vmovc v33;
	v30 =	vmovc v10;
	v10 =	vadd.f32 v53, v22;
	v47 =	vld [tilespmem:$0x2E0];
	v1 =	vmul.f32 $1.442695020e+00, v1;
	v39 =	vmul.f32 v27, v59  }
0x239: {  	v33 =	vmovc v61;
	v56 =	vmul.f32 v14, v46;
	v59 =	vsub.f32 v4, v26;
	v2 =	vadd.f32 v2, v44  }
0x23a: {  	v61 =	vpop (erf);
	v26 =	vadd.f32 v48, v39;
	(erf) = vpow2.f32 v1;
	v39 =	vmul.f32 v63, v46;
	v46 =	vld [tilespmem:$0x3E0]  }
0x23b: {  	v62 =	vmovc v5;
	v1 =	vmul.f32 $1.442695020e+00, v59;
	v59 =	vmul.f32 v50, v29;
	v2 =	vsub.f32 v2, v56  }
0x23c: {  	v4 =	vsub.f32 v26, v39;
	v22 =	vmul.f32 v55, v0;
	v26 =	vmul.f32 v62, v55;
	v55 =	vld [tilespmem:$0x4E0]  }
0x23d: {  	v52 =	vadd.f32 v59, v57;
	v62 =	vmul.f32 v47, v24  }
0x23e: {  	v59 =	vmul.f32 v50, v23;
	v22 =	vsub.f32 v4, v22;
	v2 =	vsub.f32 v2, v26  }
0x23f: {  	v44 =	vpop (erf);
	(erf) = vpow2.f32 v1;
	v26 =	vadd.f32 v62, v52;
	v56 =	vmul.f32 v46, v32  }
0x240: {  	v6 =	vmovc v14;
	v14 =	vld [tilespmem:$0x1FBD0];
	v52 =	vadd.f32 v59, v57;
	v1 =	vmul.f32 $1.442695020e+00, v22;
	v2 =	vmul.f32 $1.442695020e+00, v2  }
0x241: {  	v4 =	vsub.f32 v26, v56;
	v62 =	vmul.f32 v55, v25;
	v26 =	vmul.f32 v47, v19  }
0x242: {  	v53 =	vpop (erf);
	(erf) = vpow2.f32 v1  }
0x243: {  	v59 =	vpop (erf);
	(erf) = vpow2.f32 v2;
	v2 =	vsub.f32 v4, v62;
	v62 =	vadd.f32 v26, v52;
	v26 =	vld [tilespmem:$0x1FBE0]  }
0x244: {  	[tilespmem:$0x1FC60] =	vst v12;
	v45 =	vadd.f32 v60, v45;
	v60 =	vmul.f32 v50, v15  }
0x245: {  	[tilespmem:$0x1FCC0] =	vst v38;
	v39 =	vadd.f32 v54, v14;
	v14 =	vadd.f32 v8, v3  }
0x246: {  	v8 =	vmul.f32 v50, v12;
	v3 =	vmovc v12;
	v12 =	vld [tilespmem:$0x1FBF0];
	v1 =	vadd.f32 v60, v57;
	v60 =	vmul.f32 v47, v13  }
0x247: {  	v5 =	vmovc v18;
	v43 =	vadd.f32 v43, v49;
	v9 =	vadd.f32 v9, v58;
	v58 =	vmul.f32 v50, v41  }
0x248: {  	v18 =	vmovc v16;
	v1 =	vadd.f32 v60, v1;
	v60 =	vmul.f32 v46, v38;
	v56 =	vmul.f32 v46, v26  }
0x249: {  	v16 =	vmovc v25;
	v8 =	vadd.f32 v8, v57;
	v25 =	vmul.f32 v55, v30;
	v38 =	vmul.f32 v47, v11  }
0x24a: {  	v2 =	vmul.f32 $1.442695020e+00, v2;
	v1 =	vsub.f32 v1, v60;
	v4 =	vsub.f32 v62, v56  }
0x24b: {  	v62 =	vmul.f32 v55, v12;
	v56 =	vadd.f32 v38, v8;
	v8 =	vmul.f32 v46, v37  }
0x24c: {  	v48 =	vpop (erf);
	v60 =	vmul.f32 v55, v28;
	(erf) = vpow2.f32 v2;
	v1 =	vsub.f32 v1, v25  }
0x24d: {  	v52 =	vsub.f32 v4, v62;
	v4 =	vsub.f32 v56, v8;
	v8 =	vmul.f32 v50, v36  }
0x24e: {  	v49 =	vadd.f32 v58, v57;
	v22 =	vmovc v23;
	v1 =	vmul.f32 $1.442695020e+00, v1;
	v62 =	vmul.f32 v47, v5  }
0x24f: {  	v23 =	vmovc v15;
	v15 =	vmovc v41;
	v2 =	vmul.f32 $1.442695020e+00, v52;
	v25 =	vadd.f32 v8, v57;
	v8 =	vmul.f32 v47, v40  }
0x250: {  	v41 =	vmovc v40;
	v54 =	vsub.f32 v4, v60;
	v60 =	vmul.f32 v46, v18;
	v40 =	vadd.f32 v7, v35;
	v35 =	vld [tilespmem:$0x1FC00]  }
0x251: {  	v56 =	vadd.f32 v62, v49;
	v62 =	vmul.f32 v50, v17;
	v50 =	vmul.f32 v42, v50  }
0x252: {  	v52 =	vpop (erf);
	(erf) = vpow2.f32 v2;
	v2 =	vadd.f32 v8, v25;
	v8 =	vmul.f32 v46, v34  }
0x253: {  	[tilespmem:$0x1FC30] =	vst v34;
	v4 =	vsub.f32 v56, v60;
	v25 =	vmul.f32 v55, v33;
	v7 =	vadd.f32 v62, v57  }
0x254: {  	[tilespmem:$0x1FC20] =	vst v9;
	v9 =	vld [tilespmem:$0x1FC10];
	v34 =	vmul.f32 v47, v27;
	v47 =	vmul.f32 v21, v47;
	v2 =	vsub.f32 v2, v8  }
0x255: {  	v50 =	vadd.f32 v50, v57;
	v58 =	vpop (erf);
	(erf) = vpow2.f32 v1;
	v8 =	vld [tilespmem:$0x1F0];
	v38 =	vmul.f32 v55, v35  }
0x256: {  	v31 =	vmovc v19;
	v62 =	vld [tilespmem:$0xF0];
	v7 =	vadd.f32 v34, v7;
	v2 =	vsub.f32 v2, v25;
	v25 =	vmul.f32 v46, v63  }
0x257: {  	v19 =	vmovc v13;
	v13 =	vmovc v63;
	v1 =	vmul.f32 $1.442695020e+00, v54;
	v63 =	vadd.f32 v50, v47;
	v38 =	vsub.f32 v4, v38;
	v4 =	vld [tilespmem:$0x2F0]  }
0x258: {  	v46 =	vmul.f32 v6, v46;
	v7 =	vsub.f32 v7, v25;
	v25 =	vmul.f32 v55, v0  }
0x259: {  	v9 =	vadd.f32 v9, v51;
	v51 =	vld [tilespmem:$0x3F0];
	v54 =	vpop (erf);
	(erf) = vpow2.f32 v1;
	v1 =	vmul.f32 $1.442695020e+00, v38  }
0x25a: {  	v56 =	vpop (erf);
	v34 =	vmul.f32 v8, v29;
	v60 =	vsub.f32 v7, v25;
	v7 =	vsub.f32 v63, v46;
	v63 =	vld [tilespmem:$0x1FCA0]  }
0x25b: {  	v10 =	vadd.f32 v61, v10;
	v57 =	vpop (erf);
	(erf) = vpow2.f32 v1;
	v1 =	vld [tilespmem:$0x4F0]  }
0x25c: {  	v2 =	vmul.f32 $1.442695020e+00, v2;
	v49 =	vadd.f32 v34, v62;
	v34 =	vmul.f32 v4, v24  }
0x25d: {  	[tilespmem:$0x1FC40] =	vst v10;
	v45 =	vadd.f32 v53, v45;
	v10 =	vadd.f32 v59, v14  }
0x25e: {  	(erf) = vpow2.f32 v2;
	v47 =	vadd.f32 v34, v49;
	v34 =	vmul.f32 v51, v32  }
0x25f: {  	v25 =	vmovc v6;
	v6 =	vadd.f32 v44, v39;
	v2 =	vmul.f32 $1.442695020e+00, v60;
	v39 =	vmul.f32 v8, v22  }
0x260: {  	v60 =	vmul.f32 v55, v63;
	v47 =	vsub.f32 v47, v34;
	v61 =	vmul.f32 v1, v16  }
0x261: {  	v44 =	vadd.f32 v39, v62;
	v49 =	vpop (erf);
	(erf) = vpow2.f32 v2;
	v34 =	vmul.f32 v4, v31  }
0x262: {  	v39 =	vsub.f32 v7, v60;
	v60 =	vmul.f32 v51, v26;
	v53 =	vsub.f32 v47, v61  }
0x263: {  	v44 =	vadd.f32 v34, v44;
	v61 =	vmul.f32 v8, v23;
	v34 =	vmul.f32 v8, v3  }
0x264: {  	v20 =	vmovc v36;
	v43 =	vadd.f32 v43, v48;
	v36 =	vmovc v18;
	v3 =	vld [tilespmem:$0x1FCC0];
	v2 =	vmul.f32 $1.442695020e+00, v39;
	v7 =	vmul.f32 $1.442695020e+00, v53  }
0x265: {  	v18 =	vmovc v23;
	v44 =	vsub.f32 v44, v60;
	v23 =	vadd.f32 v34, v62;
	v34 =	vmul.f32 v4, v11  }
0x266: {  	v60 =	vmul.f32 v1, v12;
	v47 =	vadd.f32 v61, v62;
	v61 =	vmul.f32 v4, v19  }
0x267: {  	v50 =	vpop (erf);
	(erf) = vpow2.f32 v2;
	v2 =	vadd.f32 v34, v23;
	v34 =	vmul.f32 v8, v15  }
0x268: {  	v59 =	vpop (erf);
	(erf) = vpow2.f32 v7;
	v53 =	vsub.f32 v44, v60;
	v23 =	vmul.f32 v51, v37  }
0x269: {  	v14 =	vmovc v15;
	v60 =	vadd.f32 v61, v47;
	v61 =	vmul.f32 v51, v3;
	v48 =	vadd.f32 v34, v62;
	v34 =	vld [tilespmem:$0x1FC20]  }
0x26a: {  	v38 =	vmovc v0;
	v0 =	vmovc v16;
	v7 =	vmul.f32 $1.442695020e+00, v53;
	v2 =	vsub.f32 v2, v23;
	v23 =	vmul.f32 v4, v5  }
0x26b: {  	v15 =	vmovc v5;
	v5 =	vmul.f32 v8, v20;
	v44 =	vsub.f32 v60, v61;
	v60 =	vmul.f32 v1, v30  }
0x26c: {  	v16 =	vmov v31;
	v46 =	vpop (erf);
	v61 =	vmul.f32 v1, v28;
	(erf) = vpow2.f32 v7  }
0x26d: {  	v31 =	vmovc v11;
	v11 =	vld [tilespmem:$0x1FC30];
	v55 =	vadd.f32 v23, v48;
	v23 =	vmul.f32 v8, v17;
	v48 =	vadd.f32 v5, v62  }
0x26e: {  	[tilespmem:$0x1FC50] =	vst v10;
	v10 =	vadd.f32 v34, v52;
	v52 =	vsub.f32 v44, v60;
	v60 =	vmul.f32 v51, v36  }
0x26f: {  	v5 =	vmul.f32 v4, v27;
	v2 =	vsub.f32 v2, v61;
	v61 =	vadd.f32 v40, v58  }
0x270: {  	v34 =	vmul.f32 v1, v35;
	v44 =	vsub.f32 v55, v60;
	v60 =	vmul.f32 v4, v41  }
0x271: {  	v8 =	vmul.f32 v8, v42;
	v40 =	vmovc v41;
	[tilespmem:$0x1FC70] =	vst v61;
	v61 =	vadd.f32 v23, v62;
	v7 =	vmul.f32 $1.442695020e+00, v52  }
0x272: {  	v41 =	vmul.f32 v51, v11;
	v52 =	vpop (erf);
	v23 =	vsub.f32 v44, v34;
	v34 =	vadd.f32 v60, v48  }
0x273: {  	v58 =	vpop (erf);
	(erf) = vpow2.f32 v7;
	v7 =	vadd.f32 v5, v61;
	v5 =	vmul.f32 v51, v13  }
0x274: {  	v53 =	vld [tilespmem:$0x200];
	v8 =	vadd.f32 v8, v62;
	v4 =	vmul.f32 v4, v21  }
0x275: {  	v44 =	vsub.f32 v34, v41;
	v34 =	vmul.f32 v1, v38;
	v41 =	vld [tilespmem:$0x1FC40];
	v7 =	vsub.f32 v7, v5  }
0x276: {  	[tilespmem:$0x1FF30] =	vst v29;
	v2 =	vmul.f32 $1.442695020e+00, v2;
	v60 =	vld [tilespmem:$0x300]  }
0x277: {  	v4 =	vadd.f32 v4, v8;
	v8 =	vmul.f32 v51, v25;
	v7 =	vsub.f32 v7, v34;
	v34 =	vld [tilespmem:$0x1FF30]  }
0x278: {  	v47 =	vld [tilespmem:$0x100];
	v48 =	vmul.f32 v1, v33  }
0x279: {  	(erf) = vpow2.f32 v2;
	v2 =	vmul.f32 $1.442695020e+00, v23;
	v4 =	vsub.f32 v4, v8  }
0x27a: {  	v8 =	vmul.f32 v53, v22;
	v29 =	vadd.f32 v56, v41;
	v56 =	vsub.f32 v44, v48;
	v44 =	vld [tilespmem:$0x400]  }
0x27b: {  	v61 =	vadd.f32 v9, v54;
	v54 =	vpop (erf);
	v1 =	vmul.f32 v1, v63;
	(erf) = vpow2.f32 v2  }
0x27c: {  	v57 =	vadd.f32 v57, v6;
	v55 =	vld [tilespmem:$0x500];
	v5 =	vmul.f32 v60, v24;
	v62 =	vmul.f32 v53, v34  }
0x27d: {  	v23 =	vmovc v42;
	v42 =	vmovc v21;
	v21 =	vadd.f32 v8, v47;
	v8 =	vmul.f32 v60, v16;
	v2 =	vmul.f32 $1.442695020e+00, v56  }
0x27e: {  	v39 =	vmov v12;
	v1 =	vsub.f32 v4, v1;
	v48 =	vadd.f32 v62, v47  }
0x27f: {  	v51 =	vpop (erf);
	(erf) = vpow2.f32 v2;
	v2 =	vadd.f32 v8, v21;
	v8 =	vmul.f32 v44, v26  }
0x280: {  	v12 =	vmovc v25;
	v56 =	vmul.f32 v53, v18;
	v41 =	vmul.f32 v44, v32;
	v25 =	vadd.f32 v5, v48  }
0x281: {  	v21 =	vmul.f32 v55, v39;
	v62 =	vmul.f32 v55, v0;
	v5 =	vmovc v0;
	v2 =	vsub.f32 v2, v8;
	v0 =	vld [tilespmem:$0x1FC60]  }
0x282: {  	v1 =	vmul.f32 $1.442695020e+00, v1;
	v7 =	vmul.f32 $1.442695020e+00, v7;
	v4 =	vsub.f32 v25, v41;
	v41 =	vld [tilespmem:$0x1FC50]  }
0x283: {  	v48 =	vadd.f32 v56, v47;
	v25 =	vmul.f32 v60, v19;
	v2 =	vsub.f32 v2, v21  }
0x284: {  	[tilespmem:$0x1FC90] =	vst v57;
	v57 =	vpop (erf);
	(erf) = vpow2.f32 v7;
	v56 =	vmul.f32 v44, v3;
	v62 =	vsub.f32 v4, v62  }
0x285: {  	v8 =	vpop (erf);
	(erf) = vpow2.f32 v1;
	v25 =	vadd.f32 v25, v48;
	v2 =	vmul.f32 $1.442695020e+00, v2  }
0x286: {  	v45 =	vadd.f32 v49, v45;
	v1 =	vmul.f32 $1.442695020e+00, v62;
	v62 =	vmul.f32 v53, v0  }
0x287: {  	v4 =	vsub.f32 v25, v56;
	v6 =	vadd.f32 v50, v41;
	v50 =	vmul.f32 v55, v30  }
0x288: {  	v49 =	vpop (erf);
	v48 =	vadd.f32 v62, v47;
	v62 =	vmul.f32 v60, v31;
	(erf) = vpow2.f32 v1  }
0x289: {  	v43 =	vadd.f32 v59, v43;
	v59 =	vpop (erf);
	v25 =	vmul.f32 v53, v14;
	(erf) = vpow2.f32 v2  }
0x28a: {  	v2 =	vsub.f32 v4, v50;
	v4 =	vadd.f32 v62, v48;
	v62 =	vmul.f32 v44, v37  }
0x28b: {  	v1 =	vadd.f32 v25, v47;
	v25 =	vmul.f32 v60, v15  }
0x28c: {  	v13 =	vmovc v30;
	v30 =	vmov v40;
	v4 =	vsub.f32 v4, v62;
	v62 =	vmul.f32 v60, v40;
	v40 =	vld [tilespmem:$0x1FC70]  }
0x28d: {  	v1 =	vadd.f32 v25, v1;
	v25 =	vmul.f32 v44, v36  }
0x28e: {  	v9 =	vadd.f32 v10, v46;
	v56 =	vmul.f32 v53, v20;
	v48 =	vmul.f32 v55, v28  }
0x28f: {  	v7 =	vmul.f32 v55, v35;
	v21 =	vmovc v3;
	v3 =	vmul.f32 v53, v23;
	v1 =	vsub.f32 v1, v25  }
0x290: {  	v46 =	vadd.f32 v56, v47;
	v56 =	vmul.f32 v44, v11;
	v48 =	vsub.f32 v4, v48  }
0x291: {  	v2 =	vmul.f32 $1.442695020e+00, v2;
	v1 =	vsub.f32 v1, v7;
	v25 =	vadd.f32 v40, v52  }
0x292: {  	v52 =	vadd.f32 v62, v46;
	v62 =	vadd.f32 v61, v58;
	v61 =	vmul.f32 v53, v17  }
0x293: {  	v50 =	vpop (erf);
	(erf) = vpow2.f32 v2;
	v2 =	vmul.f32 $1.442695020e+00, v48  }
0x294: {  	v1 =	vmul.f32 $1.442695020e+00, v1;
	v53 =	vmul.f32 v55, v33  }
0x295: {  	v40 =	vmul.f32 v60, v27;
	v48 =	vpop (erf);
	v4 =	vsub.f32 v52, v56;
	v46 =	vadd.f32 v61, v47  }
0x296: {  	v52 =	vld [tilespmem:$0x210];
	v61 =	vpop (erf);
	(erf) = vpow2.f32 v2  }
0x297: {  	(erf) = vpow2.f32 v1;
	v1 =	vsub.f32 v4, v53;
	v4 =	vadd.f32 v40, v46;
	v40 =	vld [tilespmem:$0x1FC80]  }
0x298: {  	v58 =	vld [tilespmem:$0x110]  }
0x299: {  	v10 =	vadd.f32 v54, v29;
	v7 =	vmul.f32 v60, v42;
	v60 =	vld [tilespmem:$0x310]  }
0x29a: {  	v49 =	vadd.f32 v49, v43;
	v59 =	vadd.f32 v59, v9;
	v41 =	vmovc v14;
	v14 =	vmov v31  }
0x29b: {  	v31 =	vmovc v15;
	v15 =	vadd.f32 v8, v6;
	v56 =	vmul.f32 v44, v12;
	v2 =	vadd.f32 v3, v47  }
0x29c: {  	v46 =	vadd.f32 v57, v45;
	v47 =	vmul.f32 v52, v34;
	v53 =	vmul.f32 v44, v40;
	v44 =	vld [tilespmem:$0x410]  }
0x29d: {  	v29 =	vmovc v34;
	v2 =	vadd.f32 v7, v2;
	v7 =	vmul.f32 v55, v63;
	v34 =	vmul.f32 v55, v38  }
0x29e: {  	v63 =	vld [tilespmem:$0x1FC90];
	v55 =	vmul.f32 v60, v24;
	v8 =	vmul.f32 v52, v0;
	v47 =	vadd.f32 v47, v58  }
0x29f: {  	v54 =	vld [tilespmem:$0x510];
	v1 =	vmul.f32 $1.442695020e+00, v1;
	v2 =	vsub.f32 v2, v56;
	v4 =	vsub.f32 v4, v53  }
0x2a0: {  	v57 =	vmul.f32 v52, v22;
	v8 =	vadd.f32 v8, v58;
	v55 =	vadd.f32 v55, v47  }
0x2a1: {  	v2 =	vsub.f32 v2, v7;
	v34 =	vsub.f32 v4, v34;
	v56 =	vmul.f32 v44, v32  }
0x2a2: {  	v7 =	vadd.f32 v57, v58;
	v57 =	vmul.f32 v60, v19;
	v53 =	vpop (erf);
	(erf) = vpow2.f32 v1  }
0x2a3: {  	v51 =	vadd.f32 v51, v63;
	v1 =	vmul.f32 $1.442695020e+00, v34;
	v34 =	vmul.f32 v52, v18  }
0x2a4: {  	v63 =	vmul.f32 v54, v5;
	v47 =	vmul.f32 v60, v16;
	v3 =	vsub.f32 v55, v56;
	v55 =	vpop (erf)  }
0x2a5: {  	v2 =	vmul.f32 $1.442695020e+00, v2;
	v56 =	vpop (erf);
	(erf) = vpow2.f32 v1;
	v1 =	vadd.f32 v34, v58  }
0x2a6: {  	v45 =	vadd.f32 v47, v7;
	v7 =	vmul.f32 v54, v39;
	v47 =	vmul.f32 v44, v26  }
0x2a7: {  	v63 =	vsub.f32 v3, v63;
	v1 =	vadd.f32 v57, v1;
	v57 =	vmul.f32 v44, v21  }
0x2a8: {  	v3 =	vsub.f32 v45, v47;
	(erf) = vpow2.f32 v2;
	v21 =	vmul.f32 v60, v14  }
0x2a9: {  	v2 =	vmul.f32 $1.442695020e+00, v63;
	v63 =	vmul.f32 v54, v13;
	v1 =	vsub.f32 v1, v57  }
0x2aa: {  	v47 =	vmul.f32 v44, v37;
	v43 =	vsub.f32 v3, v7;
	v45 =	vadd.f32 v21, v8  }
0x2ab: {  	v8 =	vmul.f32 v52, v41;
	v57 =	vpop (erf);
	(erf) = vpow2.f32 v2;
	v1 =	vsub.f32 v1, v63  }
0x2ac: {  	v2 =	vmul.f32 $1.442695020e+00, v43;
	v3 =	vsub.f32 v45, v47;
	v63 =	vmul.f32 v52, v20  }
0x2ad: {  	v43 =	vmul.f32 v54, v28;
	v45 =	vadd.f32 v8, v58;
	v47 =	vmul.f32 v60, v31  }
0x2ae: {  	v8 =	vadd.f32 v25, v50;
	v9 =	vpop (erf);
	v1 =	vmul.f32 $1.442695020e+00, v1;
	(erf) = vpow2.f32 v2  }
0x2af: {  	[tilespmem:$0x1FCD0] =	vst v59;
	v21 =	vpop (erf);
	v59 =	vadd.f32 v63, v58;
	v63 =	vmul.f32 v60, v30;
	v45 =	vadd.f32 v47, v45  }
0x2b0: {  	v47 =	vmul.f32 v44, v36;
	[tilespmem:$0x1FCE0] =	vst v21;
	v21 =	vsub.f32 v3, v43;
	(erf) = vpow2.f32 v1  }
0x2b1: {  	v2 =	vadd.f32 v63, v59;
	v59 =	vmul.f32 v44, v11;
	v63 =	vmul.f32 v52, v17  }
0x2b2: {  	v50 =	vld [tilespmem:$0x220];
	v3 =	vsub.f32 v45, v47;
	v1 =	vmul.f32 $1.442695020e+00, v21;
	v21 =	vmul.f32 v54, v35  }
0x2b3: {  	[tilespmem:$0x1FCB0] =	vst v18;
	v18 =	vmovc v5;
	v34 =	vmov v19;
	v19 =	vmov v0;
	v0 =	vld [tilespmem:$0x120];
	v2 =	vsub.f32 v2, v59  }
0x2b4: {  	v25 =	vmovc v35;
	v35 =	vmul.f32 v54, v33;
	v5 =	vadd.f32 v63, v58;
	v63 =	vsub.f32 v3, v21;
	v3 =	vld [tilespmem:$0x320]  }
0x2b5: {  	v47 =	vmul.f32 v60, v27  }
0x2b6: {  	v2 =	vsub.f32 v2, v35  }
0x2b7: {  	v7 =	vmovc v40;
	v21 =	vadd.f32 v47, v5;
	v35 =	vmul.f32 v44, v40;
	v40 =	vmul.f32 v50, v29  }
0x2b8: {  	v45 =	vpop (erf);
	(erf) = vpow2.f32 v1;
	v1 =	vmul.f32 $1.442695020e+00, v63  }
0x2b9: {  	v4 =	vsub.f32 v21, v35;
	v35 =	vadd.f32 v40, v0;
	v40 =	vmul.f32 v3, v24  }
0x2ba: {  	v59 =	vadd.f32 v61, v10;
	v10 =	vmul.f32 v52, v23;
	v61 =	vld [tilespmem:$0x420];
	v52 =	vpop (erf)  }
0x2bb: {  	v6 =	vpop (erf);
	(erf) = vpow2.f32 v1;
	v1 =	vadd.f32 v40, v35;
	v40 =	vld [tilespmem:$0x1FCA0]  }
0x2bc: {  	v10 =	vadd.f32 v10, v58;
	v47 =	vmul.f32 v60, v42  }
0x2bd: {  	v48 =	vadd.f32 v62, v48;
	v62 =	vmul.f32 v54, v38  }
0x2be: {  	v60 =	vld [tilespmem:$0x520];
	v44 =	vmul.f32 v44, v12;
	v43 =	vmul.f32 $1.442695020e+00, v2;
	v10 =	vadd.f32 v47, v10  }
0x2bf: {  	v58 =	vmul.f32 v61, v32;
	v4 =	vsub.f32 v4, v62;
	v62 =	vmul.f32 v50, v22  }
0x2c0: {  	(erf) = vpow2.f32 v43;
	v63 =	vsub.f32 v10, v44;
	v54 =	vmul.f32 v54, v40  }
0x2c1: {  	v43 =	vadd.f32 v53, v51;
	v51 =	vadd.f32 v62, v0;
	v35 =	vmul.f32 v3, v16  }
0x2c2: {  	v1 =	vsub.f32 v1, v58;
	v62 =	vsub.f32 v63, v54  }
0x2c3: {  	v2 =	vmul.f32 v60, v18;
	v63 =	vadd.f32 v35, v51;
	v35 =	vadd.f32 v56, v15  }
0x2c4: {  	[tilespmem:$0x1FCF0] =	vst v6;
	v4 =	vmul.f32 $1.442695020e+00, v4  }
0x2c5: {  	v47 =	vmul.f32 v50, v19;
	v6 =	vmul.f32 v61, v26;
	v1 =	vsub.f32 v1, v2;
	[tilespmem:$0x1FD00] =	vst v35;
	v35 =	vld [tilespmem:$0x1FCB0]  }
0x2c6: {  	v21 =	vmov v42;
	v42 =	vpop (erf);
	v10 =	vadd.f32 v55, v46;
	(erf) = vpow2.f32 v4  }
0x2c7: {  	v5 =	vadd.f32 v47, v0;
	v1 =	vmul.f32 $1.442695020e+00, v1;
	v15 =	vld [tilespmem:$0x1FCC0];
	v46 =	vmul.f32 $1.442695020e+00, v62  }
0x2c8: {  	v51 =	vsub.f32 v63, v6;
	v62 =	vmul.f32 v60, v39;
	v6 =	vmul.f32 v3, v14  }
0x2c9: {  	v58 =	vpop (erf);
	v63 =	vmul.f32 v3, v34;
	(erf) = vpow2.f32 v46  }
0x2ca: {  	v54 =	vadd.f32 v6, v5;
	v5 =	vmul.f32 v61, v37;
	v44 =	vmul.f32 v50, v35  }
0x2cb: {  	[tilespmem:$0x1FD10] =	vst v58;
	v4 =	vpop (erf);
	v58 =	vsub.f32 v51, v62;
	v46 =	vmul.f32 v60, v13;
	(erf) = vpow2.f32 v1  }
0x2cc: {  	[tilespmem:$0x1FD20] =	vst v4;
	v4 =	vmul.f32 v61, v15;
	v1 =	vmul.f32 v3, v31;
	v53 =	vadd.f32 v44, v0  }
0x2cd: {  	v62 =	vadd.f32 v57, v49;
	v6 =	vmul.f32 $1.442695020e+00, v58;
	v44 =	vmul.f32 v50, v41  }
0x2ce: {  	v54 =	vsub.f32 v54, v5;
	v2 =	vadd.f32 v63, v53;
	v63 =	vmul.f32 v60, v28  }
0x2cf: {  	v58 =	vpop (erf);
	(erf) = vpow2.f32 v6;
	v56 =	vadd.f32 v44, v0;
	v44 =	vmul.f32 v61, v36  }
0x2d0: {  	v51 =	vsub.f32 v2, v4;
	v4 =	vmul.f32 v50, v20;
	v5 =	vsub.f32 v54, v63  }
0x2d1: {  	v57 =	vmovc v25;
	v6 =	vadd.f32 v1, v56;
	v63 =	vmul.f32 v60, v25;
	v25 =	vmul.f32 v50, v17  }
0x2d2: {  	v2 =	vsub.f32 v51, v46;
	v51 =	vadd.f32 v4, v0;
	v46 =	vmul.f32 v3, v30  }
0x2d3: {  	[tilespmem:$0x1FD30] =	vst v58;
	v58 =	vpop (erf);
	v50 =	vmul.f32 v50, v23;
	v53 =	vmul.f32 $1.442695020e+00, v5;
	v54 =	vsub.f32 v6, v44  }
0x2d4: {  	[tilespmem:$0x1FD40] =	vst v58;
	v58 =	vld [tilespmem:$0x230];
	v6 =	vmul.f32 v61, v11;
	v49 =	vmul.f32 $1.442695020e+00, v2;
	v5 =	vadd.f32 v46, v51  }
0x2d5: {  	v55 =	vsub.f32 v54, v63;
	v54 =	vadd.f32 v25, v0;
	v46 =	vmul.f32 v3, v27  }
0x2d6: {  	v1 =	vld [tilespmem:$0x130];
	v4 =	vpop (erf);
	v0 =	vadd.f32 v50, v0;
	v3 =	vmul.f32 v3, v21;
	(erf) = vpow2.f32 v49  }
0x2d7: {  	v44 =	vmul.f32 v60, v33;
	v49 =	vsub.f32 v5, v6;
	(erf) = vpow2.f32 v53;
	v53 =	vld [tilespmem:$0x330]  }
0x2d8: {  	v2 =	vld [tilespmem:$0x430];
	v25 =	vmul.f32 v61, v7;
	v63 =	vadd.f32 v46, v54;
	v0 =	vadd.f32 v3, v0  }
0x2d9: {  	v46 =	vmul.f32 v61, v12;
	v49 =	vsub.f32 v49, v44;
	v44 =	vmul.f32 v58, v29  }
0x2da: {  	v55 =	vmul.f32 $1.442695020e+00, v55;
	v50 =	vsub.f32 v63, v25;
	v25 =	vmul.f32 v60, v38  }
0x2db: {  	[tilespmem:$0x1FD50] =	vst v4;
	v4 =	vld [tilespmem:$0x530];
	v0 =	vsub.f32 v0, v46;
	v49 =	vmul.f32 $1.442695020e+00, v49;
	v61 =	vadd.f32 v44, v1  }
0x2dc: {  	v44 =	vmul.f32 v60, v40;
	v3 =	vsub.f32 v50, v25;
	v25 =	vld [tilespmem:$0x1FCD0];
	v63 =	vmul.f32 v53, v24  }
0x2dd: {  	v47 =	vmov v14;
	v51 =	vmul.f32 v2, v32;
	v46 =	vpop (erf);
	(erf) = vpow2.f32 v55  }
0x2de: {  	v56 =	vld [tilespmem:$0x1FCE0];
	v14 =	vpop (erf);
	(erf) = vpow2.f32 v49;
	v0 =	vsub.f32 v0, v44;
	v54 =	vadd.f32 v63, v61  }
0x2df: {  	v3 =	vmul.f32 $1.442695020e+00, v3;
	v63 =	vmul.f32 v58, v22  }
0x2e0: {  	v61 =	vmul.f32 v4, v18;
	v0 =	vmul.f32 $1.442695020e+00, v0;
	v60 =	vsub.f32 v54, v51  }
0x2e1: {  	[tilespmem:$0x1FD60] =	vst v46;
	v46 =	vadd.f32 v9, v25;
	v9 =	vpop (erf);
	(erf) = vpow2.f32 v3;
	v44 =	vadd.f32 v63, v1  }
0x2e2: {  	v51 =	vmul.f32 v53, v16;
	v49 =	vsub.f32 v60, v61;
	v60 =	vmul.f32 v58, v35  }
0x2e3: {  	v6 =	vmul.f32 v53, v47;
	v61 =	vadd.f32 v56, v8;
	v8 =	vpop (erf);
	(erf) = vpow2.f32 v0  }
0x2e4: {  	v25 =	vadd.f32 v51, v44;
	v51 =	vmul.f32 v53, v34;
	v3 =	vadd.f32 v60, v1  }
0x2e5: {  	v55 =	vadd.f32 v48, v45;
	v44 =	vmul.f32 v2, v26;
	v63 =	vmul.f32 $1.442695020e+00, v49  }
0x2e6: {  	v56 =	vmul.f32 v58, v19;
	v60 =	vmul.f32 v2, v15;
	v3 =	vadd.f32 v51, v3  }
0x2e7: {  	[tilespmem:$0x1FDB0] =	vst v8;
	v8 =	vpop (erf);
	v45 =	vsub.f32 v25, v44;
	(erf) = vpow2.f32 v63;
	v63 =	vmul.f32 v4, v39  }
0x2e8: {  	v0 =	vadd.f32 v56, v1;
	v25 =	vmovc v39;
	v39 =	vmul.f32 v4, v13;
	v3 =	vsub.f32 v3, v60  }
0x2e9: {  	v60 =	vmul.f32 v58, v41;
	v45 =	vsub.f32 v45, v63;
	v63 =	vmul.f32 v2, v37  }
0x2ea: {  	v5 =	vmul.f32 v53, v30;
	v44 =	vmul.f32 v58, v20;
	v0 =	vadd.f32 v6, v0  }
0x2eb: {  	v3 =	vsub.f32 v3, v39;
	v6 =	vadd.f32 v60, v1;
	v39 =	vmul.f32 v53, v31  }
0x2ec: {  	v56 =	vmul.f32 v4, v57;
	v45 =	vmul.f32 $1.442695020e+00, v45;
	v0 =	vsub.f32 v0, v63  }
0x2ed: {  	v60 =	vmul.f32 v2, v36;
	v48 =	vadd.f32 v39, v6;
	v63 =	vpop (erf);
	v39 =	vmul.f32 v4, v28  }
0x2ee: {  	v51 =	vmovc v30;
	(erf) = vpow2.f32 v45;
	v6 =	vmul.f32 $1.442695020e+00, v3;
	[tilespmem:$0x1FDD0] =	vst v63;
	v63 =	vadd.f32 v44, v1  }
0x2ef: {  	v49 =	vpop (erf);
	v44 =	vmul.f32 v4, v33;
	v0 =	vsub.f32 v0, v39;
	v50 =	vsub.f32 v48, v60  }
0x2f0: {  	v30 =	vmovc v7;
	[tilespmem:$0x1FDF0] =	vst v49;
	v48 =	vadd.f32 v52, v59;
	(erf) = vpow2.f32 v6;
	v59 =	vmul.f32 v2, v7  }
0x2f1: {  	v49 =	vld [tilespmem:$0x1FCF0];
	v7 =	vmul.f32 v58, v23;
	v45 =	vadd.f32 v5, v63;
	v63 =	vmul.f32 v58, v17;
	v39 =	vmovc v57  }
0x2f2: {  	[tilespmem:$0x1FD70] =	vst v14;
	v60 =	vld [tilespmem:$0x240];
	v57 =	vmul.f32 v2, v11;
	v50 =	vsub.f32 v50, v56;
	v0 =	vmul.f32 $1.442695020e+00, v0;
	v6 =	vpop (erf)  }
0x2f3: {  	v58 =	vld [tilespmem:$0x440];
	v2 =	vmul.f32 v2, v12;
	[tilespmem:$0x1FE20] =	vst v6;
	v52 =	vadd.f32 v63, v1;
	v6 =	vmul.f32 v53, v27  }
0x2f4: {  	v14 =	vmovc v15;
	v63 =	vadd.f32 v42, v10;
	v42 =	vmul.f32 v4, v38;
	v1 =	vadd.f32 v7, v1  }
0x2f5: {  	v15 =	vmovc v31;
	v31 =	vmovc v11;
	v11 =	vld [tilespmem:$0x140];
	v4 =	vmul.f32 v4, v40;
	v45 =	vsub.f32 v45, v57;
	v50 =	vmul.f32 $1.442695020e+00, v50  }
0x2f6: {  	(erf) = vpow2.f32 v0;
	v0 =	vld [tilespmem:$0x340];
	v3 =	vadd.f32 v49, v43;
	v52 =	vadd.f32 v6, v52  }
0x2f7: {  	v43 =	vmul.f32 v53, v21;
	v45 =	vsub.f32 v45, v44;
	v57 =	vpop (erf);
	(erf) = vpow2.f32 v50  }
0x2f8: {  	v6 =	vmul.f32 v58, v32;
	[tilespmem:$0x1FDE0] =	vst v57;
	v10 =	vsub.f32 v52, v59;
	v57 =	vmul.f32 v60, v29  }
0x2f9: {  	v56 =	vpop (erf);
	v59 =	vmul.f32 v60, v22;
	v5 =	vadd.f32 v43, v1;
	v43 =	vmul.f32 v60, v35  }
0x2fa: {  	v45 =	vmul.f32 $1.442695020e+00, v45;
	[tilespmem:$0x1FE00] =	vst v56;
	v56 =	vmul.f32 v60, v19  }
0x2fb: {  	v54 =	vld [tilespmem:$0x540];
	[tilespmem:$0x1FDA0] =	vst v63;
	v10 =	vsub.f32 v10, v42;
	v63 =	vadd.f32 v57, v11;
	v50 =	vmul.f32 v0, v24  }
0x2fc: {  	v42 =	vmovc v24;
	v52 =	vmul.f32 v0, v16;
	v24 =	vmul.f32 v58, v26;
	v2 =	vsub.f32 v5, v2  }
0x2fd: {  	v44 =	vmovc v12;
	(erf) = vpow2.f32 v45;
	v45 =	vadd.f32 v59, v11;
	v10 =	vmul.f32 $1.442695020e+00, v10  }
0x2fe: {  	[tilespmem:$0x1FD80] =	vst v3;
	v53 =	vmul.f32 v0, v34;
	v12 =	vmul.f32 v0, v51;
	v3 =	vadd.f32 v50, v63  }
0x2ff: {  	v2 =	vsub.f32 v2, v4;
	v63 =	vpop (erf);
	(erf) = vpow2.f32 v10;
	v10 =	vadd.f32 v52, v45  }
0x300: {  	v4 =	vadd.f32 v56, v11;
	v1 =	vsub.f32 v3, v6;
	v52 =	vmul.f32 v54, v25  }
0x301: {  	v57 =	vmovc v26;
	v2 =	vmul.f32 $1.442695020e+00, v2;
	[tilespmem:$0x1FE40] =	vst v63;
	v63 =	vmul.f32 v0, v47;
	v50 =	vsub.f32 v10, v24  }
0x302: {  	v26 =	vmovc v25;
	v3 =	vadd.f32 v43, v11;
	v25 =	vmul.f32 v60, v41;
	v10 =	vmul.f32 v54, v18  }
0x303: {  	[tilespmem:$0x1FDC0] =	vst v8;
	v8 =	vpop (erf);
	v43 =	vadd.f32 v63, v4;
	v5 =	vsub.f32 v50, v52;
	v50 =	vmul.f32 v58, v37  }
0x304: {  	v3 =	vadd.f32 v53, v3;
	[tilespmem:$0x1FE50] =	vst v8;
	v45 =	vpop (erf);
	v8 =	vld [tilespmem:$0x1FD00];
	v1 =	vsub.f32 v1, v10;
	v10 =	vmul.f32 v58, v14  }
0x305: {  	v6 =	vmul.f32 v60, v23;
	(erf) = vpow2.f32 v2;
	v59 =	vpop (erf);
	v2 =	vsub.f32 v43, v50;
	v43 =	vld [tilespmem:$0x1FD10]  }
0x306: {  	v63 =	vmul.f32 v54, v28;
	[tilespmem:$0x1FE70] =	vst v59;
	v59 =	vpop (erf);
	v3 =	vsub.f32 v3, v10;
	v10 =	vmul.f32 v54, v13  }
0x307: {  	[tilespmem:$0x1FE80] =	vst v59;
	v59 =	vmul.f32 v58, v36;
	v1 =	vmul.f32 $1.442695020e+00, v1  }
0x308: {  	v53 =	vmul.f32 $1.442695020e+00, v5;
	v50 =	vadd.f32 v25, v11;
	v25 =	vld [tilespmem:$0x1FD20];
	v52 =	vsub.f32 v3, v10  }
0x309: {  	[tilespmem:$0x1FE60] =	vst v45;
	(erf) = vpow2.f32 v1;
	v45 =	vsub.f32 v2, v63;
	v63 =	vmul.f32 v0, v15  }
0x30a: {  	v1 =	vmul.f32 $1.442695020e+00, v52;
	v56 =	vadd.f32 v43, v8;
	v43 =	vmul.f32 v60, v20  }
0x30b: {  	(erf) = vpow2.f32 v53;
	v3 =	vmul.f32 $1.442695020e+00, v45  }
0x30c: {  	v45 =	vmul.f32 v60, v17;
	(erf) = vpow2.f32 v1;
	v1 =	vadd.f32 v43, v11  }
0x30d: {  	v2 =	vmul.f32 v58, v31;
	v4 =	vadd.f32 v63, v50;
	v52 =	vadd.f32 v25, v62  }
0x30e: {  	v63 =	vmul.f32 v0, v27;
	v62 =	vadd.f32 v45, v11;
	v1 =	vadd.f32 v12, v1;
	v12 =	vld [tilespmem:$0x250]  }
0x30f: {  	v50 =	vpop (erf);
	v25 =	vmul.f32 v54, v39;
	v4 =	vsub.f32 v4, v59;
	(erf) = vpow2.f32 v3;
	v3 =	vld [tilespmem:$0x350]  }
0x310: {  	v5 =	vmul.f32 v54, v40;
	v43 =	vmul.f32 v58, v30;
	v10 =	vadd.f32 v63, v62;
	v62 =	vld [tilespmem:$0x150]  }
0x311: {  	[tilespmem:$0x1FEA0] =	vst v50;
	v8 =	vld [tilespmem:$0x450];
	v59 =	vmul.f32 v54, v33;
	v4 =	vsub.f32 v4, v25;
	v50 =	vsub.f32 v1, v2  }
0x312: {  	v0 =	vmul.f32 v0, v21;
	v25 =	vsub.f32 v10, v43;
	v43 =	vmul.f32 v54, v38  }
0x313: {  	v4 =	vmul.f32 $1.442695020e+00, v4;
	v50 =	vsub.f32 v50, v59;
	v63 =	vmul.f32 v12, v29  }
0x314: {  	v60 =	vsub.f32 v25, v43;
	v25 =	vmul.f32 v58, v44;
	v59 =	vadd.f32 v6, v11  }
0x315: {  	v11 =	vmul.f32 $1.442695020e+00, v50;
	v50 =	vadd.f32 v63, v62;
	v63 =	vmul.f32 v3, v42  }
0x316: {  	v58 =	vmul.f32 v8, v57;
	v6 =	vld [tilespmem:$0x550];
	v43 =	vpop (erf);
	(erf) = vpow2.f32 v4  }
0x317: {  	v2 =	vmul.f32 v12, v35;
	v0 =	vadd.f32 v0, v59;
	v4 =	vadd.f32 v63, v50;
	v50 =	vld [tilespmem:$0x1FD30]  }
0x318: {  	v59 =	vpop (erf);
	(erf) = vpow2.f32 v11;
	v11 =	vmul.f32 $1.442695020e+00, v60  }
0x319: {  	[tilespmem:$0x1FE10] =	vst v43;
	v43 =	vmul.f32 v8, v32;
	v0 =	vsub.f32 v0, v25;
	v60 =	vmul.f32 v12, v19  }
0x31a: {  	v7 =	vmov v16;
	[tilespmem:$0x1FE30] =	vst v59;
	v25 =	vpop (erf);
	(erf) = vpow2.f32 v11;
	v11 =	vmul.f32 v12, v22  }
0x31b: {  	[tilespmem:$0x1FE90] =	vst v25;
	v0 =	vsub.f32 v0, v5;
	v25 =	vmul.f32 v6, v18;
	v54 =	vsub.f32 v4, v43  }
0x31c: {  	v11 =	vadd.f32 v11, v62;
	v59 =	vadd.f32 v50, v46;
	v46 =	vmovc v35;
	v35 =	vmul.f32 v3, v7  }
0x31d: {  	v45 =	vadd.f32 v2, v62;
	v2 =	vadd.f32 v60, v62;
	v50 =	vmul.f32 v3, v34;
	v7 =	vld [tilespmem:$0x1FD40]  }
0x31e: {  	v43 =	vmul.f32 $1.442695020e+00, v0;
	v5 =	vsub.f32 v54, v25;
	v11 =	vadd.f32 v35, v11  }
0x31f: {  	v24 =	vmovc v13;
	v60 =	vmul.f32 v8, v37;
	v25 =	vmul.f32 v8, v14;
	v0 =	vadd.f32 v50, v45;
	v35 =	vld [tilespmem:$0x1FD50]  }
0x320: {  	[tilespmem:$0x1FD90] =	vst v9;
	v54 =	vpop (erf);
	(erf) = vpow2.f32 v43;
	v5 =	vmul.f32 $1.442695020e+00, v5;
	v11 =	vsub.f32 v11, v58  }
0x321: {  	v43 =	vmul.f32 v6, v26;
	[tilespmem:$0x1FEB0] =	vst v54;
	v54 =	vpop (erf);
	v4 =	vsub.f32 v0, v25;
	v58 =	vmul.f32 v6, v24  }
0x322: {  	v9 =	vmovc v17;
	[tilespmem:$0x1FEC0] =	vst v54;
	(erf) = vpow2.f32 v5;
	v25 =	vmul.f32 v3, v47;
	v54 =	vadd.f32 v7, v61  }
0x323: {  	v50 =	vmovc v24;
	v24 =	vsub.f32 v11, v43;
	v0 =	vsub.f32 v4, v58;
	v43 =	vmul.f32 v12, v41  }
0x324: {  	v2 =	vadd.f32 v25, v2;
	v25 =	vmul.f32 v12, v20;
	v11 =	vmovc v47;
	v47 =	vadd.f32 v35, v55  }
0x325: {  	v53 =	vmovc v15;
	v17 =	vmovc v51;
	v5 =	vmul.f32 $1.442695020e+00, v24;
	v0 =	vmul.f32 $1.442695020e+00, v0;
	v61 =	vadd.f32 v43, v62  }
0x326: {  	v51 =	vmovc v30;
	v24 =	vmul.f32 v3, v53;
	v1 =	vsub.f32 v2, v60;
	v35 =	vmul.f32 v6, v28  }
0x327: {  	v30 =	vmovc v53;
	v53 =	vmul.f32 v12, v9;
	v60 =	vadd.f32 v25, v62;
	v43 =	vmul.f32 v8, v31  }
0x328: {  	v58 =	vpop (erf);
	(erf) = vpow2.f32 v5;
	v5 =	vadd.f32 v24, v61;
	v61 =	vmul.f32 v8, v36  }
0x329: {  	v63 =	vmovc v18;
	v24 =	vmul.f32 v3, v17;
	v10 =	vsub.f32 v1, v35;
	v35 =	vmul.f32 v3, v27  }
0x32a: {  	v18 =	vmovc v9;
	v25 =	vadd.f32 v53, v62;
	v53 =	vmul.f32 v6, v39;
	v3 =	vmul.f32 v3, v21  }
0x32b: {  	v7 =	vpop (erf);
	(erf) = vpow2.f32 v0;
	v9 =	vsub.f32 v5, v61;
	v2 =	vadd.f32 v24, v60;
	v5 =	vld [tilespmem:$0x260]  }
0x32c: {  	v13 =	vmovc v16;
	v15 =	vmovc v34;
	v1 =	vld [tilespmem:$0x160];
	v16 =	vadd.f32 v35, v25;
	v60 =	vmul.f32 v8, v51;
	v61 =	vmul.f32 $1.442695020e+00, v10  }
0x32d: {  	v34 =	vmovc v14;
	v0 =	vld [tilespmem:$0x360];
	v10 =	vmul.f32 v6, v33;
	v24 =	vmul.f32 v12, v23;
	v2 =	vsub.f32 v2, v43  }
0x32e: {  	[tilespmem:$0x1FEF0] =	vst v7;
	v8 =	vmul.f32 v8, v44;
	v9 =	vsub.f32 v9, v53;
	v7 =	vsub.f32 v16, v60  }
0x32f: {  	v14 =	vpop (erf);
	v16 =	vmul.f32 v6, v38;
	(erf) = vpow2.f32 v61;
	v2 =	vsub.f32 v2, v10;
	v10 =	vld [tilespmem:$0x460]  }
0x330: {  	[tilespmem:$0x1FF00] =	vst v14;
	v14 =	vpop (erf);
	v25 =	vmul.f32 $1.442695020e+00, v9;
	v9 =	vmul.f32 v5, v29  }
0x331: {  	v45 =	vpop (erf);
	v12 =	vsub.f32 v7, v16;
	v16 =	vadd.f32 v24, v62;
	v2 =	vmul.f32 $1.442695020e+00, v2  }
0x332: {  	v35 =	vmovc v33;
	v33 =	vmul.f32 v0, v42;
	(erf) = vpow2.f32 v25;
	v9 =	vadd.f32 v9, v1  }
0x333: {  	v43 =	vmovc v38;
	v38 =	vmul.f32 $1.442695020e+00, v12;
	(erf) = vpow2.f32 v2;
	v2 =	vadd.f32 v3, v16;
	v16 =	vld [tilespmem:$0x560]  }
0x334: {  	v6 =	vmul.f32 v6, v40;
	v9 =	vadd.f32 v33, v9;
	v53 =	vmul.f32 v10, v32  }
0x335: {  	[tilespmem:$0x1FF40] =	vst v42;
	v24 =	vmov v42;
	v42 =	vpop (erf);
	(erf) = vpow2.f32 v38;
	v33 =	vmul.f32 v5, v22  }
0x336: {  	v38 =	vsub.f32 v2, v8;
	v8 =	vsub.f32 v9, v53;
	v9 =	vmul.f32 v5, v46  }
0x337: {  	v60 =	vmul.f32 v0, v15;
	[tilespmem:$0x1FED0] =	vst v42;
	v42 =	vmul.f32 v0, v13  }
0x338: {  	v3 =	vadd.f32 v33, v1;
	v9 =	vadd.f32 v9, v1;
	v53 =	vmul.f32 v16, v63  }
0x339: {  	v62 =	vld [tilespmem:$0x1FD80];
	v4 =	vsub.f32 v38, v6  }
0x33a: {  	v33 =	vmul.f32 v10, v57;
	v3 =	vadd.f32 v42, v3;
	v2 =	vadd.f32 v60, v9;
	v60 =	vld [tilespmem:$0x1FD70]  }
0x33b: {  	v25 =	vld [tilespmem:$0x1FD60];
	v42 =	vmul.f32 v16, v26;
	v4 =	vmul.f32 $1.442695020e+00, v4  }
0x33c: {  	v8 =	vsub.f32 v8, v53;
	v9 =	vmul.f32 v10, v34;
	v6 =	vsub.f32 v3, v33;
	v33 =	vld [tilespmem:$0x1FD90];
	v53 =	vpop (erf)  }
0x33d: {  	v49 =	vmov v29;
	v29 =	vmov v15;
	v15 =	vmul.f32 v5, v20;
	[tilespmem:$0x1FF10] =	vst v53;
	v53 =	vld [tilespmem:$0x1FDB0]  }
0x33e: {  	v2 =	vsub.f32 v2, v9;
	(erf) = vpow2.f32 v4;
	v4 =	vsub.f32 v6, v42;
	v42 =	vld [tilespmem:$0x1FDA0]  }
0x33f: {  	[tilespmem:$0x1FF60] =	vst v13;
	v55 =	vmovc v41;
	v8 =	vmul.f32 $1.442695020e+00, v8;
	v9 =	vmul.f32 v16, v50;
	v62 =	vadd.f32 v60, v62;
	v60 =	vld [tilespmem:$0x1FDC0]  }
0x340: {  	v48 =	vadd.f32 v25, v48;
	v25 =	vmovc v13;
	v13 =	vmul.f32 v5, v55;
	v38 =	vmovc v34;
	v34 =	vmov v26  }
0x341: {  	v3 =	vmul.f32 v0, v11;
	v26 =	vpop (erf);
	(erf) = vpow2.f32 v8;
	v2 =	vsub.f32 v2, v9  }
0x342: {  	v41 =	vmovc v36;
	v36 =	vmovc v31;
	v4 =	vmul.f32 $1.442695020e+00, v4;
	v31 =	vadd.f32 v53, v56;
	v56 =	vmul.f32 v5, v19  }
0x343: {  	[tilespmem:$0x1FF20] =	vst v26;
	v26 =	vmul.f32 v10, v37;
	v9 =	vmul.f32 $1.442695020e+00, v2;
	v61 =	vadd.f32 v33, v42  }
0x344: {  	v42 =	vadd.f32 v60, v52;
	v60 =	vpop (erf);
	(erf) = vpow2.f32 v4;
	v2 =	vadd.f32 v56, v1  }
0x345: {  	v53 =	vpop (erf);
	(erf) = vpow2.f32 v9;
	v9 =	vadd.f32 v13, v1;
	v13 =	vmul.f32 v0, v30  }
0x346: {  	[tilespmem:$0x1FEE0] =	vst v58;
	v7 =	vld [tilespmem:$0x270];
	v4 =	vadd.f32 v3, v2;
	v3 =	vadd.f32 v15, v1;
	v15 =	vmul.f32 v0, v17  }
0x347: {  	v58 =	vmovc v28;
	v56 =	vld [tilespmem:$0x170];
	v2 =	vmul.f32 v5, v18;
	v9 =	vadd.f32 v13, v9;
	v13 =	vmul.f32 v10, v41  }
0x348: {  	v8 =	vsub.f32 v4, v26;
	v6 =	vadd.f32 v15, v3;
	v15 =	vmul.f32 v16, v58;
	v4 =	vld [tilespmem:$0x370]  }
0x349: {  	v9 =	vsub.f32 v9, v13;
	v13 =	vadd.f32 v2, v1;
	v2 =	vmul.f32 v16, v39  }
0x34a: {  	[tilespmem:$0x1FF70] =	vst v11;
	v26 =	vmul.f32 v0, v27;
	v8 =	vsub.f32 v8, v15;
	v15 =	vld [tilespmem:$0x470]  }
0x34b: {  	v12 =	vmovc v11;
	v5 =	vmul.f32 v5, v23;
	v11 =	vsub.f32 v9, v2;
	v9 =	vmul.f32 v7, v49  }
0x34c: {  	v52 =	vmul.f32 v10, v51;
	v13 =	vadd.f32 v26, v13;
	v26 =	vmul.f32 v10, v36  }
0x34d: {  	v2 =	vadd.f32 v5, v1;
	v9 =	vadd.f32 v9, v56;
	v49 =	vmul.f32 v4, v24  }
0x34e: {  	v6 =	vsub.f32 v6, v26;
	v3 =	vsub.f32 v13, v52;
	v26 =	vmul.f32 v16, v43  }
0x34f: {  	v1 =	vmul.f32 v0, v21;
	v0 =	vadd.f32 v49, v9;
	v24 =	vmul.f32 v15, v32  }
0x350: {  	v5 =	vmul.f32 v16, v35;
	v13 =	vld [tilespmem:$0x570];
	v3 =	vsub.f32 v3, v26;
	v26 =	vmul.f32 $1.442695020e+00, v8  }
0x351: {  	v1 =	vadd.f32 v1, v2;
	v0 =	vsub.f32 v0, v24;
	v24 =	vld [tilespmem:$0x1FDE0]  }
0x352: {  	v52 =	vmul.f32 v10, v44;
	v10 =	vpop (erf);
	v5 =	vsub.f32 v6, v5;
	(erf) = vpow2.f32 v26;
	v26 =	vld [tilespmem:$0x1FDF0]  }
0x353: {  	v32 =	vmul.f32 $1.442695020e+00, v11  }
0x354: {  	v1 =	vsub.f32 v1, v52;
	v8 =	vmul.f32 v16, v40;
	v52 =	vld [tilespmem:$0x1FDD0];
	v49 =	vmul.f32 $1.442695020e+00, v5  }
0x355: {  	v28 =	vmov v55;
	v16 =	vpop (erf);
	v3 =	vmul.f32 $1.442695020e+00, v3;
	(erf) = vpow2.f32 v32;
	v32 =	vld [tilespmem:$0x1FE00]  }
0x356: {  	v11 =	vpop (erf);
	v1 =	vsub.f32 v1, v8;
	(erf) = vpow2.f32 v49;
	v2 =	vadd.f32 v24, v48;
	v48 =	vld [tilespmem:$0x1FE10]  }
0x357: {  	v55 =	vpop (erf);
	v9 =	vmul.f32 v13, v63;
	(erf) = vpow2.f32 v3;
	v3 =	vadd.f32 v26, v54;
	v54 =	vld [tilespmem:$0x1FE20];
	_ =	sdelay $0x1  }
0x358: {  	v1 =	vmul.f32 $1.442695020e+00, v1;
	v0 =	vsub.f32 v0, v9;
	v8 =	vadd.f32 v52, v59;
	v59 =	vld [tilespmem:$0x1FE30]  }
0x359: {  	v33 =	vmov v18;
	v18 =	vmov v27;
	v57 =	vmul.f32 v15, v57;
	v63 =	vpop (erf)  }
0x35a: {  	v49 =	vmul.f32 v7, v22;
	v9 =	vpop (erf);
	v0 =	vmul.f32 $1.442695020e+00, v0;
	v5 =	vadd.f32 v32, v62  }
0x35b: {  	(erf) = vpow2.f32 v1;
	v24 =	vpop (erf);
	v2 =	vadd.f32 v48, v2;
	v52 =	vadd.f32 v54, v47;
	v54 =	vld [tilespmem:$0x1FE40]  }
0x35c: {  	v27 =	vmul.f32 v13, v50;
	v1 =	vpop (erf);
	(erf) = vpow2.f32 v0;
	v0 =	vadd.f32 v49, v56  }
0x35d: {  	v32 =	vmul.f32 v4, v25;
	v6 =	vpop (erf);
	v5 =	vadd.f32 v59, v5;
	v2 =	vadd.f32 v14, v2  }
0x35e: {  	v25 =	vmul.f32 v13, v34;
	v34 =	vmul.f32 v4, v12;
	v59 =	vld [tilespmem:$0x1FE50];
	v62 =	vpop (erf)  }
0x35f: {  	v5 =	vadd.f32 v45, v5;
	v45 =	vmov v19;
	v14 =	vpop (erf);
	v2 =	vadd.f32 v16, v2  }
0x360: {  	v16 =	vadd.f32 v32, v0;
	v49 =	vadd.f32 v54, v61;
	v54 =	vpop (erf);
	v61 =	vmul.f32 v7, v46  }
0x361: {  	v5 =	vadd.f32 v11, v5;
	v0 =	vpop (erf);
	v2 =	vadd.f32 v62, v2;
	v62 =	vmul.f32 v7, v19  }
0x362: {  	v32 =	vmul.f32 v4, v29;
	v16 =	vsub.f32 v16, v57;
	v11 =	vpop (erf);
	v48 =	vadd.f32 v61, v56  }
0x363: {  	[tilespmem:$0x1FF50] =	vst v22;
	v22 =	vadd.f32 v59, v31;
	v19 =	vmov v29;
	v26 =	vpop (erf);
	v47 =	vadd.f32 v62, v56  }
0x364: {  	v29 =	vmul.f32 v15, v38;
	v16 =	vsub.f32 v16, v25;
	v57 =	vpop (erf);
	v25 =	vadd.f32 v32, v48  }
0x365: {  	v59 =	vmul.f32 v15, v37;
	v31 =	vmul.f32 v7, v28;
	v61 =	vpop (erf);
	v48 =	vadd.f32 v34, v47  }
0x366: {  	v14 =	vadd.f32 v14, v5;
	v16 =	vmul.f32 $1.442695020e+00, v16;
	v38 =	vpop (erf);
	v25 =	vsub.f32 v25, v29  }
0x367: {  	v29 =	vmul.f32 v13, v58;
	v5 =	vadd.f32 v38, v2;
	v2 =	vsub.f32 v48, v59  }
0x368: {  	(erf) = vpow2.f32 v16;
	v16 =	vsub.f32 v25, v27  }
0x369: {  	v27 =	vadd.f32 v31, v56;
	v2 =	vsub.f32 v2, v29;
	v29 =	vmul.f32 v4, v30  }
0x36a: {  	v62 =	vmul.f32 v7, v20  }
0x36b: {  	v27 =	vadd.f32 v29, v27;
	v29 =	vmul.f32 v15, v41  }
0x36c: {  	v25 =	vadd.f32 v62, v56;
	v16 =	vmul.f32 $1.442695020e+00, v16  }
0x36d: {  	v31 =	vmul.f32 v4, v17;
	v38 =	vsub.f32 v27, v29;
	v27 =	vmul.f32 v7, v33  }
0x36e: {  	v36 =	vmul.f32 v15, v36;
	(erf) = vpow2.f32 v16  }
0x36f: {  	v16 =	vadd.f32 v31, v25;
	v31 =	vmul.f32 v4, v18;
	v27 =	vadd.f32 v27, v56  }
0x370: {  	v50 =	vmul.f32 v13, v40;
	v12 =	vld [tilespmem:$0x1FE60];
	v48 =	vmul.f32 v15, v44  }
0x371: {  	v47 =	vadd.f32 v31, v27;
	v27 =	vmul.f32 v15, v51;
	v15 =	vand.u32 $0x7FFFFF, v5  }
0x372: {  	v41 =	vmul.f32 v13, v39;
	v29 =	vmul.f32 v13, v35;
	v15 =	vor.u32 $0x3F800000, v15  }
0x373: {  	v25 =	vsub.f32 v47, v27;
	v27 =	vmul.f32 v13, v43;
	v13 =	vmul.f32 $5.000000000e-01, v15  }
0x374: {  	vm10 =	vgt.f32 v15, $1.414213540e+00  }
0x375: {  	v51 =	vsel vm10, v13, v15;
	v15 =	vadd.f32 v12, v42;
	v12 =	vld [tilespmem:$0x1FE70];
	_ =	sdelay $0x1  }
0x376: {  	v37 =	vmov v17;
	v17 =	vld [tilespmem:$0x1FEE0];
	_ =	sdelay $0x2  }
0x377: {  	v8 =	vadd.f32 v12, v8;
	v12 =	vld [tilespmem:$0x1FE80]  }
0x378: {  	v7 =	vmul.f32 v7, v23;
	v16 =	vsub.f32 v16, v36  }
0x379: {  	v2 =	vmul.f32 $1.442695020e+00, v2;
	v8 =	vadd.f32 v17, v8;
	v17 =	vld [tilespmem:$0x1FEF0]  }
0x37a: {  	v4 =	vmul.f32 v4, v21;
	v7 =	vadd.f32 v7, v56;
	v16 =	vsub.f32 v16, v29  }
0x37b: {  	(erf) = vpow2.f32 v2;
	v2 =	vsub.f32 v38, v41  }
0x37c: {  	v4 =	vadd.f32 v4, v7;
	v13 =	vmul.f32 $1.442695020e+00, v16;
	v3 =	vadd.f32 v12, v3;
	v12 =	vld [tilespmem:$0x1FEA0]  }
0x37d: {  	v2 =	vmul.f32 $1.442695020e+00, v2;
	v16 =	vld [tilespmem:$0x1FEC0]  }
0x37e: {  	v4 =	vsub.f32 v4, v48;
	v3 =	vadd.f32 v17, v3;
	v17 =	vld [tilespmem:$0x1FF00]  }
0x37f: {  	(erf) = vpow2.f32 v2  }
0x380: {  	v59 =	vld [tilespmem:$0x1FE90];
	v25 =	vsub.f32 v25, v27;
	v4 =	vsub.f32 v4, v50;
	(erf) = vpow2.f32 v13;
	v13 =	vpop (erf)  }
0x381: {  	v13 =	vadd.f32 v13, v14;
	v14 =	vadd.f32 v12, v52;
	v12 =	vld [tilespmem:$0x1FEB0]  }
0x382: {  	v7 =	vadd.f32 $-1.000000000e+00, v51;
	v56 =	vmul.f32 $1.442695020e+00, v25;
	v15 =	vadd.f32 v16, v15;
	v16 =	vld [tilespmem:$0x1FED0]  }
0x383: {  	v4 =	vmul.f32 $1.442695020e+00, v4;
	v14 =	vadd.f32 v17, v14;
	v17 =	vld [tilespmem:$0x1FF10]  }
0x384: {  	v58 =	vadd.f32 $2.000000000e+00, v7;
	(erf) = vpow2.f32 v56  }
0x385: {  	(erf) = vpow2.f32 v4;
	v4 =	vadd.f32 v59, v49;
	v62 =	vand.u32 $0x7FFFFF, v13  }
0x386: {  	(erf) = vrcp.f32 v58;
	v2 =	vor.u32 $0x3F800000, v62;
	v12 =	vadd.f32 v12, v22  }
0x387: {  	v4 =	vadd.f32 v16, v4;
	v16 =	vmul.f32 $5.000000000e-01, v2  }
0x388: {  	v32 =	vmov v28;
	v12 =	vadd.f32 v17, v12;
	v17 =	vld [tilespmem:$0x1FF20]  }
0x389: {  	v28 =	vmov v33;
	v34 =	vmov v20;
	v20 =	vmov v18;
	v18 =	vpop (erf)  }
0x38a: {  	v33 =	vmov v21;
	v21 =	vpop (erf);
	vm11 =	vgt.f32 v2, $1.414213540e+00;
	v4 =	vadd.f32 v55, v4  }
0x38b: {  	v2 =	vsel vm11, v16, v2;
	v16 =	vpop (erf)  }
0x38c: {  	v4 =	vadd.f32 v54, v4;
	v22 =	vpop (erf)  }
0x38d: {  	v27 =	vadd.f32 $-1.000000000e+00, v2;
	v15 =	vadd.f32 v17, v15;
	v17 =	vpop (erf)  }
0x38e: {  	v4 =	vadd.f32 v18, v4;
	v18 =	vpop (erf)  }
0x38f: {  	v29 =	vadd.f32 $2.000000000e+00, v27;
	v10 =	vadd.f32 v10, v14;
	v14 =	vpop (erf)  }
0x390: {  	v7 =	vmul.f32 v14, v7  }
0x391: {  	(erf) = vrcp.f32 v29  }
0x392: {  	v6 =	vadd.f32 v6, v10;
	v9 =	vadd.f32 v9, v15;
	v10 =	vmul.f32 v7, v7  }
0x393: {  	v8 =	vadd.f32 v60, v8;
	v14 =	vand.u32 $0x7FFFFF, v4  }
0x394: {  	v35 =	vor.u32 $0x3F800000, v14;
	v9 =	vadd.f32 v11, v9;
	v11 =	vmul.f32 $1.428571490e-01, v10  }
0x395: {  	v8 =	vadd.f32 v24, v8;
	v3 =	vadd.f32 v53, v3;
	v14 =	vmul.f32 $5.000000000e-01, v35  }
0x396: {  	vm5 =	vgt.f32 v35, $1.414213540e+00;
	v11 =	vadd.f32 $2.000000030e-01, v11  }
0x397: {  	v8 =	vadd.f32 v26, v8;
	v1 =	vadd.f32 v1, v3;
	v3 =	vsel vm5, v14, v35  }
0x398: {  	v12 =	vadd.f32 v63, v12;
	v3 =	vadd.f32 $-1.000000000e+00, v3  }
0x399: {  	v2 =	vadd.f32 v22, v8  }
0x39a: {  	v0 =	vadd.f32 v0, v12;
	v39 =	vadd.f32 $2.000000000e+00, v3;
	v8 =	vmul.f32 v11, v10;
	v11 =	vpop (erf)  }
0x39b: {  	v38 =	vimm.f32 $0.0e+00;
	v5 =	vshra.s32 v5, $0x17;
	v11 =	vmul.f32 v11, v27  }
0x39c: {  	v6 =	vadd.f32 v61, v6;
	v12 =	vadd.f32 v21, v0;
	(erf) = vrcp.f32 v39  }
0x39d: {  	v5 =	vadd.s32 $0xFFFFFF81, v5;
	v41 =	vadd.f32 $3.333333430e-01, v8;
	v8 =	vmul.f32 v11, v11  }
0x39e: {  	v5 =	vcvt.s32.f32 v5;
	v40 =	vadd.f32 v18, v6;
	v14 =	vand.u32 $0x7FFFFF, v12  }
0x39f: {  	v6 =	vmul.f32 v41, v10;
	v10 =	vor.u32 $0x3F800000, v14;
	v15 =	vmul.f32 $1.428571490e-01, v8  }
0x3a0: {  	v9 =	vadd.f32 v16, v9;
	v14 =	vsel vm10, $0x3F800000, v38;
	v16 =	vmul.f32 $5.000000000e-01, v10  }
0x3a1: {  	v5 =	vadd.f32 v5, v14;
	vm4 =	vgt.f32 v10, $1.414213540e+00;
	v14 =	vadd.f32 $2.000000030e-01, v15  }
0x3a2: {  	v10 =	vsel vm4, v16, v10  }
0x3a3: {  	v13 =	vshra.s32 v13, $0x17;
	v10 =	vadd.f32 $-1.000000000e+00, v10  }
0x3a4: {  	v42 =	vadd.s32 $0xFFFFFF81, v13;
	v13 =	vmul.f32 v14, v8  }
0x3a5: {  	v7 =	vadd.f32 v7, v7;
	v16 =	vand.u32 $0x7FFFFF, v9;
	v15 =	vadd.f32 $2.000000000e+00, v10;
	v14 =	vpop (erf)  }
0x3a6: {  	v13 =	vadd.f32 $3.333333430e-01, v13;
	v3 =	vmul.f32 v14, v3;
	v14 =	vor.u32 $0x3F800000, v16  }
0x3a7: {  	v6 =	vadd.f32 $1.000000000e+00, v6;
	(erf) = vrcp.f32 v15;
	v15 =	vmul.f32 $5.000000000e-01, v14  }
0x3a8: {  	v8 =	vmul.f32 v13, v8;
	v13 =	vmul.f32 v3, v3  }
0x3a9: {  	v5 =	vmul.f32 $6.931471820e-01, v5;
	v6 =	vmul.f32 v6, v7;
	vm12 =	vgt.f32 v14, $1.414213540e+00  }
0x3aa: {  	v7 =	vcvt.s32.f32 v42;
	v44 =	vsel vm12, v15, v14;
	v14 =	vmul.f32 $1.428571490e-01, v13  }
0x3ab: {  	v11 =	vadd.f32 v11, v11;
	v5 =	vadd.f32 v6, v5;
	v16 =	vsel vm11, $0x3F800000, v38  }
0x3ac: {  	v43 =	vadd.f32 v7, v16;
	v14 =	vadd.f32 $2.000000030e-01, v14  }
0x3ad: {  	v8 =	vadd.f32 $1.000000000e+00, v8;
	v15 =	vand.u32 $0x7FFFFF, v2;
	v7 =	vadd.f32 $-1.000000000e+00, v44  }
0x3ae: {  	v6 =	vmul.f32 $6.931471820e-01, v43;
	v15 =	vor.u32 $0x3F800000, v15;
	v14 =	vmul.f32 v14, v13  }
0x3af: {  	v8 =	vmul.f32 v8, v11;
	v11 =	vmul.f32 $5.000000000e-01, v15;
	v16 =	vadd.f32 $2.000000000e+00, v7  }
0x3b0: {  	v1 =	vadd.f32 v57, v1;
	v4 =	vshra.s32 v4, $0x17;
	vm13 =	vgt.f32 v15, $1.414213540e+00  }
0x3b1: {  	v6 =	vadd.f32 v8, v6;
	v8 =	vsel vm13, v11, v15;
	(erf) = vrcp.f32 v16  }
0x3b2: {  	v4 =	vadd.s32 $0xFFFFFF81, v4;
	v8 =	vadd.f32 $-1.000000000e+00, v8;
	v11 =	vadd.f32 $3.333333430e-01, v14;
	v14 =	vpop (erf)  }
0x3b3: {  	v1 =	vadd.f32 v17, v1;
	v4 =	vcvt.s32.f32 v4;
	v10 =	vmul.f32 v14, v10  }
0x3b4: {  	v15 =	vsel vm5, $0x3F800000, v38;
	v11 =	vmul.f32 v11, v13;
	v13 =	vadd.f32 $2.000000000e+00, v8  }
0x3b5: {  	v4 =	vadd.f32 v4, v15;
	v14 =	vand.u32 $0x7FFFFF, v1;
	v15 =	vmul.f32 v10, v10  }
0x3b6: {  	v14 =	vor.u32 $0x3F800000, v14;
	(erf) = vrcp.f32 v13  }
0x3b7: {  	v17 =	vand.u32 $0x7FFFFF, v40;
	v13 =	vmul.f32 $5.000000000e-01, v14;
	v16 =	vmul.f32 $1.428571490e-01, v15  }
0x3b8: {  	vm14 =	vgt.f32 v14, $1.414213540e+00  }
0x3b9: {  	v13 =	vsel vm14, v13, v14;
	v14 =	vor.u32 $0x3F800000, v17;
	v16 =	vadd.f32 $2.000000030e-01, v16  }
0x3ba: {  	v12 =	vshra.s32 v12, $0x17;
	v17 =	vpop (erf);
	v13 =	vadd.f32 $-1.000000000e+00, v13;
	v18 =	vmul.f32 $5.000000000e-01, v14  }
0x3bb: {  	v12 =	vadd.s32 $0xFFFFFF81, v12;
	v7 =	vmul.f32 v17, v7;
	v16 =	vmul.f32 v16, v15  }
0x3bc: {  	v3 =	vadd.f32 v3, v3;
	vm15 =	vgt.f32 v14, $1.414213540e+00;
	v17 =	vadd.f32 $2.000000000e+00, v13  }
0x3bd: {  	v14 =	vsel vm15, v18, v14;
	v18 =	vmul.f32 v7, v7;
	v16 =	vadd.f32 $3.333333430e-01, v16  }
0x3be: {  	v12 =	vcvt.s32.f32 v12;
	v11 =	vadd.f32 $1.000000000e+00, v11;
	v14 =	vadd.f32 $-1.000000000e+00, v14  }
0x3bf: {  	v10 =	vadd.f32 v10, v10;
	(erf) = vrcp.f32 v17;
	v47 =	vmul.f32 $1.428571490e-01, v18  }
0x3c0: {  	v17 =	vsel vm4, $0x3F800000, v38;
	v48 =	vadd.f32 $2.000000000e+00, v14;
	v15 =	vmul.f32 v16, v15  }
0x3c1: {  	v12 =	vadd.f32 v12, v17;
	v17 =	vadd.f32 $2.000000030e-01, v47;
	v16 =	vpop (erf)  }
0x3c2: {  	v3 =	vmul.f32 v11, v3;
	v11 =	vadd.f32 $1.000000000e+00, v15;
	v8 =	vmul.f32 v16, v8  }
0x3c3: {  	(erf) = vrcp.f32 v48;
	v15 =	vmul.f32 v17, v18  }
0x3c4: {  	v10 =	vmul.f32 v11, v10;
	v16 =	vmul.f32 v8, v8;
	_ =	sdelay $0x1  }
0x3c5: {  	v12 =	vmul.f32 $6.931471820e-01, v12;
	v11 =	vadd.f32 $3.333333430e-01, v15;
	v15 =	vmul.f32 $1.428571490e-01, v16  }
0x3c6: {  	v36 =	vld [tilespmem:$0x1FFF0];
	v9 =	vshra.s32 v9, $0x17  }
0x3c7: {  	v9 =	vadd.s32 $0xFFFFFF81, v9;
	v49 =	vadd.f32 v10, v12;
	v10 =	vpop (erf);
	v15 =	vadd.f32 $2.000000030e-01, v15  }
0x3c8: {  	v0 =	vshra.s32 v40, $0x17;
	v9 =	vcvt.s32.f32 v9;
	v10 =	vmul.f32 v10, v13;
	v13 =	vld [tilespmem:$0x1FF30]  }
0x3c9: {  	v0 =	vadd.s32 $0xFFFFFF81, v0;
	v12 =	vsel vm12, $0x3F800000, v38  }
0x3ca: {  	v2 =	vshra.s32 v2, $0x17;
	v9 =	vadd.f32 v9, v12;
	v12 =	vmul.f32 v15, v16  }
0x3cb: {  	[tilespmem:s25+$0x2DA0] =	vst v46;
	v0 =	vcvt.s32.f32 v0;
	v5 =	vadd.f32 v5, v36;
	v2 =	vadd.s32 $0xFFFFFF81, v2;
	v15 =	vpop (erf)  }
0x3cc: {  	[tilespmem:s25+$0x35C0] =	vst v30;
	v11 =	vmul.f32 v11, v18;
	v12 =	vadd.f32 $3.333333430e-01, v12;
	v14 =	vmul.f32 v15, v14  }
0x3cd: {  	v6 =	vadd.f32 v6, v36;
	v50 =	vadd.f32 v7, v7;
	[tilespmem:s25+$0x2D80] =	vst v13;
	v13 =	vmul.f32 v10, v10  }
0x3ce: {  	[tilespmem:s25+$0x2DF0] =	vst v23;
	v11 =	vadd.f32 $1.000000000e+00, v11;
	v12 =	vmul.f32 v12, v16;
	v16 =	vmul.f32 v14, v14  }
0x3cf: {  	[tilespmem:s25+$0x2DB0] =	vst v45;
	v1 =	vshra.s32 v1, $0x17;
	v8 =	vadd.f32 v8, v8;
	v51 =	vmul.f32 $1.428571490e-01, v13  }
0x3d0: {  	[tilespmem:s25+$0x3D80] =	vst v5;
	v5 =	vmul.f32 v11, v50;
	v52 =	vadd.f32 $1.000000000e+00, v12;
	v11 =	vmul.f32 $1.428571490e-01, v16  }
0x3d1: {  	[tilespmem:s25+$0x35D0] =	vst v37;
	v4 =	vmul.f32 $6.931471820e-01, v4;
	v1 =	vadd.s32 $0xFFFFFF81, v1;
	v7 =	vadd.f32 $2.000000030e-01, v51  }
0x3d2: {  	[tilespmem:s25+$0x3D90] =	vst v6;
	v1 =	vcvt.s32.f32 v1;
	v15 =	vld [tilespmem:$0x1FF50];
	v6 =	vmul.f32 v52, v8;
	v8 =	vadd.f32 $2.000000030e-01, v11  }
0x3d3: {  	[tilespmem:s25+$0x35A0] =	vst v19;
	v57 =	vsel vm14, $0x3F800000, v38;
	v9 =	vmul.f32 $6.931471820e-01, v9;
	v7 =	vmul.f32 v7, v13  }
0x3d4: {  	[tilespmem:s25+$0x2DC0] =	vst v32;
	v1 =	vadd.f32 v1, v57;
	v3 =	vadd.f32 v3, v4;
	v17 =	vld [tilespmem:$0x1FF40];
	v55 =	vmul.f32 v8, v16  }
0x3d5: {  	[tilespmem:s25+$0x2DE0] =	vst v28;
	v2 =	vcvt.s32.f32 v2;
	v5 =	vadd.f32 v5, v9;
	v54 =	vadd.f32 $3.333333430e-01, v7  }
0x3d6: {  	[tilespmem:s25+$0x2DD0] =	vst v34;
	v60 =	vsel vm15, $0x3F800000, v38;
	v4 =	vadd.f32 v49, v36;
	v58 =	vadd.f32 $3.333333430e-01, v55  }
0x3d7: {  	v56 =	vld [tilespmem:$0x1FF70];
	v53 =	vadd.f32 v5, v36;
	[tilespmem:s25+$0x2D90] =	vst v15;
	v15 =	vsel vm13, $0x3F800000, v38;
	v5 =	vmul.f32 v54, v13  }
0x3d8: {  	v0 =	vadd.f32 v0, v60;
	[tilespmem:s25+$0x3DB0] =	vst v4;
	v2 =	vadd.f32 v2, v15;
	v4 =	vmul.f32 v58, v16  }
0x3d9: {  	[tilespmem:s25+$0x3580] =	vst v17;
	v17 =	vld [tilespmem:$0x1FF60];
	v59 =	vadd.f32 v10, v10;
	v5 =	vadd.f32 $1.000000000e+00, v5  }
0x3da: {  	[tilespmem:s25+$0x35E0] =	vst v20;
	v62 =	vadd.f32 v14, v14;
	v2 =	vmul.f32 $6.931471820e-01, v2;
	v4 =	vadd.f32 $1.000000000e+00, v4  }
0x3db: {  	[tilespmem:s25+$0x35F0] =	vst v33;
	v1 =	vmul.f32 $6.931471820e-01, v1;
	v3 =	vadd.f32 v3, v36;
	v61 =	vmul.f32 v5, v59  }
0x3dc: {  	[tilespmem:s25+$0x35B0] =	vst v56;
	v29 =	vld [tilespmem:$0x1FFE0];
	v0 =	vmul.f32 $6.931471820e-01, v0;
	v2 =	vadd.f32 v6, v2;
	v63 =	vmul.f32 v4, v62  }
0x3dd: {  	p0 =	sne.s32 s22, $0x1E00;
	[tilespmem:s25+$0x3DA0] =	vst v3;
	v14 =	vld [tilespmem:$0x1FFB0];
	v1 =	vadd.f32 v61, v1  }
.Ltmp0:
0x3de: {  	[tilespmem:s25+$0x3590] =	vst v17;
	v12 =	vld [tilespmem:$0x1FF90];
	v2 =	vadd.f32 v2, v36;
	v0 =	vadd.f32 v63, v0;
	(pc) =	sbr.rel @p0 .LBB2_3-.Ltmp0, $4  }
0x3df: {  	[tilespmem:s25+$0x3DC0] =	vst v53;
	v15 =	vld [tilespmem:$0x1FFC0];
	v1 =	vadd.f32 v1, v36  }
0x3e0: {  	v11 =	vld [tilespmem:$0x1FF80];
	[tilespmem:s25+$0x3DD0] =	vst v2;
	v0 =	vadd.f32 v0, v36  }
0x3e1: {  	v13 =	vld [tilespmem:$0x1FFA0];
	[tilespmem:s25+$0x3DE0] =	vst v1  }
0x3e2: {  	s22 =	sadd.s32 $0x200, s22;
	s24 =	sadd.s32 $0x100, s24;
	s23 =	sadd.s32 $0x100, s23;
	v9 =	vimm.s32 $0x0;
	v10 =	vimm.f32 $-1.000000000e+00;
	v16 =	vld [tilespmem:$0x1FFD0];
	[tilespmem:s25+$0x3DF0] =	vst v0  }
0x3e3: {  	s22 =	sadd.s32 s7, s21  }
0x3e4: {  	[hbm4b:s22+s6] =	stream.linear.scatter [tilespmem:s16], [sflag:$0x1], $0x800, $0x38;
	[tilespmem:$0x4580] =	vst v63  }
0x3e5: {  	_ =	swait.ge [sflag:s12], $0x800  }
0x3e6: {  	[sflag:s12] =	ssyncset.done $0x0  }
0x3e7: {  	s30 =	sadd.s32 s8, s21;
	[sflag:s12] =	ssyncadd.s32 $0xFFFFF800  }
0x3e8: {  	[hbm4b:s30+s6] =	stream.linear.scatter [tilespmem:s17], [sflag:$0x1], $0x800, $0x38;
	[tilespmem:$0x4580] =	vst v63  }
0x3e9: {  	s20 =	sadd.s32 $0x1, s20;
	_ =	swait.ge [sflag:s12], $0x800  }
0x3ea: {  	p0 =	sne.s32 s20, $0x3;
	[sflag:s12] =	ssyncset.done $0x0  }
.Ltmp1:
0x3eb: {  	s31 =	sadd.s32 s9, s21;
	[sflag:s12] =	ssyncadd.s32 $0xFFFFF800;
	(pc) =	sbr.rel @p0 .LBB2_2-.Ltmp1, $4  }
0x3ec: {  	[hbm4b:s31+s6] =	stream.linear.scatter [tilespmem:s18], [sflag:$0x1], $0x800, $0x38;
	[tilespmem:$0x4580] =	vst v63  }
0x3ed: {  	_ =	swait.ge [sflag:s12], $0x800  }
0x3ee: {  	[sflag:s12] =	ssyncset.done $0x0  }
0x3ef: {  	[sflag:s12] =	ssyncadd.s32 $0xFFFFF800  }
0x3f0: {  	s19 =	sadd.s32 $0x1, s19  }
0x3f1: {  	p0 =	sne.s32 s19, s11  }
.Ltmp2:
0x3f2: {  	_ = 	snop;
	(pc) =	sbr.rel @p0 .LBB2_1-.Ltmp2, $1  }
0x3f3: {  	_ =	sdelay $0x3  }
0x3f4: {  	_ =	sfence.sel $0x180000  }
0x3f5: {  	[bflag:$0x0] =	sbarrier.arrive $0xFFFF  }
0x3f6: {  	p0 =	sne.s32 s5, $0x0;
	_ =	strace $0x90000047  }
0x3f7: {  	s0 =	sadd.s32 @!p0 $0x100000, s0;
	[bflag:$0x2] =	sbarrier.arrive $0xFFFF  }
0x3f8: {  	[sflag:s0] =	ssyncadd.tile.s32 @!p0 $0x1;
	_ =	shalt  }
.Lfunc_end2:
_tile_overlayer_lowered:
.L_overlay_start_2:
0x3f9: {  	(tag) =	ssettag $0x2  }
0x3fa: {  	s0 =	rddreg [dreg:$0x0];
	s2 =	stileid.u32  }
0x3fb: {  	s1 =	rddreg [dreg:$0x1];
	p0 =	sne.s32 s2, $0x0  }
0x3fc: {  	s3 =	rddreg [dreg:$0x2];
	[bflag:$0x3] =	sbarrier.arrive $0xFFFF;
	s2 =	simm.s32 @!p0 $0x1C01  }
0x3fd: {  	[timem:s3], [sflag:s2] =	dma.local @!p0 [hbm:s0], s1  }
0x3fe: {  	s0 =	simm.s32 @!p0 $0x1  }
0x3ff: {  	_ =	swait.ge @!p0 [sflag:s0], s1  }
0x400: {  	s1 =	ssub.s32 @!p0 $0x0, s1;
	[sflag:s0] =	ssyncset.done @!p0 $0x0  }
0x401: {  	[sflag:s0] =	ssyncadd.s32 @!p0 s1  }
0x402: {  	[bflag:$0x3] =	sbarrier.arrive $0xFFFF  }
0x403: {  	_ =	shalt  }

</sc_bundles>
